<compile_context>
chip_gen: v7x
topology: tpu7x:2x2x1
jax: 0.10.2.dev20260603
libtpu: 0.0.44.dev20260713+nightly
codegen_flags: <defaults>
</compile_context>

<pallas_src>
import functools

import jax
import jax.numpy as jnp
from jax import lax
from jax.experimental import pallas as pl
from jax.experimental.pallas import tpu as pltpu
from jax.experimental.pallas import tpu_sc as plsc

N = 50000
D = 64
E = 800000
P = 65536

NC = 2
NS = 16
NW = NC * NS
L = 16

CK = 512
EW = 25600
EP = NW * EW
NCHUNK = EW // CK
NP = 50176
SLAB = NP // NS
IR = CK // 128

_mesh = plsc.VectorSubcoreMesh(core_axis_name="c", subcore_axis_name="s")


def _wid():
    return lax.axis_index("c") * NS + lax.axis_index("s")


@functools.partial(
    pl.kernel,
    out_type=jax.ShapeDtypeStruct((NC * NP,), jnp.float32),
    mesh=_mesh,
    compiler_params=pltpu.CompilerParams(use_tc_tiling_on_sc=False),
    scratch_types=[
        pltpu.VMEM((2, IR, 128), jnp.int32),
        pltpu.VMEM((128,), jnp.float32),
        pltpu.VMEM((SLAB,), jnp.float32),
        pltpu.VMEM_SHARED((NP,), jnp.float32),
        pltpu.SemaphoreType.DMA,
        pltpu.SemaphoreType.DMA,
    ],
)
def _deg_kernel(dst2d_hbm, out_hbm, didx_v, ones_v, buf_v, acc_sh, ssem, wsem):
    cid = lax.axis_index("c")
    sid = lax.axis_index("s")
    wid = cid * NS + sid

    zero16 = jnp.zeros((L,), jnp.float32)
    one16 = jnp.ones((L,), jnp.float32)
    for q in range(128 // L):
        ones_v[pl.ds(q * L, L)] = one16

    def zb(i, carry):
        buf_v[pl.ds(i * L, L)] = zero16
        return carry

    lax.fori_loop(0, SLAB // L, zb, 0)
    pltpu.sync_copy(buf_v, acc_sh.at[pl.ds(sid * SLAB, SLAB)])
    plsc.subcore_barrier()

    def _rows(c):
        return pl.multiple_of(wid * (EW // 128) + c * IR, IR)

    def _issue(c, par):
        pltpu.async_copy(dst2d_hbm.at[pl.ds(_rows(c), IR)], didx_v.at[par], wsem)

    def _wait(c, par):
        pltpu.make_async_copy(dst2d_hbm.at[pl.ds(_rows(c), IR)],
                              didx_v.at[par], wsem).wait()

    def _scat(par):
        descs = [
            pltpu.async_copy(ones_v, acc_sh.at[didx_v.at[par, j]], ssem, add=True)
            for j in range(IR)
        ]
        for d in descs:
            d.wait()

    _issue(0, 0)

    def chunk2(i, carry):
        for sub in range(2):
            c = i * 2 + sub
            _wait(c, sub)
            _issue(c + 1, 1 - sub)
            _scat(sub)
        return carry

    lax.fori_loop(0, NCHUNK // 2, chunk2, 0)
    _wait(NCHUNK, 0)
    plsc.subcore_barrier()
    pltpu.sync_copy(acc_sh.at[pl.ds(sid * SLAB, SLAB)], buf_v)
    pltpu.sync_copy(buf_v, out_hbm.at[pl.ds(cid * NP + sid * SLAB, SLAB)])


EW2 = EP // NS
NCHUNK2 = EW2 // CK


@functools.partial(
    pl.kernel,
    out_type=jax.ShapeDtypeStruct((NC, NP, 32), jnp.float32),
    mesh=_mesh,
    compiler_params=pltpu.CompilerParams(use_tc_tiling_on_sc=False),
    scratch_types=[
        pltpu.VMEM((2, IR, 128), jnp.int32),
        pltpu.VMEM((2, IR, 128), jnp.int32),
        pltpu.VMEM((CK, 32), jnp.float32),
        pltpu.VMEM_SHARED((NP, 32), jnp.float32),
        pltpu.SemaphoreType.DMA,
        pltpu.SemaphoreType.DMA,
        pltpu.SemaphoreType.DMA,
    ],
)
def _agg_kernel(y2_hbm, srch_hbm, dst2d_hbm, out_hbm,
                sidx_v, didx_v, rows_v, acc_sh, gsem, ssem, wsem):
    cid = lax.axis_index("c")
    sid = lax.axis_index("s")

    zero16 = jnp.zeros((L,), jnp.float32)

    def zb(r, carry):
        rows_v[r, pl.ds(0, L)] = zero16
        rows_v[r, pl.ds(L, L)] = zero16
        return carry

    lax.fori_loop(0, CK, zb, 0)
    pieces = [(o, CK) for o in range(0, (SLAB // CK) * CK, CK)]
    if SLAB % CK:
        pieces.append(((SLAB // CK) * CK, SLAB % CK))
    for off, sz in pieces:
        pltpu.sync_copy(rows_v.at[pl.ds(0, sz)],
                        acc_sh.at[pl.ds(sid * SLAB + off, sz)])
    plsc.subcore_barrier()

    def _idx_rows(c):
        return pl.multiple_of(sid * (EW2 // 128) + c * IR, IR)

    def _issue_idx(c, par):
        r = _idx_rows(c)
        pltpu.async_copy(srch_hbm.at[cid, pl.ds(r, IR)], sidx_v.at[par], wsem)
        pltpu.async_copy(dst2d_hbm.at[pl.ds(r, IR)], didx_v.at[par], wsem)

    def _wait_idx(c, par):
        r = _idx_rows(c)
        pltpu.make_async_copy(srch_hbm.at[cid, pl.ds(r, IR)],
                              sidx_v.at[par], wsem).wait()
        pltpu.make_async_copy(dst2d_hbm.at[pl.ds(r, IR)],
                              didx_v.at[par], wsem).wait()

    _issue_idx(0, 0)

    def chunk2(i, carry):
        for sub in range(2):
            c = i * 2 + sub
            par = sub
            _wait_idx(c, par)
            _issue_idx(c + 1, 1 - par)
            gd = [
                pltpu.async_copy(y2_hbm.at[sidx_v.at[par, j]],
                                 rows_v.at[pl.ds(j * 128, 128)], gsem)
                for j in range(IR)
            ]
            sd = []
            for j in range(IR):
                gd[j].wait()
                sd.append(pltpu.async_copy(
                    rows_v.at[pl.ds(j * 128, 128)],
                    acc_sh.at[didx_v.at[par, j]], ssem, add=True))
            for d in sd:
                d.wait()
        return carry

    lax.fori_loop(0, NCHUNK2 // 2, chunk2, 0)
    _wait_idx(NCHUNK2, 0)
    plsc.subcore_barrier()
    for off, sz in pieces:
        pltpu.sync_copy(acc_sh.at[pl.ds(sid * SLAB + off, sz)],
                        rows_v.at[pl.ds(0, sz)])
        pltpu.sync_copy(rows_v.at[pl.ds(0, sz)],
                        out_hbm.at[cid, pl.ds(sid * SLAB + off, sz)])


_PCHUNK = P // NW // 128


@functools.partial(
    pl.kernel,
    out_type=(jax.ShapeDtypeStruct((P, D), jnp.float32),
              jax.ShapeDtypeStruct((P, D), jnp.float32)),
    mesh=_mesh,
    compiler_params=pltpu.CompilerParams(use_tc_tiling_on_sc=False),
    scratch_types=[
        pltpu.VMEM((2, 128), jnp.int32),
        pltpu.VMEM((2, 128), jnp.int32),
        pltpu.VMEM((128, D), jnp.float32),
        pltpu.VMEM((128, D), jnp.float32),
        pltpu.SemaphoreType.DMA,
        pltpu.SemaphoreType.DMA,
    ],
)
def _pair_gather_kernel(h_hbm, pidx_hbm, u_hbm, v_hbm,
                        uidx_v, vidx_v, ubuf_v, vbuf_v, gsem, wsem):
    wid = _wid()

    def _off(c):
        return pl.multiple_of((wid * _PCHUNK + c) * 128, 8)

    def _issue_idx(c, par):
        o = _off(c)
        pltpu.async_copy(pidx_hbm.at[pl.ds(o, 128)], uidx_v.at[par], wsem)
        pltpu.async_copy(pidx_hbm.at[pl.ds(P + o, 128)], vidx_v.at[par], wsem)

    def _wait_idx(c, par):
        o = _off(c)
        pltpu.make_async_copy(pidx_hbm.at[pl.ds(o, 128)],
                              uidx_v.at[par], wsem).wait()
        pltpu.make_async_copy(pidx_hbm.at[pl.ds(P + o, 128)],
                              vidx_v.at[par], wsem).wait()

    _issue_idx(0, 0)

    def chunk2(i, carry):
        for sub in range(2):
            c = i * 2 + sub
            _wait_idx(c, sub)
            _issue_idx(c + 1, 1 - sub)
            o = _off(c)
            gu = pltpu.async_copy(h_hbm.at[uidx_v.at[sub]], ubuf_v, gsem)
            gv = pltpu.async_copy(h_hbm.at[vidx_v.at[sub]], vbuf_v, gsem)
            gu.wait()
            gv.wait()
            wu = pltpu.async_copy(ubuf_v, u_hbm.at[pl.ds(o, 128)], wsem)
            wv = pltpu.async_copy(vbuf_v, v_hbm.at[pl.ds(o, 128)], wsem)
            wu.wait()
            wv.wait()
        return carry

    lax.fori_loop(0, _PCHUNK // 2, chunk2, 0)
    _wait_idx(_PCHUNK, 0)


_RA = 2000


def _tc_a_body(emb, W1, b1, d0, d1, y1, s1, dis, inv):
    deg = d0[...] + d1[...] + 1.0
    di = lax.rsqrt(deg)
    iv = 1.0 / deg
    xw = jnp.dot(emb[...], W1[...], preferred_element_type=jnp.float32)
    y1[...] = xw * di
    s1[...] = xw * iv + b1[...]
    dis[...] = di
    inv[...] = iv


def _tc_b_body(g0, g1, s1, dis, inv, W2, b2, y2, s2):
    agg = jnp.concatenate([g0[...], g1[...]], axis=1)
    h1 = jnp.maximum(dis[...] * agg + s1[...], 0.0)
    xw = jnp.dot(h1, W2[...], preferred_element_type=jnp.float32)
    y2[...] = xw * dis[...]
    s2[...] = xw * inv[...] + b2[...]


def _tc_c_body(g0, g1, s2, dis, h):
    agg = jnp.concatenate([g0[...], g1[...]], axis=1)
    h[...] = dis[...] * agg + s2[...]


_RD = 4096


def _tc_d_body(u, v, mW1, mb1, mW2, mb2, out):
    uu = u[...]
    vv = v[...]
    A = mW1[0:D, :]
    B = mW1[D:2 * D, :]
    C = mW1[2 * D:3 * D, :]
    Dm = mW1[3 * D:4 * D, :]
    t = (jnp.dot(uu, A, preferred_element_type=jnp.float32)
         + jnp.dot(vv, B, preferred_element_type=jnp.float32)
         + jnp.dot(jnp.abs(uu - vv), C, preferred_element_type=jnp.float32)
         + jnp.dot(uu * vv, Dm, preferred_element_type=jnp.float32)
         + mb1[...])
    hid = jnp.maximum(t, 0.0)
    out[...] = jnp.dot(hid, mW2[...], preferred_element_type=jnp.float32) + mb2[...]


def _row_spec(r, cols):
    return pl.BlockSpec((r, cols), lambda i: (i, 0))


def _full_spec(shape):
    nd = len(shape)
    return pl.BlockSpec(shape, lambda i: (0,) * nd)


def kernel(edge_index, pairs, emb, W1, b1, W2, b2, mW1, mb1, mW2, mb2):
    f32 = jnp.float32
    src = edge_index[0]
    dst = edge_index[1]
    pad = EP - E
    pad_iota = jnp.arange(pad, dtype=jnp.int32)
    src_p = jnp.concatenate([src, pad_iota % N])
    dst_p = jnp.concatenate([dst, N + pad_iota % (NP - N)])
    srch = jnp.concatenate(
        [jnp.stack([src_p * 2, src_p * 2 + 1]).reshape(2, EP // 128, 128),
         jnp.zeros((2, IR, 128), jnp.int32)], axis=1)
    dst2d = jnp.concatenate(
        [dst_p.reshape(EP // 128, 128), jnp.zeros((IR, 128), jnp.int32)])
    pidx = jnp.concatenate([pairs.T.reshape(2 * P),
                            jnp.zeros((128,), jnp.int32)])
    b1r = b1.reshape(1, D)
    b2r = b2.reshape(1, D)
    mb1r = mb1.reshape(1, D)
    mb2r = mb2.reshape(1, 1)

    degp = _deg_kernel(dst2d)
    d0 = degp[:N].reshape(N, 1)
    d1 = degp[NP:NP + N].reshape(N, 1)

    grid_a = (N // _RA,)
    y1, s1, dis, inv = pl.pallas_call(
        _tc_a_body,
        grid=grid_a,
        in_specs=[_row_spec(_RA, D), _full_spec((D, D)), _full_spec((1, D)),
                  _row_spec(_RA, 1), _row_spec(_RA, 1)],
        out_specs=[_row_spec(_RA, D), _row_spec(_RA, D),
                   _row_spec(_RA, 1), _row_spec(_RA, 1)],
        out_shape=[jax.ShapeDtypeStruct((N, D), f32),
                   jax.ShapeDtypeStruct((N, D), f32),
                   jax.ShapeDtypeStruct((N, 1), f32),
                   jax.ShapeDtypeStruct((N, 1), f32)],
    )(emb, W1, b1r, d0, d1)

    y1r = y1.reshape(2 * N, 32)
    g = _agg_kernel(y1r, srch, dst2d)
    g0, g1 = g[0, :N], g[1, :N]

    y2, s2 = pl.pallas_call(
        _tc_b_body,
        grid=grid_a,
        in_specs=[_row_spec(_RA, 32)] * 2
        + [_row_spec(_RA, D), _row_spec(_RA, 1), _row_spec(_RA, 1),
           _full_spec((D, D)), _full_spec((1, D))],
        out_specs=[_row_spec(_RA, D), _row_spec(_RA, D)],
        out_shape=[jax.ShapeDtypeStruct((N, D), f32),
                   jax.ShapeDtypeStruct((N, D), f32)],
    )(g0, g1, s1, dis, inv, W2, b2r)

    y2r = y2.reshape(2 * N, 32)
    g = _agg_kernel(y2r, srch, dst2d)
    g0, g1 = g[0, :N], g[1, :N]

    h = pl.pallas_call(
        _tc_c_body,
        grid=grid_a,
        in_specs=[_row_spec(_RA, 32)] * 2 + [_row_spec(_RA, D), _row_spec(_RA, 1)],
        out_specs=_row_spec(_RA, D),
        out_shape=jax.ShapeDtypeStruct((N, D), f32),
    )(g0, g1, s2, dis)

    u, v = _pair_gather_kernel(h, pidx)

    logits = pl.pallas_call(
        _tc_d_body,
        grid=(P // _RD,),
        in_specs=[_row_spec(_RD, D), _row_spec(_RD, D),
                  _full_spec((4 * D, D)), _full_spec((1, D)),
                  _full_spec((D, 1)), _full_spec((1, 1))],
        out_specs=_row_spec(_RD, 1),
        out_shape=jax.ShapeDtypeStruct((P, 1), f32),
    )(u, v, mW1, mb1r, mW2, mb2r)
    return logits.reshape(P)

# --- scband reference (transcript-rebuilt; emitter-appended) ---
"""Pipeline reference for scband-gcnlink-predictor-43276090474886 (READ-ONLY COPY).

The authoritative reference and input builder live on the scoring server;
editing this copy changes nothing except your own understanding.
"""

import jax, jax.numpy as jnp
import numpy as np

N = 50000
D = 64
H = 64
E = 800000
P = 65536


def _gcn_conv(x, edge_index, W, b, n_nodes):
    # PyG-style GCNConv: add self-loops, symmetric deg^-1/2 normalization,
    # linear transform, scatter-add aggregation, bias.
    src = edge_index[0]
    dst = edge_index[1]
    loop = jnp.arange(n_nodes, dtype=src.dtype)
    src = jnp.concatenate([src, loop])
    dst = jnp.concatenate([dst, loop])
    deg = jnp.zeros((n_nodes,), dtype=x.dtype).at[dst].add(1.0)
    dis = jnp.where(deg > 0, deg ** -0.5, 0.0)
    norm = dis[src] * dis[dst]
    xw = x @ W
    msg = xw[src] * norm[:, None]
    out = jnp.zeros((n_nodes, W.shape[1]), dtype=x.dtype).at[dst].add(msg)
    return out + b


def setup_inputs(seed: int = 0) -> dict:
    key = jax.random.key(seed)
    ks = jax.random.split(key, 12)
    edge_index = jax.random.randint(ks[0], (2, E), 0, N, dtype=jnp.int32)
    pairs = jax.random.randint(ks[1], (P, 2), 0, N, dtype=jnp.int32)
    emb = jax.random.normal(ks[2], (N, D), dtype=jnp.float32) * 0.1
    W1 = jax.random.normal(ks[3], (D, H), dtype=jnp.float32) * (1.0 / np.sqrt(D))
    b1 = jnp.zeros((H,), dtype=jnp.float32)
    W2 = jax.random.normal(ks[4], (H, H), dtype=jnp.float32) * (1.0 / np.sqrt(H))
    b2 = jnp.zeros((H,), dtype=jnp.float32)
    mW1 = jax.random.normal(ks[5], (4 * H, H), dtype=jnp.float32) * (1.0 / np.sqrt(4 * H))
    mb1 = jnp.zeros((H,), dtype=jnp.float32)
    mW2 = jax.random.normal(ks[6], (H, 1), dtype=jnp.float32) * (1.0 / np.sqrt(H))
    mb2 = jnp.zeros((1,), dtype=jnp.float32)
    return {"edge_index": edge_index, "pairs": pairs, "emb": emb,
            "W1": W1, "b1": b1, "W2": W2, "b2": b2,
            "mW1": mW1, "mb1": mb1, "mW2": mW2, "mb2": mb2}


def reference(edge_index, pairs, emb, W1, b1, W2, b2, mW1, mb1, mW2, mb2):
    # encode: dropout is identity in eval mode
    h = _gcn_conv(emb, edge_index, W1, b1, N)
    h = jax.nn.relu(h)
    h = _gcn_conv(h, edge_index, W2, b2, N)
    # score_pairs
    u = h[pairs[:, 0]]
    v = h[pairs[:, 1]]
    feats = jnp.concatenate([u, v, jnp.abs(u - v), u * v], axis=-1)
    hid = jax.nn.relu(feats @ mW1 + mb1)
    logits = (hid @ mW2 + mb2).squeeze(-1)
    return logits

if __name__ == "__main__":
    import jax
    _d = setup_inputs()
    print(jax.jit(kernel)(*tuple(_d.values())))

</pallas_src>

<mosaic_0001>
#map = affine_map<(d0, d1) -> (0, 0)>
#map1 = affine_map<(d0, d1) -> (0, 0, 0)>
module attributes {stable_mosaic.version = 14 : i64} {
  func.func @_agg_kernel(%arg0: i32, %arg1: i32, %arg2: memref<100000x32xf32, #tpu.memory_space<hbm>>, %arg3: memref<2x6404x128xi32, #tpu.memory_space<hbm>>, %arg4: memref<6404x128xi32, #tpu.memory_space<hbm>>, %arg5: memref<2x50176x32xf32, #tpu.memory_space<hbm>>, %arg6: memref<2x4x128xi32, #tpu.memory_space<vmem>>, %arg7: memref<2x4x128xi32, #tpu.memory_space<vmem>>, %arg8: memref<512x32xf32, #tpu.memory_space<vmem>>, %arg9: memref<50176x32xf32, #tpu.memory_space<vmem_shared>>, %arg10: memref<!tpu.dma_semaphore, #tpu.memory_space<semaphore_mem>>, %arg11: memref<!tpu.dma_semaphore, #tpu.memory_space<semaphore_mem>>, %arg12: memref<!tpu.dma_semaphore, #tpu.memory_space<semaphore_mem>>) attributes {dimension_semantics = [#tpu.dimension_semantics<core_parallel>, #tpu.dimension_semantics<subcore_parallel>], iteration_bounds = array<i64: 2, 16>, scalar_prefetch = 0 : i64, scratch_operands = 7 : i64, tpu.core_type = #tpu.core_type<sc_vector_subcore>, window_params = [{transform_indices = #map}, {transform_indices = #map1}, {transform_indices = #map}, {transform_indices = #map1}]} {
    %broadcast_in_dim3A = arith.constant 0.000000e+00 : f32
    %broadcast_in_dim3A_0 = vector.broadcast %broadcast_in_dim3A : f32 to vector<16xf32>
    %scan3A = arith.constant 0 : i32
    %scan3A_1 = arith.constant 0 : i32
    %scan3A_2 = arith.constant 512 : i32
    %scan3A_3 = arith.addi %scan3A_1, %scan3A_2 : i32
    %scan3A_4 = arith.constant 1 : i32
    scf.for %scan3A_158 = %scan3A_1 to %scan3A_3 step %scan3A_4  : i32 {
      %swap3A = arith.index_cast %scan3A_158 : i32 to index
      %swap3A_159 = arith.constant 0 : index
      %swap3A_160 = tpu.vector_load %arg8[%swap3A, %swap3A_159] {strides = array<i32>} : memref<512x32xf32, #tpu.memory_space<vmem>>, vector<1x16xf32>,
      %swap3A_161 = vector.shape_cast %swap3A_160 : vector<1x16xf32> to vector<16xf32>
      %swap3A_162 = vector.shape_cast %broadcast_in_dim3A_0 : vector<16xf32> to vector<1x16xf32>
      tpu.vector_store %arg8[%swap3A, %swap3A_159], %swap3A_162 {strides = array<i32>} : memref<512x32xf32, #tpu.memory_space<vmem>>, vector<1x16xf32>,
      %swap3A_163 = arith.index_cast %scan3A_158 : i32 to index
      %swap3A_164 = arith.constant 16 : index
      %swap3A_165 = tpu.vector_load %arg8[%swap3A_163, %swap3A_164] {strides = array<i32>} : memref<512x32xf32, #tpu.memory_space<vmem>>, vector<1x16xf32>,
      %swap3A_166 = vector.shape_cast %swap3A_165 : vector<1x16xf32> to vector<16xf32>
      %swap3A_167 = vector.shape_cast %broadcast_in_dim3A_0 : vector<16xf32> to vector<1x16xf32>
      tpu.vector_store %arg8[%swap3A_163, %swap3A_164], %swap3A_167 {strides = array<i32>} : memref<512x32xf32, #tpu.memory_space<vmem>>, vector<1x16xf32>,
    }
    %scan3A_5 = arith.constant 512 : i32
    %mul3A = arith.constant 3136 : i32
    %mul3A_6 = arith.muli %arg1, %mul3A : i32
    %add3A = arith.constant 0 : i32
    %add3A_7 = arith.addi %mul3A_6, %add3A : i32
    "tpu.region"() ({
      %run_scoped3A = tpu.sem_alloc : memref<!tpu.dma_semaphore, #tpu.memory_space<semaphore_mem>>
      %dma_start3A_158 = arith.constant 0 : i32
      %dma_start3A_159 = arith.constant 0 : i32
      %dma_start3A_160 = tpu.memref_slice %arg8[%dma_start3A_158, %dma_start3A_159] : memref<512x32xf32, #tpu.memory_space<vmem>> -> memref<512x32xf32, #tpu.memory_space<vmem>>
      %dma_start3A_161 = arith.constant 0 : i32
      %dma_start3A_162 = tpu.memref_slice %arg9[%add3A_7, %dma_start3A_161] : memref<50176x32xf32, #tpu.memory_space<vmem_shared>> -> memref<512x32xf32, #tpu.memory_space<vmem_shared>>
      %dma_start3A_163 = arith.constant 0 : i32
      %dma_start3A_164 = tpu.memref_slice %arg9[%add3A_7, %dma_start3A_163] : memref<50176x32xf32, #tpu.memory_space<vmem_shared>> -> memref<512x32xf32, #tpu.memory_space<vmem_shared>>
      %dma_start3A_165 = arith.constant 0 : i32
      %dma_start3A_166 = arith.constant 0 : i32
      %dma_start3A_167 = tpu.memref_slice %arg8[%dma_start3A_165, %dma_start3A_166] : memref<512x32xf32, #tpu.memory_space<vmem>> -> memref<512x32xf32, #tpu.memory_space<vmem>>
      tpu.enqueue_dma source(%dma_start3A_167 : memref<512x32xf32, #tpu.memory_space<vmem>>) target(%dma_start3A_164 : memref<512x32xf32, #tpu.memory_space<vmem_shared>>) target_semaphore(%run_scoped3A : memref<!tpu.dma_semaphore, #tpu.memory_space<semaphore_mem>>)
      %dma_wait3A_168 = arith.constant 0 : i32
      %dma_wait3A_169 = arith.constant 0 : i32
      %dma_wait3A_170 = tpu.memref_slice %arg8[%dma_wait3A_168, %dma_wait3A_169] : memref<512x32xf32, #tpu.memory_space<vmem>> -> memref<512x32xf32, #tpu.memory_space<vmem>>
      %dma_wait3A_171 = arith.constant 0 : i32
      %dma_wait3A_172 = tpu.memref_slice %arg9[%add3A_7, %dma_wait3A_171] : memref<50176x32xf32, #tpu.memory_space<vmem_shared>> -> memref<512x32xf32, #tpu.memory_space<vmem_shared>>
      %dma_wait3A_173 = arith.constant 0 : i32
      %dma_wait3A_174 = tpu.memref_slice %arg9[%add3A_7, %dma_wait3A_173] : memref<50176x32xf32, #tpu.memory_space<vmem_shared>> -> memref<512x32xf32, #tpu.memory_space<vmem_shared>>
      %dma_wait3A_175 = arith.constant 0 : i32
      %dma_wait3A_176 = arith.constant 0 : i32
      %dma_wait3A_177 = tpu.memref_slice %arg8[%dma_wait3A_175, %dma_wait3A_176] : memref<512x32xf32, #tpu.memory_space<vmem>> -> memref<512x32xf32, #tpu.memory_space<vmem>>
      tpu.wait_dma2 semaphore(%run_scoped3A : memref<!tpu.dma_semaphore, #tpu.memory_space<semaphore_mem>>) src(%dma_wait3A_177 : memref<512x32xf32, #tpu.memory_space<vmem>>) dst(%dma_wait3A_174 : memref<512x32xf32, #tpu.memory_space<vmem_shared>>)
      tpu.yield
    }) : () -> ()
    %mul3A_8 = arith.constant 3136 : i32
    %mul3A_9 = arith.muli %arg1, %mul3A_8 : i32
    %add3A_10 = arith.constant 512 : i32
    %add3A_11 = arith.addi %mul3A_9, %add3A_10 : i32
    "tpu.region"() ({
      %run_scoped3A = tpu.sem_alloc : memref<!tpu.dma_semaphore, #tpu.memory_space<semaphore_mem>>
      %dma_start3A_158 = arith.constant 0 : i32
      %dma_start3A_159 = arith.constant 0 : i32
      %dma_start3A_160 = tpu.memref_slice %arg8[%dma_start3A_158, %dma_start3A_159] : memref<512x32xf32, #tpu.memory_space<vmem>> -> memref<512x32xf32, #tpu.memory_space<vmem>>
      %dma_start3A_161 = arith.constant 0 : i32
      %dma_start3A_162 = tpu.memref_slice %arg9[%add3A_11, %dma_start3A_161] : memref<50176x32xf32, #tpu.memory_space<vmem_shared>> -> memref<512x32xf32, #tpu.memory_space<vmem_shared>>
      %dma_start3A_163 = arith.constant 0 : i32
      %dma_start3A_164 = tpu.memref_slice %arg9[%add3A_11, %dma_start3A_163] : memref<50176x32xf32, #tpu.memory_space<vmem_shared>> -> memref<512x32xf32, #tpu.memory_space<vmem_shared>>
      %dma_start3A_165 = arith.constant 0 : i32
      %dma_start3A_166 = arith.constant 0 : i32
      %dma_start3A_167 = tpu.memref_slice %arg8[%dma_start3A_165, %dma_start3A_166] : memref<512x32xf32, #tpu.memory_space<vmem>> -> memref<512x32xf32, #tpu.memory_space<vmem>>
      tpu.enqueue_dma source(%dma_start3A_167 : memref<512x32xf32, #tpu.memory_space<vmem>>) target(%dma_start3A_164 : memref<512x32xf32, #tpu.memory_space<vmem_shared>>) target_semaphore(%run_scoped3A : memref<!tpu.dma_semaphore, #tpu.memory_space<semaphore_mem>>)
      %dma_wait3A_168 = arith.constant 0 : i32
      %dma_wait3A_169 = arith.constant 0 : i32
      %dma_wait3A_170 = tpu.memref_slice %arg8[%dma_wait3A_168, %dma_wait3A_169] : memref<512x32xf32, #tpu.memory_space<vmem>> -> memref<512x32xf32, #tpu.memory_space<vmem>>
      %dma_wait3A_171 = arith.constant 0 : i32
      %dma_wait3A_172 = tpu.memref_slice %arg9[%add3A_11, %dma_wait3A_171] : memref<50176x32xf32, #tpu.memory_space<vmem_shared>> -> memref<512x32xf32, #tpu.memory_space<vmem_shared>>
      %dma_wait3A_173 = arith.constant 0 : i32
      %dma_wait3A_174 = tpu.memref_slice %arg9[%add3A_11, %dma_wait3A_173] : memref<50176x32xf32, #tpu.memory_space<vmem_shared>> -> memref<512x32xf32, #tpu.memory_space<vmem_shared>>
      %dma_wait3A_175 = arith.constant 0 : i32
      %dma_wait3A_176 = arith.constant 0 : i32
      %dma_wait3A_177 = tpu.memref_slice %arg8[%dma_wait3A_175, %dma_wait3A_176] : memref<512x32xf32, #tpu.memory_space<vmem>> -> memref<512x32xf32, #tpu.memory_space<vmem>>
      tpu.wait_dma2 semaphore(%run_scoped3A : memref<!tpu.dma_semaphore, #tpu.memory_space<semaphore_mem>>) src(%dma_wait3A_177 : memref<512x32xf32, #tpu.memory_space<vmem>>) dst(%dma_wait3A_174 : memref<512x32xf32, #tpu.memory_space<vmem_shared>>)
      tpu.yield
    }) : () -> ()
    %mul3A_12 = arith.constant 3136 : i32
    %mul3A_13 = arith.muli %arg1, %mul3A_12 : i32
    %add3A_14 = arith.constant 1024 : i32
    %add3A_15 = arith.addi %mul3A_13, %add3A_14 : i32
    "tpu.region"() ({
      %run_scoped3A = tpu.sem_alloc : memref<!tpu.dma_semaphore, #tpu.memory_space<semaphore_mem>>
      %dma_start3A_158 = arith.constant 0 : i32
      %dma_start3A_159 = arith.constant 0 : i32
      %dma_start3A_160 = tpu.memref_slice %arg8[%dma_start3A_158, %dma_start3A_159] : memref<512x32xf32, #tpu.memory_space<vmem>> -> memref<512x32xf32, #tpu.memory_space<vmem>>
      %dma_start3A_161 = arith.constant 0 : i32
      %dma_start3A_162 = tpu.memref_slice %arg9[%add3A_15, %dma_start3A_161] : memref<50176x32xf32, #tpu.memory_space<vmem_shared>> -> memref<512x32xf32, #tpu.memory_space<vmem_shared>>
      %dma_start3A_163 = arith.constant 0 : i32
      %dma_start3A_164 = tpu.memref_slice %arg9[%add3A_15, %dma_start3A_163] : memref<50176x32xf32, #tpu.memory_space<vmem_shared>> -> memref<512x32xf32, #tpu.memory_space<vmem_shared>>
      %dma_start3A_165 = arith.constant 0 : i32
      %dma_start3A_166 = arith.constant 0 : i32
      %dma_start3A_167 = tpu.memref_slice %arg8[%dma_start3A_165, %dma_start3A_166] : memref<512x32xf32, #tpu.memory_space<vmem>> -> memref<512x32xf32, #tpu.memory_space<vmem>>
      tpu.enqueue_dma source(%dma_start3A_167 : memref<512x32xf32, #tpu.memory_space<vmem>>) target(%dma_start3A_164 : memref<512x32xf32, #tpu.memory_space<vmem_shared>>) target_semaphore(%run_scoped3A : memref<!tpu.dma_semaphore, #tpu.memory_space<semaphore_mem>>)
      %dma_wait3A_168 = arith.constant 0 : i32
      %dma_wait3A_169 = arith.constant 0 : i32
      %dma_wait3A_170 = tpu.memref_slice %arg8[%dma_wait3A_168, %dma_wait3A_169] : memref<512x32xf32, #tpu.memory_space<vmem>> -> memref<512x32xf32, #tpu.memory_space<vmem>>
      %dma_wait3A_171 = arith.constant 0 : i32
      %dma_wait3A_172 = tpu.memref_slice %arg9[%add3A_15, %dma_wait3A_171] : memref<50176x32xf32, #tpu.memory_space<vmem_shared>> -> memref<512x32xf32, #tpu.memory_space<vmem_shared>>
      %dma_wait3A_173 = arith.constant 0 : i32
      %dma_wait3A_174 = tpu.memref_slice %arg9[%add3A_15, %dma_wait3A_173] : memref<50176x32xf32, #tpu.memory_space<vmem_shared>> -> memref<512x32xf32, #tpu.memory_space<vmem_shared>>
      %dma_wait3A_175 = arith.constant 0 : i32
      %dma_wait3A_176 = arith.constant 0 : i32
      %dma_wait3A_177 = tpu.memref_slice %arg8[%dma_wait3A_175, %dma_wait3A_176] : memref<512x32xf32, #tpu.memory_space<vmem>> -> memref<512x32xf32, #tpu.memory_space<vmem>>
      tpu.wait_dma2 semaphore(%run_scoped3A : memref<!tpu.dma_semaphore, #tpu.memory_space<semaphore_mem>>) src(%dma_wait3A_177 : memref<512x32xf32, #tpu.memory_space<vmem>>) dst(%dma_wait3A_174 : memref<512x32xf32, #tpu.memory_space<vmem_shared>>)
      tpu.yield
    }) : () -> ()
    %mul3A_16 = arith.constant 3136 : i32
    %mul3A_17 = arith.muli %arg1, %mul3A_16 : i32
    %add3A_18 = arith.constant 1536 : i32
    %add3A_19 = arith.addi %mul3A_17, %add3A_18 : i32
    "tpu.region"() ({
      %run_scoped3A = tpu.sem_alloc : memref<!tpu.dma_semaphore, #tpu.memory_space<semaphore_mem>>
      %dma_start3A_158 = arith.constant 0 : i32
      %dma_start3A_159 = arith.constant 0 : i32
      %dma_start3A_160 = tpu.memref_slice %arg8[%dma_start3A_158, %dma_start3A_159] : memref<512x32xf32, #tpu.memory_space<vmem>> -> memref<512x32xf32, #tpu.memory_space<vmem>>
      %dma_start3A_161 = arith.constant 0 : i32
      %dma_start3A_162 = tpu.memref_slice %arg9[%add3A_19, %dma_start3A_161] : memref<50176x32xf32, #tpu.memory_space<vmem_shared>> -> memref<512x32xf32, #tpu.memory_space<vmem_shared>>
      %dma_start3A_163 = arith.constant 0 : i32
      %dma_start3A_164 = tpu.memref_slice %arg9[%add3A_19, %dma_start3A_163] : memref<50176x32xf32, #tpu.memory_space<vmem_shared>> -> memref<512x32xf32, #tpu.memory_space<vmem_shared>>
      %dma_start3A_165 = arith.constant 0 : i32
      %dma_start3A_166 = arith.constant 0 : i32
      %dma_start3A_167 = tpu.memref_slice %arg8[%dma_start3A_165, %dma_start3A_166] : memref<512x32xf32, #tpu.memory_space<vmem>> -> memref<512x32xf32, #tpu.memory_space<vmem>>
      tpu.enqueue_dma source(%dma_start3A_167 : memref<512x32xf32, #tpu.memory_space<vmem>>) target(%dma_start3A_164 : memref<512x32xf32, #tpu.memory_space<vmem_shared>>) target_semaphore(%run_scoped3A : memref<!tpu.dma_semaphore, #tpu.memory_space<semaphore_mem>>)
      %dma_wait3A_168 = arith.constant 0 : i32
      %dma_wait3A_169 = arith.constant 0 : i32
      %dma_wait3A_170 = tpu.memref_slice %arg8[%dma_wait3A_168, %dma_wait3A_169] : memref<512x32xf32, #tpu.memory_space<vmem>> -> memref<512x32xf32, #tpu.memory_space<vmem>>
      %dma_wait3A_171 = arith.constant 0 : i32
      %dma_wait3A_172 = tpu.memref_slice %arg9[%add3A_19, %dma_wait3A_171] : memref<50176x32xf32, #tpu.memory_space<vmem_shared>> -> memref<512x32xf32, #tpu.memory_space<vmem_shared>>
      %dma_wait3A_173 = arith.constant 0 : i32
      %dma_wait3A_174 = tpu.memref_slice %arg9[%add3A_19, %dma_wait3A_173] : memref<50176x32xf32, #tpu.memory_space<vmem_shared>> -> memref<512x32xf32, #tpu.memory_space<vmem_shared>>
      %dma_wait3A_175 = arith.constant 0 : i32
      %dma_wait3A_176 = arith.constant 0 : i32
      %dma_wait3A_177 = tpu.memref_slice %arg8[%dma_wait3A_175, %dma_wait3A_176] : memref<512x32xf32, #tpu.memory_space<vmem>> -> memref<512x32xf32, #tpu.memory_space<vmem>>
      tpu.wait_dma2 semaphore(%run_scoped3A : memref<!tpu.dma_semaphore, #tpu.memory_space<semaphore_mem>>) src(%dma_wait3A_177 : memref<512x32xf32, #tpu.memory_space<vmem>>) dst(%dma_wait3A_174 : memref<512x32xf32, #tpu.memory_space<vmem_shared>>)
      tpu.yield
    }) : () -> ()
    %mul3A_20 = arith.constant 3136 : i32
    %mul3A_21 = arith.muli %arg1, %mul3A_20 : i32
    %add3A_22 = arith.constant 2048 : i32
    %add3A_23 = arith.addi %mul3A_21, %add3A_22 : i32
    "tpu.region"() ({
      %run_scoped3A = tpu.sem_alloc : memref<!tpu.dma_semaphore, #tpu.memory_space<semaphore_mem>>
      %dma_start3A_158 = arith.constant 0 : i32
      %dma_start3A_159 = arith.constant 0 : i32
      %dma_start3A_160 = tpu.memref_slice %arg8[%dma_start3A_158, %dma_start3A_159] : memref<512x32xf32, #tpu.memory_space<vmem>> -> memref<512x32xf32, #tpu.memory_space<vmem>>
      %dma_start3A_161 = arith.constant 0 : i32
      %dma_start3A_162 = tpu.memref_slice %arg9[%add3A_23, %dma_start3A_161] : memref<50176x32xf32, #tpu.memory_space<vmem_shared>> -> memref<512x32xf32, #tpu.memory_space<vmem_shared>>
      %dma_start3A_163 = arith.constant 0 : i32
      %dma_start3A_164 = tpu.memref_slice %arg9[%add3A_23, %dma_start3A_163] : memref<50176x32xf32, #tpu.memory_space<vmem_shared>> -> memref<512x32xf32, #tpu.memory_space<vmem_shared>>
      %dma_start3A_165 = arith.constant 0 : i32
      %dma_start3A_166 = arith.constant 0 : i32
      %dma_start3A_167 = tpu.memref_slice %arg8[%dma_start3A_165, %dma_start3A_166] : memref<512x32xf32, #tpu.memory_space<vmem>> -> memref<512x32xf32, #tpu.memory_space<vmem>>
      tpu.enqueue_dma source(%dma_start3A_167 : memref<512x32xf32, #tpu.memory_space<vmem>>) target(%dma_start3A_164 : memref<512x32xf32, #tpu.memory_space<vmem_shared>>) target_semaphore(%run_scoped3A : memref<!tpu.dma_semaphore, #tpu.memory_space<semaphore_mem>>)
      %dma_wait3A_168 = arith.constant 0 : i32
      %dma_wait3A_169 = arith.constant 0 : i32
      %dma_wait3A_170 = tpu.memref_slice %arg8[%dma_wait3A_168, %dma_wait3A_169] : memref<512x32xf32, #tpu.memory_space<vmem>> -> memref<512x32xf32, #tpu.memory_space<vmem>>
      %dma_wait3A_171 = arith.constant 0 : i32
      %dma_wait3A_172 = tpu.memref_slice %arg9[%add3A_23, %dma_wait3A_171] : memref<50176x32xf32, #tpu.memory_space<vmem_shared>> -> memref<512x32xf32, #tpu.memory_space<vmem_shared>>
      %dma_wait3A_173 = arith.constant 0 : i32
      %dma_wait3A_174 = tpu.memref_slice %arg9[%add3A_23, %dma_wait3A_173] : memref<50176x32xf32, #tpu.memory_space<vmem_shared>> -> memref<512x32xf32, #tpu.memory_space<vmem_shared>>
      %dma_wait3A_175 = arith.constant 0 : i32
      %dma_wait3A_176 = arith.constant 0 : i32
      %dma_wait3A_177 = tpu.memref_slice %arg8[%dma_wait3A_175, %dma_wait3A_176] : memref<512x32xf32, #tpu.memory_space<vmem>> -> memref<512x32xf32, #tpu.memory_space<vmem>>
      tpu.wait_dma2 semaphore(%run_scoped3A : memref<!tpu.dma_semaphore, #tpu.memory_space<semaphore_mem>>) src(%dma_wait3A_177 : memref<512x32xf32, #tpu.memory_space<vmem>>) dst(%dma_wait3A_174 : memref<512x32xf32, #tpu.memory_space<vmem_shared>>)
      tpu.yield
    }) : () -> ()
    %mul3A_24 = arith.constant 3136 : i32
    %mul3A_25 = arith.muli %arg1, %mul3A_24 : i32
    %add3A_26 = arith.constant 2560 : i32
    %add3A_27 = arith.addi %mul3A_25, %add3A_26 : i32
    "tpu.region"() ({
      %run_scoped3A = tpu.sem_alloc : memref<!tpu.dma_semaphore, #tpu.memory_space<semaphore_mem>>
      %dma_start3A_158 = arith.constant 0 : i32
      %dma_start3A_159 = arith.constant 0 : i32
      %dma_start3A_160 = tpu.memref_slice %arg8[%dma_start3A_158, %dma_start3A_159] : memref<512x32xf32, #tpu.memory_space<vmem>> -> memref<512x32xf32, #tpu.memory_space<vmem>>
      %dma_start3A_161 = arith.constant 0 : i32
      %dma_start3A_162 = tpu.memref_slice %arg9[%add3A_27, %dma_start3A_161] : memref<50176x32xf32, #tpu.memory_space<vmem_shared>> -> memref<512x32xf32, #tpu.memory_space<vmem_shared>>
      %dma_start3A_163 = arith.constant 0 : i32
      %dma_start3A_164 = tpu.memref_slice %arg9[%add3A_27, %dma_start3A_163] : memref<50176x32xf32, #tpu.memory_space<vmem_shared>> -> memref<512x32xf32, #tpu.memory_space<vmem_shared>>
      %dma_start3A_165 = arith.constant 0 : i32
      %dma_start3A_166 = arith.constant 0 : i32
      %dma_start3A_167 = tpu.memref_slice %arg8[%dma_start3A_165, %dma_start3A_166] : memref<512x32xf32, #tpu.memory_space<vmem>> -> memref<512x32xf32, #tpu.memory_space<vmem>>
      tpu.enqueue_dma source(%dma_start3A_167 : memref<512x32xf32, #tpu.memory_space<vmem>>) target(%dma_start3A_164 : memref<512x32xf32, #tpu.memory_space<vmem_shared>>) target_semaphore(%run_scoped3A : memref<!tpu.dma_semaphore, #tpu.memory_space<semaphore_mem>>)
      %dma_wait3A_168 = arith.constant 0 : i32
      %dma_wait3A_169 = arith.constant 0 : i32
      %dma_wait3A_170 = tpu.memref_slice %arg8[%dma_wait3A_168, %dma_wait3A_169] : memref<512x32xf32, #tpu.memory_space<vmem>> -> memref<512x32xf32, #tpu.memory_space<vmem>>
      %dma_wait3A_171 = arith.constant 0 : i32
      %dma_wait3A_172 = tpu.memref_slice %arg9[%add3A_27, %dma_wait3A_171] : memref<50176x32xf32, #tpu.memory_space<vmem_shared>> -> memref<512x32xf32, #tpu.memory_space<vmem_shared>>
      %dma_wait3A_173 = arith.constant 0 : i32
      %dma_wait3A_174 = tpu.memref_slice %arg9[%add3A_27, %dma_wait3A_173] : memref<50176x32xf32, #tpu.memory_space<vmem_shared>> -> memref<512x32xf32, #tpu.memory_space<vmem_shared>>
      %dma_wait3A_175 = arith.constant 0 : i32
      %dma_wait3A_176 = arith.constant 0 : i32
      %dma_wait3A_177 = tpu.memref_slice %arg8[%dma_wait3A_175, %dma_wait3A_176] : memref<512x32xf32, #tpu.memory_space<vmem>> -> memref<512x32xf32, #tpu.memory_space<vmem>>
      tpu.wait_dma2 semaphore(%run_scoped3A : memref<!tpu.dma_semaphore, #tpu.memory_space<semaphore_mem>>) src(%dma_wait3A_177 : memref<512x32xf32, #tpu.memory_space<vmem>>) dst(%dma_wait3A_174 : memref<512x32xf32, #tpu.memory_space<vmem_shared>>)
      tpu.yield
    }) : () -> ()
    %mul3A_28 = arith.constant 3136 : i32
    %mul3A_29 = arith.muli %arg1, %mul3A_28 : i32
    %add3A_30 = arith.constant 3072 : i32
    %add3A_31 = arith.addi %mul3A_29, %add3A_30 : i32
    "tpu.region"() ({
      %run_scoped3A = tpu.sem_alloc : memref<!tpu.dma_semaphore, #tpu.memory_space<semaphore_mem>>
      %dma_start3A_158 = arith.constant 0 : i32
      %dma_start3A_159 = arith.constant 0 : i32
      %dma_start3A_160 = tpu.memref_slice %arg8[%dma_start3A_158, %dma_start3A_159] : memref<512x32xf32, #tpu.memory_space<vmem>> -> memref<64x32xf32, #tpu.memory_space<vmem>>
      %dma_start3A_161 = arith.constant 0 : i32
      %dma_start3A_162 = tpu.memref_slice %arg9[%add3A_31, %dma_start3A_161] : memref<50176x32xf32, #tpu.memory_space<vmem_shared>> -> memref<64x32xf32, #tpu.memory_space<vmem_shared>>
      %dma_start3A_163 = arith.constant 0 : i32
      %dma_start3A_164 = tpu.memref_slice %arg9[%add3A_31, %dma_start3A_163] : memref<50176x32xf32, #tpu.memory_space<vmem_shared>> -> memref<64x32xf32, #tpu.memory_space<vmem_shared>>
      %dma_start3A_165 = arith.constant 0 : i32
      %dma_start3A_166 = arith.constant 0 : i32
      %dma_start3A_167 = tpu.memref_slice %arg8[%dma_start3A_165, %dma_start3A_166] : memref<512x32xf32, #tpu.memory_space<vmem>> -> memref<64x32xf32, #tpu.memory_space<vmem>>
      tpu.enqueue_dma source(%dma_start3A_167 : memref<64x32xf32, #tpu.memory_space<vmem>>) target(%dma_start3A_164 : memref<64x32xf32, #tpu.memory_space<vmem_shared>>) target_semaphore(%run_scoped3A : memref<!tpu.dma_semaphore, #tpu.memory_space<semaphore_mem>>)
      %dma_wait3A_168 = arith.constant 0 : i32
      %dma_wait3A_169 = arith.constant 0 : i32
      %dma_wait3A_170 = tpu.memref_slice %arg8[%dma_wait3A_168, %dma_wait3A_169] : memref<512x32xf32, #tpu.memory_space<vmem>> -> memref<64x32xf32, #tpu.memory_space<vmem>>
      %dma_wait3A_171 = arith.constant 0 : i32
      %dma_wait3A_172 = tpu.memref_slice %arg9[%add3A_31, %dma_wait3A_171] : memref<50176x32xf32, #tpu.memory_space<vmem_shared>> -> memref<64x32xf32, #tpu.memory_space<vmem_shared>>
      %dma_wait3A_173 = arith.constant 0 : i32
      %dma_wait3A_174 = tpu.memref_slice %arg9[%add3A_31, %dma_wait3A_173] : memref<50176x32xf32, #tpu.memory_space<vmem_shared>> -> memref<64x32xf32, #tpu.memory_space<vmem_shared>>
      %dma_wait3A_175 = arith.constant 0 : i32
      %dma_wait3A_176 = arith.constant 0 : i32
      %dma_wait3A_177 = tpu.memref_slice %arg8[%dma_wait3A_175, %dma_wait3A_176] : memref<512x32xf32, #tpu.memory_space<vmem>> -> memref<64x32xf32, #tpu.memory_space<vmem>>
      tpu.wait_dma2 semaphore(%run_scoped3A : memref<!tpu.dma_semaphore, #tpu.memory_space<semaphore_mem>>) src(%dma_wait3A_177 : memref<64x32xf32, #tpu.memory_space<vmem>>) dst(%dma_wait3A_174 : memref<64x32xf32, #tpu.memory_space<vmem_shared>>)
      tpu.yield
    }) : () -> ()
    %barrier3A = arith.constant 0 : index
    tpu.barrier barrier_id(%barrier3A)
    %mul3A_32 = arith.constant 400 : i32
    %mul3A_33 = arith.muli %arg1, %mul3A_32 : i32
    %add3A_34 = arith.constant 0 : i32
    %add3A_35 = arith.addi %mul3A_33, %add3A_34 : i32
    %multiple_of3A = tpu.assume_multiple %add3A_35, 4 : i32
    %dma_start3A = arith.constant 0 : i32
    %dma_start3A_36 = arith.constant 0 : i32
    %dma_start3A_37 = arith.constant 0 : i32
    %dma_start3A_38 = tpu.memref_slice %arg6[%dma_start3A, %dma_start3A_36, %dma_start3A_37] : memref<2x4x128xi32, #tpu.memory_space<vmem>> -> memref<1x4x128xi32, #tpu.memory_space<vmem>>
    %dma_start3A_39 = tpu.memref_squeeze %dma_start3A_38 : memref<1x4x128xi32, #tpu.memory_space<vmem>> -> memref<4x128xi32, #tpu.memory_space<vmem>>
    %dma_start3A_40 = arith.constant 0 : i32
    %dma_start3A_41 = tpu.memref_slice %arg3[%arg0, %multiple_of3A, %dma_start3A_40] : memref<2x6404x128xi32, #tpu.memory_space<hbm>> -> memref<1x4x128xi32, #tpu.memory_space<hbm>>
    %dma_start3A_42 = tpu.memref_squeeze %dma_start3A_41 : memref<1x4x128xi32, #tpu.memory_space<hbm>> -> memref<4x128xi32, #tpu.memory_space<hbm>>
    %dma_start3A_43 = arith.constant 0 : i32
    %dma_start3A_44 = arith.constant 0 : i32
    %dma_start3A_45 = tpu.memref_slice %arg6[%dma_start3A, %dma_start3A_43, %dma_start3A_44] : memref<2x4x128xi32, #tpu.memory_space<vmem>> -> memref<1x4x128xi32, #tpu.memory_space<vmem>>
    %dma_start3A_46 = tpu.memref_squeeze %dma_start3A_45 : memref<1x4x128xi32, #tpu.memory_space<vmem>> -> memref<4x128xi32, #tpu.memory_space<vmem>>
    %dma_start3A_47 = arith.constant 0 : i32
    %dma_start3A_48 = tpu.memref_slice %arg3[%arg0, %multiple_of3A, %dma_start3A_47] : memref<2x6404x128xi32, #tpu.memory_space<hbm>> -> memref<1x4x128xi32, #tpu.memory_space<hbm>>
    %dma_start3A_49 = tpu.memref_squeeze %dma_start3A_48 : memref<1x4x128xi32, #tpu.memory_space<hbm>> -> memref<4x128xi32, #tpu.memory_space<hbm>>
    tpu.enqueue_dma source(%dma_start3A_49 : memref<4x128xi32, #tpu.memory_space<hbm>>) target(%dma_start3A_46 : memref<4x128xi32, #tpu.memory_space<vmem>>) target_semaphore(%arg12 : memref<!tpu.dma_semaphore, #tpu.memory_space<semaphore_mem>>)
    %dma_start3A_50 = arith.constant 0 : i32
    %dma_start3A_51 = arith.constant 0 : i32
    %dma_start3A_52 = arith.constant 0 : i32
    %dma_start3A_53 = tpu.memref_slice %arg7[%dma_start3A_50, %dma_start3A_51, %dma_start3A_52] : memref<2x4x128xi32, #tpu.memory_space<vmem>> -> memref<1x4x128xi32, #tpu.memory_space<vmem>>
    %dma_start3A_54 = tpu.memref_squeeze %dma_start3A_53 : memref<1x4x128xi32, #tpu.memory_space<vmem>> -> memref<4x128xi32, #tpu.memory_space<vmem>>
    %dma_start3A_55 = arith.constant 0 : i32
    %dma_start3A_56 = tpu.memref_slice %arg4[%multiple_of3A, %dma_start3A_55] : memref<6404x128xi32, #tpu.memory_space<hbm>> -> memref<4x128xi32, #tpu.memory_space<hbm>>
    %dma_start3A_57 = arith.constant 0 : i32
    %dma_start3A_58 = arith.constant 0 : i32
    %dma_start3A_59 = tpu.memref_slice %arg7[%dma_start3A_50, %dma_start3A_57, %dma_start3A_58] : memref<2x4x128xi32, #tpu.memory_space<vmem>> -> memref<1x4x128xi32, #tpu.memory_space<vmem>>
    %dma_start3A_60 = tpu.memref_squeeze %dma_start3A_59 : memref<1x4x128xi32, #tpu.memory_space<vmem>> -> memref<4x128xi32, #tpu.memory_space<vmem>>
    %dma_start3A_61 = arith.constant 0 : i32
    %dma_start3A_62 = tpu.memref_slice %arg4[%multiple_of3A, %dma_start3A_61] : memref<6404x128xi32, #tpu.memory_space<hbm>> -> memref<4x128xi32, #tpu.memory_space<hbm>>
    tpu.enqueue_dma source(%dma_start3A_62 : memref<4x128xi32, #tpu.memory_space<hbm>>) target(%dma_start3A_60 : memref<4x128xi32, #tpu.memory_space<vmem>>) target_semaphore(%arg12 : memref<!tpu.dma_semaphore, #tpu.memory_space<semaphore_mem>>)
    %scan3A_63 = arith.constant 0 : i32
    %scan3A_64 = arith.constant 0 : i32
    %scan3A_65 = arith.constant 50 : i32
    %scan3A_66 = arith.addi %scan3A_64, %scan3A_65 : i32
    %scan3A_67 = arith.constant 1 : i32
    scf.for %scan3A_158 = %scan3A_64 to %scan3A_66 step %scan3A_67  : i32 {
      %mul3A_159 = arith.constant 2 : i32
      %mul3A_160 = arith.muli %scan3A_158, %mul3A_159 : i32
      %add3A_161 = arith.constant 0 : i32
      %add3A_162 = arith.addi %mul3A_160, %add3A_161 : i32
      %mul3A_163 = arith.constant 400 : i32
      %mul3A_164 = arith.muli %arg1, %mul3A_163 : i32
      %mul3A_165 = arith.constant 4 : i32
      %mul3A_166 = arith.muli %add3A_162, %mul3A_165 : i32
      %add3A_167 = arith.addi %mul3A_164, %mul3A_166 : i32
      %multiple_of3A_168 = tpu.assume_multiple %add3A_167, 4 : i32
      %dma_wait3A_169 = arith.constant 0 : i32
      %dma_wait3A_170 = arith.constant 0 : i32
      %dma_wait3A_171 = arith.constant 0 : i32
      %dma_wait3A_172 = tpu.memref_slice %arg6[%dma_wait3A_169, %dma_wait3A_170, %dma_wait3A_171] : memref<2x4x128xi32, #tpu.memory_space<vmem>> -> memref<1x4x128xi32, #tpu.memory_space<vmem>>
      %dma_wait3A_173 = tpu.memref_squeeze %dma_wait3A_172 : memref<1x4x128xi32, #tpu.memory_space<vmem>> -> memref<4x128xi32, #tpu.memory_space<vmem>>
      %dma_wait3A_174 = arith.constant 0 : i32
      %dma_wait3A_175 = tpu.memref_slice %arg3[%arg0, %multiple_of3A_168, %dma_wait3A_174] : memref<2x6404x128xi32, #tpu.memory_space<hbm>> -> memref<1x4x128xi32, #tpu.memory_space<hbm>>
      %dma_wait3A_176 = tpu.memref_squeeze %dma_wait3A_175 : memref<1x4x128xi32, #tpu.memory_space<hbm>> -> memref<4x128xi32, #tpu.memory_space<hbm>>
      %dma_wait3A_177 = arith.constant 0 : i32
      %dma_wait3A_178 = arith.constant 0 : i32
      %dma_wait3A_179 = tpu.memref_slice %arg6[%dma_wait3A_169, %dma_wait3A_177, %dma_wait3A_178] : memref<2x4x128xi32, #tpu.memory_space<vmem>> -> memref<1x4x128xi32, #tpu.memory_space<vmem>>
      %dma_wait3A_180 = tpu.memref_squeeze %dma_wait3A_179 : memref<1x4x128xi32, #tpu.memory_space<vmem>> -> memref<4x128xi32, #tpu.memory_space<vmem>>
      %dma_wait3A_181 = arith.constant 0 : i32
      %dma_wait3A_182 = tpu.memref_slice %arg3[%arg0, %multiple_of3A_168, %dma_wait3A_181] : memref<2x6404x128xi32, #tpu.memory_space<hbm>> -> memref<1x4x128xi32, #tpu.memory_space<hbm>>
      %dma_wait3A_183 = tpu.memref_squeeze %dma_wait3A_182 : memref<1x4x128xi32, #tpu.memory_space<hbm>> -> memref<4x128xi32, #tpu.memory_space<hbm>>
      tpu.wait_dma2 semaphore(%arg12 : memref<!tpu.dma_semaphore, #tpu.memory_space<semaphore_mem>>) src(%dma_wait3A_183 : memref<4x128xi32, #tpu.memory_space<hbm>>) dst(%dma_wait3A_180 : memref<4x128xi32, #tpu.memory_space<vmem>>)
      %dma_wait3A_184 = arith.constant 0 : i32
      %dma_wait3A_185 = arith.constant 0 : i32
      %dma_wait3A_186 = arith.constant 0 : i32
      %dma_wait3A_187 = tpu.memref_slice %arg7[%dma_wait3A_184, %dma_wait3A_185, %dma_wait3A_186] : memref<2x4x128xi32, #tpu.memory_space<vmem>> -> memref<1x4x128xi32, #tpu.memory_space<vmem>>
      %dma_wait3A_188 = tpu.memref_squeeze %dma_wait3A_187 : memref<1x4x128xi32, #tpu.memory_space<vmem>> -> memref<4x128xi32, #tpu.memory_space<vmem>>
      %dma_wait3A_189 = arith.constant 0 : i32
      %dma_wait3A_190 = tpu.memref_slice %arg4[%multiple_of3A_168, %dma_wait3A_189] : memref<6404x128xi32, #tpu.memory_space<hbm>> -> memref<4x128xi32, #tpu.memory_space<hbm>>
      %dma_wait3A_191 = arith.constant 0 : i32
      %dma_wait3A_192 = arith.constant 0 : i32
      %dma_wait3A_193 = tpu.memref_slice %arg7[%dma_wait3A_184, %dma_wait3A_191, %dma_wait3A_192] : memref<2x4x128xi32, #tpu.memory_space<vmem>> -> memref<1x4x128xi32, #tpu.memory_space<vmem>>
      %dma_wait3A_194 = tpu.memref_squeeze %dma_wait3A_193 : memref<1x4x128xi32, #tpu.memory_space<vmem>> -> memref<4x128xi32, #tpu.memory_space<vmem>>
      %dma_wait3A_195 = arith.constant 0 : i32
      %dma_wait3A_196 = tpu.memref_slice %arg4[%multiple_of3A_168, %dma_wait3A_195] : memref<6404x128xi32, #tpu.memory_space<hbm>> -> memref<4x128xi32, #tpu.memory_space<hbm>>
      tpu.wait_dma2 semaphore(%arg12 : memref<!tpu.dma_semaphore, #tpu.memory_space<semaphore_mem>>) src(%dma_wait3A_196 : memref<4x128xi32, #tpu.memory_space<hbm>>) dst(%dma_wait3A_194 : memref<4x128xi32, #tpu.memory_space<vmem>>)
      %add3A_197 = arith.constant 1 : i32
      %add3A_198 = arith.addi %add3A_162, %add3A_197 : i32
      %mul3A_199 = arith.constant 400 : i32
      %mul3A_200 = arith.muli %arg1, %mul3A_199 : i32
      %mul3A_201 = arith.constant 4 : i32
      %mul3A_202 = arith.muli %add3A_198, %mul3A_201 : i32
      %add3A_203 = arith.addi %mul3A_200, %mul3A_202 : i32
      %multiple_of3A_204 = tpu.assume_multiple %add3A_203, 4 : i32
      %dma_start3A_205 = arith.constant 1 : i32
      %dma_start3A_206 = arith.constant 0 : i32
      %dma_start3A_207 = arith.constant 0 : i32
      %dma_start3A_208 = tpu.memref_slice %arg6[%dma_start3A_205, %dma_start3A_206, %dma_start3A_207] : memref<2x4x128xi32, #tpu.memory_space<vmem>> -> memref<1x4x128xi32, #tpu.memory_space<vmem>>
      %dma_start3A_209 = tpu.memref_squeeze %dma_start3A_208 : memref<1x4x128xi32, #tpu.memory_space<vmem>> -> memref<4x128xi32, #tpu.memory_space<vmem>>
      %dma_start3A_210 = arith.constant 0 : i32
      %dma_start3A_211 = tpu.memref_slice %arg3[%arg0, %multiple_of3A_204, %dma_start3A_210] : memref<2x6404x128xi32, #tpu.memory_space<hbm>> -> memref<1x4x128xi32, #tpu.memory_space<hbm>>
      %dma_start3A_212 = tpu.memref_squeeze %dma_start3A_211 : memref<1x4x128xi32, #tpu.memory_space<hbm>> -> memref<4x128xi32, #tpu.memory_space<hbm>>
      %dma_start3A_213 = arith.constant 0 : i32
      %dma_start3A_214 = arith.constant 0 : i32
      %dma_start3A_215 = tpu.memref_slice %arg6[%dma_start3A_205, %dma_start3A_213, %dma_start3A_214] : memref<2x4x128xi32, #tpu.memory_space<vmem>> -> memref<1x4x128xi32, #tpu.memory_space<vmem>>
      %dma_start3A_216 = tpu.memref_squeeze %dma_start3A_215 : memref<1x4x128xi32, #tpu.memory_space<vmem>> -> memref<4x128xi32, #tpu.memory_space<vmem>>
      %dma_start3A_217 = arith.constant 0 : i32
      %dma_start3A_218 = tpu.memref_slice %arg3[%arg0, %multiple_of3A_204, %dma_start3A_217] : memref<2x6404x128xi32, #tpu.memory_space<hbm>> -> memref<1x4x128xi32, #tpu.memory_space<hbm>>
      %dma_start3A_219 = tpu.memref_squeeze %dma_start3A_218 : memref<1x4x128xi32, #tpu.memory_space<hbm>> -> memref<4x128xi32, #tpu.memory_space<hbm>>
      tpu.enqueue_dma source(%dma_start3A_219 : memref<4x128xi32, #tpu.memory_space<hbm>>) target(%dma_start3A_216 : memref<4x128xi32, #tpu.memory_space<vmem>>) target_semaphore(%arg12 : memref<!tpu.dma_semaphore, #tpu.memory_space<semaphore_mem>>)
      %dma_start3A_220 = arith.constant 1 : i32
      %dma_start3A_221 = arith.constant 0 : i32
      %dma_start3A_222 = arith.constant 0 : i32
      %dma_start3A_223 = tpu.memref_slice %arg7[%dma_start3A_220, %dma_start3A_221, %dma_start3A_222] : memref<2x4x128xi32, #tpu.memory_space<vmem>> -> memref<1x4x128xi32, #tpu.memory_space<vmem>>
      %dma_start3A_224 = tpu.memref_squeeze %dma_start3A_223 : memref<1x4x128xi32, #tpu.memory_space<vmem>> -> memref<4x128xi32, #tpu.memory_space<vmem>>
      %dma_start3A_225 = arith.constant 0 : i32
      %dma_start3A_226 = tpu.memref_slice %arg4[%multiple_of3A_204, %dma_start3A_225] : memref<6404x128xi32, #tpu.memory_space<hbm>> -> memref<4x128xi32, #tpu.memory_space<hbm>>
      %dma_start3A_227 = arith.constant 0 : i32
      %dma_start3A_228 = arith.constant 0 : i32
      %dma_start3A_229 = tpu.memref_slice %arg7[%dma_start3A_220, %dma_start3A_227, %dma_start3A_228] : memref<2x4x128xi32, #tpu.memory_space<vmem>> -> memref<1x4x128xi32, #tpu.memory_space<vmem>>
      %dma_start3A_230 = tpu.memref_squeeze %dma_start3A_229 : memref<1x4x128xi32, #tpu.memory_space<vmem>> -> memref<4x128xi32, #tpu.memory_space<vmem>>
      %dma_start3A_231 = arith.constant 0 : i32
      %dma_start3A_232 = tpu.memref_slice %arg4[%multiple_of3A_204, %dma_start3A_231] : memref<6404x128xi32, #tpu.memory_space<hbm>> -> memref<4x128xi32, #tpu.memory_space<hbm>>
      tpu.enqueue_dma source(%dma_start3A_232 : memref<4x128xi32, #tpu.memory_space<hbm>>) target(%dma_start3A_230 : memref<4x128xi32, #tpu.memory_space<vmem>>) target_semaphore(%arg12 : memref<!tpu.dma_semaphore, #tpu.memory_space<semaphore_mem>>)
      %dma_start3A_233 = arith.constant 0 : i32
      %dma_start3A_234 = arith.constant 0 : i32
      %dma_start3A_235 = arith.constant 0 : i32
      %dma_start3A_236 = arith.constant 0 : i32
      %dma_start3A_237 = tpu.memref_slice %arg8[%dma_start3A_235, %dma_start3A_236] : memref<512x32xf32, #tpu.memory_space<vmem>> -> memref<128x32xf32, #tpu.memory_space<vmem>>
      %dma_start3A_238 = arith.constant 0 : i32
      %dma_start3A_239 = tpu.memref_slice %arg6[%dma_start3A_233, %dma_start3A_234, %dma_start3A_238] : memref<2x4x128xi32, #tpu.memory_space<vmem>> -> memref<1x1x128xi32, #tpu.memory_space<vmem>>
      %dma_start3A_240 = tpu.memref_squeeze %dma_start3A_239 : memref<1x1x128xi32, #tpu.memory_space<vmem>> -> memref<128xi32, #tpu.memory_space<vmem>>
      %dma_start3A_241 = arith.constant 0 : i32
      %dma_start3A_242 = arith.constant 0 : i32
      %dma_start3A_243 = tpu.memref_slice %arg2[%dma_start3A_241, %dma_start3A_242] : memref<100000x32xf32, #tpu.memory_space<hbm>> -> memref<100000x32xf32, #tpu.memory_space<hbm>>
      tpu.enqueue_indirect_dma source(%dma_start3A_243 : memref<100000x32xf32, #tpu.memory_space<hbm>>) target(%dma_start3A_237 : memref<128x32xf32, #tpu.memory_space<vmem>>) offsets(%dma_start3A_240 : memref<128xi32, #tpu.memory_space<vmem>>) semaphore(%arg10 : memref<!tpu.dma_semaphore, #tpu.memory_space<semaphore_mem>>)
      %dma_start3A_244 = arith.constant 0 : i32
      %dma_start3A_245 = arith.constant 1 : i32
      %dma_start3A_246 = arith.constant 128 : i32
      %dma_start3A_247 = arith.constant 0 : i32
      %dma_start3A_248 = tpu.memref_slice %arg8[%dma_start3A_246, %dma_start3A_247] : memref<512x32xf32, #tpu.memory_space<vmem>> -> memref<128x32xf32, #tpu.memory_space<vmem>>
      %dma_start3A_249 = arith.constant 0 : i32
      %dma_start3A_250 = tpu.memref_slice %arg6[%dma_start3A_244, %dma_start3A_245, %dma_start3A_249] : memref<2x4x128xi32, #tpu.memory_space<vmem>> -> memref<1x1x128xi32, #tpu.memory_space<vmem>>
      %dma_start3A_251 = tpu.memref_squeeze %dma_start3A_250 : memref<1x1x128xi32, #tpu.memory_space<vmem>> -> memref<128xi32, #tpu.memory_space<vmem>>
      %dma_start3A_252 = arith.constant 0 : i32
      %dma_start3A_253 = arith.constant 0 : i32
      %dma_start3A_254 = tpu.memref_slice %arg2[%dma_start3A_252, %dma_start3A_253] : memref<100000x32xf32, #tpu.memory_space<hbm>> -> memref<100000x32xf32, #tpu.memory_space<hbm>>
      tpu.enqueue_indirect_dma source(%dma_start3A_254 : memref<100000x32xf32, #tpu.memory_space<hbm>>) target(%dma_start3A_248 : memref<128x32xf32, #tpu.memory_space<vmem>>) offsets(%dma_start3A_251 : memref<128xi32, #tpu.memory_space<vmem>>) semaphore(%arg10 : memref<!tpu.dma_semaphore, #tpu.memory_space<semaphore_mem>>)
      %dma_start3A_255 = arith.constant 0 : i32
      %dma_start3A_256 = arith.constant 2 : i32
      %dma_start3A_257 = arith.constant 256 : i32
      %dma_start3A_258 = arith.constant 0 : i32
      %dma_start3A_259 = tpu.memref_slice %arg8[%dma_start3A_257, %dma_start3A_258] : memref<512x32xf32, #tpu.memory_space<vmem>> -> memref<128x32xf32, #tpu.memory_space<vmem>>
      %dma_start3A_260 = arith.constant 0 : i32
      %dma_start3A_261 = tpu.memref_slice %arg6[%dma_start3A_255, %dma_start3A_256, %dma_start3A_260] : memref<2x4x128xi32, #tpu.memory_space<vmem>> -> memref<1x1x128xi32, #tpu.memory_space<vmem>>
      %dma_start3A_262 = tpu.memref_squeeze %dma_start3A_261 : memref<1x1x128xi32, #tpu.memory_space<vmem>> -> memref<128xi32, #tpu.memory_space<vmem>>
      %dma_start3A_263 = arith.constant 0 : i32
      %dma_start3A_264 = arith.constant 0 : i32
      %dma_start3A_265 = tpu.memref_slice %arg2[%dma_start3A_263, %dma_start3A_264] : memref<100000x32xf32, #tpu.memory_space<hbm>> -> memref<100000x32xf32, #tpu.memory_space<hbm>>
      tpu.enqueue_indirect_dma source(%dma_start3A_265 : memref<100000x32xf32, #tpu.memory_space<hbm>>) target(%dma_start3A_259 : memref<128x32xf32, #tpu.memory_space<vmem>>) offsets(%dma_start3A_262 : memref<128xi32, #tpu.memory_space<vmem>>) semaphore(%arg10 : memref<!tpu.dma_semaphore, #tpu.memory_space<semaphore_mem>>)
      %dma_start3A_266 = arith.constant 0 : i32
      %dma_start3A_267 = arith.constant 3 : i32
      %dma_start3A_268 = arith.constant 384 : i32
      %dma_start3A_269 = arith.constant 0 : i32
      %dma_start3A_270 = tpu.memref_slice %arg8[%dma_start3A_268, %dma_start3A_269] : memref<512x32xf32, #tpu.memory_space<vmem>> -> memref<128x32xf32, #tpu.memory_space<vmem>>
      %dma_start3A_271 = arith.constant 0 : i32
      %dma_start3A_272 = tpu.memref_slice %arg6[%dma_start3A_266, %dma_start3A_267, %dma_start3A_271] : memref<2x4x128xi32, #tpu.memory_space<vmem>> -> memref<1x1x128xi32, #tpu.memory_space<vmem>>
      %dma_start3A_273 = tpu.memref_squeeze %dma_start3A_272 : memref<1x1x128xi32, #tpu.memory_space<vmem>> -> memref<128xi32, #tpu.memory_space<vmem>>
      %dma_start3A_274 = arith.constant 0 : i32
      %dma_start3A_275 = arith.constant 0 : i32
      %dma_start3A_276 = tpu.memref_slice %arg2[%dma_start3A_274, %dma_start3A_275] : memref<100000x32xf32, #tpu.memory_space<hbm>> -> memref<100000x32xf32, #tpu.memory_space<hbm>>
      tpu.enqueue_indirect_dma source(%dma_start3A_276 : memref<100000x32xf32, #tpu.memory_space<hbm>>) target(%dma_start3A_270 : memref<128x32xf32, #tpu.memory_space<vmem>>) offsets(%dma_start3A_273 : memref<128xi32, #tpu.memory_space<vmem>>) semaphore(%arg10 : memref<!tpu.dma_semaphore, #tpu.memory_space<semaphore_mem>>)
      %dma_wait3A_277 = arith.constant 0 : i32
      %dma_wait3A_278 = arith.constant 0 : i32
      %dma_wait3A_279 = arith.constant 0 : i32
      %dma_wait3A_280 = arith.constant 0 : i32
      %dma_wait3A_281 = tpu.memref_slice %arg8[%dma_wait3A_279, %dma_wait3A_280] : memref<512x32xf32, #tpu.memory_space<vmem>> -> memref<128x32xf32, #tpu.memory_space<vmem>>
      %dma_wait3A_282 = arith.constant 0 : i32
      %dma_wait3A_283 = tpu.memref_slice %arg6[%dma_wait3A_277, %dma_wait3A_278, %dma_wait3A_282] : memref<2x4x128xi32, #tpu.memory_space<vmem>> -> memref<1x1x128xi32, #tpu.memory_space<vmem>>
      %dma_wait3A_284 = tpu.memref_squeeze %dma_wait3A_283 : memref<1x1x128xi32, #tpu.memory_space<vmem>> -> memref<128xi32, #tpu.memory_space<vmem>>
      %dma_wait3A_285 = arith.constant 0 : i32
      %dma_wait3A_286 = arith.constant 0 : i32
      %dma_wait3A_287 = tpu.memref_slice %arg2[%dma_wait3A_285, %dma_wait3A_286] : memref<100000x32xf32, #tpu.memory_space<hbm>> -> memref<100000x32xf32, #tpu.memory_space<hbm>>
      tpu.wait_indirect_dma semaphore(%arg10 : memref<!tpu.dma_semaphore, #tpu.memory_space<semaphore_mem>>) src(%dma_wait3A_287 : memref<100000x32xf32, #tpu.memory_space<hbm>>) dst(%dma_wait3A_281 : memref<128x32xf32, #tpu.memory_space<vmem>>)
      %dma_start3A_288 = arith.constant 0 : i32
      %dma_start3A_289 = arith.constant 0 : i32
      %dma_start3A_290 = arith.constant 0 : i32
      %dma_start3A_291 = arith.constant 0 : i32
      %dma_start3A_292 = tpu.memref_slice %arg8[%dma_start3A_290, %dma_start3A_291] : memref<512x32xf32, #tpu.memory_space<vmem>> -> memref<128x32xf32, #tpu.memory_space<vmem>>
      %dma_start3A_293 = arith.constant 0 : i32
      %dma_start3A_294 = tpu.memref_slice %arg7[%dma_start3A_288, %dma_start3A_289, %dma_start3A_293] : memref<2x4x128xi32, #tpu.memory_space<vmem>> -> memref<1x1x128xi32, #tpu.memory_space<vmem>>
      %dma_start3A_295 = tpu.memref_squeeze %dma_start3A_294 : memref<1x1x128xi32, #tpu.memory_space<vmem>> -> memref<128xi32, #tpu.memory_space<vmem>>
      %dma_start3A_296 = arith.constant 0 : i32
      %dma_start3A_297 = arith.constant 0 : i32
      %dma_start3A_298 = tpu.memref_slice %arg9[%dma_start3A_296, %dma_start3A_297] : memref<50176x32xf32, #tpu.memory_space<vmem_shared>> -> memref<50176x32xf32, #tpu.memory_space<vmem_shared>>
      tpu.enqueue_indirect_dma source(%dma_start3A_292 : memref<128x32xf32, #tpu.memory_space<vmem>>) target(%dma_start3A_298 : memref<50176x32xf32, #tpu.memory_space<vmem_shared>>) offsets(%dma_start3A_295 : memref<128xi32, #tpu.memory_space<vmem>>) semaphore(%arg11 : memref<!tpu.dma_semaphore, #tpu.memory_space<semaphore_mem>>) {add = true}
      %dma_wait3A_299 = arith.constant 0 : i32
      %dma_wait3A_300 = arith.constant 1 : i32
      %dma_wait3A_301 = arith.constant 128 : i32
      %dma_wait3A_302 = arith.constant 0 : i32
      %dma_wait3A_303 = tpu.memref_slice %arg8[%dma_wait3A_301, %dma_wait3A_302] : memref<512x32xf32, #tpu.memory_space<vmem>> -> memref<128x32xf32, #tpu.memory_space<vmem>>
      %dma_wait3A_304 = arith.constant 0 : i32
      %dma_wait3A_305 = tpu.memref_slice %arg6[%dma_wait3A_299, %dma_wait3A_300, %dma_wait3A_304] : memref<2x4x128xi32, #tpu.memory_space<vmem>> -> memref<1x1x128xi32, #tpu.memory_space<vmem>>
      %dma_wait3A_306 = tpu.memref_squeeze %dma_wait3A_305 : memref<1x1x128xi32, #tpu.memory_space<vmem>> -> memref<128xi32, #tpu.memory_space<vmem>>
      %dma_wait3A_307 = arith.constant 0 : i32
      %dma_wait3A_308 = arith.constant 0 : i32
      %dma_wait3A_309 = tpu.memref_slice %arg2[%dma_wait3A_307, %dma_wait3A_308] : memref<100000x32xf32, #tpu.memory_space<hbm>> -> memref<100000x32xf32, #tpu.memory_space<hbm>>
      tpu.wait_indirect_dma semaphore(%arg10 : memref<!tpu.dma_semaphore, #tpu.memory_space<semaphore_mem>>) src(%dma_wait3A_309 : memref<100000x32xf32, #tpu.memory_space<hbm>>) dst(%dma_wait3A_303 : memref<128x32xf32, #tpu.memory_space<vmem>>)
      %dma_start3A_310 = arith.constant 0 : i32
      %dma_start3A_311 = arith.constant 1 : i32
      %dma_start3A_312 = arith.constant 128 : i32
      %dma_start3A_313 = arith.constant 0 : i32
      %dma_start3A_314 = tpu.memref_slice %arg8[%dma_start3A_312, %dma_start3A_313] : memref<512x32xf32, #tpu.memory_space<vmem>> -> memref<128x32xf32, #tpu.memory_space<vmem>>
      %dma_start3A_315 = arith.constant 0 : i32
      %dma_start3A_316 = tpu.memref_slice %arg7[%dma_start3A_310, %dma_start3A_311, %dma_start3A_315] : memref<2x4x128xi32, #tpu.memory_space<vmem>> -> memref<1x1x128xi32, #tpu.memory_space<vmem>>
      %dma_start3A_317 = tpu.memref_squeeze %dma_start3A_316 : memref<1x1x128xi32, #tpu.memory_space<vmem>> -> memref<128xi32, #tpu.memory_space<vmem>>
      %dma_start3A_318 = arith.constant 0 : i32
      %dma_start3A_319 = arith.constant 0 : i32
      %dma_start3A_320 = tpu.memref_slice %arg9[%dma_start3A_318, %dma_start3A_319] : memref<50176x32xf32, #tpu.memory_space<vmem_shared>> -> memref<50176x32xf32, #tpu.memory_space<vmem_shared>>
      tpu.enqueue_indirect_dma source(%dma_start3A_314 : memref<128x32xf32, #tpu.memory_space<vmem>>) target(%dma_start3A_320 : memref<50176x32xf32, #tpu.memory_space<vmem_shared>>) offsets(%dma_start3A_317 : memref<128xi32, #tpu.memory_space<vmem>>) semaphore(%arg11 : memref<!tpu.dma_semaphore, #tpu.memory_space<semaphore_mem>>) {add = true}
      %dma_wait3A_321 = arith.constant 0 : i32
      %dma_wait3A_322 = arith.constant 2 : i32
      %dma_wait3A_323 = arith.constant 256 : i32
      %dma_wait3A_324 = arith.constant 0 : i32
      %dma_wait3A_325 = tpu.memref_slice %arg8[%dma_wait3A_323, %dma_wait3A_324] : memref<512x32xf32, #tpu.memory_space<vmem>> -> memref<128x32xf32, #tpu.memory_space<vmem>>
      %dma_wait3A_326 = arith.constant 0 : i32
      %dma_wait3A_327 = tpu.memref_slice %arg6[%dma_wait3A_321, %dma_wait3A_322, %dma_wait3A_326] : memref<2x4x128xi32, #tpu.memory_space<vmem>> -> memref<1x1x128xi32, #tpu.memory_space<vmem>>
      %dma_wait3A_328 = tpu.memref_squeeze %dma_wait3A_327 : memref<1x1x128xi32, #tpu.memory_space<vmem>> -> memref<128xi32, #tpu.memory_space<vmem>>
      %dma_wait3A_329 = arith.constant 0 : i32
      %dma_wait3A_330 = arith.constant 0 : i32
      %dma_wait3A_331 = tpu.memref_slice %arg2[%dma_wait3A_329, %dma_wait3A_330] : memref<100000x32xf32, #tpu.memory_space<hbm>> -> memref<100000x32xf32, #tpu.memory_space<hbm>>
      tpu.wait_indirect_dma semaphore(%arg10 : memref<!tpu.dma_semaphore, #tpu.memory_space<semaphore_mem>>) src(%dma_wait3A_331 : memref<100000x32xf32, #tpu.memory_space<hbm>>) dst(%dma_wait3A_325 : memref<128x32xf32, #tpu.memory_space<vmem>>)
      %dma_start3A_332 = arith.constant 0 : i32
      %dma_start3A_333 = arith.constant 2 : i32
      %dma_start3A_334 = arith.constant 256 : i32
      %dma_start3A_335 = arith.constant 0 : i32
      %dma_start3A_336 = tpu.memref_slice %arg8[%dma_start3A_334, %dma_start3A_335] : memref<512x32xf32, #tpu.memory_space<vmem>> -> memref<128x32xf32, #tpu.memory_space<vmem>>
      %dma_start3A_337 = arith.constant 0 : i32
      %dma_start3A_338 = tpu.memref_slice %arg7[%dma_start3A_332, %dma_start3A_333, %dma_start3A_337] : memref<2x4x128xi32, #tpu.memory_space<vmem>> -> memref<1x1x128xi32, #tpu.memory_space<vmem>>
      %dma_start3A_339 = tpu.memref_squeeze %dma_start3A_338 : memref<1x1x128xi32, #tpu.memory_space<vmem>> -> memref<128xi32, #tpu.memory_space<vmem>>
      %dma_start3A_340 = arith.constant 0 : i32
      %dma_start3A_341 = arith.constant 0 : i32
      %dma_start3A_342 = tpu.memref_slice %arg9[%dma_start3A_340, %dma_start3A_341] : memref<50176x32xf32, #tpu.memory_space<vmem_shared>> -> memref<50176x32xf32, #tpu.memory_space<vmem_shared>>
      tpu.enqueue_indirect_dma source(%dma_start3A_336 : memref<128x32xf32, #tpu.memory_space<vmem>>) target(%dma_start3A_342 : memref<50176x32xf32, #tpu.memory_space<vmem_shared>>) offsets(%dma_start3A_339 : memref<128xi32, #tpu.memory_space<vmem>>) semaphore(%arg11 : memref<!tpu.dma_semaphore, #tpu.memory_space<semaphore_mem>>) {add = true}
      %dma_wait3A_343 = arith.constant 0 : i32
      %dma_wait3A_344 = arith.constant 3 : i32
      %dma_wait3A_345 = arith.constant 384 : i32
      %dma_wait3A_346 = arith.constant 0 : i32
      %dma_wait3A_347 = tpu.memref_slice %arg8[%dma_wait3A_345, %dma_wait3A_346] : memref<512x32xf32, #tpu.memory_space<vmem>> -> memref<128x32xf32, #tpu.memory_space<vmem>>
      %dma_wait3A_348 = arith.constant 0 : i32
      %dma_wait3A_349 = tpu.memref_slice %arg6[%dma_wait3A_343, %dma_wait3A_344, %dma_wait3A_348] : memref<2x4x128xi32, #tpu.memory_space<vmem>> -> memref<1x1x128xi32, #tpu.memory_space<vmem>>
      %dma_wait3A_350 = tpu.memref_squeeze %dma_wait3A_349 : memref<1x1x128xi32, #tpu.memory_space<vmem>> -> memref<128xi32, #tpu.memory_space<vmem>>
      %dma_wait3A_351 = arith.constant 0 : i32
      %dma_wait3A_352 = arith.constant 0 : i32
      %dma_wait3A_353 = tpu.memref_slice %arg2[%dma_wait3A_351, %dma_wait3A_352] : memref<100000x32xf32, #tpu.memory_space<hbm>> -> memref<100000x32xf32, #tpu.memory_space<hbm>>
      tpu.wait_indirect_dma semaphore(%arg10 : memref<!tpu.dma_semaphore, #tpu.memory_space<semaphore_mem>>) src(%dma_wait3A_353 : memref<100000x32xf32, #tpu.memory_space<hbm>>) dst(%dma_wait3A_347 : memref<128x32xf32, #tpu.memory_space<vmem>>)
      %dma_start3A_354 = arith.constant 0 : i32
      %dma_start3A_355 = arith.constant 3 : i32
      %dma_start3A_356 = arith.constant 384 : i32
      %dma_start3A_357 = arith.constant 0 : i32
      %dma_start3A_358 = tpu.memref_slice %arg8[%dma_start3A_356, %dma_start3A_357] : memref<512x32xf32, #tpu.memory_space<vmem>> -> memref<128x32xf32, #tpu.memory_space<vmem>>
      %dma_start3A_359 = arith.constant 0 : i32
      %dma_start3A_360 = tpu.memref_slice %arg7[%dma_start3A_354, %dma_start3A_355, %dma_start3A_359] : memref<2x4x128xi32, #tpu.memory_space<vmem>> -> memref<1x1x128xi32, #tpu.memory_space<vmem>>
      %dma_start3A_361 = tpu.memref_squeeze %dma_start3A_360 : memref<1x1x128xi32, #tpu.memory_space<vmem>> -> memref<128xi32, #tpu.memory_space<vmem>>
      %dma_start3A_362 = arith.constant 0 : i32
      %dma_start3A_363 = arith.constant 0 : i32
      %dma_start3A_364 = tpu.memref_slice %arg9[%dma_start3A_362, %dma_start3A_363] : memref<50176x32xf32, #tpu.memory_space<vmem_shared>> -> memref<50176x32xf32, #tpu.memory_space<vmem_shared>>
      tpu.enqueue_indirect_dma source(%dma_start3A_358 : memref<128x32xf32, #tpu.memory_space<vmem>>) target(%dma_start3A_364 : memref<50176x32xf32, #tpu.memory_space<vmem_shared>>) offsets(%dma_start3A_361 : memref<128xi32, #tpu.memory_space<vmem>>) semaphore(%arg11 : memref<!tpu.dma_semaphore, #tpu.memory_space<semaphore_mem>>) {add = true}
      %dma_wait3A_365 = arith.constant 0 : i32
      %dma_wait3A_366 = arith.constant 0 : i32
      %dma_wait3A_367 = arith.constant 0 : i32
      %dma_wait3A_368 = arith.constant 0 : i32
      %dma_wait3A_369 = tpu.memref_slice %arg8[%dma_wait3A_367, %dma_wait3A_368] : memref<512x32xf32, #tpu.memory_space<vmem>> -> memref<128x32xf32, #tpu.memory_space<vmem>>
      %dma_wait3A_370 = arith.constant 0 : i32
      %dma_wait3A_371 = tpu.memref_slice %arg7[%dma_wait3A_365, %dma_wait3A_366, %dma_wait3A_370] : memref<2x4x128xi32, #tpu.memory_space<vmem>> -> memref<1x1x128xi32, #tpu.memory_space<vmem>>
      %dma_wait3A_372 = tpu.memref_squeeze %dma_wait3A_371 : memref<1x1x128xi32, #tpu.memory_space<vmem>> -> memref<128xi32, #tpu.memory_space<vmem>>
      %dma_wait3A_373 = arith.constant 0 : i32
      %dma_wait3A_374 = arith.constant 0 : i32
      %dma_wait3A_375 = tpu.memref_slice %arg9[%dma_wait3A_373, %dma_wait3A_374] : memref<50176x32xf32, #tpu.memory_space<vmem_shared>> -> memref<50176x32xf32, #tpu.memory_space<vmem_shared>>
      tpu.wait_indirect_dma semaphore(%arg11 : memref<!tpu.dma_semaphore, #tpu.memory_space<semaphore_mem>>) src(%dma_wait3A_369 : memref<128x32xf32, #tpu.memory_space<vmem>>) dst(%dma_wait3A_375 : memref<50176x32xf32, #tpu.memory_space<vmem_shared>>)
      %dma_wait3A_376 = arith.constant 0 : i32
      %dma_wait3A_377 = arith.constant 1 : i32
      %dma_wait3A_378 = arith.constant 128 : i32
      %dma_wait3A_379 = arith.constant 0 : i32
      %dma_wait3A_380 = tpu.memref_slice %arg8[%dma_wait3A_378, %dma_wait3A_379] : memref<512x32xf32, #tpu.memory_space<vmem>> -> memref<128x32xf32, #tpu.memory_space<vmem>>
      %dma_wait3A_381 = arith.constant 0 : i32
      %dma_wait3A_382 = tpu.memref_slice %arg7[%dma_wait3A_376, %dma_wait3A_377, %dma_wait3A_381] : memref<2x4x128xi32, #tpu.memory_space<vmem>> -> memref<1x1x128xi32, #tpu.memory_space<vmem>>
      %dma_wait3A_383 = tpu.memref_squeeze %dma_wait3A_382 : memref<1x1x128xi32, #tpu.memory_space<vmem>> -> memref<128xi32, #tpu.memory_space<vmem>>
      %dma_wait3A_384 = arith.constant 0 : i32
      %dma_wait3A_385 = arith.constant 0 : i32
      %dma_wait3A_386 = tpu.memref_slice %arg9[%dma_wait3A_384, %dma_wait3A_385] : memref<50176x32xf32, #tpu.memory_space<vmem_shared>> -> memref<50176x32xf32, #tpu.memory_space<vmem_shared>>
      tpu.wait_indirect_dma semaphore(%arg11 : memref<!tpu.dma_semaphore, #tpu.memory_space<semaphore_mem>>) src(%dma_wait3A_380 : memref<128x32xf32, #tpu.memory_space<vmem>>) dst(%dma_wait3A_386 : memref<50176x32xf32, #tpu.memory_space<vmem_shared>>)
      %dma_wait3A_387 = arith.constant 0 : i32
      %dma_wait3A_388 = arith.constant 2 : i32
      %dma_wait3A_389 = arith.constant 256 : i32
      %dma_wait3A_390 = arith.constant 0 : i32
      %dma_wait3A_391 = tpu.memref_slice %arg8[%dma_wait3A_389, %dma_wait3A_390] : memref<512x32xf32, #tpu.memory_space<vmem>> -> memref<128x32xf32, #tpu.memory_space<vmem>>
      %dma_wait3A_392 = arith.constant 0 : i32
      %dma_wait3A_393 = tpu.memref_slice %arg7[%dma_wait3A_387, %dma_wait3A_388, %dma_wait3A_392] : memref<2x4x128xi32, #tpu.memory_space<vmem>> -> memref<1x1x128xi32, #tpu.memory_space<vmem>>
      %dma_wait3A_394 = tpu.memref_squeeze %dma_wait3A_393 : memref<1x1x128xi32, #tpu.memory_space<vmem>> -> memref<128xi32, #tpu.memory_space<vmem>>
      %dma_wait3A_395 = arith.constant 0 : i32
      %dma_wait3A_396 = arith.constant 0 : i32
      %dma_wait3A_397 = tpu.memref_slice %arg9[%dma_wait3A_395, %dma_wait3A_396] : memref<50176x32xf32, #tpu.memory_space<vmem_shared>> -> memref<50176x32xf32, #tpu.memory_space<vmem_shared>>
      tpu.wait_indirect_dma semaphore(%arg11 : memref<!tpu.dma_semaphore, #tpu.memory_space<semaphore_mem>>) src(%dma_wait3A_391 : memref<128x32xf32, #tpu.memory_space<vmem>>) dst(%dma_wait3A_397 : memref<50176x32xf32, #tpu.memory_space<vmem_shared>>)
      %dma_wait3A_398 = arith.constant 0 : i32
      %dma_wait3A_399 = arith.constant 3 : i32
      %dma_wait3A_400 = arith.constant 384 : i32
      %dma_wait3A_401 = arith.constant 0 : i32
      %dma_wait3A_402 = tpu.memref_slice %arg8[%dma_wait3A_400, %dma_wait3A_401] : memref<512x32xf32, #tpu.memory_space<vmem>> -> memref<128x32xf32, #tpu.memory_space<vmem>>
      %dma_wait3A_403 = arith.constant 0 : i32
      %dma_wait3A_404 = tpu.memref_slice %arg7[%dma_wait3A_398, %dma_wait3A_399, %dma_wait3A_403] : memref<2x4x128xi32, #tpu.memory_space<vmem>> -> memref<1x1x128xi32, #tpu.memory_space<vmem>>
      %dma_wait3A_405 = tpu.memref_squeeze %dma_wait3A_404 : memref<1x1x128xi32, #tpu.memory_space<vmem>> -> memref<128xi32, #tpu.memory_space<vmem>>
      %dma_wait3A_406 = arith.constant 0 : i32
      %dma_wait3A_407 = arith.constant 0 : i32
      %dma_wait3A_408 = tpu.memref_slice %arg9[%dma_wait3A_406, %dma_wait3A_407] : memref<50176x32xf32, #tpu.memory_space<vmem_shared>> -> memref<50176x32xf32, #tpu.memory_space<vmem_shared>>
      tpu.wait_indirect_dma semaphore(%arg11 : memref<!tpu.dma_semaphore, #tpu.memory_space<semaphore_mem>>) src(%dma_wait3A_402 : memref<128x32xf32, #tpu.memory_space<vmem>>) dst(%dma_wait3A_408 : memref<50176x32xf32, #tpu.memory_space<vmem_shared>>)
      %mul3A_409 = arith.constant 2 : i32
      %mul3A_410 = arith.muli %scan3A_158, %mul3A_409 : i32
      %add3A_411 = arith.constant 1 : i32
      %add3A_412 = arith.addi %mul3A_410, %add3A_411 : i32
      %mul3A_413 = arith.constant 400 : i32
      %mul3A_414 = arith.muli %arg1, %mul3A_413 : i32
      %mul3A_415 = arith.constant 4 : i32
      %mul3A_416 = arith.muli %add3A_412, %mul3A_415 : i32
      %add3A_417 = arith.addi %mul3A_414, %mul3A_416 : i32
      %multiple_of3A_418 = tpu.assume_multiple %add3A_417, 4 : i32
      %dma_wait3A_419 = arith.constant 1 : i32
      %dma_wait3A_420 = arith.constant 0 : i32
      %dma_wait3A_421 = arith.constant 0 : i32
      %dma_wait3A_422 = tpu.memref_slice %arg6[%dma_wait3A_419, %dma_wait3A_420, %dma_wait3A_421] : memref<2x4x128xi32, #tpu.memory_space<vmem>> -> memref<1x4x128xi32, #tpu.memory_space<vmem>>
      %dma_wait3A_423 = tpu.memref_squeeze %dma_wait3A_422 : memref<1x4x128xi32, #tpu.memory_space<vmem>> -> memref<4x128xi32, #tpu.memory_space<vmem>>
      %dma_wait3A_424 = arith.constant 0 : i32
      %dma_wait3A_425 = tpu.memref_slice %arg3[%arg0, %multiple_of3A_418, %dma_wait3A_424] : memref<2x6404x128xi32, #tpu.memory_space<hbm>> -> memref<1x4x128xi32, #tpu.memory_space<hbm>>
      %dma_wait3A_426 = tpu.memref_squeeze %dma_wait3A_425 : memref<1x4x128xi32, #tpu.memory_space<hbm>> -> memref<4x128xi32, #tpu.memory_space<hbm>>
      %dma_wait3A_427 = arith.constant 0 : i32
      %dma_wait3A_428 = arith.constant 0 : i32
      %dma_wait3A_429 = tpu.memref_slice %arg6[%dma_wait3A_419, %dma_wait3A_427, %dma_wait3A_428] : memref<2x4x128xi32, #tpu.memory_space<vmem>> -> memref<1x4x128xi32, #tpu.memory_space<vmem>>
      %dma_wait3A_430 = tpu.memref_squeeze %dma_wait3A_429 : memref<1x4x128xi32, #tpu.memory_space<vmem>> -> memref<4x128xi32, #tpu.memory_space<vmem>>
      %dma_wait3A_431 = arith.constant 0 : i32
      %dma_wait3A_432 = tpu.memref_slice %arg3[%arg0, %multiple_of3A_418, %dma_wait3A_431] : memref<2x6404x128xi32, #tpu.memory_space<hbm>> -> memref<1x4x128xi32, #tpu.memory_space<hbm>>
      %dma_wait3A_433 = tpu.memref_squeeze %dma_wait3A_432 : memref<1x4x128xi32, #tpu.memory_space<hbm>> -> memref<4x128xi32, #tpu.memory_space<hbm>>
      tpu.wait_dma2 semaphore(%arg12 : memref<!tpu.dma_semaphore, #tpu.memory_space<semaphore_mem>>) src(%dma_wait3A_433 : memref<4x128xi32, #tpu.memory_space<hbm>>) dst(%dma_wait3A_430 : memref<4x128xi32, #tpu.memory_space<vmem>>)
      %dma_wait3A_434 = arith.constant 1 : i32
      %dma_wait3A_435 = arith.constant 0 : i32
      %dma_wait3A_436 = arith.constant 0 : i32
      %dma_wait3A_437 = tpu.memref_slice %arg7[%dma_wait3A_434, %dma_wait3A_435, %dma_wait3A_436] : memref<2x4x128xi32, #tpu.memory_space<vmem>> -> memref<1x4x128xi32, #tpu.memory_space<vmem>>
      %dma_wait3A_438 = tpu.memref_squeeze %dma_wait3A_437 : memref<1x4x128xi32, #tpu.memory_space<vmem>> -> memref<4x128xi32, #tpu.memory_space<vmem>>
      %dma_wait3A_439 = arith.constant 0 : i32
      %dma_wait3A_440 = tpu.memref_slice %arg4[%multiple_of3A_418, %dma_wait3A_439] : memref<6404x128xi32, #tpu.memory_space<hbm>> -> memref<4x128xi32, #tpu.memory_space<hbm>>
      %dma_wait3A_441 = arith.constant 0 : i32
      %dma_wait3A_442 = arith.constant 0 : i32
      %dma_wait3A_443 = tpu.memref_slice %arg7[%dma_wait3A_434, %dma_wait3A_441, %dma_wait3A_442] : memref<2x4x128xi32, #tpu.memory_space<vmem>> -> memref<1x4x128xi32, #tpu.memory_space<vmem>>
      %dma_wait3A_444 = tpu.memref_squeeze %dma_wait3A_443 : memref<1x4x128xi32, #tpu.memory_space<vmem>> -> memref<4x128xi32, #tpu.memory_space<vmem>>
      %dma_wait3A_445 = arith.constant 0 : i32
      %dma_wait3A_446 = tpu.memref_slice %arg4[%multiple_of3A_418, %dma_wait3A_445] : memref<6404x128xi32, #tpu.memory_space<hbm>> -> memref<4x128xi32, #tpu.memory_space<hbm>>
      tpu.wait_dma2 semaphore(%arg12 : memref<!tpu.dma_semaphore, #tpu.memory_space<semaphore_mem>>) src(%dma_wait3A_446 : memref<4x128xi32, #tpu.memory_space<hbm>>) dst(%dma_wait3A_444 : memref<4x128xi32, #tpu.memory_space<vmem>>)
      %add3A_447 = arith.constant 1 : i32
      %add3A_448 = arith.addi %add3A_412, %add3A_447 : i32
      %mul3A_449 = arith.constant 400 : i32
      %mul3A_450 = arith.muli %arg1, %mul3A_449 : i32
      %mul3A_451 = arith.constant 4 : i32
      %mul3A_452 = arith.muli %add3A_448, %mul3A_451 : i32
      %add3A_453 = arith.addi %mul3A_450, %mul3A_452 : i32
      %multiple_of3A_454 = tpu.assume_multiple %add3A_453, 4 : i32
      %dma_start3A_455 = arith.constant 0 : i32
      %dma_start3A_456 = arith.constant 0 : i32
      %dma_start3A_457 = arith.constant 0 : i32
      %dma_start3A_458 = tpu.memref_slice %arg6[%dma_start3A_455, %dma_start3A_456, %dma_start3A_457] : memref<2x4x128xi32, #tpu.memory_space<vmem>> -> memref<1x4x128xi32, #tpu.memory_space<vmem>>
      %dma_start3A_459 = tpu.memref_squeeze %dma_start3A_458 : memref<1x4x128xi32, #tpu.memory_space<vmem>> -> memref<4x128xi32, #tpu.memory_space<vmem>>
      %dma_start3A_460 = arith.constant 0 : i32
      %dma_start3A_461 = tpu.memref_slice %arg3[%arg0, %multiple_of3A_454, %dma_start3A_460] : memref<2x6404x128xi32, #tpu.memory_space<hbm>> -> memref<1x4x128xi32, #tpu.memory_space<hbm>>
      %dma_start3A_462 = tpu.memref_squeeze %dma_start3A_461 : memref<1x4x128xi32, #tpu.memory_space<hbm>> -> memref<4x128xi32, #tpu.memory_space<hbm>>
      %dma_start3A_463 = arith.constant 0 : i32
      %dma_start3A_464 = arith.constant 0 : i32
      %dma_start3A_465 = tpu.memref_slice %arg6[%dma_start3A_455, %dma_start3A_463, %dma_start3A_464] : memref<2x4x128xi32, #tpu.memory_space<vmem>> -> memref<1x4x128xi32, #tpu.memory_space<vmem>>
      %dma_start3A_466 = tpu.memref_squeeze %dma_start3A_465 : memref<1x4x128xi32, #tpu.memory_space<vmem>> -> memref<4x128xi32, #tpu.memory_space<vmem>>
      %dma_start3A_467 = arith.constant 0 : i32
      %dma_start3A_468 = tpu.memref_slice %arg3[%arg0, %multiple_of3A_454, %dma_start3A_467] : memref<2x6404x128xi32, #tpu.memory_space<hbm>> -> memref<1x4x128xi32, #tpu.memory_space<hbm>>
      %dma_start3A_469 = tpu.memref_squeeze %dma_start3A_468 : memref<1x4x128xi32, #tpu.memory_space<hbm>> -> memref<4x128xi32, #tpu.memory_space<hbm>>
      tpu.enqueue_dma source(%dma_start3A_469 : memref<4x128xi32, #tpu.memory_space<hbm>>) target(%dma_start3A_466 : memref<4x128xi32, #tpu.memory_space<vmem>>) target_semaphore(%arg12 : memref<!tpu.dma_semaphore, #tpu.memory_space<semaphore_mem>>)
      %dma_start3A_470 = arith.constant 0 : i32
      %dma_start3A_471 = arith.constant 0 : i32
      %dma_start3A_472 = arith.constant 0 : i32
      %dma_start3A_473 = tpu.memref_slice %arg7[%dma_start3A_470, %dma_start3A_471, %dma_start3A_472] : memref<2x4x128xi32, #tpu.memory_space<vmem>> -> memref<1x4x128xi32, #tpu.memory_space<vmem>>
      %dma_start3A_474 = tpu.memref_squeeze %dma_start3A_473 : memref<1x4x128xi32, #tpu.memory_space<vmem>> -> memref<4x128xi32, #tpu.memory_space<vmem>>
      %dma_start3A_475 = arith.constant 0 : i32
      %dma_start3A_476 = tpu.memref_slice %arg4[%multiple_of3A_454, %dma_start3A_475] : memref<6404x128xi32, #tpu.memory_space<hbm>> -> memref<4x128xi32, #tpu.memory_space<hbm>>
      %dma_start3A_477 = arith.constant 0 : i32
      %dma_start3A_478 = arith.constant 0 : i32
      %dma_start3A_479 = tpu.memref_slice %arg7[%dma_start3A_470, %dma_start3A_477, %dma_start3A_478] : memref<2x4x128xi32, #tpu.memory_space<vmem>> -> memref<1x4x128xi32, #tpu.memory_space<vmem>>
      %dma_start3A_480 = tpu.memref_squeeze %dma_start3A_479 : memref<1x4x128xi32, #tpu.memory_space<vmem>> -> memref<4x128xi32, #tpu.memory_space<vmem>>
      %dma_start3A_481 = arith.constant 0 : i32
      %dma_start3A_482 = tpu.memref_slice %arg4[%multiple_of3A_454, %dma_start3A_481] : memref<6404x128xi32, #tpu.memory_space<hbm>> -> memref<4x128xi32, #tpu.memory_space<hbm>>
      tpu.enqueue_dma source(%dma_start3A_482 : memref<4x128xi32, #tpu.memory_space<hbm>>) target(%dma_start3A_480 : memref<4x128xi32, #tpu.memory_space<vmem>>) target_semaphore(%arg12 : memref<!tpu.dma_semaphore, #tpu.memory_space<semaphore_mem>>)
      %dma_start3A_483 = arith.constant 1 : i32
      %dma_start3A_484 = arith.constant 0 : i32
      %dma_start3A_485 = arith.constant 0 : i32
      %dma_start3A_486 = arith.constant 0 : i32
      %dma_start3A_487 = tpu.memref_slice %arg8[%dma_start3A_485, %dma_start3A_486] : memref<512x32xf32, #tpu.memory_space<vmem>> -> memref<128x32xf32, #tpu.memory_space<vmem>>
      %dma_start3A_488 = arith.constant 0 : i32
      %dma_start3A_489 = tpu.memref_slice %arg6[%dma_start3A_483, %dma_start3A_484, %dma_start3A_488] : memref<2x4x128xi32, #tpu.memory_space<vmem>> -> memref<1x1x128xi32, #tpu.memory_space<vmem>>
      %dma_start3A_490 = tpu.memref_squeeze %dma_start3A_489 : memref<1x1x128xi32, #tpu.memory_space<vmem>> -> memref<128xi32, #tpu.memory_space<vmem>>
      %dma_start3A_491 = arith.constant 0 : i32
      %dma_start3A_492 = arith.constant 0 : i32
      %dma_start3A_493 = tpu.memref_slice %arg2[%dma_start3A_491, %dma_start3A_492] : memref<100000x32xf32, #tpu.memory_space<hbm>> -> memref<100000x32xf32, #tpu.memory_space<hbm>>
      tpu.enqueue_indirect_dma source(%dma_start3A_493 : memref<100000x32xf32, #tpu.memory_space<hbm>>) target(%dma_start3A_487 : memref<128x32xf32, #tpu.memory_space<vmem>>) offsets(%dma_start3A_490 : memref<128xi32, #tpu.memory_space<vmem>>) semaphore(%arg10 : memref<!tpu.dma_semaphore, #tpu.memory_space<semaphore_mem>>)
      %dma_start3A_494 = arith.constant 1 : i32
      %dma_start3A_495 = arith.constant 1 : i32
      %dma_start3A_496 = arith.constant 128 : i32
      %dma_start3A_497 = arith.constant 0 : i32
      %dma_start3A_498 = tpu.memref_slice %arg8[%dma_start3A_496, %dma_start3A_497] : memref<512x32xf32, #tpu.memory_space<vmem>> -> memref<128x32xf32, #tpu.memory_space<vmem>>
      %dma_start3A_499 = arith.constant 0 : i32
      %dma_start3A_500 = tpu.memref_slice %arg6[%dma_start3A_494, %dma_start3A_495, %dma_start3A_499] : memref<2x4x128xi32, #tpu.memory_space<vmem>> -> memref<1x1x128xi32, #tpu.memory_space<vmem>>
      %dma_start3A_501 = tpu.memref_squeeze %dma_start3A_500 : memref<1x1x128xi32, #tpu.memory_space<vmem>> -> memref<128xi32, #tpu.memory_space<vmem>>
      %dma_start3A_502 = arith.constant 0 : i32
      %dma_start3A_503 = arith.constant 0 : i32
      %dma_start3A_504 = tpu.memref_slice %arg2[%dma_start3A_502, %dma_start3A_503] : memref<100000x32xf32, #tpu.memory_space<hbm>> -> memref<100000x32xf32, #tpu.memory_space<hbm>>
      tpu.enqueue_indirect_dma source(%dma_start3A_504 : memref<100000x32xf32, #tpu.memory_space<hbm>>) target(%dma_start3A_498 : memref<128x32xf32, #tpu.memory_space<vmem>>) offsets(%dma_start3A_501 : memref<128xi32, #tpu.memory_space<vmem>>) semaphore(%arg10 : memref<!tpu.dma_semaphore, #tpu.memory_space<semaphore_mem>>)
      %dma_start3A_505 = arith.constant 1 : i32
      %dma_start3A_506 = arith.constant 2 : i32
      %dma_start3A_507 = arith.constant 256 : i32
      %dma_start3A_508 = arith.constant 0 : i32
      %dma_start3A_509 = tpu.memref_slice %arg8[%dma_start3A_507, %dma_start3A_508] : memref<512x32xf32, #tpu.memory_space<vmem>> -> memref<128x32xf32, #tpu.memory_space<vmem>>
      %dma_start3A_510 = arith.constant 0 : i32
      %dma_start3A_511 = tpu.memref_slice %arg6[%dma_start3A_505, %dma_start3A_506, %dma_start3A_510] : memref<2x4x128xi32, #tpu.memory_space<vmem>> -> memref<1x1x128xi32, #tpu.memory_space<vmem>>
      %dma_start3A_512 = tpu.memref_squeeze %dma_start3A_511 : memref<1x1x128xi32, #tpu.memory_space<vmem>> -> memref<128xi32, #tpu.memory_space<vmem>>
      %dma_start3A_513 = arith.constant 0 : i32
      %dma_start3A_514 = arith.constant 0 : i32
      %dma_start3A_515 = tpu.memref_slice %arg2[%dma_start3A_513, %dma_start3A_514] : memref<100000x32xf32, #tpu.memory_space<hbm>> -> memref<100000x32xf32, #tpu.memory_space<hbm>>
      tpu.enqueue_indirect_dma source(%dma_start3A_515 : memref<100000x32xf32, #tpu.memory_space<hbm>>) target(%dma_start3A_509 : memref<128x32xf32, #tpu.memory_space<vmem>>) offsets(%dma_start3A_512 : memref<128xi32, #tpu.memory_space<vmem>>) semaphore(%arg10 : memref<!tpu.dma_semaphore, #tpu.memory_space<semaphore_mem>>)
      %dma_start3A_516 = arith.constant 1 : i32
      %dma_start3A_517 = arith.constant 3 : i32
      %dma_start3A_518 = arith.constant 384 : i32
      %dma_start3A_519 = arith.constant 0 : i32
      %dma_start3A_520 = tpu.memref_slice %arg8[%dma_start3A_518, %dma_start3A_519] : memref<512x32xf32, #tpu.memory_space<vmem>> -> memref<128x32xf32, #tpu.memory_space<vmem>>
      %dma_start3A_521 = arith.constant 0 : i32
      %dma_start3A_522 = tpu.memref_slice %arg6[%dma_start3A_516, %dma_start3A_517, %dma_start3A_521] : memref<2x4x128xi32, #tpu.memory_space<vmem>> -> memref<1x1x128xi32, #tpu.memory_space<vmem>>
      %dma_start3A_523 = tpu.memref_squeeze %dma_start3A_522 : memref<1x1x128xi32, #tpu.memory_space<vmem>> -> memref<128xi32, #tpu.memory_space<vmem>>
      %dma_start3A_524 = arith.constant 0 : i32
      %dma_start3A_525 = arith.constant 0 : i32
      %dma_start3A_526 = tpu.memref_slice %arg2[%dma_start3A_524, %dma_start3A_525] : memref<100000x32xf32, #tpu.memory_space<hbm>> -> memref<100000x32xf32, #tpu.memory_space<hbm>>
      tpu.enqueue_indirect_dma source(%dma_start3A_526 : memref<100000x32xf32, #tpu.memory_space<hbm>>) target(%dma_start3A_520 : memref<128x32xf32, #tpu.memory_space<vmem>>) offsets(%dma_start3A_523 : memref<128xi32, #tpu.memory_space<vmem>>) semaphore(%arg10 : memref<!tpu.dma_semaphore, #tpu.memory_space<semaphore_mem>>)
      %dma_wait3A_527 = arith.constant 1 : i32
      %dma_wait3A_528 = arith.constant 0 : i32
      %dma_wait3A_529 = arith.constant 0 : i32
      %dma_wait3A_530 = arith.constant 0 : i32
      %dma_wait3A_531 = tpu.memref_slice %arg8[%dma_wait3A_529, %dma_wait3A_530] : memref<512x32xf32, #tpu.memory_space<vmem>> -> memref<128x32xf32, #tpu.memory_space<vmem>>
      %dma_wait3A_532 = arith.constant 0 : i32
      %dma_wait3A_533 = tpu.memref_slice %arg6[%dma_wait3A_527, %dma_wait3A_528, %dma_wait3A_532] : memref<2x4x128xi32, #tpu.memory_space<vmem>> -> memref<1x1x128xi32, #tpu.memory_space<vmem>>
      %dma_wait3A_534 = tpu.memref_squeeze %dma_wait3A_533 : memref<1x1x128xi32, #tpu.memory_space<vmem>> -> memref<128xi32, #tpu.memory_space<vmem>>
      %dma_wait3A_535 = arith.constant 0 : i32
      %dma_wait3A_536 = arith.constant 0 : i32
      %dma_wait3A_537 = tpu.memref_slice %arg2[%dma_wait3A_535, %dma_wait3A_536] : memref<100000x32xf32, #tpu.memory_space<hbm>> -> memref<100000x32xf32, #tpu.memory_space<hbm>>
      tpu.wait_indirect_dma semaphore(%arg10 : memref<!tpu.dma_semaphore, #tpu.memory_space<semaphore_mem>>) src(%dma_wait3A_537 : memref<100000x32xf32, #tpu.memory_space<hbm>>) dst(%dma_wait3A_531 : memref<128x32xf32, #tpu.memory_space<vmem>>)
      %dma_start3A_538 = arith.constant 1 : i32
      %dma_start3A_539 = arith.constant 0 : i32
      %dma_start3A_540 = arith.constant 0 : i32
      %dma_start3A_541 = arith.constant 0 : i32
      %dma_start3A_542 = tpu.memref_slice %arg8[%dma_start3A_540, %dma_start3A_541] : memref<512x32xf32, #tpu.memory_space<vmem>> -> memref<128x32xf32, #tpu.memory_space<vmem>>
      %dma_start3A_543 = arith.constant 0 : i32
      %dma_start3A_544 = tpu.memref_slice %arg7[%dma_start3A_538, %dma_start3A_539, %dma_start3A_543] : memref<2x4x128xi32, #tpu.memory_space<vmem>> -> memref<1x1x128xi32, #tpu.memory_space<vmem>>
      %dma_start3A_545 = tpu.memref_squeeze %dma_start3A_544 : memref<1x1x128xi32, #tpu.memory_space<vmem>> -> memref<128xi32, #tpu.memory_space<vmem>>
      %dma_start3A_546 = arith.constant 0 : i32
      %dma_start3A_547 = arith.constant 0 : i32
      %dma_start3A_548 = tpu.memref_slice %arg9[%dma_start3A_546, %dma_start3A_547] : memref<50176x32xf32, #tpu.memory_space<vmem_shared>> -> memref<50176x32xf32, #tpu.memory_space<vmem_shared>>
      tpu.enqueue_indirect_dma source(%dma_start3A_542 : memref<128x32xf32, #tpu.memory_space<vmem>>) target(%dma_start3A_548 : memref<50176x32xf32, #tpu.memory_space<vmem_shared>>) offsets(%dma_start3A_545 : memref<128xi32, #tpu.memory_space<vmem>>) semaphore(%arg11 : memref<!tpu.dma_semaphore, #tpu.memory_space<semaphore_mem>>) {add = true}
      %dma_wait3A_549 = arith.constant 1 : i32
      %dma_wait3A_550 = arith.constant 1 : i32
      %dma_wait3A_551 = arith.constant 128 : i32
      %dma_wait3A_552 = arith.constant 0 : i32
      %dma_wait3A_553 = tpu.memref_slice %arg8[%dma_wait3A_551, %dma_wait3A_552] : memref<512x32xf32, #tpu.memory_space<vmem>> -> memref<128x32xf32, #tpu.memory_space<vmem>>
      %dma_wait3A_554 = arith.constant 0 : i32
      %dma_wait3A_555 = tpu.memref_slice %arg6[%dma_wait3A_549, %dma_wait3A_550, %dma_wait3A_554] : memref<2x4x128xi32, #tpu.memory_space<vmem>> -> memref<1x1x128xi32, #tpu.memory_space<vmem>>
      %dma_wait3A_556 = tpu.memref_squeeze %dma_wait3A_555 : memref<1x1x128xi32, #tpu.memory_space<vmem>> -> memref<128xi32, #tpu.memory_space<vmem>>
      %dma_wait3A_557 = arith.constant 0 : i32
      %dma_wait3A_558 = arith.constant 0 : i32
      %dma_wait3A_559 = tpu.memref_slice %arg2[%dma_wait3A_557, %dma_wait3A_558] : memref<100000x32xf32, #tpu.memory_space<hbm>> -> memref<100000x32xf32, #tpu.memory_space<hbm>>
      tpu.wait_indirect_dma semaphore(%arg10 : memref<!tpu.dma_semaphore, #tpu.memory_space<semaphore_mem>>) src(%dma_wait3A_559 : memref<100000x32xf32, #tpu.memory_space<hbm>>) dst(%dma_wait3A_553 : memref<128x32xf32, #tpu.memory_space<vmem>>)
      %dma_start3A_560 = arith.constant 1 : i32
      %dma_start3A_561 = arith.constant 1 : i32
      %dma_start3A_562 = arith.constant 128 : i32
      %dma_start3A_563 = arith.constant 0 : i32
      %dma_start3A_564 = tpu.memref_slice %arg8[%dma_start3A_562, %dma_start3A_563] : memref<512x32xf32, #tpu.memory_space<vmem>> -> memref<128x32xf32, #tpu.memory_space<vmem>>
      %dma_start3A_565 = arith.constant 0 : i32
      %dma_start3A_566 = tpu.memref_slice %arg7[%dma_start3A_560, %dma_start3A_561, %dma_start3A_565] : memref<2x4x128xi32, #tpu.memory_space<vmem>> -> memref<1x1x128xi32, #tpu.memory_space<vmem>>
      %dma_start3A_567 = tpu.memref_squeeze %dma_start3A_566 : memref<1x1x128xi32, #tpu.memory_space<vmem>> -> memref<128xi32, #tpu.memory_space<vmem>>
      %dma_start3A_568 = arith.constant 0 : i32
      %dma_start3A_569 = arith.constant 0 : i32
      %dma_start3A_570 = tpu.memref_slice %arg9[%dma_start3A_568, %dma_start3A_569] : memref<50176x32xf32, #tpu.memory_space<vmem_shared>> -> memref<50176x32xf32, #tpu.memory_space<vmem_shared>>
      tpu.enqueue_indirect_dma source(%dma_start3A_564 : memref<128x32xf32, #tpu.memory_space<vmem>>) target(%dma_start3A_570 : memref<50176x32xf32, #tpu.memory_space<vmem_shared>>) offsets(%dma_start3A_567 : memref<128xi32, #tpu.memory_space<vmem>>) semaphore(%arg11 : memref<!tpu.dma_semaphore, #tpu.memory_space<semaphore_mem>>) {add = true}
      %dma_wait3A_571 = arith.constant 1 : i32
      %dma_wait3A_572 = arith.constant 2 : i32
      %dma_wait3A_573 = arith.constant 256 : i32
      %dma_wait3A_574 = arith.constant 0 : i32
      %dma_wait3A_575 = tpu.memref_slice %arg8[%dma_wait3A_573, %dma_wait3A_574] : memref<512x32xf32, #tpu.memory_space<vmem>> -> memref<128x32xf32, #tpu.memory_space<vmem>>
      %dma_wait3A_576 = arith.constant 0 : i32
      %dma_wait3A_577 = tpu.memref_slice %arg6[%dma_wait3A_571, %dma_wait3A_572, %dma_wait3A_576] : memref<2x4x128xi32, #tpu.memory_space<vmem>> -> memref<1x1x128xi32, #tpu.memory_space<vmem>>
      %dma_wait3A_578 = tpu.memref_squeeze %dma_wait3A_577 : memref<1x1x128xi32, #tpu.memory_space<vmem>> -> memref<128xi32, #tpu.memory_space<vmem>>
      %dma_wait3A_579 = arith.constant 0 : i32
      %dma_wait3A_580 = arith.constant 0 : i32
      %dma_wait3A_581 = tpu.memref_slice %arg2[%dma_wait3A_579, %dma_wait3A_580] : memref<100000x32xf32, #tpu.memory_space<hbm>> -> memref<100000x32xf32, #tpu.memory_space<hbm>>
      tpu.wait_indirect_dma semaphore(%arg10 : memref<!tpu.dma_semaphore, #tpu.memory_space<semaphore_mem>>) src(%dma_wait3A_581 : memref<100000x32xf32, #tpu.memory_space<hbm>>) dst(%dma_wait3A_575 : memref<128x32xf32, #tpu.memory_space<vmem>>)
      %dma_start3A_582 = arith.constant 1 : i32
      %dma_start3A_583 = arith.constant 2 : i32
      %dma_start3A_584 = arith.constant 256 : i32
      %dma_start3A_585 = arith.constant 0 : i32
      %dma_start3A_586 = tpu.memref_slice %arg8[%dma_start3A_584, %dma_start3A_585] : memref<512x32xf32, #tpu.memory_space<vmem>> -> memref<128x32xf32, #tpu.memory_space<vmem>>
      %dma_start3A_587 = arith.constant 0 : i32
      %dma_start3A_588 = tpu.memref_slice %arg7[%dma_start3A_582, %dma_start3A_583, %dma_start3A_587] : memref<2x4x128xi32, #tpu.memory_space<vmem>> -> memref<1x1x128xi32, #tpu.memory_space<vmem>>
      %dma_start3A_589 = tpu.memref_squeeze %dma_start3A_588 : memref<1x1x128xi32, #tpu.memory_space<vmem>> -> memref<128xi32, #tpu.memory_space<vmem>>
      %dma_start3A_590 = arith.constant 0 : i32
      %dma_start3A_591 = arith.constant 0 : i32
      %dma_start3A_592 = tpu.memref_slice %arg9[%dma_start3A_590, %dma_start3A_591] : memref<50176x32xf32, #tpu.memory_space<vmem_shared>> -> memref<50176x32xf32, #tpu.memory_space<vmem_shared>>
      tpu.enqueue_indirect_dma source(%dma_start3A_586 : memref<128x32xf32, #tpu.memory_space<vmem>>) target(%dma_start3A_592 : memref<50176x32xf32, #tpu.memory_space<vmem_shared>>) offsets(%dma_start3A_589 : memref<128xi32, #tpu.memory_space<vmem>>) semaphore(%arg11 : memref<!tpu.dma_semaphore, #tpu.memory_space<semaphore_mem>>) {add = true}
      %dma_wait3A_593 = arith.constant 1 : i32
      %dma_wait3A_594 = arith.constant 3 : i32
      %dma_wait3A_595 = arith.constant 384 : i32
      %dma_wait3A_596 = arith.constant 0 : i32
      %dma_wait3A_597 = tpu.memref_slice %arg8[%dma_wait3A_595, %dma_wait3A_596] : memref<512x32xf32, #tpu.memory_space<vmem>> -> memref<128x32xf32, #tpu.memory_space<vmem>>
      %dma_wait3A_598 = arith.constant 0 : i32
      %dma_wait3A_599 = tpu.memref_slice %arg6[%dma_wait3A_593, %dma_wait3A_594, %dma_wait3A_598] : memref<2x4x128xi32, #tpu.memory_space<vmem>> -> memref<1x1x128xi32, #tpu.memory_space<vmem>>
      %dma_wait3A_600 = tpu.memref_squeeze %dma_wait3A_599 : memref<1x1x128xi32, #tpu.memory_space<vmem>> -> memref<128xi32, #tpu.memory_space<vmem>>
      %dma_wait3A_601 = arith.constant 0 : i32
      %dma_wait3A_602 = arith.constant 0 : i32
      %dma_wait3A_603 = tpu.memref_slice %arg2[%dma_wait3A_601, %dma_wait3A_602] : memref<100000x32xf32, #tpu.memory_space<hbm>> -> memref<100000x32xf32, #tpu.memory_space<hbm>>
      tpu.wait_indirect_dma semaphore(%arg10 : memref<!tpu.dma_semaphore, #tpu.memory_space<semaphore_mem>>) src(%dma_wait3A_603 : memref<100000x32xf32, #tpu.memory_space<hbm>>) dst(%dma_wait3A_597 : memref<128x32xf32, #tpu.memory_space<vmem>>)
      %dma_start3A_604 = arith.constant 1 : i32
      %dma_start3A_605 = arith.constant 3 : i32
      %dma_start3A_606 = arith.constant 384 : i32
      %dma_start3A_607 = arith.constant 0 : i32
      %dma_start3A_608 = tpu.memref_slice %arg8[%dma_start3A_606, %dma_start3A_607] : memref<512x32xf32, #tpu.memory_space<vmem>> -> memref<128x32xf32, #tpu.memory_space<vmem>>
      %dma_start3A_609 = arith.constant 0 : i32
      %dma_start3A_610 = tpu.memref_slice %arg7[%dma_start3A_604, %dma_start3A_605, %dma_start3A_609] : memref<2x4x128xi32, #tpu.memory_space<vmem>> -> memref<1x1x128xi32, #tpu.memory_space<vmem>>
      %dma_start3A_611 = tpu.memref_squeeze %dma_start3A_610 : memref<1x1x128xi32, #tpu.memory_space<vmem>> -> memref<128xi32, #tpu.memory_space<vmem>>
      %dma_start3A_612 = arith.constant 0 : i32
      %dma_start3A_613 = arith.constant 0 : i32
      %dma_start3A_614 = tpu.memref_slice %arg9[%dma_start3A_612, %dma_start3A_613] : memref<50176x32xf32, #tpu.memory_space<vmem_shared>> -> memref<50176x32xf32, #tpu.memory_space<vmem_shared>>
      tpu.enqueue_indirect_dma source(%dma_start3A_608 : memref<128x32xf32, #tpu.memory_space<vmem>>) target(%dma_start3A_614 : memref<50176x32xf32, #tpu.memory_space<vmem_shared>>) offsets(%dma_start3A_611 : memref<128xi32, #tpu.memory_space<vmem>>) semaphore(%arg11 : memref<!tpu.dma_semaphore, #tpu.memory_space<semaphore_mem>>) {add = true}
      %dma_wait3A_615 = arith.constant 1 : i32
      %dma_wait3A_616 = arith.constant 0 : i32
      %dma_wait3A_617 = arith.constant 0 : i32
      %dma_wait3A_618 = arith.constant 0 : i32
      %dma_wait3A_619 = tpu.memref_slice %arg8[%dma_wait3A_617, %dma_wait3A_618] : memref<512x32xf32, #tpu.memory_space<vmem>> -> memref<128x32xf32, #tpu.memory_space<vmem>>
      %dma_wait3A_620 = arith.constant 0 : i32
      %dma_wait3A_621 = tpu.memref_slice %arg7[%dma_wait3A_615, %dma_wait3A_616, %dma_wait3A_620] : memref<2x4x128xi32, #tpu.memory_space<vmem>> -> memref<1x1x128xi32, #tpu.memory_space<vmem>>
      %dma_wait3A_622 = tpu.memref_squeeze %dma_wait3A_621 : memref<1x1x128xi32, #tpu.memory_space<vmem>> -> memref<128xi32, #tpu.memory_space<vmem>>
      %dma_wait3A_623 = arith.constant 0 : i32
      %dma_wait3A_624 = arith.constant 0 : i32
      %dma_wait3A_625 = tpu.memref_slice %arg9[%dma_wait3A_623, %dma_wait3A_624] : memref<50176x32xf32, #tpu.memory_space<vmem_shared>> -> memref<50176x32xf32, #tpu.memory_space<vmem_shared>>
      tpu.wait_indirect_dma semaphore(%arg11 : memref<!tpu.dma_semaphore, #tpu.memory_space<semaphore_mem>>) src(%dma_wait3A_619 : memref<128x32xf32, #tpu.memory_space<vmem>>) dst(%dma_wait3A_625 : memref<50176x32xf32, #tpu.memory_space<vmem_shared>>)
      %dma_wait3A_626 = arith.constant 1 : i32
      %dma_wait3A_627 = arith.constant 1 : i32
      %dma_wait3A_628 = arith.constant 128 : i32
      %dma_wait3A_629 = arith.constant 0 : i32
      %dma_wait3A_630 = tpu.memref_slice %arg8[%dma_wait3A_628, %dma_wait3A_629] : memref<512x32xf32, #tpu.memory_space<vmem>> -> memref<128x32xf32, #tpu.memory_space<vmem>>
      %dma_wait3A_631 = arith.constant 0 : i32
      %dma_wait3A_632 = tpu.memref_slice %arg7[%dma_wait3A_626, %dma_wait3A_627, %dma_wait3A_631] : memref<2x4x128xi32, #tpu.memory_space<vmem>> -> memref<1x1x128xi32, #tpu.memory_space<vmem>>
      %dma_wait3A_633 = tpu.memref_squeeze %dma_wait3A_632 : memref<1x1x128xi32, #tpu.memory_space<vmem>> -> memref<128xi32, #tpu.memory_space<vmem>>
      %dma_wait3A_634 = arith.constant 0 : i32
      %dma_wait3A_635 = arith.constant 0 : i32
      %dma_wait3A_636 = tpu.memref_slice %arg9[%dma_wait3A_634, %dma_wait3A_635] : memref<50176x32xf32, #tpu.memory_space<vmem_shared>> -> memref<50176x32xf32, #tpu.memory_space<vmem_shared>>
      tpu.wait_indirect_dma semaphore(%arg11 : memref<!tpu.dma_semaphore, #tpu.memory_space<semaphore_mem>>) src(%dma_wait3A_630 : memref<128x32xf32, #tpu.memory_space<vmem>>) dst(%dma_wait3A_636 : memref<50176x32xf32, #tpu.memory_space<vmem_shared>>)
      %dma_wait3A_637 = arith.constant 1 : i32
      %dma_wait3A_638 = arith.constant 2 : i32
      %dma_wait3A_639 = arith.constant 256 : i32
      %dma_wait3A_640 = arith.constant 0 : i32
      %dma_wait3A_641 = tpu.memref_slice %arg8[%dma_wait3A_639, %dma_wait3A_640] : memref<512x32xf32, #tpu.memory_space<vmem>> -> memref<128x32xf32, #tpu.memory_space<vmem>>
      %dma_wait3A_642 = arith.constant 0 : i32
      %dma_wait3A_643 = tpu.memref_slice %arg7[%dma_wait3A_637, %dma_wait3A_638, %dma_wait3A_642] : memref<2x4x128xi32, #tpu.memory_space<vmem>> -> memref<1x1x128xi32, #tpu.memory_space<vmem>>
      %dma_wait3A_644 = tpu.memref_squeeze %dma_wait3A_643 : memref<1x1x128xi32, #tpu.memory_space<vmem>> -> memref<128xi32, #tpu.memory_space<vmem>>
      %dma_wait3A_645 = arith.constant 0 : i32
      %dma_wait3A_646 = arith.constant 0 : i32
      %dma_wait3A_647 = tpu.memref_slice %arg9[%dma_wait3A_645, %dma_wait3A_646] : memref<50176x32xf32, #tpu.memory_space<vmem_shared>> -> memref<50176x32xf32, #tpu.memory_space<vmem_shared>>
      tpu.wait_indirect_dma semaphore(%arg11 : memref<!tpu.dma_semaphore, #tpu.memory_space<semaphore_mem>>) src(%dma_wait3A_641 : memref<128x32xf32, #tpu.memory_space<vmem>>) dst(%dma_wait3A_647 : memref<50176x32xf32, #tpu.memory_space<vmem_shared>>)
      %dma_wait3A_648 = arith.constant 1 : i32
      %dma_wait3A_649 = arith.constant 3 : i32
      %dma_wait3A_650 = arith.constant 384 : i32
      %dma_wait3A_651 = arith.constant 0 : i32
      %dma_wait3A_652 = tpu.memref_slice %arg8[%dma_wait3A_650, %dma_wait3A_651] : memref<512x32xf32, #tpu.memory_space<vmem>> -> memref<128x32xf32, #tpu.memory_space<vmem>>
      %dma_wait3A_653 = arith.constant 0 : i32
      %dma_wait3A_654 = tpu.memref_slice %arg7[%dma_wait3A_648, %dma_wait3A_649, %dma_wait3A_653] : memref<2x4x128xi32, #tpu.memory_space<vmem>> -> memref<1x1x128xi32, #tpu.memory_space<vmem>>
      %dma_wait3A_655 = tpu.memref_squeeze %dma_wait3A_654 : memref<1x1x128xi32, #tpu.memory_space<vmem>> -> memref<128xi32, #tpu.memory_space<vmem>>
      %dma_wait3A_656 = arith.constant 0 : i32
      %dma_wait3A_657 = arith.constant 0 : i32
      %dma_wait3A_658 = tpu.memref_slice %arg9[%dma_wait3A_656, %dma_wait3A_657] : memref<50176x32xf32, #tpu.memory_space<vmem_shared>> -> memref<50176x32xf32, #tpu.memory_space<vmem_shared>>
      tpu.wait_indirect_dma semaphore(%arg11 : memref<!tpu.dma_semaphore, #tpu.memory_space<semaphore_mem>>) src(%dma_wait3A_652 : memref<128x32xf32, #tpu.memory_space<vmem>>) dst(%dma_wait3A_658 : memref<50176x32xf32, #tpu.memory_space<vmem_shared>>)
    }
    %scan3A_68 = arith.constant 50 : i32
    %mul3A_69 = arith.constant 400 : i32
    %mul3A_70 = arith.muli %arg1, %mul3A_69 : i32
    %add3A_71 = arith.constant 400 : i32
    %add3A_72 = arith.addi %mul3A_70, %add3A_71 : i32
    %multiple_of3A_73 = tpu.assume_multiple %add3A_72, 4 : i32
    %dma_wait3A = arith.constant 0 : i32
    %dma_wait3A_74 = arith.constant 0 : i32
    %dma_wait3A_75 = arith.constant 0 : i32
    %dma_wait3A_76 = tpu.memref_slice %arg6[%dma_wait3A, %dma_wait3A_74, %dma_wait3A_75] : memref<2x4x128xi32, #tpu.memory_space<vmem>> -> memref<1x4x128xi32, #tpu.memory_space<vmem>>
    %dma_wait3A_77 = tpu.memref_squeeze %dma_wait3A_76 : memref<1x4x128xi32, #tpu.memory_space<vmem>> -> memref<4x128xi32, #tpu.memory_space<vmem>>
    %dma_wait3A_78 = arith.constant 0 : i32
    %dma_wait3A_79 = tpu.memref_slice %arg3[%arg0, %multiple_of3A_73, %dma_wait3A_78] : memref<2x6404x128xi32, #tpu.memory_space<hbm>> -> memref<1x4x128xi32, #tpu.memory_space<hbm>>
    %dma_wait3A_80 = tpu.memref_squeeze %dma_wait3A_79 : memref<1x4x128xi32, #tpu.memory_space<hbm>> -> memref<4x128xi32, #tpu.memory_space<hbm>>
    %dma_wait3A_81 = arith.constant 0 : i32
    %dma_wait3A_82 = arith.constant 0 : i32
    %dma_wait3A_83 = tpu.memref_slice %arg6[%dma_wait3A, %dma_wait3A_81, %dma_wait3A_82] : memref<2x4x128xi32, #tpu.memory_space<vmem>> -> memref<1x4x128xi32, #tpu.memory_space<vmem>>
    %dma_wait3A_84 = tpu.memref_squeeze %dma_wait3A_83 : memref<1x4x128xi32, #tpu.memory_space<vmem>> -> memref<4x128xi32, #tpu.memory_space<vmem>>
    %dma_wait3A_85 = arith.constant 0 : i32
    %dma_wait3A_86 = tpu.memref_slice %arg3[%arg0, %multiple_of3A_73, %dma_wait3A_85] : memref<2x6404x128xi32, #tpu.memory_space<hbm>> -> memref<1x4x128xi32, #tpu.memory_space<hbm>>
    %dma_wait3A_87 = tpu.memref_squeeze %dma_wait3A_86 : memref<1x4x128xi32, #tpu.memory_space<hbm>> -> memref<4x128xi32, #tpu.memory_space<hbm>>
    tpu.wait_dma2 semaphore(%arg12 : memref<!tpu.dma_semaphore, #tpu.memory_space<semaphore_mem>>) src(%dma_wait3A_87 : memref<4x128xi32, #tpu.memory_space<hbm>>) dst(%dma_wait3A_84 : memref<4x128xi32, #tpu.memory_space<vmem>>)
    %dma_wait3A_88 = arith.constant 0 : i32
    %dma_wait3A_89 = arith.constant 0 : i32
    %dma_wait3A_90 = arith.constant 0 : i32
    %dma_wait3A_91 = tpu.memref_slice %arg7[%dma_wait3A_88, %dma_wait3A_89, %dma_wait3A_90] : memref<2x4x128xi32, #tpu.memory_space<vmem>> -> memref<1x4x128xi32, #tpu.memory_space<vmem>>
    %dma_wait3A_92 = tpu.memref_squeeze %dma_wait3A_91 : memref<1x4x128xi32, #tpu.memory_space<vmem>> -> memref<4x128xi32, #tpu.memory_space<vmem>>
    %dma_wait3A_93 = arith.constant 0 : i32
    %dma_wait3A_94 = tpu.memref_slice %arg4[%multiple_of3A_73, %dma_wait3A_93] : memref<6404x128xi32, #tpu.memory_space<hbm>> -> memref<4x128xi32, #tpu.memory_space<hbm>>
    %dma_wait3A_95 = arith.constant 0 : i32
    %dma_wait3A_96 = arith.constant 0 : i32
    %dma_wait3A_97 = tpu.memref_slice %arg7[%dma_wait3A_88, %dma_wait3A_95, %dma_wait3A_96] : memref<2x4x128xi32, #tpu.memory_space<vmem>> -> memref<1x4x128xi32, #tpu.memory_space<vmem>>
    %dma_wait3A_98 = tpu.memref_squeeze %dma_wait3A_97 : memref<1x4x128xi32, #tpu.memory_space<vmem>> -> memref<4x128xi32, #tpu.memory_space<vmem>>
    %dma_wait3A_99 = arith.constant 0 : i32
    %dma_wait3A_100 = tpu.memref_slice %arg4[%multiple_of3A_73, %dma_wait3A_99] : memref<6404x128xi32, #tpu.memory_space<hbm>> -> memref<4x128xi32, #tpu.memory_space<hbm>>
    tpu.wait_dma2 semaphore(%arg12 : memref<!tpu.dma_semaphore, #tpu.memory_space<semaphore_mem>>) src(%dma_wait3A_100 : memref<4x128xi32, #tpu.memory_space<hbm>>) dst(%dma_wait3A_98 : memref<4x128xi32, #tpu.memory_space<vmem>>)
    %barrier3A_101 = arith.constant 0 : index
    tpu.barrier barrier_id(%barrier3A_101)
    %mul3A_102 = arith.constant 3136 : i32
    %mul3A_103 = arith.muli %arg1, %mul3A_102 : i32
    %add3A_104 = arith.constant 0 : i32
    %add3A_105 = arith.addi %mul3A_103, %add3A_104 : i32
    "tpu.region"() ({
      %run_scoped3A = tpu.sem_alloc : memref<!tpu.dma_semaphore, #tpu.memory_space<semaphore_mem>>
      %dma_start3A_158 = arith.constant 0 : i32
      %dma_start3A_159 = arith.constant 0 : i32
      %dma_start3A_160 = tpu.memref_slice %arg8[%dma_start3A_158, %dma_start3A_159] : memref<512x32xf32, #tpu.memory_space<vmem>> -> memref<512x32xf32, #tpu.memory_space<vmem>>
      %dma_start3A_161 = arith.constant 0 : i32
      %dma_start3A_162 = tpu.memref_slice %arg9[%add3A_105, %dma_start3A_161] : memref<50176x32xf32, #tpu.memory_space<vmem_shared>> -> memref<512x32xf32, #tpu.memory_space<vmem_shared>>
      %dma_start3A_163 = arith.constant 0 : i32
      %dma_start3A_164 = arith.constant 0 : i32
      %dma_start3A_165 = tpu.memref_slice %arg8[%dma_start3A_163, %dma_start3A_164] : memref<512x32xf32, #tpu.memory_space<vmem>> -> memref<512x32xf32, #tpu.memory_space<vmem>>
      %dma_start3A_166 = arith.constant 0 : i32
      %dma_start3A_167 = tpu.memref_slice %arg9[%add3A_105, %dma_start3A_166] : memref<50176x32xf32, #tpu.memory_space<vmem_shared>> -> memref<512x32xf32, #tpu.memory_space<vmem_shared>>
      tpu.enqueue_dma source(%dma_start3A_167 : memref<512x32xf32, #tpu.memory_space<vmem_shared>>) target(%dma_start3A_165 : memref<512x32xf32, #tpu.memory_space<vmem>>) target_semaphore(%run_scoped3A : memref<!tpu.dma_semaphore, #tpu.memory_space<semaphore_mem>>)
      %dma_wait3A_168 = arith.constant 0 : i32
      %dma_wait3A_169 = arith.constant 0 : i32
      %dma_wait3A_170 = tpu.memref_slice %arg8[%dma_wait3A_168, %dma_wait3A_169] : memref<512x32xf32, #tpu.memory_space<vmem>> -> memref<512x32xf32, #tpu.memory_space<vmem>>
      %dma_wait3A_171 = arith.constant 0 : i32
      %dma_wait3A_172 = tpu.memref_slice %arg9[%add3A_105, %dma_wait3A_171] : memref<50176x32xf32, #tpu.memory_space<vmem_shared>> -> memref<512x32xf32, #tpu.memory_space<vmem_shared>>
      %dma_wait3A_173 = arith.constant 0 : i32
      %dma_wait3A_174 = arith.constant 0 : i32
      %dma_wait3A_175 = tpu.memref_slice %arg8[%dma_wait3A_173, %dma_wait3A_174] : memref<512x32xf32, #tpu.memory_space<vmem>> -> memref<512x32xf32, #tpu.memory_space<vmem>>
      %dma_wait3A_176 = arith.constant 0 : i32
      %dma_wait3A_177 = tpu.memref_slice %arg9[%add3A_105, %dma_wait3A_176] : memref<50176x32xf32, #tpu.memory_space<vmem_shared>> -> memref<512x32xf32, #tpu.memory_space<vmem_shared>>
      tpu.wait_dma2 semaphore(%run_scoped3A : memref<!tpu.dma_semaphore, #tpu.memory_space<semaphore_mem>>) src(%dma_wait3A_177 : memref<512x32xf32, #tpu.memory_space<vmem_shared>>) dst(%dma_wait3A_175 : memref<512x32xf32, #tpu.memory_space<vmem>>)
      tpu.yield
    }) : () -> ()
    %mul3A_106 = arith.constant 3136 : i32
    %mul3A_107 = arith.muli %arg1, %mul3A_106 : i32
    %add3A_108 = arith.constant 0 : i32
    %add3A_109 = arith.addi %mul3A_107, %add3A_108 : i32
    "tpu.region"() ({
      %run_scoped3A = tpu.sem_alloc : memref<!tpu.dma_semaphore, #tpu.memory_space<semaphore_mem>>
      %dma_start3A_158 = arith.constant 0 : i32
      %dma_start3A_159 = arith.constant 0 : i32
      %dma_start3A_160 = tpu.memref_slice %arg8[%dma_start3A_158, %dma_start3A_159] : memref<512x32xf32, #tpu.memory_space<vmem>> -> memref<512x32xf32, #tpu.memory_space<vmem>>
      %dma_start3A_161 = arith.constant 0 : i32
      %dma_start3A_162 = tpu.memref_slice %arg5[%arg0, %add3A_109, %dma_start3A_161] : memref<2x50176x32xf32, #tpu.memory_space<hbm>> -> memref<1x512x32xf32, #tpu.memory_space<hbm>>
      %dma_start3A_163 = tpu.memref_squeeze %dma_start3A_162 : memref<1x512x32xf32, #tpu.memory_space<hbm>> -> memref<512x32xf32, #tpu.memory_space<hbm>>
      %dma_start3A_164 = arith.constant 0 : i32
      %dma_start3A_165 = tpu.memref_slice %arg5[%arg0, %add3A_109, %dma_start3A_164] : memref<2x50176x32xf32, #tpu.memory_space<hbm>> -> memref<1x512x32xf32, #tpu.memory_space<hbm>>
      %dma_start3A_166 = tpu.memref_squeeze %dma_start3A_165 : memref<1x512x32xf32, #tpu.memory_space<hbm>> -> memref<512x32xf32, #tpu.memory_space<hbm>>
      %dma_start3A_167 = arith.constant 0 : i32
      %dma_start3A_168 = arith.constant 0 : i32
      %dma_start3A_169 = tpu.memref_slice %arg8[%dma_start3A_167, %dma_start3A_168] : memref<512x32xf32, #tpu.memory_space<vmem>> -> memref<512x32xf32, #tpu.memory_space<vmem>>
      tpu.enqueue_dma source(%dma_start3A_169 : memref<512x32xf32, #tpu.memory_space<vmem>>) target(%dma_start3A_166 : memref<512x32xf32, #tpu.memory_space<hbm>>) target_semaphore(%run_scoped3A : memref<!tpu.dma_semaphore, #tpu.memory_space<semaphore_mem>>)
      %dma_wait3A_170 = arith.constant 0 : i32
      %dma_wait3A_171 = arith.constant 0 : i32
      %dma_wait3A_172 = tpu.memref_slice %arg8[%dma_wait3A_170, %dma_wait3A_171] : memref<512x32xf32, #tpu.memory_space<vmem>> -> memref<512x32xf32, #tpu.memory_space<vmem>>
      %dma_wait3A_173 = arith.constant 0 : i32
      %dma_wait3A_174 = tpu.memref_slice %arg5[%arg0, %add3A_109, %dma_wait3A_173] : memref<2x50176x32xf32, #tpu.memory_space<hbm>> -> memref<1x512x32xf32, #tpu.memory_space<hbm>>
      %dma_wait3A_175 = tpu.memref_squeeze %dma_wait3A_174 : memref<1x512x32xf32, #tpu.memory_space<hbm>> -> memref<512x32xf32, #tpu.memory_space<hbm>>
      %dma_wait3A_176 = arith.constant 0 : i32
      %dma_wait3A_177 = tpu.memref_slice %arg5[%arg0, %add3A_109, %dma_wait3A_176] : memref<2x50176x32xf32, #tpu.memory_space<hbm>> -> memref<1x512x32xf32, #tpu.memory_space<hbm>>
      %dma_wait3A_178 = tpu.memref_squeeze %dma_wait3A_177 : memref<1x512x32xf32, #tpu.memory_space<hbm>> -> memref<512x32xf32, #tpu.memory_space<hbm>>
      %dma_wait3A_179 = arith.constant 0 : i32
      %dma_wait3A_180 = arith.constant 0 : i32
      %dma_wait3A_181 = tpu.memref_slice %arg8[%dma_wait3A_179, %dma_wait3A_180] : memref<512x32xf32, #tpu.memory_space<vmem>> -> memref<512x32xf32, #tpu.memory_space<vmem>>
      tpu.wait_dma2 semaphore(%run_scoped3A : memref<!tpu.dma_semaphore, #tpu.memory_space<semaphore_mem>>) src(%dma_wait3A_181 : memref<512x32xf32, #tpu.memory_space<vmem>>) dst(%dma_wait3A_178 : memref<512x32xf32, #tpu.memory_space<hbm>>)
      tpu.yield
    }) : () -> ()
    %mul3A_110 = arith.constant 3136 : i32
    %mul3A_111 = arith.muli %arg1, %mul3A_110 : i32
    %add3A_112 = arith.constant 512 : i32
    %add3A_113 = arith.addi %mul3A_111, %add3A_112 : i32
    "tpu.region"() ({
      %run_scoped3A = tpu.sem_alloc : memref<!tpu.dma_semaphore, #tpu.memory_space<semaphore_mem>>
      %dma_start3A_158 = arith.constant 0 : i32
      %dma_start3A_159 = arith.constant 0 : i32
      %dma_start3A_160 = tpu.memref_slice %arg8[%dma_start3A_158, %dma_start3A_159] : memref<512x32xf32, #tpu.memory_space<vmem>> -> memref<512x32xf32, #tpu.memory_space<vmem>>
      %dma_start3A_161 = arith.constant 0 : i32
      %dma_start3A_162 = tpu.memref_slice %arg9[%add3A_113, %dma_start3A_161] : memref<50176x32xf32, #tpu.memory_space<vmem_shared>> -> memref<512x32xf32, #tpu.memory_space<vmem_shared>>
      %dma_start3A_163 = arith.constant 0 : i32
      %dma_start3A_164 = arith.constant 0 : i32
      %dma_start3A_165 = tpu.memref_slice %arg8[%dma_start3A_163, %dma_start3A_164] : memref<512x32xf32, #tpu.memory_space<vmem>> -> memref<512x32xf32, #tpu.memory_space<vmem>>
      %dma_start3A_166 = arith.constant 0 : i32
      %dma_start3A_167 = tpu.memref_slice %arg9[%add3A_113, %dma_start3A_166] : memref<50176x32xf32, #tpu.memory_space<vmem_shared>> -> memref<512x32xf32, #tpu.memory_space<vmem_shared>>
      tpu.enqueue_dma source(%dma_start3A_167 : memref<512x32xf32, #tpu.memory_space<vmem_shared>>) target(%dma_start3A_165 : memref<512x32xf32, #tpu.memory_space<vmem>>) target_semaphore(%run_scoped3A : memref<!tpu.dma_semaphore, #tpu.memory_space<semaphore_mem>>)
      %dma_wait3A_168 = arith.constant 0 : i32
      %dma_wait3A_169 = arith.constant 0 : i32
      %dma_wait3A_170 = tpu.memref_slice %arg8[%dma_wait3A_168, %dma_wait3A_169] : memref<512x32xf32, #tpu.memory_space<vmem>> -> memref<512x32xf32, #tpu.memory_space<vmem>>
      %dma_wait3A_171 = arith.constant 0 : i32
      %dma_wait3A_172 = tpu.memref_slice %arg9[%add3A_113, %dma_wait3A_171] : memref<50176x32xf32, #tpu.memory_space<vmem_shared>> -> memref<512x32xf32, #tpu.memory_space<vmem_shared>>
      %dma_wait3A_173 = arith.constant 0 : i32
      %dma_wait3A_174 = arith.constant 0 : i32
      %dma_wait3A_175 = tpu.memref_slice %arg8[%dma_wait3A_173, %dma_wait3A_174] : memref<512x32xf32, #tpu.memory_space<vmem>> -> memref<512x32xf32, #tpu.memory_space<vmem>>
      %dma_wait3A_176 = arith.constant 0 : i32
      %dma_wait3A_177 = tpu.memref_slice %arg9[%add3A_113, %dma_wait3A_176] : memref<50176x32xf32, #tpu.memory_space<vmem_shared>> -> memref<512x32xf32, #tpu.memory_space<vmem_shared>>
      tpu.wait_dma2 semaphore(%run_scoped3A : memref<!tpu.dma_semaphore, #tpu.memory_space<semaphore_mem>>) src(%dma_wait3A_177 : memref<512x32xf32, #tpu.memory_space<vmem_shared>>) dst(%dma_wait3A_175 : memref<512x32xf32, #tpu.memory_space<vmem>>)
      tpu.yield
    }) : () -> ()
    %mul3A_114 = arith.constant 3136 : i32
    %mul3A_115 = arith.muli %arg1, %mul3A_114 : i32
    %add3A_116 = arith.constant 512 : i32
    %add3A_117 = arith.addi %mul3A_115, %add3A_116 : i32
    "tpu.region"() ({
      %run_scoped3A = tpu.sem_alloc : memref<!tpu.dma_semaphore, #tpu.memory_space<semaphore_mem>>
      %dma_start3A_158 = arith.constant 0 : i32
      %dma_start3A_159 = arith.constant 0 : i32
      %dma_start3A_160 = tpu.memref_slice %arg8[%dma_start3A_158, %dma_start3A_159] : memref<512x32xf32, #tpu.memory_space<vmem>> -> memref<512x32xf32, #tpu.memory_space<vmem>>
      %dma_start3A_161 = arith.constant 0 : i32
      %dma_start3A_162 = tpu.memref_slice %arg5[%arg0, %add3A_117, %dma_start3A_161] : memref<2x50176x32xf32, #tpu.memory_space<hbm>> -> memref<1x512x32xf32, #tpu.memory_space<hbm>>
      %dma_start3A_163 = tpu.memref_squeeze %dma_start3A_162 : memref<1x512x32xf32, #tpu.memory_space<hbm>> -> memref<512x32xf32, #tpu.memory_space<hbm>>
      %dma_start3A_164 = arith.constant 0 : i32
      %dma_start3A_165 = tpu.memref_slice %arg5[%arg0, %add3A_117, %dma_start3A_164] : memref<2x50176x32xf32, #tpu.memory_space<hbm>> -> memref<1x512x32xf32, #tpu.memory_space<hbm>>
      %dma_start3A_166 = tpu.memref_squeeze %dma_start3A_165 : memref<1x512x32xf32, #tpu.memory_space<hbm>> -> memref<512x32xf32, #tpu.memory_space<hbm>>
      %dma_start3A_167 = arith.constant 0 : i32
      %dma_start3A_168 = arith.constant 0 : i32
      %dma_start3A_169 = tpu.memref_slice %arg8[%dma_start3A_167, %dma_start3A_168] : memref<512x32xf32, #tpu.memory_space<vmem>> -> memref<512x32xf32, #tpu.memory_space<vmem>>
      tpu.enqueue_dma source(%dma_start3A_169 : memref<512x32xf32, #tpu.memory_space<vmem>>) target(%dma_start3A_166 : memref<512x32xf32, #tpu.memory_space<hbm>>) target_semaphore(%run_scoped3A : memref<!tpu.dma_semaphore, #tpu.memory_space<semaphore_mem>>)
      %dma_wait3A_170 = arith.constant 0 : i32
      %dma_wait3A_171 = arith.constant 0 : i32
      %dma_wait3A_172 = tpu.memref_slice %arg8[%dma_wait3A_170, %dma_wait3A_171] : memref<512x32xf32, #tpu.memory_space<vmem>> -> memref<512x32xf32, #tpu.memory_space<vmem>>
      %dma_wait3A_173 = arith.constant 0 : i32
      %dma_wait3A_174 = tpu.memref_slice %arg5[%arg0, %add3A_117, %dma_wait3A_173] : memref<2x50176x32xf32, #tpu.memory_space<hbm>> -> memref<1x512x32xf32, #tpu.memory_space<hbm>>
      %dma_wait3A_175 = tpu.memref_squeeze %dma_wait3A_174 : memref<1x512x32xf32, #tpu.memory_space<hbm>> -> memref<512x32xf32, #tpu.memory_space<hbm>>
      %dma_wait3A_176 = arith.constant 0 : i32
      %dma_wait3A_177 = tpu.memref_slice %arg5[%arg0, %add3A_117, %dma_wait3A_176] : memref<2x50176x32xf32, #tpu.memory_space<hbm>> -> memref<1x512x32xf32, #tpu.memory_space<hbm>>
      %dma_wait3A_178 = tpu.memref_squeeze %dma_wait3A_177 : memref<1x512x32xf32, #tpu.memory_space<hbm>> -> memref<512x32xf32, #tpu.memory_space<hbm>>
      %dma_wait3A_179 = arith.constant 0 : i32
      %dma_wait3A_180 = arith.constant 0 : i32
      %dma_wait3A_181 = tpu.memref_slice %arg8[%dma_wait3A_179, %dma_wait3A_180] : memref<512x32xf32, #tpu.memory_space<vmem>> -> memref<512x32xf32, #tpu.memory_space<vmem>>
      tpu.wait_dma2 semaphore(%run_scoped3A : memref<!tpu.dma_semaphore, #tpu.memory_space<semaphore_mem>>) src(%dma_wait3A_181 : memref<512x32xf32, #tpu.memory_space<vmem>>) dst(%dma_wait3A_178 : memref<512x32xf32, #tpu.memory_space<hbm>>)
      tpu.yield
    }) : () -> ()
    %mul3A_118 = arith.constant 3136 : i32
    %mul3A_119 = arith.muli %arg1, %mul3A_118 : i32
    %add3A_120 = arith.constant 1024 : i32
    %add3A_121 = arith.addi %mul3A_119, %add3A_120 : i32
    "tpu.region"() ({
      %run_scoped3A = tpu.sem_alloc : memref<!tpu.dma_semaphore, #tpu.memory_space<semaphore_mem>>
      %dma_start3A_158 = arith.constant 0 : i32
      %dma_start3A_159 = arith.constant 0 : i32
      %dma_start3A_160 = tpu.memref_slice %arg8[%dma_start3A_158, %dma_start3A_159] : memref<512x32xf32, #tpu.memory_space<vmem>> -> memref<512x32xf32, #tpu.memory_space<vmem>>
      %dma_start3A_161 = arith.constant 0 : i32
      %dma_start3A_162 = tpu.memref_slice %arg9[%add3A_121, %dma_start3A_161] : memref<50176x32xf32, #tpu.memory_space<vmem_shared>> -> memref<512x32xf32, #tpu.memory_space<vmem_shared>>
      %dma_start3A_163 = arith.constant 0 : i32
      %dma_start3A_164 = arith.constant 0 : i32
      %dma_start3A_165 = tpu.memref_slice %arg8[%dma_start3A_163, %dma_start3A_164] : memref<512x32xf32, #tpu.memory_space<vmem>> -> memref<512x32xf32, #tpu.memory_space<vmem>>
      %dma_start3A_166 = arith.constant 0 : i32
      %dma_start3A_167 = tpu.memref_slice %arg9[%add3A_121, %dma_start3A_166] : memref<50176x32xf32, #tpu.memory_space<vmem_shared>> -> memref<512x32xf32, #tpu.memory_space<vmem_shared>>
      tpu.enqueue_dma source(%dma_start3A_167 : memref<512x32xf32, #tpu.memory_space<vmem_shared>>) target(%dma_start3A_165 : memref<512x32xf32, #tpu.memory_space<vmem>>) target_semaphore(%run_scoped3A : memref<!tpu.dma_semaphore, #tpu.memory_space<semaphore_mem>>)
      %dma_wait3A_168 = arith.constant 0 : i32
      %dma_wait3A_169 = arith.constant 0 : i32
      %dma_wait3A_170 = tpu.memref_slice %arg8[%dma_wait3A_168, %dma_wait3A_169] : memref<512x32xf32, #tpu.memory_space<vmem>> -> memref<512x32xf32, #tpu.memory_space<vmem>>
      %dma_wait3A_171 = arith.constant 0 : i32
      %dma_wait3A_172 = tpu.memref_slice %arg9[%add3A_121, %dma_wait3A_171] : memref<50176x32xf32, #tpu.memory_space<vmem_shared>> -> memref<512x32xf32, #tpu.memory_space<vmem_shared>>
      %dma_wait3A_173 = arith.constant 0 : i32
      %dma_wait3A_174 = arith.constant 0 : i32
      %dma_wait3A_175 = tpu.memref_slice %arg8[%dma_wait3A_173, %dma_wait3A_174] : memref<512x32xf32, #tpu.memory_space<vmem>> -> memref<512x32xf32, #tpu.memory_space<vmem>>
      %dma_wait3A_176 = arith.constant 0 : i32
      %dma_wait3A_177 = tpu.memref_slice %arg9[%add3A_121, %dma_wait3A_176] : memref<50176x32xf32, #tpu.memory_space<vmem_shared>> -> memref<512x32xf32, #tpu.memory_space<vmem_shared>>
      tpu.wait_dma2 semaphore(%run_scoped3A : memref<!tpu.dma_semaphore, #tpu.memory_space<semaphore_mem>>) src(%dma_wait3A_177 : memref<512x32xf32, #tpu.memory_space<vmem_shared>>) dst(%dma_wait3A_175 : memref<512x32xf32, #tpu.memory_space<vmem>>)
      tpu.yield
    }) : () -> ()
    %mul3A_122 = arith.constant 3136 : i32
    %mul3A_123 = arith.muli %arg1, %mul3A_122 : i32
    %add3A_124 = arith.constant 1024 : i32
    %add3A_125 = arith.addi %mul3A_123, %add3A_124 : i32
    "tpu.region"() ({
      %run_scoped3A = tpu.sem_alloc : memref<!tpu.dma_semaphore, #tpu.memory_space<semaphore_mem>>
      %dma_start3A_158 = arith.constant 0 : i32
      %dma_start3A_159 = arith.constant 0 : i32
      %dma_start3A_160 = tpu.memref_slice %arg8[%dma_start3A_158, %dma_start3A_159] : memref<512x32xf32, #tpu.memory_space<vmem>> -> memref<512x32xf32, #tpu.memory_space<vmem>>
      %dma_start3A_161 = arith.constant 0 : i32
      %dma_start3A_162 = tpu.memref_slice %arg5[%arg0, %add3A_125, %dma_start3A_161] : memref<2x50176x32xf32, #tpu.memory_space<hbm>> -> memref<1x512x32xf32, #tpu.memory_space<hbm>>
      %dma_start3A_163 = tpu.memref_squeeze %dma_start3A_162 : memref<1x512x32xf32, #tpu.memory_space<hbm>> -> memref<512x32xf32, #tpu.memory_space<hbm>>
      %dma_start3A_164 = arith.constant 0 : i32
      %dma_start3A_165 = tpu.memref_slice %arg5[%arg0, %add3A_125, %dma_start3A_164] : memref<2x50176x32xf32, #tpu.memory_space<hbm>> -> memref<1x512x32xf32, #tpu.memory_space<hbm>>
      %dma_start3A_166 = tpu.memref_squeeze %dma_start3A_165 : memref<1x512x32xf32, #tpu.memory_space<hbm>> -> memref<512x32xf32, #tpu.memory_space<hbm>>
      %dma_start3A_167 = arith.constant 0 : i32
      %dma_start3A_168 = arith.constant 0 : i32
      %dma_start3A_169 = tpu.memref_slice %arg8[%dma_start3A_167, %dma_start3A_168] : memref<512x32xf32, #tpu.memory_space<vmem>> -> memref<512x32xf32, #tpu.memory_space<vmem>>
      tpu.enqueue_dma source(%dma_start3A_169 : memref<512x32xf32, #tpu.memory_space<vmem>>) target(%dma_start3A_166 : memref<512x32xf32, #tpu.memory_space<hbm>>) target_semaphore(%run_scoped3A : memref<!tpu.dma_semaphore, #tpu.memory_space<semaphore_mem>>)
      %dma_wait3A_170 = arith.constant 0 : i32
      %dma_wait3A_171 = arith.constant 0 : i32
      %dma_wait3A_172 = tpu.memref_slice %arg8[%dma_wait3A_170, %dma_wait3A_171] : memref<512x32xf32, #tpu.memory_space<vmem>> -> memref<512x32xf32, #tpu.memory_space<vmem>>
      %dma_wait3A_173 = arith.constant 0 : i32
      %dma_wait3A_174 = tpu.memref_slice %arg5[%arg0, %add3A_125, %dma_wait3A_173] : memref<2x50176x32xf32, #tpu.memory_space<hbm>> -> memref<1x512x32xf32, #tpu.memory_space<hbm>>
      %dma_wait3A_175 = tpu.memref_squeeze %dma_wait3A_174 : memref<1x512x32xf32, #tpu.memory_space<hbm>> -> memref<512x32xf32, #tpu.memory_space<hbm>>
      %dma_wait3A_176 = arith.constant 0 : i32
      %dma_wait3A_177 = tpu.memref_slice %arg5[%arg0, %add3A_125, %dma_wait3A_176] : memref<2x50176x32xf32, #tpu.memory_space<hbm>> -> memref<1x512x32xf32, #tpu.memory_space<hbm>>
      %dma_wait3A_178 = tpu.memref_squeeze %dma_wait3A_177 : memref<1x512x32xf32, #tpu.memory_space<hbm>> -> memref<512x32xf32, #tpu.memory_space<hbm>>
      %dma_wait3A_179 = arith.constant 0 : i32
      %dma_wait3A_180 = arith.constant 0 : i32
      %dma_wait3A_181 = tpu.memref_slice %arg8[%dma_wait3A_179, %dma_wait3A_180] : memref<512x32xf32, #tpu.memory_space<vmem>> -> memref<512x32xf32, #tpu.memory_space<vmem>>
      tpu.wait_dma2 semaphore(%run_scoped3A : memref<!tpu.dma_semaphore, #tpu.memory_space<semaphore_mem>>) src(%dma_wait3A_181 : memref<512x32xf32, #tpu.memory_space<vmem>>) dst(%dma_wait3A_178 : memref<512x32xf32, #tpu.memory_space<hbm>>)
      tpu.yield
    }) : () -> ()
    %mul3A_126 = arith.constant 3136 : i32
    %mul3A_127 = arith.muli %arg1, %mul3A_126 : i32
    %add3A_128 = arith.constant 1536 : i32
    %add3A_129 = arith.addi %mul3A_127, %add3A_128 : i32
    "tpu.region"() ({
      %run_scoped3A = tpu.sem_alloc : memref<!tpu.dma_semaphore, #tpu.memory_space<semaphore_mem>>
      %dma_start3A_158 = arith.constant 0 : i32
      %dma_start3A_159 = arith.constant 0 : i32
      %dma_start3A_160 = tpu.memref_slice %arg8[%dma_start3A_158, %dma_start3A_159] : memref<512x32xf32, #tpu.memory_space<vmem>> -> memref<512x32xf32, #tpu.memory_space<vmem>>
      %dma_start3A_161 = arith.constant 0 : i32
      %dma_start3A_162 = tpu.memref_slice %arg9[%add3A_129, %dma_start3A_161] : memref<50176x32xf32, #tpu.memory_space<vmem_shared>> -> memref<512x32xf32, #tpu.memory_space<vmem_shared>>
      %dma_start3A_163 = arith.constant 0 : i32
      %dma_start3A_164 = arith.constant 0 : i32
      %dma_start3A_165 = tpu.memref_slice %arg8[%dma_start3A_163, %dma_start3A_164] : memref<512x32xf32, #tpu.memory_space<vmem>> -> memref<512x32xf32, #tpu.memory_space<vmem>>
      %dma_start3A_166 = arith.constant 0 : i32
      %dma_start3A_167 = tpu.memref_slice %arg9[%add3A_129, %dma_start3A_166] : memref<50176x32xf32, #tpu.memory_space<vmem_shared>> -> memref<512x32xf32, #tpu.memory_space<vmem_shared>>
      tpu.enqueue_dma source(%dma_start3A_167 : memref<512x32xf32, #tpu.memory_space<vmem_shared>>) target(%dma_start3A_165 : memref<512x32xf32, #tpu.memory_space<vmem>>) target_semaphore(%run_scoped3A : memref<!tpu.dma_semaphore, #tpu.memory_space<semaphore_mem>>)
      %dma_wait3A_168 = arith.constant 0 : i32
      %dma_wait3A_169 = arith.constant 0 : i32
      %dma_wait3A_170 = tpu.memref_slice %arg8[%dma_wait3A_168, %dma_wait3A_169] : memref<512x32xf32, #tpu.memory_space<vmem>> -> memref<512x32xf32, #tpu.memory_space<vmem>>
      %dma_wait3A_171 = arith.constant 0 : i32
      %dma_wait3A_172 = tpu.memref_slice %arg9[%add3A_129, %dma_wait3A_171] : memref<50176x32xf32, #tpu.memory_space<vmem_shared>> -> memref<512x32xf32, #tpu.memory_space<vmem_shared>>
      %dma_wait3A_173 = arith.constant 0 : i32
      %dma_wait3A_174 = arith.constant 0 : i32
      %dma_wait3A_175 = tpu.memref_slice %arg8[%dma_wait3A_173, %dma_wait3A_174] : memref<512x32xf32, #tpu.memory_space<vmem>> -> memref<512x32xf32, #tpu.memory_space<vmem>>
      %dma_wait3A_176 = arith.constant 0 : i32
      %dma_wait3A_177 = tpu.memref_slice %arg9[%add3A_129, %dma_wait3A_176] : memref<50176x32xf32, #tpu.memory_space<vmem_shared>> -> memref<512x32xf32, #tpu.memory_space<vmem_shared>>
      tpu.wait_dma2 semaphore(%run_scoped3A : memref<!tpu.dma_semaphore, #tpu.memory_space<semaphore_mem>>) src(%dma_wait3A_177 : memref<512x32xf32, #tpu.memory_space<vmem_shared>>) dst(%dma_wait3A_175 : memref<512x32xf32, #tpu.memory_space<vmem>>)
      tpu.yield
    }) : () -> ()
    %mul3A_130 = arith.constant 3136 : i32
    %mul3A_131 = arith.muli %arg1, %mul3A_130 : i32
    %add3A_132 = arith.constant 1536 : i32
    %add3A_133 = arith.addi %mul3A_131, %add3A_132 : i32
    "tpu.region"() ({
      %run_scoped3A = tpu.sem_alloc : memref<!tpu.dma_semaphore, #tpu.memory_space<semaphore_mem>>
      %dma_start3A_158 = arith.constant 0 : i32
      %dma_start3A_159 = arith.constant 0 : i32
      %dma_start3A_160 = tpu.memref_slice %arg8[%dma_start3A_158, %dma_start3A_159] : memref<512x32xf32, #tpu.memory_space<vmem>> -> memref<512x32xf32, #tpu.memory_space<vmem>>
      %dma_start3A_161 = arith.constant 0 : i32
      %dma_start3A_162 = tpu.memref_slice %arg5[%arg0, %add3A_133, %dma_start3A_161] : memref<2x50176x32xf32, #tpu.memory_space<hbm>> -> memref<1x512x32xf32, #tpu.memory_space<hbm>>
      %dma_start3A_163 = tpu.memref_squeeze %dma_start3A_162 : memref<1x512x32xf32, #tpu.memory_space<hbm>> -> memref<512x32xf32, #tpu.memory_space<hbm>>
      %dma_start3A_164 = arith.constant 0 : i32
      %dma_start3A_165 = tpu.memref_slice %arg5[%arg0, %add3A_133, %dma_start3A_164] : memref<2x50176x32xf32, #tpu.memory_space<hbm>> -> memref<1x512x32xf32, #tpu.memory_space<hbm>>
      %dma_start3A_166 = tpu.memref_squeeze %dma_start3A_165 : memref<1x512x32xf32, #tpu.memory_space<hbm>> -> memref<512x32xf32, #tpu.memory_space<hbm>>
      %dma_start3A_167 = arith.constant 0 : i32
      %dma_start3A_168 = arith.constant 0 : i32
      %dma_start3A_169 = tpu.memref_slice %arg8[%dma_start3A_167, %dma_start3A_168] : memref<512x32xf32, #tpu.memory_space<vmem>> -> memref<512x32xf32, #tpu.memory_space<vmem>>
      tpu.enqueue_dma source(%dma_start3A_169 : memref<512x32xf32, #tpu.memory_space<vmem>>) target(%dma_start3A_166 : memref<512x32xf32, #tpu.memory_space<hbm>>) target_semaphore(%run_scoped3A : memref<!tpu.dma_semaphore, #tpu.memory_space<semaphore_mem>>)
      %dma_wait3A_170 = arith.constant 0 : i32
      %dma_wait3A_171 = arith.constant 0 : i32
      %dma_wait3A_172 = tpu.memref_slice %arg8[%dma_wait3A_170, %dma_wait3A_171] : memref<512x32xf32, #tpu.memory_space<vmem>> -> memref<512x32xf32, #tpu.memory_space<vmem>>
      %dma_wait3A_173 = arith.constant 0 : i32
      %dma_wait3A_174 = tpu.memref_slice %arg5[%arg0, %add3A_133, %dma_wait3A_173] : memref<2x50176x32xf32, #tpu.memory_space<hbm>> -> memref<1x512x32xf32, #tpu.memory_space<hbm>>
      %dma_wait3A_175 = tpu.memref_squeeze %dma_wait3A_174 : memref<1x512x32xf32, #tpu.memory_space<hbm>> -> memref<512x32xf32, #tpu.memory_space<hbm>>
      %dma_wait3A_176 = arith.constant 0 : i32
      %dma_wait3A_177 = tpu.memref_slice %arg5[%arg0, %add3A_133, %dma_wait3A_176] : memref<2x50176x32xf32, #tpu.memory_space<hbm>> -> memref<1x512x32xf32, #tpu.memory_space<hbm>>
      %dma_wait3A_178 = tpu.memref_squeeze %dma_wait3A_177 : memref<1x512x32xf32, #tpu.memory_space<hbm>> -> memref<512x32xf32, #tpu.memory_space<hbm>>
      %dma_wait3A_179 = arith.constant 0 : i32
      %dma_wait3A_180 = arith.constant 0 : i32
      %dma_wait3A_181 = tpu.memref_slice %arg8[%dma_wait3A_179, %dma_wait3A_180] : memref<512x32xf32, #tpu.memory_space<vmem>> -> memref<512x32xf32, #tpu.memory_space<vmem>>
      tpu.wait_dma2 semaphore(%run_scoped3A : memref<!tpu.dma_semaphore, #tpu.memory_space<semaphore_mem>>) src(%dma_wait3A_181 : memref<512x32xf32, #tpu.memory_space<vmem>>) dst(%dma_wait3A_178 : memref<512x32xf32, #tpu.memory_space<hbm>>)
      tpu.yield
    }) : () -> ()
    %mul3A_134 = arith.constant 3136 : i32
    %mul3A_135 = arith.muli %arg1, %mul3A_134 : i32
    %add3A_136 = arith.constant 2048 : i32
    %add3A_137 = arith.addi %mul3A_135, %add3A_136 : i32
    "tpu.region"() ({
      %run_scoped3A = tpu.sem_alloc : memref<!tpu.dma_semaphore, #tpu.memory_space<semaphore_mem>>
      %dma_start3A_158 = arith.constant 0 : i32
      %dma_start3A_159 = arith.constant 0 : i32
      %dma_start3A_160 = tpu.memref_slice %arg8[%dma_start3A_158, %dma_start3A_159] : memref<512x32xf32, #tpu.memory_space<vmem>> -> memref<512x32xf32, #tpu.memory_space<vmem>>
      %dma_start3A_161 = arith.constant 0 : i32
      %dma_start3A_162 = tpu.memref_slice %arg9[%add3A_137, %dma_start3A_161] : memref<50176x32xf32, #tpu.memory_space<vmem_shared>> -> memref<512x32xf32, #tpu.memory_space<vmem_shared>>
      %dma_start3A_163 = arith.constant 0 : i32
      %dma_start3A_164 = arith.constant 0 : i32
      %dma_start3A_165 = tpu.memref_slice %arg8[%dma_start3A_163, %dma_start3A_164] : memref<512x32xf32, #tpu.memory_space<vmem>> -> memref<512x32xf32, #tpu.memory_space<vmem>>
      %dma_start3A_166 = arith.constant 0 : i32
      %dma_start3A_167 = tpu.memref_slice %arg9[%add3A_137, %dma_start3A_166] : memref<50176x32xf32, #tpu.memory_space<vmem_shared>> -> memref<512x32xf32, #tpu.memory_space<vmem_shared>>
      tpu.enqueue_dma source(%dma_start3A_167 : memref<512x32xf32, #tpu.memory_space<vmem_shared>>) target(%dma_start3A_165 : memref<512x32xf32, #tpu.memory_space<vmem>>) target_semaphore(%run_scoped3A : memref<!tpu.dma_semaphore, #tpu.memory_space<semaphore_mem>>)
      %dma_wait3A_168 = arith.constant 0 : i32
      %dma_wait3A_169 = arith.constant 0 : i32
      %dma_wait3A_170 = tpu.memref_slice %arg8[%dma_wait3A_168, %dma_wait3A_169] : memref<512x32xf32, #tpu.memory_space<vmem>> -> memref<512x32xf32, #tpu.memory_space<vmem>>
      %dma_wait3A_171 = arith.constant 0 : i32
      %dma_wait3A_172 = tpu.memref_slice %arg9[%add3A_137, %dma_wait3A_171] : memref<50176x32xf32, #tpu.memory_space<vmem_shared>> -> memref<512x32xf32, #tpu.memory_space<vmem_shared>>
      %dma_wait3A_173 = arith.constant 0 : i32
      %dma_wait3A_174 = arith.constant 0 : i32
      %dma_wait3A_175 = tpu.memref_slice %arg8[%dma_wait3A_173, %dma_wait3A_174] : memref<512x32xf32, #tpu.memory_space<vmem>> -> memref<512x32xf32, #tpu.memory_space<vmem>>
      %dma_wait3A_176 = arith.constant 0 : i32
      %dma_wait3A_177 = tpu.memref_slice %arg9[%add3A_137, %dma_wait3A_176] : memref<50176x32xf32, #tpu.memory_space<vmem_shared>> -> memref<512x32xf32, #tpu.memory_space<vmem_shared>>
      tpu.wait_dma2 semaphore(%run_scoped3A : memref<!tpu.dma_semaphore, #tpu.memory_space<semaphore_mem>>) src(%dma_wait3A_177 : memref<512x32xf32, #tpu.memory_space<vmem_shared>>) dst(%dma_wait3A_175 : memref<512x32xf32, #tpu.memory_space<vmem>>)
      tpu.yield
    }) : () -> ()
    %mul3A_138 = arith.constant 3136 : i32
    %mul3A_139 = arith.muli %arg1, %mul3A_138 : i32
    %add3A_140 = arith.constant 2048 : i32
    %add3A_141 = arith.addi %mul3A_139, %add3A_140 : i32
    "tpu.region"() ({
      %run_scoped3A = tpu.sem_alloc : memref<!tpu.dma_semaphore, #tpu.memory_space<semaphore_mem>>
      %dma_start3A_158 = arith.constant 0 : i32
      %dma_start3A_159 = arith.constant 0 : i32
      %dma_start3A_160 = tpu.memref_slice %arg8[%dma_start3A_158, %dma_start3A_159] : memref<512x32xf32, #tpu.memory_space<vmem>> -> memref<512x32xf32, #tpu.memory_space<vmem>>
      %dma_start3A_161 = arith.constant 0 : i32
      %dma_start3A_162 = tpu.memref_slice %arg5[%arg0, %add3A_141, %dma_start3A_161] : memref<2x50176x32xf32, #tpu.memory_space<hbm>> -> memref<1x512x32xf32, #tpu.memory_space<hbm>>
      %dma_start3A_163 = tpu.memref_squeeze %dma_start3A_162 : memref<1x512x32xf32, #tpu.memory_space<hbm>> -> memref<512x32xf32, #tpu.memory_space<hbm>>
      %dma_start3A_164 = arith.constant 0 : i32
      %dma_start3A_165 = tpu.memref_slice %arg5[%arg0, %add3A_141, %dma_start3A_164] : memref<2x50176x32xf32, #tpu.memory_space<hbm>> -> memref<1x512x32xf32, #tpu.memory_space<hbm>>
      %dma_start3A_166 = tpu.memref_squeeze %dma_start3A_165 : memref<1x512x32xf32, #tpu.memory_space<hbm>> -> memref<512x32xf32, #tpu.memory_space<hbm>>
      %dma_start3A_167 = arith.constant 0 : i32
      %dma_start3A_168 = arith.constant 0 : i32
      %dma_start3A_169 = tpu.memref_slice %arg8[%dma_start3A_167, %dma_start3A_168] : memref<512x32xf32, #tpu.memory_space<vmem>> -> memref<512x32xf32, #tpu.memory_space<vmem>>
      tpu.enqueue_dma source(%dma_start3A_169 : memref<512x32xf32, #tpu.memory_space<vmem>>) target(%dma_start3A_166 : memref<512x32xf32, #tpu.memory_space<hbm>>) target_semaphore(%run_scoped3A : memref<!tpu.dma_semaphore, #tpu.memory_space<semaphore_mem>>)
      %dma_wait3A_170 = arith.constant 0 : i32
      %dma_wait3A_171 = arith.constant 0 : i32
      %dma_wait3A_172 = tpu.memref_slice %arg8[%dma_wait3A_170, %dma_wait3A_171] : memref<512x32xf32, #tpu.memory_space<vmem>> -> memref<512x32xf32, #tpu.memory_space<vmem>>
      %dma_wait3A_173 = arith.constant 0 : i32
      %dma_wait3A_174 = tpu.memref_slice %arg5[%arg0, %add3A_141, %dma_wait3A_173] : memref<2x50176x32xf32, #tpu.memory_space<hbm>> -> memref<1x512x32xf32, #tpu.memory_space<hbm>>
      %dma_wait3A_175 = tpu.memref_squeeze %dma_wait3A_174 : memref<1x512x32xf32, #tpu.memory_space<hbm>> -> memref<512x32xf32, #tpu.memory_space<hbm>>
      %dma_wait3A_176 = arith.constant 0 : i32
      %dma_wait3A_177 = tpu.memref_slice %arg5[%arg0, %add3A_141, %dma_wait3A_176] : memref<2x50176x32xf32, #tpu.memory_space<hbm>> -> memref<1x512x32xf32, #tpu.memory_space<hbm>>
      %dma_wait3A_178 = tpu.memref_squeeze %dma_wait3A_177 : memref<1x512x32xf32, #tpu.memory_space<hbm>> -> memref<512x32xf32, #tpu.memory_space<hbm>>
      %dma_wait3A_179 = arith.constant 0 : i32
      %dma_wait3A_180 = arith.constant 0 : i32
      %dma_wait3A_181 = tpu.memref_slice %arg8[%dma_wait3A_179, %dma_wait3A_180] : memref<512x32xf32, #tpu.memory_space<vmem>> -> memref<512x32xf32, #tpu.memory_space<vmem>>
      tpu.wait_dma2 semaphore(%run_scoped3A : memref<!tpu.dma_semaphore, #tpu.memory_space<semaphore_mem>>) src(%dma_wait3A_181 : memref<512x32xf32, #tpu.memory_space<vmem>>) dst(%dma_wait3A_178 : memref<512x32xf32, #tpu.memory_space<hbm>>)
      tpu.yield
    }) : () -> ()
    %mul3A_142 = arith.constant 3136 : i32
    %mul3A_143 = arith.muli %arg1, %mul3A_142 : i32
    %add3A_144 = arith.constant 2560 : i32
    %add3A_145 = arith.addi %mul3A_143, %add3A_144 : i32
    "tpu.region"() ({
      %run_scoped3A = tpu.sem_alloc : memref<!tpu.dma_semaphore, #tpu.memory_space<semaphore_mem>>
      %dma_start3A_158 = arith.constant 0 : i32
      %dma_start3A_159 = arith.constant 0 : i32
      %dma_start3A_160 = tpu.memref_slice %arg8[%dma_start3A_158, %dma_start3A_159] : memref<512x32xf32, #tpu.memory_space<vmem>> -> memref<512x32xf32, #tpu.memory_space<vmem>>
      %dma_start3A_161 = arith.constant 0 : i32
      %dma_start3A_162 = tpu.memref_slice %arg9[%add3A_145, %dma_start3A_161] : memref<50176x32xf32, #tpu.memory_space<vmem_shared>> -> memref<512x32xf32, #tpu.memory_space<vmem_shared>>
      %dma_start3A_163 = arith.constant 0 : i32
      %dma_start3A_164 = arith.constant 0 : i32
      %dma_start3A_165 = tpu.memref_slice %arg8[%dma_start3A_163, %dma_start3A_164] : memref<512x32xf32, #tpu.memory_space<vmem>> -> memref<512x32xf32, #tpu.memory_space<vmem>>
      %dma_start3A_166 = arith.constant 0 : i32
      %dma_start3A_167 = tpu.memref_slice %arg9[%add3A_145, %dma_start3A_166] : memref<50176x32xf32, #tpu.memory_space<vmem_shared>> -> memref<512x32xf32, #tpu.memory_space<vmem_shared>>
      tpu.enqueue_dma source(%dma_start3A_167 : memref<512x32xf32, #tpu.memory_space<vmem_shared>>) target(%dma_start3A_165 : memref<512x32xf32, #tpu.memory_space<vmem>>) target_semaphore(%run_scoped3A : memref<!tpu.dma_semaphore, #tpu.memory_space<semaphore_mem>>)
      %dma_wait3A_168 = arith.constant 0 : i32
      %dma_wait3A_169 = arith.constant 0 : i32
      %dma_wait3A_170 = tpu.memref_slice %arg8[%dma_wait3A_168, %dma_wait3A_169] : memref<512x32xf32, #tpu.memory_space<vmem>> -> memref<512x32xf32, #tpu.memory_space<vmem>>
      %dma_wait3A_171 = arith.constant 0 : i32
      %dma_wait3A_172 = tpu.memref_slice %arg9[%add3A_145, %dma_wait3A_171] : memref<50176x32xf32, #tpu.memory_space<vmem_shared>> -> memref<512x32xf32, #tpu.memory_space<vmem_shared>>
      %dma_wait3A_173 = arith.constant 0 : i32
      %dma_wait3A_174 = arith.constant 0 : i32
      %dma_wait3A_175 = tpu.memref_slice %arg8[%dma_wait3A_173, %dma_wait3A_174] : memref<512x32xf32, #tpu.memory_space<vmem>> -> memref<512x32xf32, #tpu.memory_space<vmem>>
      %dma_wait3A_176 = arith.constant 0 : i32
      %dma_wait3A_177 = tpu.memref_slice %arg9[%add3A_145, %dma_wait3A_176] : memref<50176x32xf32, #tpu.memory_space<vmem_shared>> -> memref<512x32xf32, #tpu.memory_space<vmem_shared>>
      tpu.wait_dma2 semaphore(%run_scoped3A : memref<!tpu.dma_semaphore, #tpu.memory_space<semaphore_mem>>) src(%dma_wait3A_177 : memref<512x32xf32, #tpu.memory_space<vmem_shared>>) dst(%dma_wait3A_175 : memref<512x32xf32, #tpu.memory_space<vmem>>)
      tpu.yield
    }) : () -> ()
    %mul3A_146 = arith.constant 3136 : i32
    %mul3A_147 = arith.muli %arg1, %mul3A_146 : i32
    %add3A_148 = arith.constant 2560 : i32
    %add3A_149 = arith.addi %mul3A_147, %add3A_148 : i32
    "tpu.region"() ({
      %run_scoped3A = tpu.sem_alloc : memref<!tpu.dma_semaphore, #tpu.memory_space<semaphore_mem>>
      %dma_start3A_158 = arith.constant 0 : i32
      %dma_start3A_159 = arith.constant 0 : i32
      %dma_start3A_160 = tpu.memref_slice %arg8[%dma_start3A_158, %dma_start3A_159] : memref<512x32xf32, #tpu.memory_space<vmem>> -> memref<512x32xf32, #tpu.memory_space<vmem>>
      %dma_start3A_161 = arith.constant 0 : i32
      %dma_start3A_162 = tpu.memref_slice %arg5[%arg0, %add3A_149, %dma_start3A_161] : memref<2x50176x32xf32, #tpu.memory_space<hbm>> -> memref<1x512x32xf32, #tpu.memory_space<hbm>>
      %dma_start3A_163 = tpu.memref_squeeze %dma_start3A_162 : memref<1x512x32xf32, #tpu.memory_space<hbm>> -> memref<512x32xf32, #tpu.memory_space<hbm>>
      %dma_start3A_164 = arith.constant 0 : i32
      %dma_start3A_165 = tpu.memref_slice %arg5[%arg0, %add3A_149, %dma_start3A_164] : memref<2x50176x32xf32, #tpu.memory_space<hbm>> -> memref<1x512x32xf32, #tpu.memory_space<hbm>>
      %dma_start3A_166 = tpu.memref_squeeze %dma_start3A_165 : memref<1x512x32xf32, #tpu.memory_space<hbm>> -> memref<512x32xf32, #tpu.memory_space<hbm>>
      %dma_start3A_167 = arith.constant 0 : i32
      %dma_start3A_168 = arith.constant 0 : i32
      %dma_start3A_169 = tpu.memref_slice %arg8[%dma_start3A_167, %dma_start3A_168] : memref<512x32xf32, #tpu.memory_space<vmem>> -> memref<512x32xf32, #tpu.memory_space<vmem>>
      tpu.enqueue_dma source(%dma_start3A_169 : memref<512x32xf32, #tpu.memory_space<vmem>>) target(%dma_start3A_166 : memref<512x32xf32, #tpu.memory_space<hbm>>) target_semaphore(%run_scoped3A : memref<!tpu.dma_semaphore, #tpu.memory_space<semaphore_mem>>)
      %dma_wait3A_170 = arith.constant 0 : i32
      %dma_wait3A_171 = arith.constant 0 : i32
      %dma_wait3A_172 = tpu.memref_slice %arg8[%dma_wait3A_170, %dma_wait3A_171] : memref<512x32xf32, #tpu.memory_space<vmem>> -> memref<512x32xf32, #tpu.memory_space<vmem>>
      %dma_wait3A_173 = arith.constant 0 : i32
      %dma_wait3A_174 = tpu.memref_slice %arg5[%arg0, %add3A_149, %dma_wait3A_173] : memref<2x50176x32xf32, #tpu.memory_space<hbm>> -> memref<1x512x32xf32, #tpu.memory_space<hbm>>
      %dma_wait3A_175 = tpu.memref_squeeze %dma_wait3A_174 : memref<1x512x32xf32, #tpu.memory_space<hbm>> -> memref<512x32xf32, #tpu.memory_space<hbm>>
      %dma_wait3A_176 = arith.constant 0 : i32
      %dma_wait3A_177 = tpu.memref_slice %arg5[%arg0, %add3A_149, %dma_wait3A_176] : memref<2x50176x32xf32, #tpu.memory_space<hbm>> -> memref<1x512x32xf32, #tpu.memory_space<hbm>>
      %dma_wait3A_178 = tpu.memref_squeeze %dma_wait3A_177 : memref<1x512x32xf32, #tpu.memory_space<hbm>> -> memref<512x32xf32, #tpu.memory_space<hbm>>
      %dma_wait3A_179 = arith.constant 0 : i32
      %dma_wait3A_180 = arith.constant 0 : i32
      %dma_wait3A_181 = tpu.memref_slice %arg8[%dma_wait3A_179, %dma_wait3A_180] : memref<512x32xf32, #tpu.memory_space<vmem>> -> memref<512x32xf32, #tpu.memory_space<vmem>>
      tpu.wait_dma2 semaphore(%run_scoped3A : memref<!tpu.dma_semaphore, #tpu.memory_space<semaphore_mem>>) src(%dma_wait3A_181 : memref<512x32xf32, #tpu.memory_space<vmem>>) dst(%dma_wait3A_178 : memref<512x32xf32, #tpu.memory_space<hbm>>)
      tpu.yield
    }) : () -> ()
    %mul3A_150 = arith.constant 3136 : i32
    %mul3A_151 = arith.muli %arg1, %mul3A_150 : i32
    %add3A_152 = arith.constant 3072 : i32
    %add3A_153 = arith.addi %mul3A_151, %add3A_152 : i32
    "tpu.region"() ({
      %run_scoped3A = tpu.sem_alloc : memref<!tpu.dma_semaphore, #tpu.memory_space<semaphore_mem>>
      %dma_start3A_158 = arith.constant 0 : i32
      %dma_start3A_159 = arith.constant 0 : i32
      %dma_start3A_160 = tpu.memref_slice %arg8[%dma_start3A_158, %dma_start3A_159] : memref<512x32xf32, #tpu.memory_space<vmem>> -> memref<64x32xf32, #tpu.memory_space<vmem>>
      %dma_start3A_161 = arith.constant 0 : i32
      %dma_start3A_162 = tpu.memref_slice %arg9[%add3A_153, %dma_start3A_161] : memref<50176x32xf32, #tpu.memory_space<vmem_shared>> -> memref<64x32xf32, #tpu.memory_space<vmem_shared>>
      %dma_start3A_163 = arith.constant 0 : i32
      %dma_start3A_164 = arith.constant 0 : i32
      %dma_start3A_165 = tpu.memref_slice %arg8[%dma_start3A_163, %dma_start3A_164] : memref<512x32xf32, #tpu.memory_space<vmem>> -> memref<64x32xf32, #tpu.memory_space<vmem>>
      %dma_start3A_166 = arith.constant 0 : i32
      %dma_start3A_167 = tpu.memref_slice %arg9[%add3A_153, %dma_start3A_166] : memref<50176x32xf32, #tpu.memory_space<vmem_shared>> -> memref<64x32xf32, #tpu.memory_space<vmem_shared>>
      tpu.enqueue_dma source(%dma_start3A_167 : memref<64x32xf32, #tpu.memory_space<vmem_shared>>) target(%dma_start3A_165 : memref<64x32xf32, #tpu.memory_space<vmem>>) target_semaphore(%run_scoped3A : memref<!tpu.dma_semaphore, #tpu.memory_space<semaphore_mem>>)
      %dma_wait3A_168 = arith.constant 0 : i32
      %dma_wait3A_169 = arith.constant 0 : i32
      %dma_wait3A_170 = tpu.memref_slice %arg8[%dma_wait3A_168, %dma_wait3A_169] : memref<512x32xf32, #tpu.memory_space<vmem>> -> memref<64x32xf32, #tpu.memory_space<vmem>>
      %dma_wait3A_171 = arith.constant 0 : i32
      %dma_wait3A_172 = tpu.memref_slice %arg9[%add3A_153, %dma_wait3A_171] : memref<50176x32xf32, #tpu.memory_space<vmem_shared>> -> memref<64x32xf32, #tpu.memory_space<vmem_shared>>
      %dma_wait3A_173 = arith.constant 0 : i32
      %dma_wait3A_174 = arith.constant 0 : i32
      %dma_wait3A_175 = tpu.memref_slice %arg8[%dma_wait3A_173, %dma_wait3A_174] : memref<512x32xf32, #tpu.memory_space<vmem>> -> memref<64x32xf32, #tpu.memory_space<vmem>>
      %dma_wait3A_176 = arith.constant 0 : i32
      %dma_wait3A_177 = tpu.memref_slice %arg9[%add3A_153, %dma_wait3A_176] : memref<50176x32xf32, #tpu.memory_space<vmem_shared>> -> memref<64x32xf32, #tpu.memory_space<vmem_shared>>
      tpu.wait_dma2 semaphore(%run_scoped3A : memref<!tpu.dma_semaphore, #tpu.memory_space<semaphore_mem>>) src(%dma_wait3A_177 : memref<64x32xf32, #tpu.memory_space<vmem_shared>>) dst(%dma_wait3A_175 : memref<64x32xf32, #tpu.memory_space<vmem>>)
      tpu.yield
    }) : () -> ()
    %mul3A_154 = arith.constant 3136 : i32
    %mul3A_155 = arith.muli %arg1, %mul3A_154 : i32
    %add3A_156 = arith.constant 3072 : i32
    %add3A_157 = arith.addi %mul3A_155, %add3A_156 : i32
    "tpu.region"() ({
      %run_scoped3A = tpu.sem_alloc : memref<!tpu.dma_semaphore, #tpu.memory_space<semaphore_mem>>
      %dma_start3A_158 = arith.constant 0 : i32
      %dma_start3A_159 = arith.constant 0 : i32
      %dma_start3A_160 = tpu.memref_slice %arg8[%dma_start3A_158, %dma_start3A_159] : memref<512x32xf32, #tpu.memory_space<vmem>> -> memref<64x32xf32, #tpu.memory_space<vmem>>
      %dma_start3A_161 = arith.constant 0 : i32
      %dma_start3A_162 = tpu.memref_slice %arg5[%arg0, %add3A_157, %dma_start3A_161] : memref<2x50176x32xf32, #tpu.memory_space<hbm>> -> memref<1x64x32xf32, #tpu.memory_space<hbm>>
      %dma_start3A_163 = tpu.memref_squeeze %dma_start3A_162 : memref<1x64x32xf32, #tpu.memory_space<hbm>> -> memref<64x32xf32, #tpu.memory_space<hbm>>
      %dma_start3A_164 = arith.constant 0 : i32
      %dma_start3A_165 = tpu.memref_slice %arg5[%arg0, %add3A_157, %dma_start3A_164] : memref<2x50176x32xf32, #tpu.memory_space<hbm>> -> memref<1x64x32xf32, #tpu.memory_space<hbm>>
      %dma_start3A_166 = tpu.memref_squeeze %dma_start3A_165 : memref<1x64x32xf32, #tpu.memory_space<hbm>> -> memref<64x32xf32, #tpu.memory_space<hbm>>
      %dma_start3A_167 = arith.constant 0 : i32
      %dma_start3A_168 = arith.constant 0 : i32
      %dma_start3A_169 = tpu.memref_slice %arg8[%dma_start3A_167, %dma_start3A_168] : memref<512x32xf32, #tpu.memory_space<vmem>> -> memref<64x32xf32, #tpu.memory_space<vmem>>
      tpu.enqueue_dma source(%dma_start3A_169 : memref<64x32xf32, #tpu.memory_space<vmem>>) target(%dma_start3A_166 : memref<64x32xf32, #tpu.memory_space<hbm>>) target_semaphore(%run_scoped3A : memref<!tpu.dma_semaphore, #tpu.memory_space<semaphore_mem>>)
      %dma_wait3A_170 = arith.constant 0 : i32
      %dma_wait3A_171 = arith.constant 0 : i32
      %dma_wait3A_172 = tpu.memref_slice %arg8[%dma_wait3A_170, %dma_wait3A_171] : memref<512x32xf32, #tpu.memory_space<vmem>> -> memref<64x32xf32, #tpu.memory_space<vmem>>
      %dma_wait3A_173 = arith.constant 0 : i32
      %dma_wait3A_174 = tpu.memref_slice %arg5[%arg0, %add3A_157, %dma_wait3A_173] : memref<2x50176x32xf32, #tpu.memory_space<hbm>> -> memref<1x64x32xf32, #tpu.memory_space<hbm>>
      %dma_wait3A_175 = tpu.memref_squeeze %dma_wait3A_174 : memref<1x64x32xf32, #tpu.memory_space<hbm>> -> memref<64x32xf32, #tpu.memory_space<hbm>>
      %dma_wait3A_176 = arith.constant 0 : i32
      %dma_wait3A_177 = tpu.memref_slice %arg5[%arg0, %add3A_157, %dma_wait3A_176] : memref<2x50176x32xf32, #tpu.memory_space<hbm>> -> memref<1x64x32xf32, #tpu.memory_space<hbm>>
      %dma_wait3A_178 = tpu.memref_squeeze %dma_wait3A_177 : memref<1x64x32xf32, #tpu.memory_space<hbm>> -> memref<64x32xf32, #tpu.memory_space<hbm>>
      %dma_wait3A_179 = arith.constant 0 : i32
      %dma_wait3A_180 = arith.constant 0 : i32
      %dma_wait3A_181 = tpu.memref_slice %arg8[%dma_wait3A_179, %dma_wait3A_180] : memref<512x32xf32, #tpu.memory_space<vmem>> -> memref<64x32xf32, #tpu.memory_space<vmem>>
      tpu.wait_dma2 semaphore(%run_scoped3A : memref<!tpu.dma_semaphore, #tpu.memory_space<semaphore_mem>>) src(%dma_wait3A_181 : memref<64x32xf32, #tpu.memory_space<vmem>>) dst(%dma_wait3A_178 : memref<64x32xf32, #tpu.memory_space<hbm>>)
      tpu.yield
    }) : () -> ()
    return
  }
}

#map = affine_map<(d0, d1) -> (0, 0)>
#map1 = affine_map<(d0, d1) -> (0)>
module attributes {stable_mosaic.version = 14 : i64} {
  func.func @_deg_kernel(%arg0: i32, %arg1: i32, %arg2: memref<6404x128xi32, #tpu.memory_space<hbm>>, %arg3: memref<100352xf32, #tpu.memory_space<hbm>>, %arg4: memref<2x4x128xi32, #tpu.memory_space<vmem>>, %arg5: memref<128xf32, #tpu.memory_space<vmem>>, %arg6: memref<3136xf32, #tpu.memory_space<vmem>>, %arg7: memref<50176xf32, #tpu.memory_space<vmem_shared>>, %arg8: memref<!tpu.dma_semaphore, #tpu.memory_space<semaphore_mem>>, %arg9: memref<!tpu.dma_semaphore, #tpu.memory_space<semaphore_mem>>) attributes {dimension_semantics = [#tpu.dimension_semantics<core_parallel>, #tpu.dimension_semantics<subcore_parallel>], iteration_bounds = array<i64: 2, 16>, scalar_prefetch = 0 : i64, scratch_operands = 6 : i64, tpu.core_type = #tpu.core_type<sc_vector_subcore>, window_params = [{transform_indices = #map}, {transform_indices = #map1}]} {
    %mul3A = arith.constant 16 : i32
    %mul3A_0 = arith.muli %arg0, %mul3A : i32
    %add3A = arith.addi %mul3A_0, %arg1 : i32
    %broadcast_in_dim3A = arith.constant 0.000000e+00 : f32
    %broadcast_in_dim3A_1 = vector.broadcast %broadcast_in_dim3A : f32 to vector<16xf32>
    %broadcast_in_dim3A_2 = arith.constant 1.000000e+00 : f32
    %broadcast_in_dim3A_3 = vector.broadcast %broadcast_in_dim3A_2 : f32 to vector<16xf32>
    %swap3A = arith.constant 0 : index
    %swap3A_4 = tpu.vector_load %arg5[%swap3A] {strides = array<i32>} : memref<128xf32, #tpu.memory_space<vmem>>, vector<16xf32>,
    %swap3A_5 = vector.shape_cast %swap3A_4 : vector<16xf32> to vector<16xf32>
    %swap3A_6 = vector.shape_cast %broadcast_in_dim3A_3 : vector<16xf32> to vector<16xf32>
    tpu.vector_store %arg5[%swap3A], %swap3A_6 {strides = array<i32>} : memref<128xf32, #tpu.memory_space<vmem>>, vector<16xf32>,
    %swap3A_7 = arith.constant 16 : index
    %swap3A_8 = tpu.vector_load %arg5[%swap3A_7] {strides = array<i32>} : memref<128xf32, #tpu.memory_space<vmem>>, vector<16xf32>,
    %swap3A_9 = vector.shape_cast %swap3A_8 : vector<16xf32> to vector<16xf32>
    %swap3A_10 = vector.shape_cast %broadcast_in_dim3A_3 : vector<16xf32> to vector<16xf32>
    tpu.vector_store %arg5[%swap3A_7], %swap3A_10 {strides = array<i32>} : memref<128xf32, #tpu.memory_space<vmem>>, vector<16xf32>,
    %swap3A_11 = arith.constant 32 : index
    %swap3A_12 = tpu.vector_load %arg5[%swap3A_11] {strides = array<i32>} : memref<128xf32, #tpu.memory_space<vmem>>, vector<16xf32>,
    %swap3A_13 = vector.shape_cast %swap3A_12 : vector<16xf32> to vector<16xf32>
    %swap3A_14 = vector.shape_cast %broadcast_in_dim3A_3 : vector<16xf32> to vector<16xf32>
    tpu.vector_store %arg5[%swap3A_11], %swap3A_14 {strides = array<i32>} : memref<128xf32, #tpu.memory_space<vmem>>, vector<16xf32>,
    %swap3A_15 = arith.constant 48 : index
    %swap3A_16 = tpu.vector_load %arg5[%swap3A_15] {strides = array<i32>} : memref<128xf32, #tpu.memory_space<vmem>>, vector<16xf32>,
    %swap3A_17 = vector.shape_cast %swap3A_16 : vector<16xf32> to vector<16xf32>
    %swap3A_18 = vector.shape_cast %broadcast_in_dim3A_3 : vector<16xf32> to vector<16xf32>
    tpu.vector_store %arg5[%swap3A_15], %swap3A_18 {strides = array<i32>} : memref<128xf32, #tpu.memory_space<vmem>>, vector<16xf32>,
    %swap3A_19 = arith.constant 64 : index
    %swap3A_20 = tpu.vector_load %arg5[%swap3A_19] {strides = array<i32>} : memref<128xf32, #tpu.memory_space<vmem>>, vector<16xf32>,
    %swap3A_21 = vector.shape_cast %swap3A_20 : vector<16xf32> to vector<16xf32>
    %swap3A_22 = vector.shape_cast %broadcast_in_dim3A_3 : vector<16xf32> to vector<16xf32>
    tpu.vector_store %arg5[%swap3A_19], %swap3A_22 {strides = array<i32>} : memref<128xf32, #tpu.memory_space<vmem>>, vector<16xf32>,
    %swap3A_23 = arith.constant 80 : index
    %swap3A_24 = tpu.vector_load %arg5[%swap3A_23] {strides = array<i32>} : memref<128xf32, #tpu.memory_space<vmem>>, vector<16xf32>,
    %swap3A_25 = vector.shape_cast %swap3A_24 : vector<16xf32> to vector<16xf32>
    %swap3A_26 = vector.shape_cast %broadcast_in_dim3A_3 : vector<16xf32> to vector<16xf32>
    tpu.vector_store %arg5[%swap3A_23], %swap3A_26 {strides = array<i32>} : memref<128xf32, #tpu.memory_space<vmem>>, vector<16xf32>,
    %swap3A_27 = arith.constant 96 : index
    %swap3A_28 = tpu.vector_load %arg5[%swap3A_27] {strides = array<i32>} : memref<128xf32, #tpu.memory_space<vmem>>, vector<16xf32>,
    %swap3A_29 = vector.shape_cast %swap3A_28 : vector<16xf32> to vector<16xf32>
    %swap3A_30 = vector.shape_cast %broadcast_in_dim3A_3 : vector<16xf32> to vector<16xf32>
    tpu.vector_store %arg5[%swap3A_27], %swap3A_30 {strides = array<i32>} : memref<128xf32, #tpu.memory_space<vmem>>, vector<16xf32>,
    %swap3A_31 = arith.constant 112 : index
    %swap3A_32 = tpu.vector_load %arg5[%swap3A_31] {strides = array<i32>} : memref<128xf32, #tpu.memory_space<vmem>>, vector<16xf32>,
    %swap3A_33 = vector.shape_cast %swap3A_32 : vector<16xf32> to vector<16xf32>
    %swap3A_34 = vector.shape_cast %broadcast_in_dim3A_3 : vector<16xf32> to vector<16xf32>
    tpu.vector_store %arg5[%swap3A_31], %swap3A_34 {strides = array<i32>} : memref<128xf32, #tpu.memory_space<vmem>>, vector<16xf32>,
    %scan3A = arith.constant 0 : i32
    %scan3A_35 = arith.constant 0 : i32
    %scan3A_36 = arith.constant 196 : i32
    %scan3A_37 = arith.addi %scan3A_35, %scan3A_36 : i32
    %scan3A_38 = arith.constant 1 : i32
    scf.for %scan3A_89 = %scan3A_35 to %scan3A_37 step %scan3A_38  : i32 {
      %mul3A_90 = arith.constant 16 : i32
      %mul3A_91 = arith.muli %scan3A_89, %mul3A_90 : i32
      %swap3A_92 = arith.index_cast %mul3A_91 : i32 to index
      %swap3A_93 = tpu.vector_load %arg6[%swap3A_92] {strides = array<i32>} : memref<3136xf32, #tpu.memory_space<vmem>>, vector<16xf32>,
      %swap3A_94 = vector.shape_cast %swap3A_93 : vector<16xf32> to vector<16xf32>
      %swap3A_95 = vector.shape_cast %broadcast_in_dim3A_1 : vector<16xf32> to vector<16xf32>
      tpu.vector_store %arg6[%swap3A_92], %swap3A_95 {strides = array<i32>} : memref<3136xf32, #tpu.memory_space<vmem>>, vector<16xf32>,
    }
    %scan3A_39 = arith.constant 196 : i32
    %mul3A_40 = arith.constant 3136 : i32
    %mul3A_41 = arith.muli %arg1, %mul3A_40 : i32
    "tpu.region"() ({
      %run_scoped3A = tpu.sem_alloc : memref<!tpu.dma_semaphore, #tpu.memory_space<semaphore_mem>>
      %dma_start3A_89 = tpu.memref_slice %arg7[%mul3A_41] : memref<50176xf32, #tpu.memory_space<vmem_shared>> -> memref<3136xf32, #tpu.memory_space<vmem_shared>>
      %dma_start3A_90 = tpu.memref_slice %arg7[%mul3A_41] : memref<50176xf32, #tpu.memory_space<vmem_shared>> -> memref<3136xf32, #tpu.memory_space<vmem_shared>>
      tpu.enqueue_dma source(%arg6 : memref<3136xf32, #tpu.memory_space<vmem>>) target(%dma_start3A_90 : memref<3136xf32, #tpu.memory_space<vmem_shared>>) target_semaphore(%run_scoped3A : memref<!tpu.dma_semaphore, #tpu.memory_space<semaphore_mem>>)
      %dma_wait3A_91 = tpu.memref_slice %arg7[%mul3A_41] : memref<50176xf32, #tpu.memory_space<vmem_shared>> -> memref<3136xf32, #tpu.memory_space<vmem_shared>>
      %dma_wait3A_92 = tpu.memref_slice %arg7[%mul3A_41] : memref<50176xf32, #tpu.memory_space<vmem_shared>> -> memref<3136xf32, #tpu.memory_space<vmem_shared>>
      tpu.wait_dma2 semaphore(%run_scoped3A : memref<!tpu.dma_semaphore, #tpu.memory_space<semaphore_mem>>) src(%arg6 : memref<3136xf32, #tpu.memory_space<vmem>>) dst(%dma_wait3A_92 : memref<3136xf32, #tpu.memory_space<vmem_shared>>)
      tpu.yield
    }) : () -> ()
    %barrier3A = arith.constant 0 : index
    tpu.barrier barrier_id(%barrier3A)
    %mul3A_42 = arith.constant 200 : i32
    %mul3A_43 = arith.muli %add3A, %mul3A_42 : i32
    %add3A_44 = arith.constant 0 : i32
    %add3A_45 = arith.addi %mul3A_43, %add3A_44 : i32
    %multiple_of3A = tpu.assume_multiple %add3A_45, 4 : i32
    %dma_start3A = arith.constant 0 : i32
    %dma_start3A_46 = arith.constant 0 : i32
    %dma_start3A_47 = arith.constant 0 : i32
    %dma_start3A_48 = tpu.memref_slice %arg4[%dma_start3A, %dma_start3A_46, %dma_start3A_47] : memref<2x4x128xi32, #tpu.memory_space<vmem>> -> memref<1x4x128xi32, #tpu.memory_space<vmem>>
    %dma_start3A_49 = tpu.memref_squeeze %dma_start3A_48 : memref<1x4x128xi32, #tpu.memory_space<vmem>> -> memref<4x128xi32, #tpu.memory_space<vmem>>
    %dma_start3A_50 = arith.constant 0 : i32
    %dma_start3A_51 = tpu.memref_slice %arg2[%multiple_of3A, %dma_start3A_50] : memref<6404x128xi32, #tpu.memory_space<hbm>> -> memref<4x128xi32, #tpu.memory_space<hbm>>
    %dma_start3A_52 = arith.constant 0 : i32
    %dma_start3A_53 = arith.constant 0 : i32
    %dma_start3A_54 = tpu.memref_slice %arg4[%dma_start3A, %dma_start3A_52, %dma_start3A_53] : memref<2x4x128xi32, #tpu.memory_space<vmem>> -> memref<1x4x128xi32, #tpu.memory_space<vmem>>
    %dma_start3A_55 = tpu.memref_squeeze %dma_start3A_54 : memref<1x4x128xi32, #tpu.memory_space<vmem>> -> memref<4x128xi32, #tpu.memory_space<vmem>>
    %dma_start3A_56 = arith.constant 0 : i32
    %dma_start3A_57 = tpu.memref_slice %arg2[%multiple_of3A, %dma_start3A_56] : memref<6404x128xi32, #tpu.memory_space<hbm>> -> memref<4x128xi32, #tpu.memory_space<hbm>>
    tpu.enqueue_dma source(%dma_start3A_57 : memref<4x128xi32, #tpu.memory_space<hbm>>) target(%dma_start3A_55 : memref<4x128xi32, #tpu.memory_space<vmem>>) target_semaphore(%arg9 : memref<!tpu.dma_semaphore, #tpu.memory_space<semaphore_mem>>)
    %scan3A_58 = arith.constant 0 : i32
    %scan3A_59 = arith.constant 0 : i32
    %scan3A_60 = arith.constant 25 : i32
    %scan3A_61 = arith.addi %scan3A_59, %scan3A_60 : i32
    %scan3A_62 = arith.constant 1 : i32
    scf.for %scan3A_89 = %scan3A_59 to %scan3A_61 step %scan3A_62  : i32 {
      %mul3A_90 = arith.constant 2 : i32
      %mul3A_91 = arith.muli %scan3A_89, %mul3A_90 : i32
      %add3A_92 = arith.constant 0 : i32
      %add3A_93 = arith.addi %mul3A_91, %add3A_92 : i32
      %mul3A_94 = arith.constant 200 : i32
      %mul3A_95 = arith.muli %add3A, %mul3A_94 : i32
      %mul3A_96 = arith.constant 4 : i32
      %mul3A_97 = arith.muli %add3A_93, %mul3A_96 : i32
      %add3A_98 = arith.addi %mul3A_95, %mul3A_97 : i32
      %multiple_of3A_99 = tpu.assume_multiple %add3A_98, 4 : i32
      %dma_wait3A_100 = arith.constant 0 : i32
      %dma_wait3A_101 = arith.constant 0 : i32
      %dma_wait3A_102 = arith.constant 0 : i32
      %dma_wait3A_103 = tpu.memref_slice %arg4[%dma_wait3A_100, %dma_wait3A_101, %dma_wait3A_102] : memref<2x4x128xi32, #tpu.memory_space<vmem>> -> memref<1x4x128xi32, #tpu.memory_space<vmem>>
      %dma_wait3A_104 = tpu.memref_squeeze %dma_wait3A_103 : memref<1x4x128xi32, #tpu.memory_space<vmem>> -> memref<4x128xi32, #tpu.memory_space<vmem>>
      %dma_wait3A_105 = arith.constant 0 : i32
      %dma_wait3A_106 = tpu.memref_slice %arg2[%multiple_of3A_99, %dma_wait3A_105] : memref<6404x128xi32, #tpu.memory_space<hbm>> -> memref<4x128xi32, #tpu.memory_space<hbm>>
      %dma_wait3A_107 = arith.constant 0 : i32
      %dma_wait3A_108 = arith.constant 0 : i32
      %dma_wait3A_109 = tpu.memref_slice %arg4[%dma_wait3A_100, %dma_wait3A_107, %dma_wait3A_108] : memref<2x4x128xi32, #tpu.memory_space<vmem>> -> memref<1x4x128xi32, #tpu.memory_space<vmem>>
      %dma_wait3A_110 = tpu.memref_squeeze %dma_wait3A_109 : memref<1x4x128xi32, #tpu.memory_space<vmem>> -> memref<4x128xi32, #tpu.memory_space<vmem>>
      %dma_wait3A_111 = arith.constant 0 : i32
      %dma_wait3A_112 = tpu.memref_slice %arg2[%multiple_of3A_99, %dma_wait3A_111] : memref<6404x128xi32, #tpu.memory_space<hbm>> -> memref<4x128xi32, #tpu.memory_space<hbm>>
      tpu.wait_dma2 semaphore(%arg9 : memref<!tpu.dma_semaphore, #tpu.memory_space<semaphore_mem>>) src(%dma_wait3A_112 : memref<4x128xi32, #tpu.memory_space<hbm>>) dst(%dma_wait3A_110 : memref<4x128xi32, #tpu.memory_space<vmem>>)
      %add3A_113 = arith.constant 1 : i32
      %add3A_114 = arith.addi %add3A_93, %add3A_113 : i32
      %mul3A_115 = arith.constant 200 : i32
      %mul3A_116 = arith.muli %add3A, %mul3A_115 : i32
      %mul3A_117 = arith.constant 4 : i32
      %mul3A_118 = arith.muli %add3A_114, %mul3A_117 : i32
      %add3A_119 = arith.addi %mul3A_116, %mul3A_118 : i32
      %multiple_of3A_120 = tpu.assume_multiple %add3A_119, 4 : i32
      %dma_start3A_121 = arith.constant 1 : i32
      %dma_start3A_122 = arith.constant 0 : i32
      %dma_start3A_123 = arith.constant 0 : i32
      %dma_start3A_124 = tpu.memref_slice %arg4[%dma_start3A_121, %dma_start3A_122, %dma_start3A_123] : memref<2x4x128xi32, #tpu.memory_space<vmem>> -> memref<1x4x128xi32, #tpu.memory_space<vmem>>
      %dma_start3A_125 = tpu.memref_squeeze %dma_start3A_124 : memref<1x4x128xi32, #tpu.memory_space<vmem>> -> memref<4x128xi32, #tpu.memory_space<vmem>>
      %dma_start3A_126 = arith.constant 0 : i32
      %dma_start3A_127 = tpu.memref_slice %arg2[%multiple_of3A_120, %dma_start3A_126] : memref<6404x128xi32, #tpu.memory_space<hbm>> -> memref<4x128xi32, #tpu.memory_space<hbm>>
      %dma_start3A_128 = arith.constant 0 : i32
      %dma_start3A_129 = arith.constant 0 : i32
      %dma_start3A_130 = tpu.memref_slice %arg4[%dma_start3A_121, %dma_start3A_128, %dma_start3A_129] : memref<2x4x128xi32, #tpu.memory_space<vmem>> -> memref<1x4x128xi32, #tpu.memory_space<vmem>>
      %dma_start3A_131 = tpu.memref_squeeze %dma_start3A_130 : memref<1x4x128xi32, #tpu.memory_space<vmem>> -> memref<4x128xi32, #tpu.memory_space<vmem>>
      %dma_start3A_132 = arith.constant 0 : i32
      %dma_start3A_133 = tpu.memref_slice %arg2[%multiple_of3A_120, %dma_start3A_132] : memref<6404x128xi32, #tpu.memory_space<hbm>> -> memref<4x128xi32, #tpu.memory_space<hbm>>
      tpu.enqueue_dma source(%dma_start3A_133 : memref<4x128xi32, #tpu.memory_space<hbm>>) target(%dma_start3A_131 : memref<4x128xi32, #tpu.memory_space<vmem>>) target_semaphore(%arg9 : memref<!tpu.dma_semaphore, #tpu.memory_space<semaphore_mem>>)
      %dma_start3A_134 = arith.constant 0 : i32
      %dma_start3A_135 = arith.constant 0 : i32
      %dma_start3A_136 = arith.constant 0 : i32
      %dma_start3A_137 = tpu.memref_slice %arg4[%dma_start3A_134, %dma_start3A_135, %dma_start3A_136] : memref<2x4x128xi32, #tpu.memory_space<vmem>> -> memref<1x1x128xi32, #tpu.memory_space<vmem>>
      %dma_start3A_138 = tpu.memref_squeeze %dma_start3A_137 : memref<1x1x128xi32, #tpu.memory_space<vmem>> -> memref<128xi32, #tpu.memory_space<vmem>>
      %dma_start3A_139 = arith.constant 0 : i32
      %dma_start3A_140 = tpu.memref_slice %arg7[%dma_start3A_139] : memref<50176xf32, #tpu.memory_space<vmem_shared>> -> memref<50176xf32, #tpu.memory_space<vmem_shared>>
      tpu.enqueue_indirect_dma source(%arg5 : memref<128xf32, #tpu.memory_space<vmem>>) target(%dma_start3A_140 : memref<50176xf32, #tpu.memory_space<vmem_shared>>) offsets(%dma_start3A_138 : memref<128xi32, #tpu.memory_space<vmem>>) semaphore(%arg8 : memref<!tpu.dma_semaphore, #tpu.memory_space<semaphore_mem>>) {add = true}
      %dma_start3A_141 = arith.constant 0 : i32
      %dma_start3A_142 = arith.constant 1 : i32
      %dma_start3A_143 = arith.constant 0 : i32
      %dma_start3A_144 = tpu.memref_slice %arg4[%dma_start3A_141, %dma_start3A_142, %dma_start3A_143] : memref<2x4x128xi32, #tpu.memory_space<vmem>> -> memref<1x1x128xi32, #tpu.memory_space<vmem>>
      %dma_start3A_145 = tpu.memref_squeeze %dma_start3A_144 : memref<1x1x128xi32, #tpu.memory_space<vmem>> -> memref<128xi32, #tpu.memory_space<vmem>>
      %dma_start3A_146 = arith.constant 0 : i32
      %dma_start3A_147 = tpu.memref_slice %arg7[%dma_start3A_146] : memref<50176xf32, #tpu.memory_space<vmem_shared>> -> memref<50176xf32, #tpu.memory_space<vmem_shared>>
      tpu.enqueue_indirect_dma source(%arg5 : memref<128xf32, #tpu.memory_space<vmem>>) target(%dma_start3A_147 : memref<50176xf32, #tpu.memory_space<vmem_shared>>) offsets(%dma_start3A_145 : memref<128xi32, #tpu.memory_space<vmem>>) semaphore(%arg8 : memref<!tpu.dma_semaphore, #tpu.memory_space<semaphore_mem>>) {add = true}
      %dma_start3A_148 = arith.constant 0 : i32
      %dma_start3A_149 = arith.constant 2 : i32
      %dma_start3A_150 = arith.constant 0 : i32
      %dma_start3A_151 = tpu.memref_slice %arg4[%dma_start3A_148, %dma_start3A_149, %dma_start3A_150] : memref<2x4x128xi32, #tpu.memory_space<vmem>> -> memref<1x1x128xi32, #tpu.memory_space<vmem>>
      %dma_start3A_152 = tpu.memref_squeeze %dma_start3A_151 : memref<1x1x128xi32, #tpu.memory_space<vmem>> -> memref<128xi32, #tpu.memory_space<vmem>>
      %dma_start3A_153 = arith.constant 0 : i32
      %dma_start3A_154 = tpu.memref_slice %arg7[%dma_start3A_153] : memref<50176xf32, #tpu.memory_space<vmem_shared>> -> memref<50176xf32, #tpu.memory_space<vmem_shared>>
      tpu.enqueue_indirect_dma source(%arg5 : memref<128xf32, #tpu.memory_space<vmem>>) target(%dma_start3A_154 : memref<50176xf32, #tpu.memory_space<vmem_shared>>) offsets(%dma_start3A_152 : memref<128xi32, #tpu.memory_space<vmem>>) semaphore(%arg8 : memref<!tpu.dma_semaphore, #tpu.memory_space<semaphore_mem>>) {add = true}
      %dma_start3A_155 = arith.constant 0 : i32
      %dma_start3A_156 = arith.constant 3 : i32
      %dma_start3A_157 = arith.constant 0 : i32
      %dma_start3A_158 = tpu.memref_slice %arg4[%dma_start3A_155, %dma_start3A_156, %dma_start3A_157] : memref<2x4x128xi32, #tpu.memory_space<vmem>> -> memref<1x1x128xi32, #tpu.memory_space<vmem>>
      %dma_start3A_159 = tpu.memref_squeeze %dma_start3A_158 : memref<1x1x128xi32, #tpu.memory_space<vmem>> -> memref<128xi32, #tpu.memory_space<vmem>>
      %dma_start3A_160 = arith.constant 0 : i32
      %dma_start3A_161 = tpu.memref_slice %arg7[%dma_start3A_160] : memref<50176xf32, #tpu.memory_space<vmem_shared>> -> memref<50176xf32, #tpu.memory_space<vmem_shared>>
      tpu.enqueue_indirect_dma source(%arg5 : memref<128xf32, #tpu.memory_space<vmem>>) target(%dma_start3A_161 : memref<50176xf32, #tpu.memory_space<vmem_shared>>) offsets(%dma_start3A_159 : memref<128xi32, #tpu.memory_space<vmem>>) semaphore(%arg8 : memref<!tpu.dma_semaphore, #tpu.memory_space<semaphore_mem>>) {add = true}
      %dma_wait3A_162 = arith.constant 0 : i32
      %dma_wait3A_163 = arith.constant 0 : i32
      %dma_wait3A_164 = arith.constant 0 : i32
      %dma_wait3A_165 = tpu.memref_slice %arg4[%dma_wait3A_162, %dma_wait3A_163, %dma_wait3A_164] : memref<2x4x128xi32, #tpu.memory_space<vmem>> -> memref<1x1x128xi32, #tpu.memory_space<vmem>>
      %dma_wait3A_166 = tpu.memref_squeeze %dma_wait3A_165 : memref<1x1x128xi32, #tpu.memory_space<vmem>> -> memref<128xi32, #tpu.memory_space<vmem>>
      %dma_wait3A_167 = arith.constant 0 : i32
      %dma_wait3A_168 = tpu.memref_slice %arg7[%dma_wait3A_167] : memref<50176xf32, #tpu.memory_space<vmem_shared>> -> memref<50176xf32, #tpu.memory_space<vmem_shared>>
      tpu.wait_indirect_dma semaphore(%arg8 : memref<!tpu.dma_semaphore, #tpu.memory_space<semaphore_mem>>) src(%arg5 : memref<128xf32, #tpu.memory_space<vmem>>) dst(%dma_wait3A_168 : memref<50176xf32, #tpu.memory_space<vmem_shared>>)
      %dma_wait3A_169 = arith.constant 0 : i32
      %dma_wait3A_170 = arith.constant 1 : i32
      %dma_wait3A_171 = arith.constant 0 : i32
      %dma_wait3A_172 = tpu.memref_slice %arg4[%dma_wait3A_169, %dma_wait3A_170, %dma_wait3A_171] : memref<2x4x128xi32, #tpu.memory_space<vmem>> -> memref<1x1x128xi32, #tpu.memory_space<vmem>>
      %dma_wait3A_173 = tpu.memref_squeeze %dma_wait3A_172 : memref<1x1x128xi32, #tpu.memory_space<vmem>> -> memref<128xi32, #tpu.memory_space<vmem>>
      %dma_wait3A_174 = arith.constant 0 : i32
      %dma_wait3A_175 = tpu.memref_slice %arg7[%dma_wait3A_174] : memref<50176xf32, #tpu.memory_space<vmem_shared>> -> memref<50176xf32, #tpu.memory_space<vmem_shared>>
      tpu.wait_indirect_dma semaphore(%arg8 : memref<!tpu.dma_semaphore, #tpu.memory_space<semaphore_mem>>) src(%arg5 : memref<128xf32, #tpu.memory_space<vmem>>) dst(%dma_wait3A_175 : memref<50176xf32, #tpu.memory_space<vmem_shared>>)
      %dma_wait3A_176 = arith.constant 0 : i32
      %dma_wait3A_177 = arith.constant 2 : i32
      %dma_wait3A_178 = arith.constant 0 : i32
      %dma_wait3A_179 = tpu.memref_slice %arg4[%dma_wait3A_176, %dma_wait3A_177, %dma_wait3A_178] : memref<2x4x128xi32, #tpu.memory_space<vmem>> -> memref<1x1x128xi32, #tpu.memory_space<vmem>>
      %dma_wait3A_180 = tpu.memref_squeeze %dma_wait3A_179 : memref<1x1x128xi32, #tpu.memory_space<vmem>> -> memref<128xi32, #tpu.memory_space<vmem>>
      %dma_wait3A_181 = arith.constant 0 : i32
      %dma_wait3A_182 = tpu.memref_slice %arg7[%dma_wait3A_181] : memref<50176xf32, #tpu.memory_space<vmem_shared>> -> memref<50176xf32, #tpu.memory_space<vmem_shared>>
      tpu.wait_indirect_dma semaphore(%arg8 : memref<!tpu.dma_semaphore, #tpu.memory_space<semaphore_mem>>) src(%arg5 : memref<128xf32, #tpu.memory_space<vmem>>) dst(%dma_wait3A_182 : memref<50176xf32, #tpu.memory_space<vmem_shared>>)
      %dma_wait3A_183 = arith.constant 0 : i32
      %dma_wait3A_184 = arith.constant 3 : i32
      %dma_wait3A_185 = arith.constant 0 : i32
      %dma_wait3A_186 = tpu.memref_slice %arg4[%dma_wait3A_183, %dma_wait3A_184, %dma_wait3A_185] : memref<2x4x128xi32, #tpu.memory_space<vmem>> -> memref<1x1x128xi32, #tpu.memory_space<vmem>>
      %dma_wait3A_187 = tpu.memref_squeeze %dma_wait3A_186 : memref<1x1x128xi32, #tpu.memory_space<vmem>> -> memref<128xi32, #tpu.memory_space<vmem>>
      %dma_wait3A_188 = arith.constant 0 : i32
      %dma_wait3A_189 = tpu.memref_slice %arg7[%dma_wait3A_188] : memref<50176xf32, #tpu.memory_space<vmem_shared>> -> memref<50176xf32, #tpu.memory_space<vmem_shared>>
      tpu.wait_indirect_dma semaphore(%arg8 : memref<!tpu.dma_semaphore, #tpu.memory_space<semaphore_mem>>) src(%arg5 : memref<128xf32, #tpu.memory_space<vmem>>) dst(%dma_wait3A_189 : memref<50176xf32, #tpu.memory_space<vmem_shared>>)
      %mul3A_190 = arith.constant 2 : i32
      %mul3A_191 = arith.muli %scan3A_89, %mul3A_190 : i32
      %add3A_192 = arith.constant 1 : i32
      %add3A_193 = arith.addi %mul3A_191, %add3A_192 : i32
      %mul3A_194 = arith.constant 200 : i32
      %mul3A_195 = arith.muli %add3A, %mul3A_194 : i32
      %mul3A_196 = arith.constant 4 : i32
      %mul3A_197 = arith.muli %add3A_193, %mul3A_196 : i32
      %add3A_198 = arith.addi %mul3A_195, %mul3A_197 : i32
      %multiple_of3A_199 = tpu.assume_multiple %add3A_198, 4 : i32
      %dma_wait3A_200 = arith.constant 1 : i32
      %dma_wait3A_201 = arith.constant 0 : i32
      %dma_wait3A_202 = arith.constant 0 : i32
      %dma_wait3A_203 = tpu.memref_slice %arg4[%dma_wait3A_200, %dma_wait3A_201, %dma_wait3A_202] : memref<2x4x128xi32, #tpu.memory_space<vmem>> -> memref<1x4x128xi32, #tpu.memory_space<vmem>>
      %dma_wait3A_204 = tpu.memref_squeeze %dma_wait3A_203 : memref<1x4x128xi32, #tpu.memory_space<vmem>> -> memref<4x128xi32, #tpu.memory_space<vmem>>
      %dma_wait3A_205 = arith.constant 0 : i32
      %dma_wait3A_206 = tpu.memref_slice %arg2[%multiple_of3A_199, %dma_wait3A_205] : memref<6404x128xi32, #tpu.memory_space<hbm>> -> memref<4x128xi32, #tpu.memory_space<hbm>>
      %dma_wait3A_207 = arith.constant 0 : i32
      %dma_wait3A_208 = arith.constant 0 : i32
      %dma_wait3A_209 = tpu.memref_slice %arg4[%dma_wait3A_200, %dma_wait3A_207, %dma_wait3A_208] : memref<2x4x128xi32, #tpu.memory_space<vmem>> -> memref<1x4x128xi32, #tpu.memory_space<vmem>>
      %dma_wait3A_210 = tpu.memref_squeeze %dma_wait3A_209 : memref<1x4x128xi32, #tpu.memory_space<vmem>> -> memref<4x128xi32, #tpu.memory_space<vmem>>
      %dma_wait3A_211 = arith.constant 0 : i32
      %dma_wait3A_212 = tpu.memref_slice %arg2[%multiple_of3A_199, %dma_wait3A_211] : memref<6404x128xi32, #tpu.memory_space<hbm>> -> memref<4x128xi32, #tpu.memory_space<hbm>>
      tpu.wait_dma2 semaphore(%arg9 : memref<!tpu.dma_semaphore, #tpu.memory_space<semaphore_mem>>) src(%dma_wait3A_212 : memref<4x128xi32, #tpu.memory_space<hbm>>) dst(%dma_wait3A_210 : memref<4x128xi32, #tpu.memory_space<vmem>>)
      %add3A_213 = arith.constant 1 : i32
      %add3A_214 = arith.addi %add3A_193, %add3A_213 : i32
      %mul3A_215 = arith.constant 200 : i32
      %mul3A_216 = arith.muli %add3A, %mul3A_215 : i32
      %mul3A_217 = arith.constant 4 : i32
      %mul3A_218 = arith.muli %add3A_214, %mul3A_217 : i32
      %add3A_219 = arith.addi %mul3A_216, %mul3A_218 : i32
      %multiple_of3A_220 = tpu.assume_multiple %add3A_219, 4 : i32
      %dma_start3A_221 = arith.constant 0 : i32
      %dma_start3A_222 = arith.constant 0 : i32
      %dma_start3A_223 = arith.constant 0 : i32
      %dma_start3A_224 = tpu.memref_slice %arg4[%dma_start3A_221, %dma_start3A_222, %dma_start3A_223] : memref<2x4x128xi32, #tpu.memory_space<vmem>> -> memref<1x4x128xi32, #tpu.memory_space<vmem>>
      %dma_start3A_225 = tpu.memref_squeeze %dma_start3A_224 : memref<1x4x128xi32, #tpu.memory_space<vmem>> -> memref<4x128xi32, #tpu.memory_space<vmem>>
      %dma_start3A_226 = arith.constant 0 : i32
      %dma_start3A_227 = tpu.memref_slice %arg2[%multiple_of3A_220, %dma_start3A_226] : memref<6404x128xi32, #tpu.memory_space<hbm>> -> memref<4x128xi32, #tpu.memory_space<hbm>>
      %dma_start3A_228 = arith.constant 0 : i32
      %dma_start3A_229 = arith.constant 0 : i32
      %dma_start3A_230 = tpu.memref_slice %arg4[%dma_start3A_221, %dma_start3A_228, %dma_start3A_229] : memref<2x4x128xi32, #tpu.memory_space<vmem>> -> memref<1x4x128xi32, #tpu.memory_space<vmem>>
      %dma_start3A_231 = tpu.memref_squeeze %dma_start3A_230 : memref<1x4x128xi32, #tpu.memory_space<vmem>> -> memref<4x128xi32, #tpu.memory_space<vmem>>
      %dma_start3A_232 = arith.constant 0 : i32
      %dma_start3A_233 = tpu.memref_slice %arg2[%multiple_of3A_220, %dma_start3A_232] : memref<6404x128xi32, #tpu.memory_space<hbm>> -> memref<4x128xi32, #tpu.memory_space<hbm>>
      tpu.enqueue_dma source(%dma_start3A_233 : memref<4x128xi32, #tpu.memory_space<hbm>>) target(%dma_start3A_231 : memref<4x128xi32, #tpu.memory_space<vmem>>) target_semaphore(%arg9 : memref<!tpu.dma_semaphore, #tpu.memory_space<semaphore_mem>>)
      %dma_start3A_234 = arith.constant 1 : i32
      %dma_start3A_235 = arith.constant 0 : i32
      %dma_start3A_236 = arith.constant 0 : i32
      %dma_start3A_237 = tpu.memref_slice %arg4[%dma_start3A_234, %dma_start3A_235, %dma_start3A_236] : memref<2x4x128xi32, #tpu.memory_space<vmem>> -> memref<1x1x128xi32, #tpu.memory_space<vmem>>
      %dma_start3A_238 = tpu.memref_squeeze %dma_start3A_237 : memref<1x1x128xi32, #tpu.memory_space<vmem>> -> memref<128xi32, #tpu.memory_space<vmem>>
      %dma_start3A_239 = arith.constant 0 : i32
      %dma_start3A_240 = tpu.memref_slice %arg7[%dma_start3A_239] : memref<50176xf32, #tpu.memory_space<vmem_shared>> -> memref<50176xf32, #tpu.memory_space<vmem_shared>>
      tpu.enqueue_indirect_dma source(%arg5 : memref<128xf32, #tpu.memory_space<vmem>>) target(%dma_start3A_240 : memref<50176xf32, #tpu.memory_space<vmem_shared>>) offsets(%dma_start3A_238 : memref<128xi32, #tpu.memory_space<vmem>>) semaphore(%arg8 : memref<!tpu.dma_semaphore, #tpu.memory_space<semaphore_mem>>) {add = true}
      %dma_start3A_241 = arith.constant 1 : i32
      %dma_start3A_242 = arith.constant 1 : i32
      %dma_start3A_243 = arith.constant 0 : i32
      %dma_start3A_244 = tpu.memref_slice %arg4[%dma_start3A_241, %dma_start3A_242, %dma_start3A_243] : memref<2x4x128xi32, #tpu.memory_space<vmem>> -> memref<1x1x128xi32, #tpu.memory_space<vmem>>
      %dma_start3A_245 = tpu.memref_squeeze %dma_start3A_244 : memref<1x1x128xi32, #tpu.memory_space<vmem>> -> memref<128xi32, #tpu.memory_space<vmem>>
      %dma_start3A_246 = arith.constant 0 : i32
      %dma_start3A_247 = tpu.memref_slice %arg7[%dma_start3A_246] : memref<50176xf32, #tpu.memory_space<vmem_shared>> -> memref<50176xf32, #tpu.memory_space<vmem_shared>>
      tpu.enqueue_indirect_dma source(%arg5 : memref<128xf32, #tpu.memory_space<vmem>>) target(%dma_start3A_247 : memref<50176xf32, #tpu.memory_space<vmem_shared>>) offsets(%dma_start3A_245 : memref<128xi32, #tpu.memory_space<vmem>>) semaphore(%arg8 : memref<!tpu.dma_semaphore, #tpu.memory_space<semaphore_mem>>) {add = true}
      %dma_start3A_248 = arith.constant 1 : i32
      %dma_start3A_249 = arith.constant 2 : i32
      %dma_start3A_250 = arith.constant 0 : i32
      %dma_start3A_251 = tpu.memref_slice %arg4[%dma_start3A_248, %dma_start3A_249, %dma_start3A_250] : memref<2x4x128xi32, #tpu.memory_space<vmem>> -> memref<1x1x128xi32, #tpu.memory_space<vmem>>
      %dma_start3A_252 = tpu.memref_squeeze %dma_start3A_251 : memref<1x1x128xi32, #tpu.memory_space<vmem>> -> memref<128xi32, #tpu.memory_space<vmem>>
      %dma_start3A_253 = arith.constant 0 : i32
      %dma_start3A_254 = tpu.memref_slice %arg7[%dma_start3A_253] : memref<50176xf32, #tpu.memory_space<vmem_shared>> -> memref<50176xf32, #tpu.memory_space<vmem_shared>>
      tpu.enqueue_indirect_dma source(%arg5 : memref<128xf32, #tpu.memory_space<vmem>>) target(%dma_start3A_254 : memref<50176xf32, #tpu.memory_space<vmem_shared>>) offsets(%dma_start3A_252 : memref<128xi32, #tpu.memory_space<vmem>>) semaphore(%arg8 : memref<!tpu.dma_semaphore, #tpu.memory_space<semaphore_mem>>) {add = true}
      %dma_start3A_255 = arith.constant 1 : i32
      %dma_start3A_256 = arith.constant 3 : i32
      %dma_start3A_257 = arith.constant 0 : i32
      %dma_start3A_258 = tpu.memref_slice %arg4[%dma_start3A_255, %dma_start3A_256, %dma_start3A_257] : memref<2x4x128xi32, #tpu.memory_space<vmem>> -> memref<1x1x128xi32, #tpu.memory_space<vmem>>
      %dma_start3A_259 = tpu.memref_squeeze %dma_start3A_258 : memref<1x1x128xi32, #tpu.memory_space<vmem>> -> memref<128xi32, #tpu.memory_space<vmem>>
      %dma_start3A_260 = arith.constant 0 : i32
      %dma_start3A_261 = tpu.memref_slice %arg7[%dma_start3A_260] : memref<50176xf32, #tpu.memory_space<vmem_shared>> -> memref<50176xf32, #tpu.memory_space<vmem_shared>>
      tpu.enqueue_indirect_dma source(%arg5 : memref<128xf32, #tpu.memory_space<vmem>>) target(%dma_start3A_261 : memref<50176xf32, #tpu.memory_space<vmem_shared>>) offsets(%dma_start3A_259 : memref<128xi32, #tpu.memory_space<vmem>>) semaphore(%arg8 : memref<!tpu.dma_semaphore, #tpu.memory_space<semaphore_mem>>) {add = true}
      %dma_wait3A_262 = arith.constant 1 : i32
      %dma_wait3A_263 = arith.constant 0 : i32
      %dma_wait3A_264 = arith.constant 0 : i32
      %dma_wait3A_265 = tpu.memref_slice %arg4[%dma_wait3A_262, %dma_wait3A_263, %dma_wait3A_264] : memref<2x4x128xi32, #tpu.memory_space<vmem>> -> memref<1x1x128xi32, #tpu.memory_space<vmem>>
      %dma_wait3A_266 = tpu.memref_squeeze %dma_wait3A_265 : memref<1x1x128xi32, #tpu.memory_space<vmem>> -> memref<128xi32, #tpu.memory_space<vmem>>
      %dma_wait3A_267 = arith.constant 0 : i32
      %dma_wait3A_268 = tpu.memref_slice %arg7[%dma_wait3A_267] : memref<50176xf32, #tpu.memory_space<vmem_shared>> -> memref<50176xf32, #tpu.memory_space<vmem_shared>>
      tpu.wait_indirect_dma semaphore(%arg8 : memref<!tpu.dma_semaphore, #tpu.memory_space<semaphore_mem>>) src(%arg5 : memref<128xf32, #tpu.memory_space<vmem>>) dst(%dma_wait3A_268 : memref<50176xf32, #tpu.memory_space<vmem_shared>>)
      %dma_wait3A_269 = arith.constant 1 : i32
      %dma_wait3A_270 = arith.constant 1 : i32
      %dma_wait3A_271 = arith.constant 0 : i32
      %dma_wait3A_272 = tpu.memref_slice %arg4[%dma_wait3A_269, %dma_wait3A_270, %dma_wait3A_271] : memref<2x4x128xi32, #tpu.memory_space<vmem>> -> memref<1x1x128xi32, #tpu.memory_space<vmem>>
      %dma_wait3A_273 = tpu.memref_squeeze %dma_wait3A_272 : memref<1x1x128xi32, #tpu.memory_space<vmem>> -> memref<128xi32, #tpu.memory_space<vmem>>
      %dma_wait3A_274 = arith.constant 0 : i32
      %dma_wait3A_275 = tpu.memref_slice %arg7[%dma_wait3A_274] : memref<50176xf32, #tpu.memory_space<vmem_shared>> -> memref<50176xf32, #tpu.memory_space<vmem_shared>>
      tpu.wait_indirect_dma semaphore(%arg8 : memref<!tpu.dma_semaphore, #tpu.memory_space<semaphore_mem>>) src(%arg5 : memref<128xf32, #tpu.memory_space<vmem>>) dst(%dma_wait3A_275 : memref<50176xf32, #tpu.memory_space<vmem_shared>>)
      %dma_wait3A_276 = arith.constant 1 : i32
      %dma_wait3A_277 = arith.constant 2 : i32
      %dma_wait3A_278 = arith.constant 0 : i32
      %dma_wait3A_279 = tpu.memref_slice %arg4[%dma_wait3A_276, %dma_wait3A_277, %dma_wait3A_278] : memref<2x4x128xi32, #tpu.memory_space<vmem>> -> memref<1x1x128xi32, #tpu.memory_space<vmem>>
      %dma_wait3A_280 = tpu.memref_squeeze %dma_wait3A_279 : memref<1x1x128xi32, #tpu.memory_space<vmem>> -> memref<128xi32, #tpu.memory_space<vmem>>
      %dma_wait3A_281 = arith.constant 0 : i32
      %dma_wait3A_282 = tpu.memref_slice %arg7[%dma_wait3A_281] : memref<50176xf32, #tpu.memory_space<vmem_shared>> -> memref<50176xf32, #tpu.memory_space<vmem_shared>>
      tpu.wait_indirect_dma semaphore(%arg8 : memref<!tpu.dma_semaphore, #tpu.memory_space<semaphore_mem>>) src(%arg5 : memref<128xf32, #tpu.memory_space<vmem>>) dst(%dma_wait3A_282 : memref<50176xf32, #tpu.memory_space<vmem_shared>>)
      %dma_wait3A_283 = arith.constant 1 : i32
      %dma_wait3A_284 = arith.constant 3 : i32
      %dma_wait3A_285 = arith.constant 0 : i32
      %dma_wait3A_286 = tpu.memref_slice %arg4[%dma_wait3A_283, %dma_wait3A_284, %dma_wait3A_285] : memref<2x4x128xi32, #tpu.memory_space<vmem>> -> memref<1x1x128xi32, #tpu.memory_space<vmem>>
      %dma_wait3A_287 = tpu.memref_squeeze %dma_wait3A_286 : memref<1x1x128xi32, #tpu.memory_space<vmem>> -> memref<128xi32, #tpu.memory_space<vmem>>
      %dma_wait3A_288 = arith.constant 0 : i32
      %dma_wait3A_289 = tpu.memref_slice %arg7[%dma_wait3A_288] : memref<50176xf32, #tpu.memory_space<vmem_shared>> -> memref<50176xf32, #tpu.memory_space<vmem_shared>>
      tpu.wait_indirect_dma semaphore(%arg8 : memref<!tpu.dma_semaphore, #tpu.memory_space<semaphore_mem>>) src(%arg5 : memref<128xf32, #tpu.memory_space<vmem>>) dst(%dma_wait3A_289 : memref<50176xf32, #tpu.memory_space<vmem_shared>>)
    }
    %scan3A_63 = arith.constant 25 : i32
    %mul3A_64 = arith.constant 200 : i32
    %mul3A_65 = arith.muli %add3A, %mul3A_64 : i32
    %add3A_66 = arith.constant 200 : i32
    %add3A_67 = arith.addi %mul3A_65, %add3A_66 : i32
    %multiple_of3A_68 = tpu.assume_multiple %add3A_67, 4 : i32
    %dma_wait3A = arith.constant 0 : i32
    %dma_wait3A_69 = arith.constant 0 : i32
    %dma_wait3A_70 = arith.constant 0 : i32
    %dma_wait3A_71 = tpu.memref_slice %arg4[%dma_wait3A, %dma_wait3A_69, %dma_wait3A_70] : memref<2x4x128xi32, #tpu.memory_space<vmem>> -> memref<1x4x128xi32, #tpu.memory_space<vmem>>
    %dma_wait3A_72 = tpu.memref_squeeze %dma_wait3A_71 : memref<1x4x128xi32, #tpu.memory_space<vmem>> -> memref<4x128xi32, #tpu.memory_space<vmem>>
    %dma_wait3A_73 = arith.constant 0 : i32
    %dma_wait3A_74 = tpu.memref_slice %arg2[%multiple_of3A_68, %dma_wait3A_73] : memref<6404x128xi32, #tpu.memory_space<hbm>> -> memref<4x128xi32, #tpu.memory_space<hbm>>
    %dma_wait3A_75 = arith.constant 0 : i32
    %dma_wait3A_76 = arith.constant 0 : i32
    %dma_wait3A_77 = tpu.memref_slice %arg4[%dma_wait3A, %dma_wait3A_75, %dma_wait3A_76] : memref<2x4x128xi32, #tpu.memory_space<vmem>> -> memref<1x4x128xi32, #tpu.memory_space<vmem>>
    %dma_wait3A_78 = tpu.memref_squeeze %dma_wait3A_77 : memref<1x4x128xi32, #tpu.memory_space<vmem>> -> memref<4x128xi32, #tpu.memory_space<vmem>>
    %dma_wait3A_79 = arith.constant 0 : i32
    %dma_wait3A_80 = tpu.memref_slice %arg2[%multiple_of3A_68, %dma_wait3A_79] : memref<6404x128xi32, #tpu.memory_space<hbm>> -> memref<4x128xi32, #tpu.memory_space<hbm>>
    tpu.wait_dma2 semaphore(%arg9 : memref<!tpu.dma_semaphore, #tpu.memory_space<semaphore_mem>>) src(%dma_wait3A_80 : memref<4x128xi32, #tpu.memory_space<hbm>>) dst(%dma_wait3A_78 : memref<4x128xi32, #tpu.memory_space<vmem>>)
    %barrier3A_81 = arith.constant 0 : index
    tpu.barrier barrier_id(%barrier3A_81)
    %mul3A_82 = arith.constant 3136 : i32
    %mul3A_83 = arith.muli %arg1, %mul3A_82 : i32
    "tpu.region"() ({
      %run_scoped3A = tpu.sem_alloc : memref<!tpu.dma_semaphore, #tpu.memory_space<semaphore_mem>>
      %dma_start3A_89 = tpu.memref_slice %arg7[%mul3A_83] : memref<50176xf32, #tpu.memory_space<vmem_shared>> -> memref<3136xf32, #tpu.memory_space<vmem_shared>>
      %dma_start3A_90 = tpu.memref_slice %arg7[%mul3A_83] : memref<50176xf32, #tpu.memory_space<vmem_shared>> -> memref<3136xf32, #tpu.memory_space<vmem_shared>>
      tpu.enqueue_dma source(%dma_start3A_90 : memref<3136xf32, #tpu.memory_space<vmem_shared>>) target(%arg6 : memref<3136xf32, #tpu.memory_space<vmem>>) target_semaphore(%run_scoped3A : memref<!tpu.dma_semaphore, #tpu.memory_space<semaphore_mem>>)
      %dma_wait3A_91 = tpu.memref_slice %arg7[%mul3A_83] : memref<50176xf32, #tpu.memory_space<vmem_shared>> -> memref<3136xf32, #tpu.memory_space<vmem_shared>>
      %dma_wait3A_92 = tpu.memref_slice %arg7[%mul3A_83] : memref<50176xf32, #tpu.memory_space<vmem_shared>> -> memref<3136xf32, #tpu.memory_space<vmem_shared>>
      tpu.wait_dma2 semaphore(%run_scoped3A : memref<!tpu.dma_semaphore, #tpu.memory_space<semaphore_mem>>) src(%dma_wait3A_92 : memref<3136xf32, #tpu.memory_space<vmem_shared>>) dst(%arg6 : memref<3136xf32, #tpu.memory_space<vmem>>)
      tpu.yield
    }) : () -> ()
    %mul3A_84 = arith.constant 50176 : i32
    %mul3A_85 = arith.muli %arg0, %mul3A_84 : i32
    %mul3A_86 = arith.constant 3136 : i32
    %mul3A_87 = arith.muli %arg1, %mul3A_86 : i32
    %add3A_88 = arith.addi %mul3A_85, %mul3A_87 : i32
    "tpu.region"() ({
      %run_scoped3A = tpu.sem_alloc : memref<!tpu.dma_semaphore, #tpu.memory_space<semaphore_mem>>
      %dma_start3A_89 = tpu.memref_slice %arg3[%add3A_88] : memref<100352xf32, #tpu.memory_space<hbm>> -> memref<3136xf32, #tpu.memory_space<hbm>>
      %dma_start3A_90 = tpu.memref_slice %arg3[%add3A_88] : memref<100352xf32, #tpu.memory_space<hbm>> -> memref<3136xf32, #tpu.memory_space<hbm>>
      tpu.enqueue_dma source(%arg6 : memref<3136xf32, #tpu.memory_space<vmem>>) target(%dma_start3A_90 : memref<3136xf32, #tpu.memory_space<hbm>>) target_semaphore(%run_scoped3A : memref<!tpu.dma_semaphore, #tpu.memory_space<semaphore_mem>>)
      %dma_wait3A_91 = tpu.memref_slice %arg3[%add3A_88] : memref<100352xf32, #tpu.memory_space<hbm>> -> memref<3136xf32, #tpu.memory_space<hbm>>
      %dma_wait3A_92 = tpu.memref_slice %arg3[%add3A_88] : memref<100352xf32, #tpu.memory_space<hbm>> -> memref<3136xf32, #tpu.memory_space<hbm>>
      tpu.wait_dma2 semaphore(%run_scoped3A : memref<!tpu.dma_semaphore, #tpu.memory_space<semaphore_mem>>) src(%arg6 : memref<3136xf32, #tpu.memory_space<vmem>>) dst(%dma_wait3A_92 : memref<3136xf32, #tpu.memory_space<hbm>>)
      tpu.yield
    }) : () -> ()
    return
  }
}

#map = affine_map<(d0, d1) -> (0, 0)>
#map1 = affine_map<(d0, d1) -> (0)>
module attributes {stable_mosaic.version = 14 : i64} {
  func.func @_pair_gather_kernel(%arg0: i32, %arg1: i32, %arg2: memref<50000x64xf32, #tpu.memory_space<hbm>>, %arg3: memref<131200xi32, #tpu.memory_space<hbm>>, %arg4: memref<65536x64xf32, #tpu.memory_space<hbm>>, %arg5: memref<65536x64xf32, #tpu.memory_space<hbm>>, %arg6: memref<2x128xi32, #tpu.memory_space<vmem>>, %arg7: memref<2x128xi32, #tpu.memory_space<vmem>>, %arg8: memref<128x64xf32, #tpu.memory_space<vmem>>, %arg9: memref<128x64xf32, #tpu.memory_space<vmem>>, %arg10: memref<!tpu.dma_semaphore, #tpu.memory_space<semaphore_mem>>, %arg11: memref<!tpu.dma_semaphore, #tpu.memory_space<semaphore_mem>>) attributes {dimension_semantics = [#tpu.dimension_semantics<core_parallel>, #tpu.dimension_semantics<subcore_parallel>], iteration_bounds = array<i64: 2, 16>, scalar_prefetch = 0 : i64, scratch_operands = 6 : i64, tpu.core_type = #tpu.core_type<sc_vector_subcore>, window_params = [{transform_indices = #map}, {transform_indices = #map1}, {transform_indices = #map}, {transform_indices = #map}]} {
    %mul3A = arith.constant 16 : i32
    %mul3A_0 = arith.muli %arg0, %mul3A : i32
    %add3A = arith.addi %mul3A_0, %arg1 : i32
    %mul3A_1 = arith.constant 16 : i32
    %mul3A_2 = arith.muli %add3A, %mul3A_1 : i32
    %add3A_3 = arith.constant 0 : i32
    %add3A_4 = arith.addi %mul3A_2, %add3A_3 : i32
    %mul3A_5 = arith.constant 128 : i32
    %mul3A_6 = arith.muli %add3A_4, %mul3A_5 : i32
    %multiple_of3A = tpu.assume_multiple %mul3A_6, 8 : i32
    %dma_start3A = arith.constant 0 : i32
    %dma_start3A_7 = arith.constant 0 : i32
    %dma_start3A_8 = tpu.memref_slice %arg6[%dma_start3A, %dma_start3A_7] : memref<2x128xi32, #tpu.memory_space<vmem>> -> memref<1x128xi32, #tpu.memory_space<vmem>>
    %dma_start3A_9 = tpu.memref_squeeze %dma_start3A_8 : memref<1x128xi32, #tpu.memory_space<vmem>> -> memref<128xi32, #tpu.memory_space<vmem>>
    %dma_start3A_10 = tpu.memref_slice %arg3[%multiple_of3A] : memref<131200xi32, #tpu.memory_space<hbm>> -> memref<128xi32, #tpu.memory_space<hbm>>
    %dma_start3A_11 = arith.constant 0 : i32
    %dma_start3A_12 = tpu.memref_slice %arg6[%dma_start3A, %dma_start3A_11] : memref<2x128xi32, #tpu.memory_space<vmem>> -> memref<1x128xi32, #tpu.memory_space<vmem>>
    %dma_start3A_13 = tpu.memref_squeeze %dma_start3A_12 : memref<1x128xi32, #tpu.memory_space<vmem>> -> memref<128xi32, #tpu.memory_space<vmem>>
    %dma_start3A_14 = tpu.memref_slice %arg3[%multiple_of3A] : memref<131200xi32, #tpu.memory_space<hbm>> -> memref<128xi32, #tpu.memory_space<hbm>>
    tpu.enqueue_dma source(%dma_start3A_14 : memref<128xi32, #tpu.memory_space<hbm>>) target(%dma_start3A_13 : memref<128xi32, #tpu.memory_space<vmem>>) target_semaphore(%arg11 : memref<!tpu.dma_semaphore, #tpu.memory_space<semaphore_mem>>)
    %add3A_15 = arith.constant 65536 : i32
    %add3A_16 = arith.addi %add3A_15, %multiple_of3A : i32
    %dma_start3A_17 = arith.constant 0 : i32
    %dma_start3A_18 = arith.constant 0 : i32
    %dma_start3A_19 = tpu.memref_slice %arg7[%dma_start3A_17, %dma_start3A_18] : memref<2x128xi32, #tpu.memory_space<vmem>> -> memref<1x128xi32, #tpu.memory_space<vmem>>
    %dma_start3A_20 = tpu.memref_squeeze %dma_start3A_19 : memref<1x128xi32, #tpu.memory_space<vmem>> -> memref<128xi32, #tpu.memory_space<vmem>>
    %dma_start3A_21 = tpu.memref_slice %arg3[%add3A_16] : memref<131200xi32, #tpu.memory_space<hbm>> -> memref<128xi32, #tpu.memory_space<hbm>>
    %dma_start3A_22 = arith.constant 0 : i32
    %dma_start3A_23 = tpu.memref_slice %arg7[%dma_start3A_17, %dma_start3A_22] : memref<2x128xi32, #tpu.memory_space<vmem>> -> memref<1x128xi32, #tpu.memory_space<vmem>>
    %dma_start3A_24 = tpu.memref_squeeze %dma_start3A_23 : memref<1x128xi32, #tpu.memory_space<vmem>> -> memref<128xi32, #tpu.memory_space<vmem>>
    %dma_start3A_25 = tpu.memref_slice %arg3[%add3A_16] : memref<131200xi32, #tpu.memory_space<hbm>> -> memref<128xi32, #tpu.memory_space<hbm>>
    tpu.enqueue_dma source(%dma_start3A_25 : memref<128xi32, #tpu.memory_space<hbm>>) target(%dma_start3A_24 : memref<128xi32, #tpu.memory_space<vmem>>) target_semaphore(%arg11 : memref<!tpu.dma_semaphore, #tpu.memory_space<semaphore_mem>>)
    %scan3A = arith.constant 0 : i32
    %scan3A_26 = arith.constant 0 : i32
    %scan3A_27 = arith.constant 8 : i32
    %scan3A_28 = arith.addi %scan3A_26, %scan3A_27 : i32
    %scan3A_29 = arith.constant 1 : i32
    scf.for %scan3A_57 = %scan3A_26 to %scan3A_28 step %scan3A_29  : i32 {
      %mul3A_58 = arith.constant 2 : i32
      %mul3A_59 = arith.muli %scan3A_57, %mul3A_58 : i32
      %add3A_60 = arith.constant 0 : i32
      %add3A_61 = arith.addi %mul3A_59, %add3A_60 : i32
      %mul3A_62 = arith.constant 16 : i32
      %mul3A_63 = arith.muli %add3A, %mul3A_62 : i32
      %add3A_64 = arith.addi %mul3A_63, %add3A_61 : i32
      %mul3A_65 = arith.constant 128 : i32
      %mul3A_66 = arith.muli %add3A_64, %mul3A_65 : i32
      %multiple_of3A_67 = tpu.assume_multiple %mul3A_66, 8 : i32
      %dma_wait3A_68 = arith.constant 0 : i32
      %dma_wait3A_69 = arith.constant 0 : i32
      %dma_wait3A_70 = tpu.memref_slice %arg6[%dma_wait3A_68, %dma_wait3A_69] : memref<2x128xi32, #tpu.memory_space<vmem>> -> memref<1x128xi32, #tpu.memory_space<vmem>>
      %dma_wait3A_71 = tpu.memref_squeeze %dma_wait3A_70 : memref<1x128xi32, #tpu.memory_space<vmem>> -> memref<128xi32, #tpu.memory_space<vmem>>
      %dma_wait3A_72 = tpu.memref_slice %arg3[%multiple_of3A_67] : memref<131200xi32, #tpu.memory_space<hbm>> -> memref<128xi32, #tpu.memory_space<hbm>>
      %dma_wait3A_73 = arith.constant 0 : i32
      %dma_wait3A_74 = tpu.memref_slice %arg6[%dma_wait3A_68, %dma_wait3A_73] : memref<2x128xi32, #tpu.memory_space<vmem>> -> memref<1x128xi32, #tpu.memory_space<vmem>>
      %dma_wait3A_75 = tpu.memref_squeeze %dma_wait3A_74 : memref<1x128xi32, #tpu.memory_space<vmem>> -> memref<128xi32, #tpu.memory_space<vmem>>
      %dma_wait3A_76 = tpu.memref_slice %arg3[%multiple_of3A_67] : memref<131200xi32, #tpu.memory_space<hbm>> -> memref<128xi32, #tpu.memory_space<hbm>>
      tpu.wait_dma2 semaphore(%arg11 : memref<!tpu.dma_semaphore, #tpu.memory_space<semaphore_mem>>) src(%dma_wait3A_76 : memref<128xi32, #tpu.memory_space<hbm>>) dst(%dma_wait3A_75 : memref<128xi32, #tpu.memory_space<vmem>>)
      %add3A_77 = arith.constant 65536 : i32
      %add3A_78 = arith.addi %add3A_77, %multiple_of3A_67 : i32
      %dma_wait3A_79 = arith.constant 0 : i32
      %dma_wait3A_80 = arith.constant 0 : i32
      %dma_wait3A_81 = tpu.memref_slice %arg7[%dma_wait3A_79, %dma_wait3A_80] : memref<2x128xi32, #tpu.memory_space<vmem>> -> memref<1x128xi32, #tpu.memory_space<vmem>>
      %dma_wait3A_82 = tpu.memref_squeeze %dma_wait3A_81 : memref<1x128xi32, #tpu.memory_space<vmem>> -> memref<128xi32, #tpu.memory_space<vmem>>
      %dma_wait3A_83 = tpu.memref_slice %arg3[%add3A_78] : memref<131200xi32, #tpu.memory_space<hbm>> -> memref<128xi32, #tpu.memory_space<hbm>>
      %dma_wait3A_84 = arith.constant 0 : i32
      %dma_wait3A_85 = tpu.memref_slice %arg7[%dma_wait3A_79, %dma_wait3A_84] : memref<2x128xi32, #tpu.memory_space<vmem>> -> memref<1x128xi32, #tpu.memory_space<vmem>>
      %dma_wait3A_86 = tpu.memref_squeeze %dma_wait3A_85 : memref<1x128xi32, #tpu.memory_space<vmem>> -> memref<128xi32, #tpu.memory_space<vmem>>
      %dma_wait3A_87 = tpu.memref_slice %arg3[%add3A_78] : memref<131200xi32, #tpu.memory_space<hbm>> -> memref<128xi32, #tpu.memory_space<hbm>>
      tpu.wait_dma2 semaphore(%arg11 : memref<!tpu.dma_semaphore, #tpu.memory_space<semaphore_mem>>) src(%dma_wait3A_87 : memref<128xi32, #tpu.memory_space<hbm>>) dst(%dma_wait3A_86 : memref<128xi32, #tpu.memory_space<vmem>>)
      %add3A_88 = arith.constant 1 : i32
      %add3A_89 = arith.addi %add3A_61, %add3A_88 : i32
      %mul3A_90 = arith.constant 16 : i32
      %mul3A_91 = arith.muli %add3A, %mul3A_90 : i32
      %add3A_92 = arith.addi %mul3A_91, %add3A_89 : i32
      %mul3A_93 = arith.constant 128 : i32
      %mul3A_94 = arith.muli %add3A_92, %mul3A_93 : i32
      %multiple_of3A_95 = tpu.assume_multiple %mul3A_94, 8 : i32
      %dma_start3A_96 = arith.constant 1 : i32
      %dma_start3A_97 = arith.constant 0 : i32
      %dma_start3A_98 = tpu.memref_slice %arg6[%dma_start3A_96, %dma_start3A_97] : memref<2x128xi32, #tpu.memory_space<vmem>> -> memref<1x128xi32, #tpu.memory_space<vmem>>
      %dma_start3A_99 = tpu.memref_squeeze %dma_start3A_98 : memref<1x128xi32, #tpu.memory_space<vmem>> -> memref<128xi32, #tpu.memory_space<vmem>>
      %dma_start3A_100 = tpu.memref_slice %arg3[%multiple_of3A_95] : memref<131200xi32, #tpu.memory_space<hbm>> -> memref<128xi32, #tpu.memory_space<hbm>>
      %dma_start3A_101 = arith.constant 0 : i32
      %dma_start3A_102 = tpu.memref_slice %arg6[%dma_start3A_96, %dma_start3A_101] : memref<2x128xi32, #tpu.memory_space<vmem>> -> memref<1x128xi32, #tpu.memory_space<vmem>>
      %dma_start3A_103 = tpu.memref_squeeze %dma_start3A_102 : memref<1x128xi32, #tpu.memory_space<vmem>> -> memref<128xi32, #tpu.memory_space<vmem>>
      %dma_start3A_104 = tpu.memref_slice %arg3[%multiple_of3A_95] : memref<131200xi32, #tpu.memory_space<hbm>> -> memref<128xi32, #tpu.memory_space<hbm>>
      tpu.enqueue_dma source(%dma_start3A_104 : memref<128xi32, #tpu.memory_space<hbm>>) target(%dma_start3A_103 : memref<128xi32, #tpu.memory_space<vmem>>) target_semaphore(%arg11 : memref<!tpu.dma_semaphore, #tpu.memory_space<semaphore_mem>>)
      %add3A_105 = arith.constant 65536 : i32
      %add3A_106 = arith.addi %add3A_105, %multiple_of3A_95 : i32
      %dma_start3A_107 = arith.constant 1 : i32
      %dma_start3A_108 = arith.constant 0 : i32
      %dma_start3A_109 = tpu.memref_slice %arg7[%dma_start3A_107, %dma_start3A_108] : memref<2x128xi32, #tpu.memory_space<vmem>> -> memref<1x128xi32, #tpu.memory_space<vmem>>
      %dma_start3A_110 = tpu.memref_squeeze %dma_start3A_109 : memref<1x128xi32, #tpu.memory_space<vmem>> -> memref<128xi32, #tpu.memory_space<vmem>>
      %dma_start3A_111 = tpu.memref_slice %arg3[%add3A_106] : memref<131200xi32, #tpu.memory_space<hbm>> -> memref<128xi32, #tpu.memory_space<hbm>>
      %dma_start3A_112 = arith.constant 0 : i32
      %dma_start3A_113 = tpu.memref_slice %arg7[%dma_start3A_107, %dma_start3A_112] : memref<2x128xi32, #tpu.memory_space<vmem>> -> memref<1x128xi32, #tpu.memory_space<vmem>>
      %dma_start3A_114 = tpu.memref_squeeze %dma_start3A_113 : memref<1x128xi32, #tpu.memory_space<vmem>> -> memref<128xi32, #tpu.memory_space<vmem>>
      %dma_start3A_115 = tpu.memref_slice %arg3[%add3A_106] : memref<131200xi32, #tpu.memory_space<hbm>> -> memref<128xi32, #tpu.memory_space<hbm>>
      tpu.enqueue_dma source(%dma_start3A_115 : memref<128xi32, #tpu.memory_space<hbm>>) target(%dma_start3A_114 : memref<128xi32, #tpu.memory_space<vmem>>) target_semaphore(%arg11 : memref<!tpu.dma_semaphore, #tpu.memory_space<semaphore_mem>>)
      %mul3A_116 = arith.constant 16 : i32
      %mul3A_117 = arith.muli %add3A, %mul3A_116 : i32
      %add3A_118 = arith.addi %mul3A_117, %add3A_61 : i32
      %mul3A_119 = arith.constant 128 : i32
      %mul3A_120 = arith.muli %add3A_118, %mul3A_119 : i32
      %multiple_of3A_121 = tpu.assume_multiple %mul3A_120, 8 : i32
      %dma_start3A_122 = arith.constant 0 : i32
      %dma_start3A_123 = arith.constant 0 : i32
      %dma_start3A_124 = tpu.memref_slice %arg6[%dma_start3A_122, %dma_start3A_123] : memref<2x128xi32, #tpu.memory_space<vmem>> -> memref<1x128xi32, #tpu.memory_space<vmem>>
      %dma_start3A_125 = tpu.memref_squeeze %dma_start3A_124 : memref<1x128xi32, #tpu.memory_space<vmem>> -> memref<128xi32, #tpu.memory_space<vmem>>
      %dma_start3A_126 = arith.constant 0 : i32
      %dma_start3A_127 = arith.constant 0 : i32
      %dma_start3A_128 = tpu.memref_slice %arg2[%dma_start3A_126, %dma_start3A_127] : memref<50000x64xf32, #tpu.memory_space<hbm>> -> memref<50000x64xf32, #tpu.memory_space<hbm>>
      tpu.enqueue_indirect_dma source(%dma_start3A_128 : memref<50000x64xf32, #tpu.memory_space<hbm>>) target(%arg8 : memref<128x64xf32, #tpu.memory_space<vmem>>) offsets(%dma_start3A_125 : memref<128xi32, #tpu.memory_space<vmem>>) semaphore(%arg10 : memref<!tpu.dma_semaphore, #tpu.memory_space<semaphore_mem>>)
      %dma_start3A_129 = arith.constant 0 : i32
      %dma_start3A_130 = arith.constant 0 : i32
      %dma_start3A_131 = tpu.memref_slice %arg7[%dma_start3A_129, %dma_start3A_130] : memref<2x128xi32, #tpu.memory_space<vmem>> -> memref<1x128xi32, #tpu.memory_space<vmem>>
      %dma_start3A_132 = tpu.memref_squeeze %dma_start3A_131 : memref<1x128xi32, #tpu.memory_space<vmem>> -> memref<128xi32, #tpu.memory_space<vmem>>
      %dma_start3A_133 = arith.constant 0 : i32
      %dma_start3A_134 = arith.constant 0 : i32
      %dma_start3A_135 = tpu.memref_slice %arg2[%dma_start3A_133, %dma_start3A_134] : memref<50000x64xf32, #tpu.memory_space<hbm>> -> memref<50000x64xf32, #tpu.memory_space<hbm>>
      tpu.enqueue_indirect_dma source(%dma_start3A_135 : memref<50000x64xf32, #tpu.memory_space<hbm>>) target(%arg9 : memref<128x64xf32, #tpu.memory_space<vmem>>) offsets(%dma_start3A_132 : memref<128xi32, #tpu.memory_space<vmem>>) semaphore(%arg10 : memref<!tpu.dma_semaphore, #tpu.memory_space<semaphore_mem>>)
      %dma_wait3A_136 = arith.constant 0 : i32
      %dma_wait3A_137 = arith.constant 0 : i32
      %dma_wait3A_138 = tpu.memref_slice %arg6[%dma_wait3A_136, %dma_wait3A_137] : memref<2x128xi32, #tpu.memory_space<vmem>> -> memref<1x128xi32, #tpu.memory_space<vmem>>
      %dma_wait3A_139 = tpu.memref_squeeze %dma_wait3A_138 : memref<1x128xi32, #tpu.memory_space<vmem>> -> memref<128xi32, #tpu.memory_space<vmem>>
      %dma_wait3A_140 = arith.constant 0 : i32
      %dma_wait3A_141 = arith.constant 0 : i32
      %dma_wait3A_142 = tpu.memref_slice %arg2[%dma_wait3A_140, %dma_wait3A_141] : memref<50000x64xf32, #tpu.memory_space<hbm>> -> memref<50000x64xf32, #tpu.memory_space<hbm>>
      tpu.wait_indirect_dma semaphore(%arg10 : memref<!tpu.dma_semaphore, #tpu.memory_space<semaphore_mem>>) src(%dma_wait3A_142 : memref<50000x64xf32, #tpu.memory_space<hbm>>) dst(%arg8 : memref<128x64xf32, #tpu.memory_space<vmem>>)
      %dma_wait3A_143 = arith.constant 0 : i32
      %dma_wait3A_144 = arith.constant 0 : i32
      %dma_wait3A_145 = tpu.memref_slice %arg7[%dma_wait3A_143, %dma_wait3A_144] : memref<2x128xi32, #tpu.memory_space<vmem>> -> memref<1x128xi32, #tpu.memory_space<vmem>>
      %dma_wait3A_146 = tpu.memref_squeeze %dma_wait3A_145 : memref<1x128xi32, #tpu.memory_space<vmem>> -> memref<128xi32, #tpu.memory_space<vmem>>
      %dma_wait3A_147 = arith.constant 0 : i32
      %dma_wait3A_148 = arith.constant 0 : i32
      %dma_wait3A_149 = tpu.memref_slice %arg2[%dma_wait3A_147, %dma_wait3A_148] : memref<50000x64xf32, #tpu.memory_space<hbm>> -> memref<50000x64xf32, #tpu.memory_space<hbm>>
      tpu.wait_indirect_dma semaphore(%arg10 : memref<!tpu.dma_semaphore, #tpu.memory_space<semaphore_mem>>) src(%dma_wait3A_149 : memref<50000x64xf32, #tpu.memory_space<hbm>>) dst(%arg9 : memref<128x64xf32, #tpu.memory_space<vmem>>)
      %dma_start3A_150 = arith.constant 0 : i32
      %dma_start3A_151 = tpu.memref_slice %arg4[%multiple_of3A_121, %dma_start3A_150] : memref<65536x64xf32, #tpu.memory_space<hbm>> -> memref<128x64xf32, #tpu.memory_space<hbm>>
      %dma_start3A_152 = arith.constant 0 : i32
      %dma_start3A_153 = tpu.memref_slice %arg4[%multiple_of3A_121, %dma_start3A_152] : memref<65536x64xf32, #tpu.memory_space<hbm>> -> memref<128x64xf32, #tpu.memory_space<hbm>>
      tpu.enqueue_dma source(%arg8 : memref<128x64xf32, #tpu.memory_space<vmem>>) target(%dma_start3A_153 : memref<128x64xf32, #tpu.memory_space<hbm>>) target_semaphore(%arg11 : memref<!tpu.dma_semaphore, #tpu.memory_space<semaphore_mem>>)
      %dma_start3A_154 = arith.constant 0 : i32
      %dma_start3A_155 = tpu.memref_slice %arg5[%multiple_of3A_121, %dma_start3A_154] : memref<65536x64xf32, #tpu.memory_space<hbm>> -> memref<128x64xf32, #tpu.memory_space<hbm>>
      %dma_start3A_156 = arith.constant 0 : i32
      %dma_start3A_157 = tpu.memref_slice %arg5[%multiple_of3A_121, %dma_start3A_156] : memref<65536x64xf32, #tpu.memory_space<hbm>> -> memref<128x64xf32, #tpu.memory_space<hbm>>
      tpu.enqueue_dma source(%arg9 : memref<128x64xf32, #tpu.memory_space<vmem>>) target(%dma_start3A_157 : memref<128x64xf32, #tpu.memory_space<hbm>>) target_semaphore(%arg11 : memref<!tpu.dma_semaphore, #tpu.memory_space<semaphore_mem>>)
      %dma_wait3A_158 = arith.constant 0 : i32
      %dma_wait3A_159 = tpu.memref_slice %arg4[%multiple_of3A_121, %dma_wait3A_158] : memref<65536x64xf32, #tpu.memory_space<hbm>> -> memref<128x64xf32, #tpu.memory_space<hbm>>
      %dma_wait3A_160 = arith.constant 0 : i32
      %dma_wait3A_161 = tpu.memref_slice %arg4[%multiple_of3A_121, %dma_wait3A_160] : memref<65536x64xf32, #tpu.memory_space<hbm>> -> memref<128x64xf32, #tpu.memory_space<hbm>>
      tpu.wait_dma2 semaphore(%arg11 : memref<!tpu.dma_semaphore, #tpu.memory_space<semaphore_mem>>) src(%arg8 : memref<128x64xf32, #tpu.memory_space<vmem>>) dst(%dma_wait3A_161 : memref<128x64xf32, #tpu.memory_space<hbm>>)
      %dma_wait3A_162 = arith.constant 0 : i32
      %dma_wait3A_163 = tpu.memref_slice %arg5[%multiple_of3A_121, %dma_wait3A_162] : memref<65536x64xf32, #tpu.memory_space<hbm>> -> memref<128x64xf32, #tpu.memory_space<hbm>>
      %dma_wait3A_164 = arith.constant 0 : i32
      %dma_wait3A_165 = tpu.memref_slice %arg5[%multiple_of3A_121, %dma_wait3A_164] : memref<65536x64xf32, #tpu.memory_space<hbm>> -> memref<128x64xf32, #tpu.memory_space<hbm>>
      tpu.wait_dma2 semaphore(%arg11 : memref<!tpu.dma_semaphore, #tpu.memory_space<semaphore_mem>>) src(%arg9 : memref<128x64xf32, #tpu.memory_space<vmem>>) dst(%dma_wait3A_165 : memref<128x64xf32, #tpu.memory_space<hbm>>)
      %mul3A_166 = arith.constant 2 : i32
      %mul3A_167 = arith.muli %scan3A_57, %mul3A_166 : i32
      %add3A_168 = arith.constant 1 : i32
      %add3A_169 = arith.addi %mul3A_167, %add3A_168 : i32
      %mul3A_170 = arith.constant 16 : i32
      %mul3A_171 = arith.muli %add3A, %mul3A_170 : i32
      %add3A_172 = arith.addi %mul3A_171, %add3A_169 : i32
      %mul3A_173 = arith.constant 128 : i32
      %mul3A_174 = arith.muli %add3A_172, %mul3A_173 : i32
      %multiple_of3A_175 = tpu.assume_multiple %mul3A_174, 8 : i32
      %dma_wait3A_176 = arith.constant 1 : i32
      %dma_wait3A_177 = arith.constant 0 : i32
      %dma_wait3A_178 = tpu.memref_slice %arg6[%dma_wait3A_176, %dma_wait3A_177] : memref<2x128xi32, #tpu.memory_space<vmem>> -> memref<1x128xi32, #tpu.memory_space<vmem>>
      %dma_wait3A_179 = tpu.memref_squeeze %dma_wait3A_178 : memref<1x128xi32, #tpu.memory_space<vmem>> -> memref<128xi32, #tpu.memory_space<vmem>>
      %dma_wait3A_180 = tpu.memref_slice %arg3[%multiple_of3A_175] : memref<131200xi32, #tpu.memory_space<hbm>> -> memref<128xi32, #tpu.memory_space<hbm>>
      %dma_wait3A_181 = arith.constant 0 : i32
      %dma_wait3A_182 = tpu.memref_slice %arg6[%dma_wait3A_176, %dma_wait3A_181] : memref<2x128xi32, #tpu.memory_space<vmem>> -> memref<1x128xi32, #tpu.memory_space<vmem>>
      %dma_wait3A_183 = tpu.memref_squeeze %dma_wait3A_182 : memref<1x128xi32, #tpu.memory_space<vmem>> -> memref<128xi32, #tpu.memory_space<vmem>>
      %dma_wait3A_184 = tpu.memref_slice %arg3[%multiple_of3A_175] : memref<131200xi32, #tpu.memory_space<hbm>> -> memref<128xi32, #tpu.memory_space<hbm>>
      tpu.wait_dma2 semaphore(%arg11 : memref<!tpu.dma_semaphore, #tpu.memory_space<semaphore_mem>>) src(%dma_wait3A_184 : memref<128xi32, #tpu.memory_space<hbm>>) dst(%dma_wait3A_183 : memref<128xi32, #tpu.memory_space<vmem>>)
      %add3A_185 = arith.constant 65536 : i32
      %add3A_186 = arith.addi %add3A_185, %multiple_of3A_175 : i32
      %dma_wait3A_187 = arith.constant 1 : i32
      %dma_wait3A_188 = arith.constant 0 : i32
      %dma_wait3A_189 = tpu.memref_slice %arg7[%dma_wait3A_187, %dma_wait3A_188] : memref<2x128xi32, #tpu.memory_space<vmem>> -> memref<1x128xi32, #tpu.memory_space<vmem>>
      %dma_wait3A_190 = tpu.memref_squeeze %dma_wait3A_189 : memref<1x128xi32, #tpu.memory_space<vmem>> -> memref<128xi32, #tpu.memory_space<vmem>>
      %dma_wait3A_191 = tpu.memref_slice %arg3[%add3A_186] : memref<131200xi32, #tpu.memory_space<hbm>> -> memref<128xi32, #tpu.memory_space<hbm>>
      %dma_wait3A_192 = arith.constant 0 : i32
      %dma_wait3A_193 = tpu.memref_slice %arg7[%dma_wait3A_187, %dma_wait3A_192] : memref<2x128xi32, #tpu.memory_space<vmem>> -> memref<1x128xi32, #tpu.memory_space<vmem>>
      %dma_wait3A_194 = tpu.memref_squeeze %dma_wait3A_193 : memref<1x128xi32, #tpu.memory_space<vmem>> -> memref<128xi32, #tpu.memory_space<vmem>>
      %dma_wait3A_195 = tpu.memref_slice %arg3[%add3A_186] : memref<131200xi32, #tpu.memory_space<hbm>> -> memref<128xi32, #tpu.memory_space<hbm>>
      tpu.wait_dma2 semaphore(%arg11 : memref<!tpu.dma_semaphore, #tpu.memory_space<semaphore_mem>>) src(%dma_wait3A_195 : memref<128xi32, #tpu.memory_space<hbm>>) dst(%dma_wait3A_194 : memref<128xi32, #tpu.memory_space<vmem>>)
      %add3A_196 = arith.constant 1 : i32
      %add3A_197 = arith.addi %add3A_169, %add3A_196 : i32
      %mul3A_198 = arith.constant 16 : i32
      %mul3A_199 = arith.muli %add3A, %mul3A_198 : i32
      %add3A_200 = arith.addi %mul3A_199, %add3A_197 : i32
      %mul3A_201 = arith.constant 128 : i32
      %mul3A_202 = arith.muli %add3A_200, %mul3A_201 : i32
      %multiple_of3A_203 = tpu.assume_multiple %mul3A_202, 8 : i32
      %dma_start3A_204 = arith.constant 0 : i32
      %dma_start3A_205 = arith.constant 0 : i32
      %dma_start3A_206 = tpu.memref_slice %arg6[%dma_start3A_204, %dma_start3A_205] : memref<2x128xi32, #tpu.memory_space<vmem>> -> memref<1x128xi32, #tpu.memory_space<vmem>>
      %dma_start3A_207 = tpu.memref_squeeze %dma_start3A_206 : memref<1x128xi32, #tpu.memory_space<vmem>> -> memref<128xi32, #tpu.memory_space<vmem>>
      %dma_start3A_208 = tpu.memref_slice %arg3[%multiple_of3A_203] : memref<131200xi32, #tpu.memory_space<hbm>> -> memref<128xi32, #tpu.memory_space<hbm>>
      %dma_start3A_209 = arith.constant 0 : i32
      %dma_start3A_210 = tpu.memref_slice %arg6[%dma_start3A_204, %dma_start3A_209] : memref<2x128xi32, #tpu.memory_space<vmem>> -> memref<1x128xi32, #tpu.memory_space<vmem>>
      %dma_start3A_211 = tpu.memref_squeeze %dma_start3A_210 : memref<1x128xi32, #tpu.memory_space<vmem>> -> memref<128xi32, #tpu.memory_space<vmem>>
      %dma_start3A_212 = tpu.memref_slice %arg3[%multiple_of3A_203] : memref<131200xi32, #tpu.memory_space<hbm>> -> memref<128xi32, #tpu.memory_space<hbm>>
      tpu.enqueue_dma source(%dma_start3A_212 : memref<128xi32, #tpu.memory_space<hbm>>) target(%dma_start3A_211 : memref<128xi32, #tpu.memory_space<vmem>>) target_semaphore(%arg11 : memref<!tpu.dma_semaphore, #tpu.memory_space<semaphore_mem>>)
      %add3A_213 = arith.constant 65536 : i32
      %add3A_214 = arith.addi %add3A_213, %multiple_of3A_203 : i32
      %dma_start3A_215 = arith.constant 0 : i32
      %dma_start3A_216 = arith.constant 0 : i32
      %dma_start3A_217 = tpu.memref_slice %arg7[%dma_start3A_215, %dma_start3A_216] : memref<2x128xi32, #tpu.memory_space<vmem>> -> memref<1x128xi32, #tpu.memory_space<vmem>>
      %dma_start3A_218 = tpu.memref_squeeze %dma_start3A_217 : memref<1x128xi32, #tpu.memory_space<vmem>> -> memref<128xi32, #tpu.memory_space<vmem>>
      %dma_start3A_219 = tpu.memref_slice %arg3[%add3A_214] : memref<131200xi32, #tpu.memory_space<hbm>> -> memref<128xi32, #tpu.memory_space<hbm>>
      %dma_start3A_220 = arith.constant 0 : i32
      %dma_start3A_221 = tpu.memref_slice %arg7[%dma_start3A_215, %dma_start3A_220] : memref<2x128xi32, #tpu.memory_space<vmem>> -> memref<1x128xi32, #tpu.memory_space<vmem>>
      %dma_start3A_222 = tpu.memref_squeeze %dma_start3A_221 : memref<1x128xi32, #tpu.memory_space<vmem>> -> memref<128xi32, #tpu.memory_space<vmem>>
      %dma_start3A_223 = tpu.memref_slice %arg3[%add3A_214] : memref<131200xi32, #tpu.memory_space<hbm>> -> memref<128xi32, #tpu.memory_space<hbm>>
      tpu.enqueue_dma source(%dma_start3A_223 : memref<128xi32, #tpu.memory_space<hbm>>) target(%dma_start3A_222 : memref<128xi32, #tpu.memory_space<vmem>>) target_semaphore(%arg11 : memref<!tpu.dma_semaphore, #tpu.memory_space<semaphore_mem>>)
      %mul3A_224 = arith.constant 16 : i32
      %mul3A_225 = arith.muli %add3A, %mul3A_224 : i32
      %add3A_226 = arith.addi %mul3A_225, %add3A_169 : i32
      %mul3A_227 = arith.constant 128 : i32
      %mul3A_228 = arith.muli %add3A_226, %mul3A_227 : i32
      %multiple_of3A_229 = tpu.assume_multiple %mul3A_228, 8 : i32
      %dma_start3A_230 = arith.constant 1 : i32
      %dma_start3A_231 = arith.constant 0 : i32
      %dma_start3A_232 = tpu.memref_slice %arg6[%dma_start3A_230, %dma_start3A_231] : memref<2x128xi32, #tpu.memory_space<vmem>> -> memref<1x128xi32, #tpu.memory_space<vmem>>
      %dma_start3A_233 = tpu.memref_squeeze %dma_start3A_232 : memref<1x128xi32, #tpu.memory_space<vmem>> -> memref<128xi32, #tpu.memory_space<vmem>>
      %dma_start3A_234 = arith.constant 0 : i32
      %dma_start3A_235 = arith.constant 0 : i32
      %dma_start3A_236 = tpu.memref_slice %arg2[%dma_start3A_234, %dma_start3A_235] : memref<50000x64xf32, #tpu.memory_space<hbm>> -> memref<50000x64xf32, #tpu.memory_space<hbm>>
      tpu.enqueue_indirect_dma source(%dma_start3A_236 : memref<50000x64xf32, #tpu.memory_space<hbm>>) target(%arg8 : memref<128x64xf32, #tpu.memory_space<vmem>>) offsets(%dma_start3A_233 : memref<128xi32, #tpu.memory_space<vmem>>) semaphore(%arg10 : memref<!tpu.dma_semaphore, #tpu.memory_space<semaphore_mem>>)
      %dma_start3A_237 = arith.constant 1 : i32
      %dma_start3A_238 = arith.constant 0 : i32
      %dma_start3A_239 = tpu.memref_slice %arg7[%dma_start3A_237, %dma_start3A_238] : memref<2x128xi32, #tpu.memory_space<vmem>> -> memref<1x128xi32, #tpu.memory_space<vmem>>
      %dma_start3A_240 = tpu.memref_squeeze %dma_start3A_239 : memref<1x128xi32, #tpu.memory_space<vmem>> -> memref<128xi32, #tpu.memory_space<vmem>>
      %dma_start3A_241 = arith.constant 0 : i32
      %dma_start3A_242 = arith.constant 0 : i32
      %dma_start3A_243 = tpu.memref_slice %arg2[%dma_start3A_241, %dma_start3A_242] : memref<50000x64xf32, #tpu.memory_space<hbm>> -> memref<50000x64xf32, #tpu.memory_space<hbm>>
      tpu.enqueue_indirect_dma source(%dma_start3A_243 : memref<50000x64xf32, #tpu.memory_space<hbm>>) target(%arg9 : memref<128x64xf32, #tpu.memory_space<vmem>>) offsets(%dma_start3A_240 : memref<128xi32, #tpu.memory_space<vmem>>) semaphore(%arg10 : memref<!tpu.dma_semaphore, #tpu.memory_space<semaphore_mem>>)
      %dma_wait3A_244 = arith.constant 1 : i32
      %dma_wait3A_245 = arith.constant 0 : i32
      %dma_wait3A_246 = tpu.memref_slice %arg6[%dma_wait3A_244, %dma_wait3A_245] : memref<2x128xi32, #tpu.memory_space<vmem>> -> memref<1x128xi32, #tpu.memory_space<vmem>>
      %dma_wait3A_247 = tpu.memref_squeeze %dma_wait3A_246 : memref<1x128xi32, #tpu.memory_space<vmem>> -> memref<128xi32, #tpu.memory_space<vmem>>
      %dma_wait3A_248 = arith.constant 0 : i32
      %dma_wait3A_249 = arith.constant 0 : i32
      %dma_wait3A_250 = tpu.memref_slice %arg2[%dma_wait3A_248, %dma_wait3A_249] : memref<50000x64xf32, #tpu.memory_space<hbm>> -> memref<50000x64xf32, #tpu.memory_space<hbm>>
      tpu.wait_indirect_dma semaphore(%arg10 : memref<!tpu.dma_semaphore, #tpu.memory_space<semaphore_mem>>) src(%dma_wait3A_250 : memref<50000x64xf32, #tpu.memory_space<hbm>>) dst(%arg8 : memref<128x64xf32, #tpu.memory_space<vmem>>)
      %dma_wait3A_251 = arith.constant 1 : i32
      %dma_wait3A_252 = arith.constant 0 : i32
      %dma_wait3A_253 = tpu.memref_slice %arg7[%dma_wait3A_251, %dma_wait3A_252] : memref<2x128xi32, #tpu.memory_space<vmem>> -> memref<1x128xi32, #tpu.memory_space<vmem>>
      %dma_wait3A_254 = tpu.memref_squeeze %dma_wait3A_253 : memref<1x128xi32, #tpu.memory_space<vmem>> -> memref<128xi32, #tpu.memory_space<vmem>>
      %dma_wait3A_255 = arith.constant 0 : i32
      %dma_wait3A_256 = arith.constant 0 : i32
      %dma_wait3A_257 = tpu.memref_slice %arg2[%dma_wait3A_255, %dma_wait3A_256] : memref<50000x64xf32, #tpu.memory_space<hbm>> -> memref<50000x64xf32, #tpu.memory_space<hbm>>
      tpu.wait_indirect_dma semaphore(%arg10 : memref<!tpu.dma_semaphore, #tpu.memory_space<semaphore_mem>>) src(%dma_wait3A_257 : memref<50000x64xf32, #tpu.memory_space<hbm>>) dst(%arg9 : memref<128x64xf32, #tpu.memory_space<vmem>>)
      %dma_start3A_258 = arith.constant 0 : i32
      %dma_start3A_259 = tpu.memref_slice %arg4[%multiple_of3A_229, %dma_start3A_258] : memref<65536x64xf32, #tpu.memory_space<hbm>> -> memref<128x64xf32, #tpu.memory_space<hbm>>
      %dma_start3A_260 = arith.constant 0 : i32
      %dma_start3A_261 = tpu.memref_slice %arg4[%multiple_of3A_229, %dma_start3A_260] : memref<65536x64xf32, #tpu.memory_space<hbm>> -> memref<128x64xf32, #tpu.memory_space<hbm>>
      tpu.enqueue_dma source(%arg8 : memref<128x64xf32, #tpu.memory_space<vmem>>) target(%dma_start3A_261 : memref<128x64xf32, #tpu.memory_space<hbm>>) target_semaphore(%arg11 : memref<!tpu.dma_semaphore, #tpu.memory_space<semaphore_mem>>)
      %dma_start3A_262 = arith.constant 0 : i32
      %dma_start3A_263 = tpu.memref_slice %arg5[%multiple_of3A_229, %dma_start3A_262] : memref<65536x64xf32, #tpu.memory_space<hbm>> -> memref<128x64xf32, #tpu.memory_space<hbm>>
      %dma_start3A_264 = arith.constant 0 : i32
      %dma_start3A_265 = tpu.memref_slice %arg5[%multiple_of3A_229, %dma_start3A_264] : memref<65536x64xf32, #tpu.memory_space<hbm>> -> memref<128x64xf32, #tpu.memory_space<hbm>>
      tpu.enqueue_dma source(%arg9 : memref<128x64xf32, #tpu.memory_space<vmem>>) target(%dma_start3A_265 : memref<128x64xf32, #tpu.memory_space<hbm>>) target_semaphore(%arg11 : memref<!tpu.dma_semaphore, #tpu.memory_space<semaphore_mem>>)
      %dma_wait3A_266 = arith.constant 0 : i32
      %dma_wait3A_267 = tpu.memref_slice %arg4[%multiple_of3A_229, %dma_wait3A_266] : memref<65536x64xf32, #tpu.memory_space<hbm>> -> memref<128x64xf32, #tpu.memory_space<hbm>>
      %dma_wait3A_268 = arith.constant 0 : i32
      %dma_wait3A_269 = tpu.memref_slice %arg4[%multiple_of3A_229, %dma_wait3A_268] : memref<65536x64xf32, #tpu.memory_space<hbm>> -> memref<128x64xf32, #tpu.memory_space<hbm>>
      tpu.wait_dma2 semaphore(%arg11 : memref<!tpu.dma_semaphore, #tpu.memory_space<semaphore_mem>>) src(%arg8 : memref<128x64xf32, #tpu.memory_space<vmem>>) dst(%dma_wait3A_269 : memref<128x64xf32, #tpu.memory_space<hbm>>)
      %dma_wait3A_270 = arith.constant 0 : i32
      %dma_wait3A_271 = tpu.memref_slice %arg5[%multiple_of3A_229, %dma_wait3A_270] : memref<65536x64xf32, #tpu.memory_space<hbm>> -> memref<128x64xf32, #tpu.memory_space<hbm>>
      %dma_wait3A_272 = arith.constant 0 : i32
      %dma_wait3A_273 = tpu.memref_slice %arg5[%multiple_of3A_229, %dma_wait3A_272] : memref<65536x64xf32, #tpu.memory_space<hbm>> -> memref<128x64xf32, #tpu.memory_space<hbm>>
      tpu.wait_dma2 semaphore(%arg11 : memref<!tpu.dma_semaphore, #tpu.memory_space<semaphore_mem>>) src(%arg9 : memref<128x64xf32, #tpu.memory_space<vmem>>) dst(%dma_wait3A_273 : memref<128x64xf32, #tpu.memory_space<hbm>>)
    }
    %scan3A_30 = arith.constant 8 : i32
    %mul3A_31 = arith.constant 16 : i32
    %mul3A_32 = arith.muli %add3A, %mul3A_31 : i32
    %add3A_33 = arith.constant 16 : i32
    %add3A_34 = arith.addi %mul3A_32, %add3A_33 : i32
    %mul3A_35 = arith.constant 128 : i32
    %mul3A_36 = arith.muli %add3A_34, %mul3A_35 : i32
    %multiple_of3A_37 = tpu.assume_multiple %mul3A_36, 8 : i32
    %dma_wait3A = arith.constant 0 : i32
    %dma_wait3A_38 = arith.constant 0 : i32
    %dma_wait3A_39 = tpu.memref_slice %arg6[%dma_wait3A, %dma_wait3A_38] : memref<2x128xi32, #tpu.memory_space<vmem>> -> memref<1x128xi32, #tpu.memory_space<vmem>>
    %dma_wait3A_40 = tpu.memref_squeeze %dma_wait3A_39 : memref<1x128xi32, #tpu.memory_space<vmem>> -> memref<128xi32, #tpu.memory_space<vmem>>
    %dma_wait3A_41 = tpu.memref_slice %arg3[%multiple_of3A_37] : memref<131200xi32, #tpu.memory_space<hbm>> -> memref<128xi32, #tpu.memory_space<hbm>>
    %dma_wait3A_42 = arith.constant 0 : i32
    %dma_wait3A_43 = tpu.memref_slice %arg6[%dma_wait3A, %dma_wait3A_42] : memref<2x128xi32, #tpu.memory_space<vmem>> -> memref<1x128xi32, #tpu.memory_space<vmem>>
    %dma_wait3A_44 = tpu.memref_squeeze %dma_wait3A_43 : memref<1x128xi32, #tpu.memory_space<vmem>> -> memref<128xi32, #tpu.memory_space<vmem>>
    %dma_wait3A_45 = tpu.memref_slice %arg3[%multiple_of3A_37] : memref<131200xi32, #tpu.memory_space<hbm>> -> memref<128xi32, #tpu.memory_space<hbm>>
    tpu.wait_dma2 semaphore(%arg11 : memref<!tpu.dma_semaphore, #tpu.memory_space<semaphore_mem>>) src(%dma_wait3A_45 : memref<128xi32, #tpu.memory_space<hbm>>) dst(%dma_wait3A_44 : memref<128xi32, #tpu.memory_space<vmem>>)
    %add3A_46 = arith.constant 65536 : i32
    %add3A_47 = arith.addi %add3A_46, %multiple_of3A_37 : i32
    %dma_wait3A_48 = arith.constant 0 : i32
    %dma_wait3A_49 = arith.constant 0 : i32
    %dma_wait3A_50 = tpu.memref_slice %arg7[%dma_wait3A_48, %dma_wait3A_49] : memref<2x128xi32, #tpu.memory_space<vmem>> -> memref<1x128xi32, #tpu.memory_space<vmem>>
    %dma_wait3A_51 = tpu.memref_squeeze %dma_wait3A_50 : memref<1x128xi32, #tpu.memory_space<vmem>> -> memref<128xi32, #tpu.memory_space<vmem>>
    %dma_wait3A_52 = tpu.memref_slice %arg3[%add3A_47] : memref<131200xi32, #tpu.memory_space<hbm>> -> memref<128xi32, #tpu.memory_space<hbm>>
    %dma_wait3A_53 = arith.constant 0 : i32
    %dma_wait3A_54 = tpu.memref_slice %arg7[%dma_wait3A_48, %dma_wait3A_53] : memref<2x128xi32, #tpu.memory_space<vmem>> -> memref<1x128xi32, #tpu.memory_space<vmem>>
    %dma_wait3A_55 = tpu.memref_squeeze %dma_wait3A_54 : memref<1x128xi32, #tpu.memory_space<vmem>> -> memref<128xi32, #tpu.memory_space<vmem>>
    %dma_wait3A_56 = tpu.memref_slice %arg3[%add3A_47] : memref<131200xi32, #tpu.memory_space<hbm>> -> memref<128xi32, #tpu.memory_space<hbm>>
    tpu.wait_dma2 semaphore(%arg11 : memref<!tpu.dma_semaphore, #tpu.memory_space<semaphore_mem>>) src(%dma_wait3A_56 : memref<128xi32, #tpu.memory_space<hbm>>) dst(%dma_wait3A_55 : memref<128xi32, #tpu.memory_space<vmem>>)
    return
  }
}

#map = affine_map<(d0, d1) -> (0, 0)>
#map1 = affine_map<(d0, d1) -> (0, 0, 0)>
module attributes {stable_mosaic.version = 14 : i64} {
  func.func @_agg_kernel(%arg0: i32, %arg1: i32, %arg2: memref<100000x32xf32, #tpu.memory_space<hbm>>, %arg3: memref<2x6404x128xi32, #tpu.memory_space<hbm>>, %arg4: memref<6404x128xi32, #tpu.memory_space<hbm>>, %arg5: memref<2x50176x32xf32, #tpu.memory_space<hbm>>, %arg6: memref<2x4x128xi32, #tpu.memory_space<vmem>>, %arg7: memref<2x4x128xi32, #tpu.memory_space<vmem>>, %arg8: memref<512x32xf32, #tpu.memory_space<vmem>>, %arg9: memref<50176x32xf32, #tpu.memory_space<vmem_shared>>, %arg10: memref<!tpu.dma_semaphore, #tpu.memory_space<semaphore_mem>>, %arg11: memref<!tpu.dma_semaphore, #tpu.memory_space<semaphore_mem>>, %arg12: memref<!tpu.dma_semaphore, #tpu.memory_space<semaphore_mem>>) attributes {dimension_semantics = [#tpu.dimension_semantics<core_parallel>, #tpu.dimension_semantics<subcore_parallel>], iteration_bounds = array<i64: 2, 16>, scalar_prefetch = 0 : i64, scratch_operands = 7 : i64, tpu.core_type = #tpu.core_type<sc_vector_subcore>, window_params = [{transform_indices = #map}, {transform_indices = #map1}, {transform_indices = #map}, {transform_indices = #map1}]} {
    %broadcast_in_dim3A = arith.constant 0.000000e+00 : f32
    %broadcast_in_dim3A_0 = vector.broadcast %broadcast_in_dim3A : f32 to vector<16xf32>
    %scan3A = arith.constant 0 : i32
    %scan3A_1 = arith.constant 0 : i32
    %scan3A_2 = arith.constant 512 : i32
    %scan3A_3 = arith.addi %scan3A_1, %scan3A_2 : i32
    %scan3A_4 = arith.constant 1 : i32
    scf.for %scan3A_158 = %scan3A_1 to %scan3A_3 step %scan3A_4  : i32 {
      %swap3A = arith.index_cast %scan3A_158 : i32 to index
      %swap3A_159 = arith.constant 0 : index
      %swap3A_160 = tpu.vector_load %arg8[%swap3A, %swap3A_159] {strides = array<i32>} : memref<512x32xf32, #tpu.memory_space<vmem>>, vector<1x16xf32>,
      %swap3A_161 = vector.shape_cast %swap3A_160 : vector<1x16xf32> to vector<16xf32>
      %swap3A_162 = vector.shape_cast %broadcast_in_dim3A_0 : vector<16xf32> to vector<1x16xf32>
      tpu.vector_store %arg8[%swap3A, %swap3A_159], %swap3A_162 {strides = array<i32>} : memref<512x32xf32, #tpu.memory_space<vmem>>, vector<1x16xf32>,
      %swap3A_163 = arith.index_cast %scan3A_158 : i32 to index
      %swap3A_164 = arith.constant 16 : index
      %swap3A_165 = tpu.vector_load %arg8[%swap3A_163, %swap3A_164] {strides = array<i32>} : memref<512x32xf32, #tpu.memory_space<vmem>>, vector<1x16xf32>,
      %swap3A_166 = vector.shape_cast %swap3A_165 : vector<1x16xf32> to vector<16xf32>
      %swap3A_167 = vector.shape_cast %broadcast_in_dim3A_0 : vector<16xf32> to vector<1x16xf32>
      tpu.vector_store %arg8[%swap3A_163, %swap3A_164], %swap3A_167 {strides = array<i32>} : memref<512x32xf32, #tpu.memory_space<vmem>>, vector<1x16xf32>,
    }
    %scan3A_5 = arith.constant 512 : i32
    %mul3A = arith.constant 3136 : i32
    %mul3A_6 = arith.muli %arg1, %mul3A : i32
    %add3A = arith.constant 0 : i32
    %add3A_7 = arith.addi %mul3A_6, %add3A : i32
    "tpu.region"() ({
      %run_scoped3A = tpu.sem_alloc : memref<!tpu.dma_semaphore, #tpu.memory_space<semaphore_mem>>
      %dma_start3A_158 = arith.constant 0 : i32
      %dma_start3A_159 = arith.constant 0 : i32
      %dma_start3A_160 = tpu.memref_slice %arg8[%dma_start3A_158, %dma_start3A_159] : memref<512x32xf32, #tpu.memory_space<vmem>> -> memref<512x32xf32, #tpu.memory_space<vmem>>
      %dma_start3A_161 = arith.constant 0 : i32
      %dma_start3A_162 = tpu.memref_slice %arg9[%add3A_7, %dma_start3A_161] : memref<50176x32xf32, #tpu.memory_space<vmem_shared>> -> memref<512x32xf32, #tpu.memory_space<vmem_shared>>
      %dma_start3A_163 = arith.constant 0 : i32
      %dma_start3A_164 = tpu.memref_slice %arg9[%add3A_7, %dma_start3A_163] : memref<50176x32xf32, #tpu.memory_space<vmem_shared>> -> memref<512x32xf32, #tpu.memory_space<vmem_shared>>
      %dma_start3A_165 = arith.constant 0 : i32
      %dma_start3A_166 = arith.constant 0 : i32
      %dma_start3A_167 = tpu.memref_slice %arg8[%dma_start3A_165, %dma_start3A_166] : memref<512x32xf32, #tpu.memory_space<vmem>> -> memref<512x32xf32, #tpu.memory_space<vmem>>
      tpu.enqueue_dma source(%dma_start3A_167 : memref<512x32xf32, #tpu.memory_space<vmem>>) target(%dma_start3A_164 : memref<512x32xf32, #tpu.memory_space<vmem_shared>>) target_semaphore(%run_scoped3A : memref<!tpu.dma_semaphore, #tpu.memory_space<semaphore_mem>>)
      %dma_wait3A_168 = arith.constant 0 : i32
      %dma_wait3A_169 = arith.constant 0 : i32
      %dma_wait3A_170 = tpu.memref_slice %arg8[%dma_wait3A_168, %dma_wait3A_169] : memref<512x32xf32, #tpu.memory_space<vmem>> -> memref<512x32xf32, #tpu.memory_space<vmem>>
      %dma_wait3A_171 = arith.constant 0 : i32
      %dma_wait3A_172 = tpu.memref_slice %arg9[%add3A_7, %dma_wait3A_171] : memref<50176x32xf32, #tpu.memory_space<vmem_shared>> -> memref<512x32xf32, #tpu.memory_space<vmem_shared>>
      %dma_wait3A_173 = arith.constant 0 : i32
      %dma_wait3A_174 = tpu.memref_slice %arg9[%add3A_7, %dma_wait3A_173] : memref<50176x32xf32, #tpu.memory_space<vmem_shared>> -> memref<512x32xf32, #tpu.memory_space<vmem_shared>>
      %dma_wait3A_175 = arith.constant 0 : i32
      %dma_wait3A_176 = arith.constant 0 : i32
      %dma_wait3A_177 = tpu.memref_slice %arg8[%dma_wait3A_175, %dma_wait3A_176] : memref<512x32xf32, #tpu.memory_space<vmem>> -> memref<512x32xf32, #tpu.memory_space<vmem>>
      tpu.wait_dma2 semaphore(%run_scoped3A : memref<!tpu.dma_semaphore, #tpu.memory_space<semaphore_mem>>) src(%dma_wait3A_177 : memref<512x32xf32, #tpu.memory_space<vmem>>) dst(%dma_wait3A_174 : memref<512x32xf32, #tpu.memory_space<vmem_shared>>)
      tpu.yield
    }) : () -> ()
    %mul3A_8 = arith.constant 3136 : i32
    %mul3A_9 = arith.muli %arg1, %mul3A_8 : i32
    %add3A_10 = arith.constant 512 : i32
    %add3A_11 = arith.addi %mul3A_9, %add3A_10 : i32
    "tpu.region"() ({
      %run_scoped3A = tpu.sem_alloc : memref<!tpu.dma_semaphore, #tpu.memory_space<semaphore_mem>>
      %dma_start3A_158 = arith.constant 0 : i32
      %dma_start3A_159 = arith.constant 0 : i32
      %dma_start3A_160 = tpu.memref_slice %arg8[%dma_start3A_158, %dma_start3A_159] : memref<512x32xf32, #tpu.memory_space<vmem>> -> memref<512x32xf32, #tpu.memory_space<vmem>>
      %dma_start3A_161 = arith.constant 0 : i32
      %dma_start3A_162 = tpu.memref_slice %arg9[%add3A_11, %dma_start3A_161] : memref<50176x32xf32, #tpu.memory_space<vmem_shared>> -> memref<512x32xf32, #tpu.memory_space<vmem_shared>>
      %dma_start3A_163 = arith.constant 0 : i32
      %dma_start3A_164 = tpu.memref_slice %arg9[%add3A_11, %dma_start3A_163] : memref<50176x32xf32, #tpu.memory_space<vmem_shared>> -> memref<512x32xf32, #tpu.memory_space<vmem_shared>>
      %dma_start3A_165 = arith.constant 0 : i32
      %dma_start3A_166 = arith.constant 0 : i32
      %dma_start3A_167 = tpu.memref_slice %arg8[%dma_start3A_165, %dma_start3A_166] : memref<512x32xf32, #tpu.memory_space<vmem>> -> memref<512x32xf32, #tpu.memory_space<vmem>>
      tpu.enqueue_dma source(%dma_start3A_167 : memref<512x32xf32, #tpu.memory_space<vmem>>) target(%dma_start3A_164 : memref<512x32xf32, #tpu.memory_space<vmem_shared>>) target_semaphore(%run_scoped3A : memref<!tpu.dma_semaphore, #tpu.memory_space<semaphore_mem>>)
      %dma_wait3A_168 = arith.constant 0 : i32
      %dma_wait3A_169 = arith.constant 0 : i32
      %dma_wait3A_170 = tpu.memref_slice %arg8[%dma_wait3A_168, %dma_wait3A_169] : memref<512x32xf32, #tpu.memory_space<vmem>> -> memref<512x32xf32, #tpu.memory_space<vmem>>
      %dma_wait3A_171 = arith.constant 0 : i32
      %dma_wait3A_172 = tpu.memref_slice %arg9[%add3A_11, %dma_wait3A_171] : memref<50176x32xf32, #tpu.memory_space<vmem_shared>> -> memref<512x32xf32, #tpu.memory_space<vmem_shared>>
      %dma_wait3A_173 = arith.constant 0 : i32
      %dma_wait3A_174 = tpu.memref_slice %arg9[%add3A_11, %dma_wait3A_173] : memref<50176x32xf32, #tpu.memory_space<vmem_shared>> -> memref<512x32xf32, #tpu.memory_space<vmem_shared>>
      %dma_wait3A_175 = arith.constant 0 : i32
      %dma_wait3A_176 = arith.constant 0 : i32
      %dma_wait3A_177 = tpu.memref_slice %arg8[%dma_wait3A_175, %dma_wait3A_176] : memref<512x32xf32, #tpu.memory_space<vmem>> -> memref<512x32xf32, #tpu.memory_space<vmem>>
      tpu.wait_dma2 semaphore(%run_scoped3A : memref<!tpu.dma_semaphore, #tpu.memory_space<semaphore_mem>>) src(%dma_wait3A_177 : memref<512x32xf32, #tpu.memory_space<vmem>>) dst(%dma_wait3A_174 : memref<512x32xf32, #tpu.memory_space<vmem_shared>>)
      tpu.yield
    }) : () -> ()
    %mul3A_12 = arith.constant 3136 : i32
    %mul3A_13 = arith.muli %arg1, %mul3A_12 : i32
    %add3A_14 = arith.constant 1024 : i32
    %add3A_15 = arith.addi %mul3A_13, %add3A_14 : i32
    "tpu.region"() ({
      %run_scoped3A = tpu.sem_alloc : memref<!tpu.dma_semaphore, #tpu.memory_space<semaphore_mem>>
      %dma_start3A_158 = arith.constant 0 : i32
      %dma_start3A_159 = arith.constant 0 : i32
      %dma_start3A_160 = tpu.memref_slice %arg8[%dma_start3A_158, %dma_start3A_159] : memref<512x32xf32, #tpu.memory_space<vmem>> -> memref<512x32xf32, #tpu.memory_space<vmem>>
      %dma_start3A_161 = arith.constant 0 : i32
      %dma_start3A_162 = tpu.memref_slice %arg9[%add3A_15, %dma_start3A_161] : memref<50176x32xf32, #tpu.memory_space<vmem_shared>> -> memref<512x32xf32, #tpu.memory_space<vmem_shared>>
      %dma_start3A_163 = arith.constant 0 : i32
      %dma_start3A_164 = tpu.memref_slice %arg9[%add3A_15, %dma_start3A_163] : memref<50176x32xf32, #tpu.memory_space<vmem_shared>> -> memref<512x32xf32, #tpu.memory_space<vmem_shared>>
      %dma_start3A_165 = arith.constant 0 : i32
      %dma_start3A_166 = arith.constant 0 : i32
      %dma_start3A_167 = tpu.memref_slice %arg8[%dma_start3A_165, %dma_start3A_166] : memref<512x32xf32, #tpu.memory_space<vmem>> -> memref<512x32xf32, #tpu.memory_space<vmem>>
      tpu.enqueue_dma source(%dma_start3A_167 : memref<512x32xf32, #tpu.memory_space<vmem>>) target(%dma_start3A_164 : memref<512x32xf32, #tpu.memory_space<vmem_shared>>) target_semaphore(%run_scoped3A : memref<!tpu.dma_semaphore, #tpu.memory_space<semaphore_mem>>)
      %dma_wait3A_168 = arith.constant 0 : i32
      %dma_wait3A_169 = arith.constant 0 : i32
      %dma_wait3A_170 = tpu.memref_slice %arg8[%dma_wait3A_168, %dma_wait3A_169] : memref<512x32xf32, #tpu.memory_space<vmem>> -> memref<512x32xf32, #tpu.memory_space<vmem>>
      %dma_wait3A_171 = arith.constant 0 : i32
      %dma_wait3A_172 = tpu.memref_slice %arg9[%add3A_15, %dma_wait3A_171] : memref<50176x32xf32, #tpu.memory_space<vmem_shared>> -> memref<512x32xf32, #tpu.memory_space<vmem_shared>>
      %dma_wait3A_173 = arith.constant 0 : i32
      %dma_wait3A_174 = tpu.memref_slice %arg9[%add3A_15, %dma_wait3A_173] : memref<50176x32xf32, #tpu.memory_space<vmem_shared>> -> memref<512x32xf32, #tpu.memory_space<vmem_shared>>
      %dma_wait3A_175 = arith.constant 0 : i32
      %dma_wait3A_176 = arith.constant 0 : i32
      %dma_wait3A_177 = tpu.memref_slice %arg8[%dma_wait3A_175, %dma_wait3A_176] : memref<512x32xf32, #tpu.memory_space<vmem>> -> memref<512x32xf32, #tpu.memory_space<vmem>>
      tpu.wait_dma2 semaphore(%run_scoped3A : memref<!tpu.dma_semaphore, #tpu.memory_space<semaphore_mem>>) src(%dma_wait3A_177 : memref<512x32xf32, #tpu.memory_space<vmem>>) dst(%dma_wait3A_174 : memref<512x32xf32, #tpu.memory_space<vmem_shared>>)
      tpu.yield
    }) : () -> ()
    %mul3A_16 = arith.constant 3136 : i32
    %mul3A_17 = arith.muli %arg1, %mul3A_16 : i32
    %add3A_18 = arith.constant 1536 : i32
    %add3A_19 = arith.addi %mul3A_17, %add3A_18 : i32
    "tpu.region"() ({
      %run_scoped3A = tpu.sem_alloc : memref<!tpu.dma_semaphore, #tpu.memory_space<semaphore_mem>>
      %dma_start3A_158 = arith.constant 0 : i32
      %dma_start3A_159 = arith.constant 0 : i32
      %dma_start3A_160 = tpu.memref_slice %arg8[%dma_start3A_158, %dma_start3A_159] : memref<512x32xf32, #tpu.memory_space<vmem>> -> memref<512x32xf32, #tpu.memory_space<vmem>>
      %dma_start3A_161 = arith.constant 0 : i32
      %dma_start3A_162 = tpu.memref_slice %arg9[%add3A_19, %dma_start3A_161] : memref<50176x32xf32, #tpu.memory_space<vmem_shared>> -> memref<512x32xf32, #tpu.memory_space<vmem_shared>>
      %dma_start3A_163 = arith.constant 0 : i32
      %dma_start3A_164 = tpu.memref_slice %arg9[%add3A_19, %dma_start3A_163] : memref<50176x32xf32, #tpu.memory_space<vmem_shared>> -> memref<512x32xf32, #tpu.memory_space<vmem_shared>>
      %dma_start3A_165 = arith.constant 0 : i32
      %dma_start3A_166 = arith.constant 0 : i32
      %dma_start3A_167 = tpu.memref_slice %arg8[%dma_start3A_165, %dma_start3A_166] : memref<512x32xf32, #tpu.memory_space<vmem>> -> memref<512x32xf32, #tpu.memory_space<vmem>>
      tpu.enqueue_dma source(%dma_start3A_167 : memref<512x32xf32, #tpu.memory_space<vmem>>) target(%dma_start3A_164 : memref<512x32xf32, #tpu.memory_space<vmem_shared>>) target_semaphore(%run_scoped3A : memref<!tpu.dma_semaphore, #tpu.memory_space<semaphore_mem>>)
      %dma_wait3A_168 = arith.constant 0 : i32
      %dma_wait3A_169 = arith.constant 0 : i32
      %dma_wait3A_170 = tpu.memref_slice %arg8[%dma_wait3A_168, %dma_wait3A_169] : memref<512x32xf32, #tpu.memory_space<vmem>> -> memref<512x32xf32, #tpu.memory_space<vmem>>
      %dma_wait3A_171 = arith.constant 0 : i32
      %dma_wait3A_172 = tpu.memref_slice %arg9[%add3A_19, %dma_wait3A_171] : memref<50176x32xf32, #tpu.memory_space<vmem_shared>> -> memref<512x32xf32, #tpu.memory_space<vmem_shared>>
      %dma_wait3A_173 = arith.constant 0 : i32
      %dma_wait3A_174 = tpu.memref_slice %arg9[%add3A_19, %dma_wait3A_173] : memref<50176x32xf32, #tpu.memory_space<vmem_shared>> -> memref<512x32xf32, #tpu.memory_space<vmem_shared>>
      %dma_wait3A_175 = arith.constant 0 : i32
      %dma_wait3A_176 = arith.constant 0 : i32
      %dma_wait3A_177 = tpu.memref_slice %arg8[%dma_wait3A_175, %dma_wait3A_176] : memref<512x32xf32, #tpu.memory_space<vmem>> -> memref<512x32xf32, #tpu.memory_space<vmem>>
      tpu.wait_dma2 semaphore(%run_scoped3A : memref<!tpu.dma_semaphore, #tpu.memory_space<semaphore_mem>>) src(%dma_wait3A_177 : memref<512x32xf32, #tpu.memory_space<vmem>>) dst(%dma_wait3A_174 : memref<512x32xf32, #tpu.memory_space<vmem_shared>>)
      tpu.yield
    }) : () -> ()
    %mul3A_20 = arith.constant 3136 : i32
    %mul3A_21 = arith.muli %arg1, %mul3A_20 : i32
    %add3A_22 = arith.constant 2048 : i32
    %add3A_23 = arith.addi %mul3A_21, %add3A_22 : i32
    "tpu.region"() ({
      %run_scoped3A = tpu.sem_alloc : memref<!tpu.dma_semaphore, #tpu.memory_space<semaphore_mem>>
      %dma_start3A_158 = arith.constant 0 : i32
      %dma_start3A_159 = arith.constant 0 : i32
      %dma_start3A_160 = tpu.memref_slice %arg8[%dma_start3A_158, %dma_start3A_159] : memref<512x32xf32, #tpu.memory_space<vmem>> -> memref<512x32xf32, #tpu.memory_space<vmem>>
      %dma_start3A_161 = arith.constant 0 : i32
      %dma_start3A_162 = tpu.memref_slice %arg9[%add3A_23, %dma_start3A_161] : memref<50176x32xf32, #tpu.memory_space<vmem_shared>> -> memref<512x32xf32, #tpu.memory_space<vmem_shared>>
      %dma_start3A_163 = arith.constant 0 : i32
      %dma_start3A_164 = tpu.memref_slice %arg9[%add3A_23, %dma_start3A_163] : memref<50176x32xf32, #tpu.memory_space<vmem_shared>> -> memref<512x32xf32, #tpu.memory_space<vmem_shared>>
      %dma_start3A_165 = arith.constant 0 : i32
      %dma_start3A_166 = arith.constant 0 : i32
      %dma_start3A_167 = tpu.memref_slice %arg8[%dma_start3A_165, %dma_start3A_166] : memref<512x32xf32, #tpu.memory_space<vmem>> -> memref<512x32xf32, #tpu.memory_space<vmem>>
      tpu.enqueue_dma source(%dma_start3A_167 : memref<512x32xf32, #tpu.memory_space<vmem>>) target(%dma_start3A_164 : memref<512x32xf32, #tpu.memory_space<vmem_shared>>) target_semaphore(%run_scoped3A : memref<!tpu.dma_semaphore, #tpu.memory_space<semaphore_mem>>)
      %dma_wait3A_168 = arith.constant 0 : i32
      %dma_wait3A_169 = arith.constant 0 : i32
      %dma_wait3A_170 = tpu.memref_slice %arg8[%dma_wait3A_168, %dma_wait3A_169] : memref<512x32xf32, #tpu.memory_space<vmem>> -> memref<512x32xf32, #tpu.memory_space<vmem>>
      %dma_wait3A_171 = arith.constant 0 : i32
      %dma_wait3A_172 = tpu.memref_slice %arg9[%add3A_23, %dma_wait3A_171] : memref<50176x32xf32, #tpu.memory_space<vmem_shared>> -> memref<512x32xf32, #tpu.memory_space<vmem_shared>>
      %dma_wait3A_173 = arith.constant 0 : i32
      %dma_wait3A_174 = tpu.memref_slice %arg9[%add3A_23, %dma_wait3A_173] : memref<50176x32xf32, #tpu.memory_space<vmem_shared>> -> memref<512x32xf32, #tpu.memory_space<vmem_shared>>
      %dma_wait3A_175 = arith.constant 0 : i32
      %dma_wait3A_176 = arith.constant 0 : i32
      %dma_wait3A_177 = tpu.memref_slice %arg8[%dma_wait3A_175, %dma_wait3A_176] : memref<512x32xf32, #tpu.memory_space<vmem>> -> memref<512x32xf32, #tpu.memory_space<vmem>>
      tpu.wait_dma2 semaphore(%run_scoped3A : memref<!tpu.dma_semaphore, #tpu.memory_space<semaphore_mem>>) src(%dma_wait3A_177 : memref<512x32xf32, #tpu.memory_space<vmem>>) dst(%dma_wait3A_174 : memref<512x32xf32, #tpu.memory_space<vmem_shared>>)
      tpu.yield
    }) : () -> ()
    %mul3A_24 = arith.constant 3136 : i32
    %mul3A_25 = arith.muli %arg1, %mul3A_24 : i32
    %add3A_26 = arith.constant 2560 : i32
    %add3A_27 = arith.addi %mul3A_25, %add3A_26 : i32
    "tpu.region"() ({
      %run_scoped3A = tpu.sem_alloc : memref<!tpu.dma_semaphore, #tpu.memory_space<semaphore_mem>>
      %dma_start3A_158 = arith.constant 0 : i32
      %dma_start3A_159 = arith.constant 0 : i32
      %dma_start3A_160 = tpu.memref_slice %arg8[%dma_start3A_158, %dma_start3A_159] : memref<512x32xf32, #tpu.memory_space<vmem>> -> memref<512x32xf32, #tpu.memory_space<vmem>>
      %dma_start3A_161 = arith.constant 0 : i32
      %dma_start3A_162 = tpu.memref_slice %arg9[%add3A_27, %dma_start3A_161] : memref<50176x32xf32, #tpu.memory_space<vmem_shared>> -> memref<512x32xf32, #tpu.memory_space<vmem_shared>>
      %dma_start3A_163 = arith.constant 0 : i32
      %dma_start3A_164 = tpu.memref_slice %arg9[%add3A_27, %dma_start3A_163] : memref<50176x32xf32, #tpu.memory_space<vmem_shared>> -> memref<512x32xf32, #tpu.memory_space<vmem_shared>>
      %dma_start3A_165 = arith.constant 0 : i32
      %dma_start3A_166 = arith.constant 0 : i32
      %dma_start3A_167 = tpu.memref_slice %arg8[%dma_start3A_165, %dma_start3A_166] : memref<512x32xf32, #tpu.memory_space<vmem>> -> memref<512x32xf32, #tpu.memory_space<vmem>>
      tpu.enqueue_dma source(%dma_start3A_167 : memref<512x32xf32, #tpu.memory_space<vmem>>) target(%dma_start3A_164 : memref<512x32xf32, #tpu.memory_space<vmem_shared>>) target_semaphore(%run_scoped3A : memref<!tpu.dma_semaphore, #tpu.memory_space<semaphore_mem>>)
      %dma_wait3A_168 = arith.constant 0 : i32
      %dma_wait3A_169 = arith.constant 0 : i32
      %dma_wait3A_170 = tpu.memref_slice %arg8[%dma_wait3A_168, %dma_wait3A_169] : memref<512x32xf32, #tpu.memory_space<vmem>> -> memref<512x32xf32, #tpu.memory_space<vmem>>
      %dma_wait3A_171 = arith.constant 0 : i32
      %dma_wait3A_172 = tpu.memref_slice %arg9[%add3A_27, %dma_wait3A_171] : memref<50176x32xf32, #tpu.memory_space<vmem_shared>> -> memref<512x32xf32, #tpu.memory_space<vmem_shared>>
      %dma_wait3A_173 = arith.constant 0 : i32
      %dma_wait3A_174 = tpu.memref_slice %arg9[%add3A_27, %dma_wait3A_173] : memref<50176x32xf32, #tpu.memory_space<vmem_shared>> -> memref<512x32xf32, #tpu.memory_space<vmem_shared>>
      %dma_wait3A_175 = arith.constant 0 : i32
      %dma_wait3A_176 = arith.constant 0 : i32
      %dma_wait3A_177 = tpu.memref_slice %arg8[%dma_wait3A_175, %dma_wait3A_176] : memref<512x32xf32, #tpu.memory_space<vmem>> -> memref<512x32xf32, #tpu.memory_space<vmem>>
      tpu.wait_dma2 semaphore(%run_scoped3A : memref<!tpu.dma_semaphore, #tpu.memory_space<semaphore_mem>>) src(%dma_wait3A_177 : memref<512x32xf32, #tpu.memory_space<vmem>>) dst(%dma_wait3A_174 : memref<512x32xf32, #tpu.memory_space<vmem_shared>>)
      tpu.yield
    }) : () -> ()
    %mul3A_28 = arith.constant 3136 : i32
    %mul3A_29 = arith.muli %arg1, %mul3A_28 : i32
    %add3A_30 = arith.constant 3072 : i32
    %add3A_31 = arith.addi %mul3A_29, %add3A_30 : i32
    "tpu.region"() ({
      %run_scoped3A = tpu.sem_alloc : memref<!tpu.dma_semaphore, #tpu.memory_space<semaphore_mem>>
      %dma_start3A_158 = arith.constant 0 : i32
      %dma_start3A_159 = arith.constant 0 : i32
      %dma_start3A_160 = tpu.memref_slice %arg8[%dma_start3A_158, %dma_start3A_159] : memref<512x32xf32, #tpu.memory_space<vmem>> -> memref<64x32xf32, #tpu.memory_space<vmem>>
      %dma_start3A_161 = arith.constant 0 : i32
      %dma_start3A_162 = tpu.memref_slice %arg9[%add3A_31, %dma_start3A_161] : memref<50176x32xf32, #tpu.memory_space<vmem_shared>> -> memref<64x32xf32, #tpu.memory_space<vmem_shared>>
      %dma_start3A_163 = arith.constant 0 : i32
      %dma_start3A_164 = tpu.memref_slice %arg9[%add3A_31, %dma_start3A_163] : memref<50176x32xf32, #tpu.memory_space<vmem_shared>> -> memref<64x32xf32, #tpu.memory_space<vmem_shared>>
      %dma_start3A_165 = arith.constant 0 : i32
      %dma_start3A_166 = arith.constant 0 : i32
      %dma_start3A_167 = tpu.memref_slice %arg8[%dma_start3A_165, %dma_start3A_166] : memref<512x32xf32, #tpu.memory_space<vmem>> -> memref<64x32xf32, #tpu.memory_space<vmem>>
      tpu.enqueue_dma source(%dma_start3A_167 : memref<64x32xf32, #tpu.memory_space<vmem>>) target(%dma_start3A_164 : memref<64x32xf32, #tpu.memory_space<vmem_shared>>) target_semaphore(%run_scoped3A : memref<!tpu.dma_semaphore, #tpu.memory_space<semaphore_mem>>)
      %dma_wait3A_168 = arith.constant 0 : i32
      %dma_wait3A_169 = arith.constant 0 : i32
      %dma_wait3A_170 = tpu.memref_slice %arg8[%dma_wait3A_168, %dma_wait3A_169] : memref<512x32xf32, #tpu.memory_space<vmem>> -> memref<64x32xf32, #tpu.memory_space<vmem>>
      %dma_wait3A_171 = arith.constant 0 : i32
      %dma_wait3A_172 = tpu.memref_slice %arg9[%add3A_31, %dma_wait3A_171] : memref<50176x32xf32, #tpu.memory_space<vmem_shared>> -> memref<64x32xf32, #tpu.memory_space<vmem_shared>>
      %dma_wait3A_173 = arith.constant 0 : i32
      %dma_wait3A_174 = tpu.memref_slice %arg9[%add3A_31, %dma_wait3A_173] : memref<50176x32xf32, #tpu.memory_space<vmem_shared>> -> memref<64x32xf32, #tpu.memory_space<vmem_shared>>
      %dma_wait3A_175 = arith.constant 0 : i32
      %dma_wait3A_176 = arith.constant 0 : i32
      %dma_wait3A_177 = tpu.memref_slice %arg8[%dma_wait3A_175, %dma_wait3A_176] : memref<512x32xf32, #tpu.memory_space<vmem>> -> memref<64x32xf32, #tpu.memory_space<vmem>>
      tpu.wait_dma2 semaphore(%run_scoped3A : memref<!tpu.dma_semaphore, #tpu.memory_space<semaphore_mem>>) src(%dma_wait3A_177 : memref<64x32xf32, #tpu.memory_space<vmem>>) dst(%dma_wait3A_174 : memref<64x32xf32, #tpu.memory_space<vmem_shared>>)
      tpu.yield
    }) : () -> ()
    %barrier3A = arith.constant 0 : index
    tpu.barrier barrier_id(%barrier3A)
    %mul3A_32 = arith.constant 400 : i32
    %mul3A_33 = arith.muli %arg1, %mul3A_32 : i32
    %add3A_34 = arith.constant 0 : i32
    %add3A_35 = arith.addi %mul3A_33, %add3A_34 : i32
    %multiple_of3A = tpu.assume_multiple %add3A_35, 4 : i32
    %dma_start3A = arith.constant 0 : i32
    %dma_start3A_36 = arith.constant 0 : i32
    %dma_start3A_37 = arith.constant 0 : i32
    %dma_start3A_38 = tpu.memref_slice %arg6[%dma_start3A, %dma_start3A_36, %dma_start3A_37] : memref<2x4x128xi32, #tpu.memory_space<vmem>> -> memref<1x4x128xi32, #tpu.memory_space<vmem>>
    %dma_start3A_39 = tpu.memref_squeeze %dma_start3A_38 : memref<1x4x128xi32, #tpu.memory_space<vmem>> -> memref<4x128xi32, #tpu.memory_space<vmem>>
    %dma_start3A_40 = arith.constant 0 : i32
    %dma_start3A_41 = tpu.memref_slice %arg3[%arg0, %multiple_of3A, %dma_start3A_40] : memref<2x6404x128xi32, #tpu.memory_space<hbm>> -> memref<1x4x128xi32, #tpu.memory_space<hbm>>
    %dma_start3A_42 = tpu.memref_squeeze %dma_start3A_41 : memref<1x4x128xi32, #tpu.memory_space<hbm>> -> memref<4x128xi32, #tpu.memory_space<hbm>>
    %dma_start3A_43 = arith.constant 0 : i32
    %dma_start3A_44 = arith.constant 0 : i32
    %dma_start3A_45 = tpu.memref_slice %arg6[%dma_start3A, %dma_start3A_43, %dma_start3A_44] : memref<2x4x128xi32, #tpu.memory_space<vmem>> -> memref<1x4x128xi32, #tpu.memory_space<vmem>>
    %dma_start3A_46 = tpu.memref_squeeze %dma_start3A_45 : memref<1x4x128xi32, #tpu.memory_space<vmem>> -> memref<4x128xi32, #tpu.memory_space<vmem>>
    %dma_start3A_47 = arith.constant 0 : i32
    %dma_start3A_48 = tpu.memref_slice %arg3[%arg0, %multiple_of3A, %dma_start3A_47] : memref<2x6404x128xi32, #tpu.memory_space<hbm>> -> memref<1x4x128xi32, #tpu.memory_space<hbm>>
    %dma_start3A_49 = tpu.memref_squeeze %dma_start3A_48 : memref<1x4x128xi32, #tpu.memory_space<hbm>> -> memref<4x128xi32, #tpu.memory_space<hbm>>
    tpu.enqueue_dma source(%dma_start3A_49 : memref<4x128xi32, #tpu.memory_space<hbm>>) target(%dma_start3A_46 : memref<4x128xi32, #tpu.memory_space<vmem>>) target_semaphore(%arg12 : memref<!tpu.dma_semaphore, #tpu.memory_space<semaphore_mem>>)
    %dma_start3A_50 = arith.constant 0 : i32
    %dma_start3A_51 = arith.constant 0 : i32
    %dma_start3A_52 = arith.constant 0 : i32
    %dma_start3A_53 = tpu.memref_slice %arg7[%dma_start3A_50, %dma_start3A_51, %dma_start3A_52] : memref<2x4x128xi32, #tpu.memory_space<vmem>> -> memref<1x4x128xi32, #tpu.memory_space<vmem>>
    %dma_start3A_54 = tpu.memref_squeeze %dma_start3A_53 : memref<1x4x128xi32, #tpu.memory_space<vmem>> -> memref<4x128xi32, #tpu.memory_space<vmem>>
    %dma_start3A_55 = arith.constant 0 : i32
    %dma_start3A_56 = tpu.memref_slice %arg4[%multiple_of3A, %dma_start3A_55] : memref<6404x128xi32, #tpu.memory_space<hbm>> -> memref<4x128xi32, #tpu.memory_space<hbm>>
    %dma_start3A_57 = arith.constant 0 : i32
    %dma_start3A_58 = arith.constant 0 : i32
    %dma_start3A_59 = tpu.memref_slice %arg7[%dma_start3A_50, %dma_start3A_57, %dma_start3A_58] : memref<2x4x128xi32, #tpu.memory_space<vmem>> -> memref<1x4x128xi32, #tpu.memory_space<vmem>>
    %dma_start3A_60 = tpu.memref_squeeze %dma_start3A_59 : memref<1x4x128xi32, #tpu.memory_space<vmem>> -> memref<4x128xi32, #tpu.memory_space<vmem>>
    %dma_start3A_61 = arith.constant 0 : i32
    %dma_start3A_62 = tpu.memref_slice %arg4[%multiple_of3A, %dma_start3A_61] : memref<6404x128xi32, #tpu.memory_space<hbm>> -> memref<4x128xi32, #tpu.memory_space<hbm>>
    tpu.enqueue_dma source(%dma_start3A_62 : memref<4x128xi32, #tpu.memory_space<hbm>>) target(%dma_start3A_60 : memref<4x128xi32, #tpu.memory_space<vmem>>) target_semaphore(%arg12 : memref<!tpu.dma_semaphore, #tpu.memory_space<semaphore_mem>>)
    %scan3A_63 = arith.constant 0 : i32
    %scan3A_64 = arith.constant 0 : i32
    %scan3A_65 = arith.constant 50 : i32
    %scan3A_66 = arith.addi %scan3A_64, %scan3A_65 : i32
    %scan3A_67 = arith.constant 1 : i32
    scf.for %scan3A_158 = %scan3A_64 to %scan3A_66 step %scan3A_67  : i32 {
      %mul3A_159 = arith.constant 2 : i32
      %mul3A_160 = arith.muli %scan3A_158, %mul3A_159 : i32
      %add3A_161 = arith.constant 0 : i32
      %add3A_162 = arith.addi %mul3A_160, %add3A_161 : i32
      %mul3A_163 = arith.constant 400 : i32
      %mul3A_164 = arith.muli %arg1, %mul3A_163 : i32
      %mul3A_165 = arith.constant 4 : i32
      %mul3A_166 = arith.muli %add3A_162, %mul3A_165 : i32
      %add3A_167 = arith.addi %mul3A_164, %mul3A_166 : i32
      %multiple_of3A_168 = tpu.assume_multiple %add3A_167, 4 : i32
      %dma_wait3A_169 = arith.constant 0 : i32
      %dma_wait3A_170 = arith.constant 0 : i32
      %dma_wait3A_171 = arith.constant 0 : i32
      %dma_wait3A_172 = tpu.memref_slice %arg6[%dma_wait3A_169, %dma_wait3A_170, %dma_wait3A_171] : memref<2x4x128xi32, #tpu.memory_space<vmem>> -> memref<1x4x128xi32, #tpu.memory_space<vmem>>
      %dma_wait3A_173 = tpu.memref_squeeze %dma_wait3A_172 : memref<1x4x128xi32, #tpu.memory_space<vmem>> -> memref<4x128xi32, #tpu.memory_space<vmem>>
      %dma_wait3A_174 = arith.constant 0 : i32
      %dma_wait3A_175 = tpu.memref_slice %arg3[%arg0, %multiple_of3A_168, %dma_wait3A_174] : memref<2x6404x128xi32, #tpu.memory_space<hbm>> -> memref<1x4x128xi32, #tpu.memory_space<hbm>>
      %dma_wait3A_176 = tpu.memref_squeeze %dma_wait3A_175 : memref<1x4x128xi32, #tpu.memory_space<hbm>> -> memref<4x128xi32, #tpu.memory_space<hbm>>
      %dma_wait3A_177 = arith.constant 0 : i32
      %dma_wait3A_178 = arith.constant 0 : i32
      %dma_wait3A_179 = tpu.memref_slice %arg6[%dma_wait3A_169, %dma_wait3A_177, %dma_wait3A_178] : memref<2x4x128xi32, #tpu.memory_space<vmem>> -> memref<1x4x128xi32, #tpu.memory_space<vmem>>
      %dma_wait3A_180 = tpu.memref_squeeze %dma_wait3A_179 : memref<1x4x128xi32, #tpu.memory_space<vmem>> -> memref<4x128xi32, #tpu.memory_space<vmem>>
      %dma_wait3A_181 = arith.constant 0 : i32
      %dma_wait3A_182 = tpu.memref_slice %arg3[%arg0, %multiple_of3A_168, %dma_wait3A_181] : memref<2x6404x128xi32, #tpu.memory_space<hbm>> -> memref<1x4x128xi32, #tpu.memory_space<hbm>>
      %dma_wait3A_183 = tpu.memref_squeeze %dma_wait3A_182 : memref<1x4x128xi32, #tpu.memory_space<hbm>> -> memref<4x128xi32, #tpu.memory_space<hbm>>
      tpu.wait_dma2 semaphore(%arg12 : memref<!tpu.dma_semaphore, #tpu.memory_space<semaphore_mem>>) src(%dma_wait3A_183 : memref<4x128xi32, #tpu.memory_space<hbm>>) dst(%dma_wait3A_180 : memref<4x128xi32, #tpu.memory_space<vmem>>)
      %dma_wait3A_184 = arith.constant 0 : i32
      %dma_wait3A_185 = arith.constant 0 : i32
      %dma_wait3A_186 = arith.constant 0 : i32
      %dma_wait3A_187 = tpu.memref_slice %arg7[%dma_wait3A_184, %dma_wait3A_185, %dma_wait3A_186] : memref<2x4x128xi32, #tpu.memory_space<vmem>> -> memref<1x4x128xi32, #tpu.memory_space<vmem>>
      %dma_wait3A_188 = tpu.memref_squeeze %dma_wait3A_187 : memref<1x4x128xi32, #tpu.memory_space<vmem>> -> memref<4x128xi32, #tpu.memory_space<vmem>>
      %dma_wait3A_189 = arith.constant 0 : i32
      %dma_wait3A_190 = tpu.memref_slice %arg4[%multiple_of3A_168, %dma_wait3A_189] : memref<6404x128xi32, #tpu.memory_space<hbm>> -> memref<4x128xi32, #tpu.memory_space<hbm>>
      %dma_wait3A_191 = arith.constant 0 : i32
      %dma_wait3A_192 = arith.constant 0 : i32
      %dma_wait3A_193 = tpu.memref_slice %arg7[%dma_wait3A_184, %dma_wait3A_191, %dma_wait3A_192] : memref<2x4x128xi32, #tpu.memory_space<vmem>> -> memref<1x4x128xi32, #tpu.memory_space<vmem>>
      %dma_wait3A_194 = tpu.memref_squeeze %dma_wait3A_193 : memref<1x4x128xi32, #tpu.memory_space<vmem>> -> memref<4x128xi32, #tpu.memory_space<vmem>>
      %dma_wait3A_195 = arith.constant 0 : i32
      %dma_wait3A_196 = tpu.memref_slice %arg4[%multiple_of3A_168, %dma_wait3A_195] : memref<6404x128xi32, #tpu.memory_space<hbm>> -> memref<4x128xi32, #tpu.memory_space<hbm>>
      tpu.wait_dma2 semaphore(%arg12 : memref<!tpu.dma_semaphore, #tpu.memory_space<semaphore_mem>>) src(%dma_wait3A_196 : memref<4x128xi32, #tpu.memory_space<hbm>>) dst(%dma_wait3A_194 : memref<4x128xi32, #tpu.memory_space<vmem>>)
      %add3A_197 = arith.constant 1 : i32
      %add3A_198 = arith.addi %add3A_162, %add3A_197 : i32
      %mul3A_199 = arith.constant 400 : i32
      %mul3A_200 = arith.muli %arg1, %mul3A_199 : i32
      %mul3A_201 = arith.constant 4 : i32
      %mul3A_202 = arith.muli %add3A_198, %mul3A_201 : i32
      %add3A_203 = arith.addi %mul3A_200, %mul3A_202 : i32
      %multiple_of3A_204 = tpu.assume_multiple %add3A_203, 4 : i32
      %dma_start3A_205 = arith.constant 1 : i32
      %dma_start3A_206 = arith.constant 0 : i32
      %dma_start3A_207 = arith.constant 0 : i32
      %dma_start3A_208 = tpu.memref_slice %arg6[%dma_start3A_205, %dma_start3A_206, %dma_start3A_207] : memref<2x4x128xi32, #tpu.memory_space<vmem>> -> memref<1x4x128xi32, #tpu.memory_space<vmem>>
      %dma_start3A_209 = tpu.memref_squeeze %dma_start3A_208 : memref<1x4x128xi32, #tpu.memory_space<vmem>> -> memref<4x128xi32, #tpu.memory_space<vmem>>
      %dma_start3A_210 = arith.constant 0 : i32
      %dma_start3A_211 = tpu.memref_slice %arg3[%arg0, %multiple_of3A_204, %dma_start3A_210] : memref<2x6404x128xi32, #tpu.memory_space<hbm>> -> memref<1x4x128xi32, #tpu.memory_space<hbm>>
      %dma_start3A_212 = tpu.memref_squeeze %dma_start3A_211 : memref<1x4x128xi32, #tpu.memory_space<hbm>> -> memref<4x128xi32, #tpu.memory_space<hbm>>
      %dma_start3A_213 = arith.constant 0 : i32
      %dma_start3A_214 = arith.constant 0 : i32
      %dma_start3A_215 = tpu.memref_slice %arg6[%dma_start3A_205, %dma_start3A_213, %dma_start3A_214] : memref<2x4x128xi32, #tpu.memory_space<vmem>> -> memref<1x4x128xi32, #tpu.memory_space<vmem>>
      %dma_start3A_216 = tpu.memref_squeeze %dma_start3A_215 : memref<1x4x128xi32, #tpu.memory_space<vmem>> -> memref<4x128xi32, #tpu.memory_space<vmem>>
      %dma_start3A_217 = arith.constant 0 : i32
      %dma_start3A_218 = tpu.memref_slice %arg3[%arg0, %multiple_of3A_204, %dma_start3A_217] : memref<2x6404x128xi32, #tpu.memory_space<hbm>> -> memref<1x4x128xi32, #tpu.memory_space<hbm>>
      %dma_start3A_219 = tpu.memref_squeeze %dma_start3A_218 : memref<1x4x128xi32, #tpu.memory_space<hbm>> -> memref<4x128xi32, #tpu.memory_space<hbm>>
      tpu.enqueue_dma source(%dma_start3A_219 : memref<4x128xi32, #tpu.memory_space<hbm>>) target(%dma_start3A_216 : memref<4x128xi32, #tpu.memory_space<vmem>>) target_semaphore(%arg12 : memref<!tpu.dma_semaphore, #tpu.memory_space<semaphore_mem>>)
      %dma_start3A_220 = arith.constant 1 : i32
      %dma_start3A_221 = arith.constant 0 : i32
      %dma_start3A_222 = arith.constant 0 : i32
      %dma_start3A_223 = tpu.memref_slice %arg7[%dma_start3A_220, %dma_start3A_221, %dma_start3A_222] : memref<2x4x128xi32, #tpu.memory_space<vmem>> -> memref<1x4x128xi32, #tpu.memory_space<vmem>>
      %dma_start3A_224 = tpu.memref_squeeze %dma_start3A_223 : memref<1x4x128xi32, #tpu.memory_space<vmem>> -> memref<4x128xi32, #tpu.memory_space<vmem>>
      %dma_start3A_225 = arith.constant 0 : i32
      %dma_start3A_226 = tpu.memref_slice %arg4[%multiple_of3A_204, %dma_start3A_225] : memref<6404x128xi32, #tpu.memory_space<hbm>> -> memref<4x128xi32, #tpu.memory_space<hbm>>
      %dma_start3A_227 = arith.constant 0 : i32
      %dma_start3A_228 = arith.constant 0 : i32
      %dma_start3A_229 = tpu.memref_slice %arg7[%dma_start3A_220, %dma_start3A_227, %dma_start3A_228] : memref<2x4x128xi32, #tpu.memory_space<vmem>> -> memref<1x4x128xi32, #tpu.memory_space<vmem>>
      %dma_start3A_230 = tpu.memref_squeeze %dma_start3A_229 : memref<1x4x128xi32, #tpu.memory_space<vmem>> -> memref<4x128xi32, #tpu.memory_space<vmem>>
      %dma_start3A_231 = arith.constant 0 : i32
      %dma_start3A_232 = tpu.memref_slice %arg4[%multiple_of3A_204, %dma_start3A_231] : memref<6404x128xi32, #tpu.memory_space<hbm>> -> memref<4x128xi32, #tpu.memory_space<hbm>>
      tpu.enqueue_dma source(%dma_start3A_232 : memref<4x128xi32, #tpu.memory_space<hbm>>) target(%dma_start3A_230 : memref<4x128xi32, #tpu.memory_space<vmem>>) target_semaphore(%arg12 : memref<!tpu.dma_semaphore, #tpu.memory_space<semaphore_mem>>)
      %dma_start3A_233 = arith.constant 0 : i32
      %dma_start3A_234 = arith.constant 0 : i32
      %dma_start3A_235 = arith.constant 0 : i32
      %dma_start3A_236 = arith.constant 0 : i32
      %dma_start3A_237 = tpu.memref_slice %arg8[%dma_start3A_235, %dma_start3A_236] : memref<512x32xf32, #tpu.memory_space<vmem>> -> memref<128x32xf32, #tpu.memory_space<vmem>>
      %dma_start3A_238 = arith.constant 0 : i32
      %dma_start3A_239 = tpu.memref_slice %arg6[%dma_start3A_233, %dma_start3A_234, %dma_start3A_238] : memref<2x4x128xi32, #tpu.memory_space<vmem>> -> memref<1x1x128xi32, #tpu.memory_space<vmem>>
      %dma_start3A_240 = tpu.memref_squeeze %dma_start3A_239 : memref<1x1x128xi32, #tpu.memory_space<vmem>> -> memref<128xi32, #tpu.memory_space<vmem>>
      %dma_start3A_241 = arith.constant 0 : i32
      %dma_start3A_242 = arith.constant 0 : i32
      %dma_start3A_243 = tpu.memref_slice %arg2[%dma_start3A_241, %dma_start3A_242] : memref<100000x32xf32, #tpu.memory_space<hbm>> -> memref<100000x32xf32, #tpu.memory_space<hbm>>
      tpu.enqueue_indirect_dma source(%dma_start3A_243 : memref<100000x32xf32, #tpu.memory_space<hbm>>) target(%dma_start3A_237 : memref<128x32xf32, #tpu.memory_space<vmem>>) offsets(%dma_start3A_240 : memref<128xi32, #tpu.memory_space<vmem>>) semaphore(%arg10 : memref<!tpu.dma_semaphore, #tpu.memory_space<semaphore_mem>>)
      %dma_start3A_244 = arith.constant 0 : i32
      %dma_start3A_245 = arith.constant 1 : i32
      %dma_start3A_246 = arith.constant 128 : i32
      %dma_start3A_247 = arith.constant 0 : i32
      %dma_start3A_248 = tpu.memref_slice %arg8[%dma_start3A_246, %dma_start3A_247] : memref<512x32xf32, #tpu.memory_space<vmem>> -> memref<128x32xf32, #tpu.memory_space<vmem>>
      %dma_start3A_249 = arith.constant 0 : i32
      %dma_start3A_250 = tpu.memref_slice %arg6[%dma_start3A_244, %dma_start3A_245, %dma_start3A_249] : memref<2x4x128xi32, #tpu.memory_space<vmem>> -> memref<1x1x128xi32, #tpu.memory_space<vmem>>
      %dma_start3A_251 = tpu.memref_squeeze %dma_start3A_250 : memref<1x1x128xi32, #tpu.memory_space<vmem>> -> memref<128xi32, #tpu.memory_space<vmem>>
      %dma_start3A_252 = arith.constant 0 : i32
      %dma_start3A_253 = arith.constant 0 : i32
      %dma_start3A_254 = tpu.memref_slice %arg2[%dma_start3A_252, %dma_start3A_253] : memref<100000x32xf32, #tpu.memory_space<hbm>> -> memref<100000x32xf32, #tpu.memory_space<hbm>>
      tpu.enqueue_indirect_dma source(%dma_start3A_254 : memref<100000x32xf32, #tpu.memory_space<hbm>>) target(%dma_start3A_248 : memref<128x32xf32, #tpu.memory_space<vmem>>) offsets(%dma_start3A_251 : memref<128xi32, #tpu.memory_space<vmem>>) semaphore(%arg10 : memref<!tpu.dma_semaphore, #tpu.memory_space<semaphore_mem>>)
      %dma_start3A_255 = arith.constant 0 : i32
      %dma_start3A_256 = arith.constant 2 : i32
      %dma_start3A_257 = arith.constant 256 : i32
      %dma_start3A_258 = arith.constant 0 : i32
      %dma_start3A_259 = tpu.memref_slice %arg8[%dma_start3A_257, %dma_start3A_258] : memref<512x32xf32, #tpu.memory_space<vmem>> -> memref<128x32xf32, #tpu.memory_space<vmem>>
      %dma_start3A_260 = arith.constant 0 : i32
      %dma_start3A_261 = tpu.memref_slice %arg6[%dma_start3A_255, %dma_start3A_256, %dma_start3A_260] : memref<2x4x128xi32, #tpu.memory_space<vmem>> -> memref<1x1x128xi32, #tpu.memory_space<vmem>>
      %dma_start3A_262 = tpu.memref_squeeze %dma_start3A_261 : memref<1x1x128xi32, #tpu.memory_space<vmem>> -> memref<128xi32, #tpu.memory_space<vmem>>
      %dma_start3A_263 = arith.constant 0 : i32
      %dma_start3A_264 = arith.constant 0 : i32
      %dma_start3A_265 = tpu.memref_slice %arg2[%dma_start3A_263, %dma_start3A_264] : memref<100000x32xf32, #tpu.memory_space<hbm>> -> memref<100000x32xf32, #tpu.memory_space<hbm>>
      tpu.enqueue_indirect_dma source(%dma_start3A_265 : memref<100000x32xf32, #tpu.memory_space<hbm>>) target(%dma_start3A_259 : memref<128x32xf32, #tpu.memory_space<vmem>>) offsets(%dma_start3A_262 : memref<128xi32, #tpu.memory_space<vmem>>) semaphore(%arg10 : memref<!tpu.dma_semaphore, #tpu.memory_space<semaphore_mem>>)
      %dma_start3A_266 = arith.constant 0 : i32
      %dma_start3A_267 = arith.constant 3 : i32
      %dma_start3A_268 = arith.constant 384 : i32
      %dma_start3A_269 = arith.constant 0 : i32
      %dma_start3A_270 = tpu.memref_slice %arg8[%dma_start3A_268, %dma_start3A_269] : memref<512x32xf32, #tpu.memory_space<vmem>> -> memref<128x32xf32, #tpu.memory_space<vmem>>
      %dma_start3A_271 = arith.constant 0 : i32
      %dma_start3A_272 = tpu.memref_slice %arg6[%dma_start3A_266, %dma_start3A_267, %dma_start3A_271] : memref<2x4x128xi32, #tpu.memory_space<vmem>> -> memref<1x1x128xi32, #tpu.memory_space<vmem>>
      %dma_start3A_273 = tpu.memref_squeeze %dma_start3A_272 : memref<1x1x128xi32, #tpu.memory_space<vmem>> -> memref<128xi32, #tpu.memory_space<vmem>>
      %dma_start3A_274 = arith.constant 0 : i32
      %dma_start3A_275 = arith.constant 0 : i32
      %dma_start3A_276 = tpu.memref_slice %arg2[%dma_start3A_274, %dma_start3A_275] : memref<100000x32xf32, #tpu.memory_space<hbm>> -> memref<100000x32xf32, #tpu.memory_space<hbm>>
      tpu.enqueue_indirect_dma source(%dma_start3A_276 : memref<100000x32xf32, #tpu.memory_space<hbm>>) target(%dma_start3A_270 : memref<128x32xf32, #tpu.memory_space<vmem>>) offsets(%dma_start3A_273 : memref<128xi32, #tpu.memory_space<vmem>>) semaphore(%arg10 : memref<!tpu.dma_semaphore, #tpu.memory_space<semaphore_mem>>)
      %dma_wait3A_277 = arith.constant 0 : i32
      %dma_wait3A_278 = arith.constant 0 : i32
      %dma_wait3A_279 = arith.constant 0 : i32
      %dma_wait3A_280 = arith.constant 0 : i32
      %dma_wait3A_281 = tpu.memref_slice %arg8[%dma_wait3A_279, %dma_wait3A_280] : memref<512x32xf32, #tpu.memory_space<vmem>> -> memref<128x32xf32, #tpu.memory_space<vmem>>
      %dma_wait3A_282 = arith.constant 0 : i32
      %dma_wait3A_283 = tpu.memref_slice %arg6[%dma_wait3A_277, %dma_wait3A_278, %dma_wait3A_282] : memref<2x4x128xi32, #tpu.memory_space<vmem>> -> memref<1x1x128xi32, #tpu.memory_space<vmem>>
      %dma_wait3A_284 = tpu.memref_squeeze %dma_wait3A_283 : memref<1x1x128xi32, #tpu.memory_space<vmem>> -> memref<128xi32, #tpu.memory_space<vmem>>
      %dma_wait3A_285 = arith.constant 0 : i32
      %dma_wait3A_286 = arith.constant 0 : i32
      %dma_wait3A_287 = tpu.memref_slice %arg2[%dma_wait3A_285, %dma_wait3A_286] : memref<100000x32xf32, #tpu.memory_space<hbm>> -> memref<100000x32xf32, #tpu.memory_space<hbm>>
      tpu.wait_indirect_dma semaphore(%arg10 : memref<!tpu.dma_semaphore, #tpu.memory_space<semaphore_mem>>) src(%dma_wait3A_287 : memref<100000x32xf32, #tpu.memory_space<hbm>>) dst(%dma_wait3A_281 : memref<128x32xf32, #tpu.memory_space<vmem>>)
      %dma_start3A_288 = arith.constant 0 : i32
      %dma_start3A_289 = arith.constant 0 : i32
      %dma_start3A_290 = arith.constant 0 : i32
      %dma_start3A_291 = arith.constant 0 : i32
      %dma_start3A_292 = tpu.memref_slice %arg8[%dma_start3A_290, %dma_start3A_291] : memref<512x32xf32, #tpu.memory_space<vmem>> -> memref<128x32xf32, #tpu.memory_space<vmem>>
      %dma_start3A_293 = arith.constant 0 : i32
      %dma_start3A_294 = tpu.memref_slice %arg7[%dma_start3A_288, %dma_start3A_289, %dma_start3A_293] : memref<2x4x128xi32, #tpu.memory_space<vmem>> -> memref<1x1x128xi32, #tpu.memory_space<vmem>>
      %dma_start3A_295 = tpu.memref_squeeze %dma_start3A_294 : memref<1x1x128xi32, #tpu.memory_space<vmem>> -> memref<128xi32, #tpu.memory_space<vmem>>
      %dma_start3A_296 = arith.constant 0 : i32
      %dma_start3A_297 = arith.constant 0 : i32
      %dma_start3A_298 = tpu.memref_slice %arg9[%dma_start3A_296, %dma_start3A_297] : memref<50176x32xf32, #tpu.memory_space<vmem_shared>> -> memref<50176x32xf32, #tpu.memory_space<vmem_shared>>
      tpu.enqueue_indirect_dma source(%dma_start3A_292 : memref<128x32xf32, #tpu.memory_space<vmem>>) target(%dma_start3A_298 : memref<50176x32xf32, #tpu.memory_space<vmem_shared>>) offsets(%dma_start3A_295 : memref<128xi32, #tpu.memory_space<vmem>>) semaphore(%arg11 : memref<!tpu.dma_semaphore, #tpu.memory_space<semaphore_mem>>) {add = true}
      %dma_wait3A_299 = arith.constant 0 : i32
      %dma_wait3A_300 = arith.constant 1 : i32
      %dma_wait3A_301 = arith.constant 128 : i32
      %dma_wait3A_302 = arith.constant 0 : i32
      %dma_wait3A_303 = tpu.memref_slice %arg8[%dma_wait3A_301, %dma_wait3A_302] : memref<512x32xf32, #tpu.memory_space<vmem>> -> memref<128x32xf32, #tpu.memory_space<vmem>>
      %dma_wait3A_304 = arith.constant 0 : i32
      %dma_wait3A_305 = tpu.memref_slice %arg6[%dma_wait3A_299, %dma_wait3A_300, %dma_wait3A_304] : memref<2x4x128xi32, #tpu.memory_space<vmem>> -> memref<1x1x128xi32, #tpu.memory_space<vmem>>
      %dma_wait3A_306 = tpu.memref_squeeze %dma_wait3A_305 : memref<1x1x128xi32, #tpu.memory_space<vmem>> -> memref<128xi32, #tpu.memory_space<vmem>>
      %dma_wait3A_307 = arith.constant 0 : i32
      %dma_wait3A_308 = arith.constant 0 : i32
      %dma_wait3A_309 = tpu.memref_slice %arg2[%dma_wait3A_307, %dma_wait3A_308] : memref<100000x32xf32, #tpu.memory_space<hbm>> -> memref<100000x32xf32, #tpu.memory_space<hbm>>
      tpu.wait_indirect_dma semaphore(%arg10 : memref<!tpu.dma_semaphore, #tpu.memory_space<semaphore_mem>>) src(%dma_wait3A_309 : memref<100000x32xf32, #tpu.memory_space<hbm>>) dst(%dma_wait3A_303 : memref<128x32xf32, #tpu.memory_space<vmem>>)
      %dma_start3A_310 = arith.constant 0 : i32
      %dma_start3A_311 = arith.constant 1 : i32
      %dma_start3A_312 = arith.constant 128 : i32
      %dma_start3A_313 = arith.constant 0 : i32
      %dma_start3A_314 = tpu.memref_slice %arg8[%dma_start3A_312, %dma_start3A_313] : memref<512x32xf32, #tpu.memory_space<vmem>> -> memref<128x32xf32, #tpu.memory_space<vmem>>
      %dma_start3A_315 = arith.constant 0 : i32
      %dma_start3A_316 = tpu.memref_slice %arg7[%dma_start3A_310, %dma_start3A_311, %dma_start3A_315] : memref<2x4x128xi32, #tpu.memory_space<vmem>> -> memref<1x1x128xi32, #tpu.memory_space<vmem>>
      %dma_start3A_317 = tpu.memref_squeeze %dma_start3A_316 : memref<1x1x128xi32, #tpu.memory_space<vmem>> -> memref<128xi32, #tpu.memory_space<vmem>>
      %dma_start3A_318 = arith.constant 0 : i32
      %dma_start3A_319 = arith.constant 0 : i32
      %dma_start3A_320 = tpu.memref_slice %arg9[%dma_start3A_318, %dma_start3A_319] : memref<50176x32xf32, #tpu.memory_space<vmem_shared>> -> memref<50176x32xf32, #tpu.memory_space<vmem_shared>>
      tpu.enqueue_indirect_dma source(%dma_start3A_314 : memref<128x32xf32, #tpu.memory_space<vmem>>) target(%dma_start3A_320 : memref<50176x32xf32, #tpu.memory_space<vmem_shared>>) offsets(%dma_start3A_317 : memref<128xi32, #tpu.memory_space<vmem>>) semaphore(%arg11 : memref<!tpu.dma_semaphore, #tpu.memory_space<semaphore_mem>>) {add = true}
      %dma_wait3A_321 = arith.constant 0 : i32
      %dma_wait3A_322 = arith.constant 2 : i32
      %dma_wait3A_323 = arith.constant 256 : i32
      %dma_wait3A_324 = arith.constant 0 : i32
      %dma_wait3A_325 = tpu.memref_slice %arg8[%dma_wait3A_323, %dma_wait3A_324] : memref<512x32xf32, #tpu.memory_space<vmem>> -> memref<128x32xf32, #tpu.memory_space<vmem>>
      %dma_wait3A_326 = arith.constant 0 : i32
      %dma_wait3A_327 = tpu.memref_slice %arg6[%dma_wait3A_321, %dma_wait3A_322, %dma_wait3A_326] : memref<2x4x128xi32, #tpu.memory_space<vmem>> -> memref<1x1x128xi32, #tpu.memory_space<vmem>>
      %dma_wait3A_328 = tpu.memref_squeeze %dma_wait3A_327 : memref<1x1x128xi32, #tpu.memory_space<vmem>> -> memref<128xi32, #tpu.memory_space<vmem>>
      %dma_wait3A_329 = arith.constant 0 : i32
      %dma_wait3A_330 = arith.constant 0 : i32
      %dma_wait3A_331 = tpu.memref_slice %arg2[%dma_wait3A_329, %dma_wait3A_330] : memref<100000x32xf32, #tpu.memory_space<hbm>> -> memref<100000x32xf32, #tpu.memory_space<hbm>>
      tpu.wait_indirect_dma semaphore(%arg10 : memref<!tpu.dma_semaphore, #tpu.memory_space<semaphore_mem>>) src(%dma_wait3A_331 : memref<100000x32xf32, #tpu.memory_space<hbm>>) dst(%dma_wait3A_325 : memref<128x32xf32, #tpu.memory_space<vmem>>)
      %dma_start3A_332 = arith.constant 0 : i32
      %dma_start3A_333 = arith.constant 2 : i32
      %dma_start3A_334 = arith.constant 256 : i32
      %dma_start3A_335 = arith.constant 0 : i32
      %dma_start3A_336 = tpu.memref_slice %arg8[%dma_start3A_334, %dma_start3A_335] : memref<512x32xf32, #tpu.memory_space<vmem>> -> memref<128x32xf32, #tpu.memory_space<vmem>>
      %dma_start3A_337 = arith.constant 0 : i32
      %dma_start3A_338 = tpu.memref_slice %arg7[%dma_start3A_332, %dma_start3A_333, %dma_start3A_337] : memref<2x4x128xi32, #tpu.memory_space<vmem>> -> memref<1x1x128xi32, #tpu.memory_space<vmem>>
      %dma_start3A_339 = tpu.memref_squeeze %dma_start3A_338 : memref<1x1x128xi32, #tpu.memory_space<vmem>> -> memref<128xi32, #tpu.memory_space<vmem>>
      %dma_start3A_340 = arith.constant 0 : i32
      %dma_start3A_341 = arith.constant 0 : i32
      %dma_start3A_342 = tpu.memref_slice %arg9[%dma_start3A_340, %dma_start3A_341] : memref<50176x32xf32, #tpu.memory_space<vmem_shared>> -> memref<50176x32xf32, #tpu.memory_space<vmem_shared>>
      tpu.enqueue_indirect_dma source(%dma_start3A_336 : memref<128x32xf32, #tpu.memory_space<vmem>>) target(%dma_start3A_342 : memref<50176x32xf32, #tpu.memory_space<vmem_shared>>) offsets(%dma_start3A_339 : memref<128xi32, #tpu.memory_space<vmem>>) semaphore(%arg11 : memref<!tpu.dma_semaphore, #tpu.memory_space<semaphore_mem>>) {add = true}
      %dma_wait3A_343 = arith.constant 0 : i32
      %dma_wait3A_344 = arith.constant 3 : i32
      %dma_wait3A_345 = arith.constant 384 : i32
      %dma_wait3A_346 = arith.constant 0 : i32
      %dma_wait3A_347 = tpu.memref_slice %arg8[%dma_wait3A_345, %dma_wait3A_346] : memref<512x32xf32, #tpu.memory_space<vmem>> -> memref<128x32xf32, #tpu.memory_space<vmem>>
      %dma_wait3A_348 = arith.constant 0 : i32
      %dma_wait3A_349 = tpu.memref_slice %arg6[%dma_wait3A_343, %dma_wait3A_344, %dma_wait3A_348] : memref<2x4x128xi32, #tpu.memory_space<vmem>> -> memref<1x1x128xi32, #tpu.memory_space<vmem>>
      %dma_wait3A_350 = tpu.memref_squeeze %dma_wait3A_349 : memref<1x1x128xi32, #tpu.memory_space<vmem>> -> memref<128xi32, #tpu.memory_space<vmem>>
      %dma_wait3A_351 = arith.constant 0 : i32
      %dma_wait3A_352 = arith.constant 0 : i32
      %dma_wait3A_353 = tpu.memref_slice %arg2[%dma_wait3A_351, %dma_wait3A_352] : memref<100000x32xf32, #tpu.memory_space<hbm>> -> memref<100000x32xf32, #tpu.memory_space<hbm>>
      tpu.wait_indirect_dma semaphore(%arg10 : memref<!tpu.dma_semaphore, #tpu.memory_space<semaphore_mem>>) src(%dma_wait3A_353 : memref<100000x32xf32, #tpu.memory_space<hbm>>) dst(%dma_wait3A_347 : memref<128x32xf32, #tpu.memory_space<vmem>>)
      %dma_start3A_354 = arith.constant 0 : i32
      %dma_start3A_355 = arith.constant 3 : i32
      %dma_start3A_356 = arith.constant 384 : i32
      %dma_start3A_357 = arith.constant 0 : i32
      %dma_start3A_358 = tpu.memref_slice %arg8[%dma_start3A_356, %dma_start3A_357] : memref<512x32xf32, #tpu.memory_space<vmem>> -> memref<128x32xf32, #tpu.memory_space<vmem>>
      %dma_start3A_359 = arith.constant 0 : i32
      %dma_start3A_360 = tpu.memref_slice %arg7[%dma_start3A_354, %dma_start3A_355, %dma_start3A_359] : memref<2x4x128xi32, #tpu.memory_space<vmem>> -> memref<1x1x128xi32, #tpu.memory_space<vmem>>
      %dma_start3A_361 = tpu.memref_squeeze %dma_start3A_360 : memref<1x1x128xi32, #tpu.memory_space<vmem>> -> memref<128xi32, #tpu.memory_space<vmem>>
      %dma_start3A_362 = arith.constant 0 : i32
      %dma_start3A_363 = arith.constant 0 : i32
      %dma_start3A_364 = tpu.memref_slice %arg9[%dma_start3A_362, %dma_start3A_363] : memref<50176x32xf32, #tpu.memory_space<vmem_shared>> -> memref<50176x32xf32, #tpu.memory_space<vmem_shared>>
      tpu.enqueue_indirect_dma source(%dma_start3A_358 : memref<128x32xf32, #tpu.memory_space<vmem>>) target(%dma_start3A_364 : memref<50176x32xf32, #tpu.memory_space<vmem_shared>>) offsets(%dma_start3A_361 : memref<128xi32, #tpu.memory_space<vmem>>) semaphore(%arg11 : memref<!tpu.dma_semaphore, #tpu.memory_space<semaphore_mem>>) {add = true}
      %dma_wait3A_365 = arith.constant 0 : i32
      %dma_wait3A_366 = arith.constant 0 : i32
      %dma_wait3A_367 = arith.constant 0 : i32
      %dma_wait3A_368 = arith.constant 0 : i32
      %dma_wait3A_369 = tpu.memref_slice %arg8[%dma_wait3A_367, %dma_wait3A_368] : memref<512x32xf32, #tpu.memory_space<vmem>> -> memref<128x32xf32, #tpu.memory_space<vmem>>
      %dma_wait3A_370 = arith.constant 0 : i32
      %dma_wait3A_371 = tpu.memref_slice %arg7[%dma_wait3A_365, %dma_wait3A_366, %dma_wait3A_370] : memref<2x4x128xi32, #tpu.memory_space<vmem>> -> memref<1x1x128xi32, #tpu.memory_space<vmem>>
      %dma_wait3A_372 = tpu.memref_squeeze %dma_wait3A_371 : memref<1x1x128xi32, #tpu.memory_space<vmem>> -> memref<128xi32, #tpu.memory_space<vmem>>
      %dma_wait3A_373 = arith.constant 0 : i32
      %dma_wait3A_374 = arith.constant 0 : i32
      %dma_wait3A_375 = tpu.memref_slice %arg9[%dma_wait3A_373, %dma_wait3A_374] : memref<50176x32xf32, #tpu.memory_space<vmem_shared>> -> memref<50176x32xf32, #tpu.memory_space<vmem_shared>>
      tpu.wait_indirect_dma semaphore(%arg11 : memref<!tpu.dma_semaphore, #tpu.memory_space<semaphore_mem>>) src(%dma_wait3A_369 : memref<128x32xf32, #tpu.memory_space<vmem>>) dst(%dma_wait3A_375 : memref<50176x32xf32, #tpu.memory_space<vmem_shared>>)
      %dma_wait3A_376 = arith.constant 0 : i32
      %dma_wait3A_377 = arith.constant 1 : i32
      %dma_wait3A_378 = arith.constant 128 : i32
      %dma_wait3A_379 = arith.constant 0 : i32
      %dma_wait3A_380 = tpu.memref_slice %arg8[%dma_wait3A_378, %dma_wait3A_379] : memref<512x32xf32, #tpu.memory_space<vmem>> -> memref<128x32xf32, #tpu.memory_space<vmem>>
      %dma_wait3A_381 = arith.constant 0 : i32
      %dma_wait3A_382 = tpu.memref_slice %arg7[%dma_wait3A_376, %dma_wait3A_377, %dma_wait3A_381] : memref<2x4x128xi32, #tpu.memory_space<vmem>> -> memref<1x1x128xi32, #tpu.memory_space<vmem>>
      %dma_wait3A_383 = tpu.memref_squeeze %dma_wait3A_382 : memref<1x1x128xi32, #tpu.memory_space<vmem>> -> memref<128xi32, #tpu.memory_space<vmem>>
      %dma_wait3A_384 = arith.constant 0 : i32
      %dma_wait3A_385 = arith.constant 0 : i32
      %dma_wait3A_386 = tpu.memref_slice %arg9[%dma_wait3A_384, %dma_wait3A_385] : memref<50176x32xf32, #tpu.memory_space<vmem_shared>> -> memref<50176x32xf32, #tpu.memory_space<vmem_shared>>
      tpu.wait_indirect_dma semaphore(%arg11 : memref<!tpu.dma_semaphore, #tpu.memory_space<semaphore_mem>>) src(%dma_wait3A_380 : memref<128x32xf32, #tpu.memory_space<vmem>>) dst(%dma_wait3A_386 : memref<50176x32xf32, #tpu.memory_space<vmem_shared>>)
      %dma_wait3A_387 = arith.constant 0 : i32
      %dma_wait3A_388 = arith.constant 2 : i32
      %dma_wait3A_389 = arith.constant 256 : i32
      %dma_wait3A_390 = arith.constant 0 : i32
      %dma_wait3A_391 = tpu.memref_slice %arg8[%dma_wait3A_389, %dma_wait3A_390] : memref<512x32xf32, #tpu.memory_space<vmem>> -> memref<128x32xf32, #tpu.memory_space<vmem>>
      %dma_wait3A_392 = arith.constant 0 : i32
      %dma_wait3A_393 = tpu.memref_slice %arg7[%dma_wait3A_387, %dma_wait3A_388, %dma_wait3A_392] : memref<2x4x128xi32, #tpu.memory_space<vmem>> -> memref<1x1x128xi32, #tpu.memory_space<vmem>>
      %dma_wait3A_394 = tpu.memref_squeeze %dma_wait3A_393 : memref<1x1x128xi32, #tpu.memory_space<vmem>> -> memref<128xi32, #tpu.memory_space<vmem>>
      %dma_wait3A_395 = arith.constant 0 : i32
      %dma_wait3A_396 = arith.constant 0 : i32
      %dma_wait3A_397 = tpu.memref_slice %arg9[%dma_wait3A_395, %dma_wait3A_396] : memref<50176x32xf32, #tpu.memory_space<vmem_shared>> -> memref<50176x32xf32, #tpu.memory_space<vmem_shared>>
      tpu.wait_indirect_dma semaphore(%arg11 : memref<!tpu.dma_semaphore, #tpu.memory_space<semaphore_mem>>) src(%dma_wait3A_391 : memref<128x32xf32, #tpu.memory_space<vmem>>) dst(%dma_wait3A_397 : memref<50176x32xf32, #tpu.memory_space<vmem_shared>>)
      %dma_wait3A_398 = arith.constant 0 : i32
      %dma_wait3A_399 = arith.constant 3 : i32
      %dma_wait3A_400 = arith.constant 384 : i32
      %dma_wait3A_401 = arith.constant 0 : i32
      %dma_wait3A_402 = tpu.memref_slice %arg8[%dma_wait3A_400, %dma_wait3A_401] : memref<512x32xf32, #tpu.memory_space<vmem>> -> memref<128x32xf32, #tpu.memory_space<vmem>>
      %dma_wait3A_403 = arith.constant 0 : i32
      %dma_wait3A_404 = tpu.memref_slice %arg7[%dma_wait3A_398, %dma_wait3A_399, %dma_wait3A_403] : memref<2x4x128xi32, #tpu.memory_space<vmem>> -> memref<1x1x128xi32, #tpu.memory_space<vmem>>
      %dma_wait3A_405 = tpu.memref_squeeze %dma_wait3A_404 : memref<1x1x128xi32, #tpu.memory_space<vmem>> -> memref<128xi32, #tpu.memory_space<vmem>>
      %dma_wait3A_406 = arith.constant 0 : i32
      %dma_wait3A_407 = arith.constant 0 : i32
      %dma_wait3A_408 = tpu.memref_slice %arg9[%dma_wait3A_406, %dma_wait3A_407] : memref<50176x32xf32, #tpu.memory_space<vmem_shared>> -> memref<50176x32xf32, #tpu.memory_space<vmem_shared>>
      tpu.wait_indirect_dma semaphore(%arg11 : memref<!tpu.dma_semaphore, #tpu.memory_space<semaphore_mem>>) src(%dma_wait3A_402 : memref<128x32xf32, #tpu.memory_space<vmem>>) dst(%dma_wait3A_408 : memref<50176x32xf32, #tpu.memory_space<vmem_shared>>)
      %mul3A_409 = arith.constant 2 : i32
      %mul3A_410 = arith.muli %scan3A_158, %mul3A_409 : i32
      %add3A_411 = arith.constant 1 : i32
      %add3A_412 = arith.addi %mul3A_410, %add3A_411 : i32
      %mul3A_413 = arith.constant 400 : i32
      %mul3A_414 = arith.muli %arg1, %mul3A_413 : i32
      %mul3A_415 = arith.constant 4 : i32
      %mul3A_416 = arith.muli %add3A_412, %mul3A_415 : i32
      %add3A_417 = arith.addi %mul3A_414, %mul3A_416 : i32
      %multiple_of3A_418 = tpu.assume_multiple %add3A_417, 4 : i32
      %dma_wait3A_419 = arith.constant 1 : i32
      %dma_wait3A_420 = arith.constant 0 : i32
      %dma_wait3A_421 = arith.constant 0 : i32
      %dma_wait3A_422 = tpu.memref_slice %arg6[%dma_wait3A_419, %dma_wait3A_420, %dma_wait3A_421] : memref<2x4x128xi32, #tpu.memory_space<vmem>> -> memref<1x4x128xi32, #tpu.memory_space<vmem>>
      %dma_wait3A_423 = tpu.memref_squeeze %dma_wait3A_422 : memref<1x4x128xi32, #tpu.memory_space<vmem>> -> memref<4x128xi32, #tpu.memory_space<vmem>>
      %dma_wait3A_424 = arith.constant 0 : i32
      %dma_wait3A_425 = tpu.memref_slice %arg3[%arg0, %multiple_of3A_418, %dma_wait3A_424] : memref<2x6404x128xi32, #tpu.memory_space<hbm>> -> memref<1x4x128xi32, #tpu.memory_space<hbm>>
      %dma_wait3A_426 = tpu.memref_squeeze %dma_wait3A_425 : memref<1x4x128xi32, #tpu.memory_space<hbm>> -> memref<4x128xi32, #tpu.memory_space<hbm>>
      %dma_wait3A_427 = arith.constant 0 : i32
      %dma_wait3A_428 = arith.constant 0 : i32
      %dma_wait3A_429 = tpu.memref_slice %arg6[%dma_wait3A_419, %dma_wait3A_427, %dma_wait3A_428] : memref<2x4x128xi32, #tpu.memory_space<vmem>> -> memref<1x4x128xi32, #tpu.memory_space<vmem>>
      %dma_wait3A_430 = tpu.memref_squeeze %dma_wait3A_429 : memref<1x4x128xi32, #tpu.memory_space<vmem>> -> memref<4x128xi32, #tpu.memory_space<vmem>>
      %dma_wait3A_431 = arith.constant 0 : i32
      %dma_wait3A_432 = tpu.memref_slice %arg3[%arg0, %multiple_of3A_418, %dma_wait3A_431] : memref<2x6404x128xi32, #tpu.memory_space<hbm>> -> memref<1x4x128xi32, #tpu.memory_space<hbm>>
      %dma_wait3A_433 = tpu.memref_squeeze %dma_wait3A_432 : memref<1x4x128xi32, #tpu.memory_space<hbm>> -> memref<4x128xi32, #tpu.memory_space<hbm>>
      tpu.wait_dma2 semaphore(%arg12 : memref<!tpu.dma_semaphore, #tpu.memory_space<semaphore_mem>>) src(%dma_wait3A_433 : memref<4x128xi32, #tpu.memory_space<hbm>>) dst(%dma_wait3A_430 : memref<4x128xi32, #tpu.memory_space<vmem>>)
      %dma_wait3A_434 = arith.constant 1 : i32
      %dma_wait3A_435 = arith.constant 0 : i32
      %dma_wait3A_436 = arith.constant 0 : i32
      %dma_wait3A_437 = tpu.memref_slice %arg7[%dma_wait3A_434, %dma_wait3A_435, %dma_wait3A_436] : memref<2x4x128xi32, #tpu.memory_space<vmem>> -> memref<1x4x128xi32, #tpu.memory_space<vmem>>
      %dma_wait3A_438 = tpu.memref_squeeze %dma_wait3A_437 : memref<1x4x128xi32, #tpu.memory_space<vmem>> -> memref<4x128xi32, #tpu.memory_space<vmem>>
      %dma_wait3A_439 = arith.constant 0 : i32
      %dma_wait3A_440 = tpu.memref_slice %arg4[%multiple_of3A_418, %dma_wait3A_439] : memref<6404x128xi32, #tpu.memory_space<hbm>> -> memref<4x128xi32, #tpu.memory_space<hbm>>
      %dma_wait3A_441 = arith.constant 0 : i32
      %dma_wait3A_442 = arith.constant 0 : i32
      %dma_wait3A_443 = tpu.memref_slice %arg7[%dma_wait3A_434, %dma_wait3A_441, %dma_wait3A_442] : memref<2x4x128xi32, #tpu.memory_space<vmem>> -> memref<1x4x128xi32, #tpu.memory_space<vmem>>
      %dma_wait3A_444 = tpu.memref_squeeze %dma_wait3A_443 : memref<1x4x128xi32, #tpu.memory_space<vmem>> -> memref<4x128xi32, #tpu.memory_space<vmem>>
      %dma_wait3A_445 = arith.constant 0 : i32
      %dma_wait3A_446 = tpu.memref_slice %arg4[%multiple_of3A_418, %dma_wait3A_445] : memref<6404x128xi32, #tpu.memory_space<hbm>> -> memref<4x128xi32, #tpu.memory_space<hbm>>
      tpu.wait_dma2 semaphore(%arg12 : memref<!tpu.dma_semaphore, #tpu.memory_space<semaphore_mem>>) src(%dma_wait3A_446 : memref<4x128xi32, #tpu.memory_space<hbm>>) dst(%dma_wait3A_444 : memref<4x128xi32, #tpu.memory_space<vmem>>)
      %add3A_447 = arith.constant 1 : i32
      %add3A_448 = arith.addi %add3A_412, %add3A_447 : i32
      %mul3A_449 = arith.constant 400 : i32
      %mul3A_450 = arith.muli %arg1, %mul3A_449 : i32
      %mul3A_451 = arith.constant 4 : i32
      %mul3A_452 = arith.muli %add3A_448, %mul3A_451 : i32
      %add3A_453 = arith.addi %mul3A_450, %mul3A_452 : i32
      %multiple_of3A_454 = tpu.assume_multiple %add3A_453, 4 : i32
      %dma_start3A_455 = arith.constant 0 : i32
      %dma_start3A_456 = arith.constant 0 : i32
      %dma_start3A_457 = arith.constant 0 : i32
      %dma_start3A_458 = tpu.memref_slice %arg6[%dma_start3A_455, %dma_start3A_456, %dma_start3A_457] : memref<2x4x128xi32, #tpu.memory_space<vmem>> -> memref<1x4x128xi32, #tpu.memory_space<vmem>>
      %dma_start3A_459 = tpu.memref_squeeze %dma_start3A_458 : memref<1x4x128xi32, #tpu.memory_space<vmem>> -> memref<4x128xi32, #tpu.memory_space<vmem>>
      %dma_start3A_460 = arith.constant 0 : i32
      %dma_start3A_461 = tpu.memref_slice %arg3[%arg0, %multiple_of3A_454, %dma_start3A_460] : memref<2x6404x128xi32, #tpu.memory_space<hbm>> -> memref<1x4x128xi32, #tpu.memory_space<hbm>>
      %dma_start3A_462 = tpu.memref_squeeze %dma_start3A_461 : memref<1x4x128xi32, #tpu.memory_space<hbm>> -> memref<4x128xi32, #tpu.memory_space<hbm>>
      %dma_start3A_463 = arith.constant 0 : i32
      %dma_start3A_464 = arith.constant 0 : i32
      %dma_start3A_465 = tpu.memref_slice %arg6[%dma_start3A_455, %dma_start3A_463, %dma_start3A_464] : memref<2x4x128xi32, #tpu.memory_space<vmem>> -> memref<1x4x128xi32, #tpu.memory_space<vmem>>
      %dma_start3A_466 = tpu.memref_squeeze %dma_start3A_465 : memref<1x4x128xi32, #tpu.memory_space<vmem>> -> memref<4x128xi32, #tpu.memory_space<vmem>>
      %dma_start3A_467 = arith.constant 0 : i32
      %dma_start3A_468 = tpu.memref_slice %arg3[%arg0, %multiple_of3A_454, %dma_start3A_467] : memref<2x6404x128xi32, #tpu.memory_space<hbm>> -> memref<1x4x128xi32, #tpu.memory_space<hbm>>
      %dma_start3A_469 = tpu.memref_squeeze %dma_start3A_468 : memref<1x4x128xi32, #tpu.memory_space<hbm>> -> memref<4x128xi32, #tpu.memory_space<hbm>>
      tpu.enqueue_dma source(%dma_start3A_469 : memref<4x128xi32, #tpu.memory_space<hbm>>) target(%dma_start3A_466 : memref<4x128xi32, #tpu.memory_space<vmem>>) target_semaphore(%arg12 : memref<!tpu.dma_semaphore, #tpu.memory_space<semaphore_mem>>)
      %dma_start3A_470 = arith.constant 0 : i32
      %dma_start3A_471 = arith.constant 0 : i32
      %dma_start3A_472 = arith.constant 0 : i32
      %dma_start3A_473 = tpu.memref_slice %arg7[%dma_start3A_470, %dma_start3A_471, %dma_start3A_472] : memref<2x4x128xi32, #tpu.memory_space<vmem>> -> memref<1x4x128xi32, #tpu.memory_space<vmem>>
      %dma_start3A_474 = tpu.memref_squeeze %dma_start3A_473 : memref<1x4x128xi32, #tpu.memory_space<vmem>> -> memref<4x128xi32, #tpu.memory_space<vmem>>
      %dma_start3A_475 = arith.constant 0 : i32
      %dma_start3A_476 = tpu.memref_slice %arg4[%multiple_of3A_454, %dma_start3A_475] : memref<6404x128xi32, #tpu.memory_space<hbm>> -> memref<4x128xi32, #tpu.memory_space<hbm>>
      %dma_start3A_477 = arith.constant 0 : i32
      %dma_start3A_478 = arith.constant 0 : i32
      %dma_start3A_479 = tpu.memref_slice %arg7[%dma_start3A_470, %dma_start3A_477, %dma_start3A_478] : memref<2x4x128xi32, #tpu.memory_space<vmem>> -> memref<1x4x128xi32, #tpu.memory_space<vmem>>
      %dma_start3A_480 = tpu.memref_squeeze %dma_start3A_479 : memref<1x4x128xi32, #tpu.memory_space<vmem>> -> memref<4x128xi32, #tpu.memory_space<vmem>>
      %dma_start3A_481 = arith.constant 0 : i32
      %dma_start3A_482 = tpu.memref_slice %arg4[%multiple_of3A_454, %dma_start3A_481] : memref<6404x128xi32, #tpu.memory_space<hbm>> -> memref<4x128xi32, #tpu.memory_space<hbm>>
      tpu.enqueue_dma source(%dma_start3A_482 : memref<4x128xi32, #tpu.memory_space<hbm>>) target(%dma_start3A_480 : memref<4x128xi32, #tpu.memory_space<vmem>>) target_semaphore(%arg12 : memref<!tpu.dma_semaphore, #tpu.memory_space<semaphore_mem>>)
      %dma_start3A_483 = arith.constant 1 : i32
      %dma_start3A_484 = arith.constant 0 : i32
      %dma_start3A_485 = arith.constant 0 : i32
      %dma_start3A_486 = arith.constant 0 : i32
      %dma_start3A_487 = tpu.memref_slice %arg8[%dma_start3A_485, %dma_start3A_486] : memref<512x32xf32, #tpu.memory_space<vmem>> -> memref<128x32xf32, #tpu.memory_space<vmem>>
      %dma_start3A_488 = arith.constant 0 : i32
      %dma_start3A_489 = tpu.memref_slice %arg6[%dma_start3A_483, %dma_start3A_484, %dma_start3A_488] : memref<2x4x128xi32, #tpu.memory_space<vmem>> -> memref<1x1x128xi32, #tpu.memory_space<vmem>>
      %dma_start3A_490 = tpu.memref_squeeze %dma_start3A_489 : memref<1x1x128xi32, #tpu.memory_space<vmem>> -> memref<128xi32, #tpu.memory_space<vmem>>
      %dma_start3A_491 = arith.constant 0 : i32
      %dma_start3A_492 = arith.constant 0 : i32
      %dma_start3A_493 = tpu.memref_slice %arg2[%dma_start3A_491, %dma_start3A_492] : memref<100000x32xf32, #tpu.memory_space<hbm>> -> memref<100000x32xf32, #tpu.memory_space<hbm>>
      tpu.enqueue_indirect_dma source(%dma_start3A_493 : memref<100000x32xf32, #tpu.memory_space<hbm>>) target(%dma_start3A_487 : memref<128x32xf32, #tpu.memory_space<vmem>>) offsets(%dma_start3A_490 : memref<128xi32, #tpu.memory_space<vmem>>) semaphore(%arg10 : memref<!tpu.dma_semaphore, #tpu.memory_space<semaphore_mem>>)
      %dma_start3A_494 = arith.constant 1 : i32
      %dma_start3A_495 = arith.constant 1 : i32
      %dma_start3A_496 = arith.constant 128 : i32
      %dma_start3A_497 = arith.constant 0 : i32
      %dma_start3A_498 = tpu.memref_slice %arg8[%dma_start3A_496, %dma_start3A_497] : memref<512x32xf32, #tpu.memory_space<vmem>> -> memref<128x32xf32, #tpu.memory_space<vmem>>
      %dma_start3A_499 = arith.constant 0 : i32
      %dma_start3A_500 = tpu.memref_slice %arg6[%dma_start3A_494, %dma_start3A_495, %dma_start3A_499] : memref<2x4x128xi32, #tpu.memory_space<vmem>> -> memref<1x1x128xi32, #tpu.memory_space<vmem>>
      %dma_start3A_501 = tpu.memref_squeeze %dma_start3A_500 : memref<1x1x128xi32, #tpu.memory_space<vmem>> -> memref<128xi32, #tpu.memory_space<vmem>>
      %dma_start3A_502 = arith.constant 0 : i32
      %dma_start3A_503 = arith.constant 0 : i32
      %dma_start3A_504 = tpu.memref_slice %arg2[%dma_start3A_502, %dma_start3A_503] : memref<100000x32xf32, #tpu.memory_space<hbm>> -> memref<100000x32xf32, #tpu.memory_space<hbm>>
      tpu.enqueue_indirect_dma source(%dma_start3A_504 : memref<100000x32xf32, #tpu.memory_space<hbm>>) target(%dma_start3A_498 : memref<128x32xf32, #tpu.memory_space<vmem>>) offsets(%dma_start3A_501 : memref<128xi32, #tpu.memory_space<vmem>>) semaphore(%arg10 : memref<!tpu.dma_semaphore, #tpu.memory_space<semaphore_mem>>)
      %dma_start3A_505 = arith.constant 1 : i32
      %dma_start3A_506 = arith.constant 2 : i32
      %dma_start3A_507 = arith.constant 256 : i32
      %dma_start3A_508 = arith.constant 0 : i32
      %dma_start3A_509 = tpu.memref_slice %arg8[%dma_start3A_507, %dma_start3A_508] : memref<512x32xf32, #tpu.memory_space<vmem>> -> memref<128x32xf32, #tpu.memory_space<vmem>>
      %dma_start3A_510 = arith.constant 0 : i32
      %dma_start3A_511 = tpu.memref_slice %arg6[%dma_start3A_505, %dma_start3A_506, %dma_start3A_510] : memref<2x4x128xi32, #tpu.memory_space<vmem>> -> memref<1x1x128xi32, #tpu.memory_space<vmem>>
      %dma_start3A_512 = tpu.memref_squeeze %dma_start3A_511 : memref<1x1x128xi32, #tpu.memory_space<vmem>> -> memref<128xi32, #tpu.memory_space<vmem>>
      %dma_start3A_513 = arith.constant 0 : i32
      %dma_start3A_514 = arith.constant 0 : i32
      %dma_start3A_515 = tpu.memref_slice %arg2[%dma_start3A_513, %dma_start3A_514] : memref<100000x32xf32, #tpu.memory_space<hbm>> -> memref<100000x32xf32, #tpu.memory_space<hbm>>
      tpu.enqueue_indirect_dma source(%dma_start3A_515 : memref<100000x32xf32, #tpu.memory_space<hbm>>) target(%dma_start3A_509 : memref<128x32xf32, #tpu.memory_space<vmem>>) offsets(%dma_start3A_512 : memref<128xi32, #tpu.memory_space<vmem>>) semaphore(%arg10 : memref<!tpu.dma_semaphore, #tpu.memory_space<semaphore_mem>>)
      %dma_start3A_516 = arith.constant 1 : i32
      %dma_start3A_517 = arith.constant 3 : i32
      %dma_start3A_518 = arith.constant 384 : i32
      %dma_start3A_519 = arith.constant 0 : i32
      %dma_start3A_520 = tpu.memref_slice %arg8[%dma_start3A_518, %dma_start3A_519] : memref<512x32xf32, #tpu.memory_space<vmem>> -> memref<128x32xf32, #tpu.memory_space<vmem>>
      %dma_start3A_521 = arith.constant 0 : i32
      %dma_start3A_522 = tpu.memref_slice %arg6[%dma_start3A_516, %dma_start3A_517, %dma_start3A_521] : memref<2x4x128xi32, #tpu.memory_space<vmem>> -> memref<1x1x128xi32, #tpu.memory_space<vmem>>
      %dma_start3A_523 = tpu.memref_squeeze %dma_start3A_522 : memref<1x1x128xi32, #tpu.memory_space<vmem>> -> memref<128xi32, #tpu.memory_space<vmem>>
      %dma_start3A_524 = arith.constant 0 : i32
      %dma_start3A_525 = arith.constant 0 : i32
      %dma_start3A_526 = tpu.memref_slice %arg2[%dma_start3A_524, %dma_start3A_525] : memref<100000x32xf32, #tpu.memory_space<hbm>> -> memref<100000x32xf32, #tpu.memory_space<hbm>>
      tpu.enqueue_indirect_dma source(%dma_start3A_526 : memref<100000x32xf32, #tpu.memory_space<hbm>>) target(%dma_start3A_520 : memref<128x32xf32, #tpu.memory_space<vmem>>) offsets(%dma_start3A_523 : memref<128xi32, #tpu.memory_space<vmem>>) semaphore(%arg10 : memref<!tpu.dma_semaphore, #tpu.memory_space<semaphore_mem>>)
      %dma_wait3A_527 = arith.constant 1 : i32
      %dma_wait3A_528 = arith.constant 0 : i32
      %dma_wait3A_529 = arith.constant 0 : i32
      %dma_wait3A_530 = arith.constant 0 : i32
      %dma_wait3A_531 = tpu.memref_slice %arg8[%dma_wait3A_529, %dma_wait3A_530] : memref<512x32xf32, #tpu.memory_space<vmem>> -> memref<128x32xf32, #tpu.memory_space<vmem>>
      %dma_wait3A_532 = arith.constant 0 : i32
      %dma_wait3A_533 = tpu.memref_slice %arg6[%dma_wait3A_527, %dma_wait3A_528, %dma_wait3A_532] : memref<2x4x128xi32, #tpu.memory_space<vmem>> -> memref<1x1x128xi32, #tpu.memory_space<vmem>>
      %dma_wait3A_534 = tpu.memref_squeeze %dma_wait3A_533 : memref<1x1x128xi32, #tpu.memory_space<vmem>> -> memref<128xi32, #tpu.memory_space<vmem>>
      %dma_wait3A_535 = arith.constant 0 : i32
      %dma_wait3A_536 = arith.constant 0 : i32
      %dma_wait3A_537 = tpu.memref_slice %arg2[%dma_wait3A_535, %dma_wait3A_536] : memref<100000x32xf32, #tpu.memory_space<hbm>> -> memref<100000x32xf32, #tpu.memory_space<hbm>>
      tpu.wait_indirect_dma semaphore(%arg10 : memref<!tpu.dma_semaphore, #tpu.memory_space<semaphore_mem>>) src(%dma_wait3A_537 : memref<100000x32xf32, #tpu.memory_space<hbm>>) dst(%dma_wait3A_531 : memref<128x32xf32, #tpu.memory_space<vmem>>)
      %dma_start3A_538 = arith.constant 1 : i32
      %dma_start3A_539 = arith.constant 0 : i32
      %dma_start3A_540 = arith.constant 0 : i32
      %dma_start3A_541 = arith.constant 0 : i32
      %dma_start3A_542 = tpu.memref_slice %arg8[%dma_start3A_540, %dma_start3A_541] : memref<512x32xf32, #tpu.memory_space<vmem>> -> memref<128x32xf32, #tpu.memory_space<vmem>>
      %dma_start3A_543 = arith.constant 0 : i32
      %dma_start3A_544 = tpu.memref_slice %arg7[%dma_start3A_538, %dma_start3A_539, %dma_start3A_543] : memref<2x4x128xi32, #tpu.memory_space<vmem>> -> memref<1x1x128xi32, #tpu.memory_space<vmem>>
      %dma_start3A_545 = tpu.memref_squeeze %dma_start3A_544 : memref<1x1x128xi32, #tpu.memory_space<vmem>> -> memref<128xi32, #tpu.memory_space<vmem>>
      %dma_start3A_546 = arith.constant 0 : i32
      %dma_start3A_547 = arith.constant 0 : i32
      %dma_start3A_548 = tpu.memref_slice %arg9[%dma_start3A_546, %dma_start3A_547] : memref<50176x32xf32, #tpu.memory_space<vmem_shared>> -> memref<50176x32xf32, #tpu.memory_space<vmem_shared>>
      tpu.enqueue_indirect_dma source(%dma_start3A_542 : memref<128x32xf32, #tpu.memory_space<vmem>>) target(%dma_start3A_548 : memref<50176x32xf32, #tpu.memory_space<vmem_shared>>) offsets(%dma_start3A_545 : memref<128xi32, #tpu.memory_space<vmem>>) semaphore(%arg11 : memref<!tpu.dma_semaphore, #tpu.memory_space<semaphore_mem>>) {add = true}
      %dma_wait3A_549 = arith.constant 1 : i32
      %dma_wait3A_550 = arith.constant 1 : i32
      %dma_wait3A_551 = arith.constant 128 : i32
      %dma_wait3A_552 = arith.constant 0 : i32
      %dma_wait3A_553 = tpu.memref_slice %arg8[%dma_wait3A_551, %dma_wait3A_552] : memref<512x32xf32, #tpu.memory_space<vmem>> -> memref<128x32xf32, #tpu.memory_space<vmem>>
      %dma_wait3A_554 = arith.constant 0 : i32
      %dma_wait3A_555 = tpu.memref_slice %arg6[%dma_wait3A_549, %dma_wait3A_550, %dma_wait3A_554] : memref<2x4x128xi32, #tpu.memory_space<vmem>> -> memref<1x1x128xi32, #tpu.memory_space<vmem>>
      %dma_wait3A_556 = tpu.memref_squeeze %dma_wait3A_555 : memref<1x1x128xi32, #tpu.memory_space<vmem>> -> memref<128xi32, #tpu.memory_space<vmem>>
      %dma_wait3A_557 = arith.constant 0 : i32
      %dma_wait3A_558 = arith.constant 0 : i32
      %dma_wait3A_559 = tpu.memref_slice %arg2[%dma_wait3A_557, %dma_wait3A_558] : memref<100000x32xf32, #tpu.memory_space<hbm>> -> memref<100000x32xf32, #tpu.memory_space<hbm>>
      tpu.wait_indirect_dma semaphore(%arg10 : memref<!tpu.dma_semaphore, #tpu.memory_space<semaphore_mem>>) src(%dma_wait3A_559 : memref<100000x32xf32, #tpu.memory_space<hbm>>) dst(%dma_wait3A_553 : memref<128x32xf32, #tpu.memory_space<vmem>>)
      %dma_start3A_560 = arith.constant 1 : i32
      %dma_start3A_561 = arith.constant 1 : i32
      %dma_start3A_562 = arith.constant 128 : i32
      %dma_start3A_563 = arith.constant 0 : i32
      %dma_start3A_564 = tpu.memref_slice %arg8[%dma_start3A_562, %dma_start3A_563] : memref<512x32xf32, #tpu.memory_space<vmem>> -> memref<128x32xf32, #tpu.memory_space<vmem>>
      %dma_start3A_565 = arith.constant 0 : i32
      %dma_start3A_566 = tpu.memref_slice %arg7[%dma_start3A_560, %dma_start3A_561, %dma_start3A_565] : memref<2x4x128xi32, #tpu.memory_space<vmem>> -> memref<1x1x128xi32, #tpu.memory_space<vmem>>
      %dma_start3A_567 = tpu.memref_squeeze %dma_start3A_566 : memref<1x1x128xi32, #tpu.memory_space<vmem>> -> memref<128xi32, #tpu.memory_space<vmem>>
      %dma_start3A_568 = arith.constant 0 : i32
      %dma_start3A_569 = arith.constant 0 : i32
      %dma_start3A_570 = tpu.memref_slice %arg9[%dma_start3A_568, %dma_start3A_569] : memref<50176x32xf32, #tpu.memory_space<vmem_shared>> -> memref<50176x32xf32, #tpu.memory_space<vmem_shared>>
      tpu.enqueue_indirect_dma source(%dma_start3A_564 : memref<128x32xf32, #tpu.memory_space<vmem>>) target(%dma_start3A_570 : memref<50176x32xf32, #tpu.memory_space<vmem_shared>>) offsets(%dma_start3A_567 : memref<128xi32, #tpu.memory_space<vmem>>) semaphore(%arg11 : memref<!tpu.dma_semaphore, #tpu.memory_space<semaphore_mem>>) {add = true}
      %dma_wait3A_571 = arith.constant 1 : i32
      %dma_wait3A_572 = arith.constant 2 : i32
      %dma_wait3A_573 = arith.constant 256 : i32
      %dma_wait3A_574 = arith.constant 0 : i32
      %dma_wait3A_575 = tpu.memref_slice %arg8[%dma_wait3A_573, %dma_wait3A_574] : memref<512x32xf32, #tpu.memory_space<vmem>> -> memref<128x32xf32, #tpu.memory_space<vmem>>
      %dma_wait3A_576 = arith.constant 0 : i32
      %dma_wait3A_577 = tpu.memref_slice %arg6[%dma_wait3A_571, %dma_wait3A_572, %dma_wait3A_576] : memref<2x4x128xi32, #tpu.memory_space<vmem>> -> memref<1x1x128xi32, #tpu.memory_space<vmem>>
      %dma_wait3A_578 = tpu.memref_squeeze %dma_wait3A_577 : memref<1x1x128xi32, #tpu.memory_space<vmem>> -> memref<128xi32, #tpu.memory_space<vmem>>
      %dma_wait3A_579 = arith.constant 0 : i32
      %dma_wait3A_580 = arith.constant 0 : i32
      %dma_wait3A_581 = tpu.memref_slice %arg2[%dma_wait3A_579, %dma_wait3A_580] : memref<100000x32xf32, #tpu.memory_space<hbm>> -> memref<100000x32xf32, #tpu.memory_space<hbm>>
      tpu.wait_indirect_dma semaphore(%arg10 : memref<!tpu.dma_semaphore, #tpu.memory_space<semaphore_mem>>) src(%dma_wait3A_581 : memref<100000x32xf32, #tpu.memory_space<hbm>>) dst(%dma_wait3A_575 : memref<128x32xf32, #tpu.memory_space<vmem>>)
      %dma_start3A_582 = arith.constant 1 : i32
      %dma_start3A_583 = arith.constant 2 : i32
      %dma_start3A_584 = arith.constant 256 : i32
      %dma_start3A_585 = arith.constant 0 : i32
      %dma_start3A_586 = tpu.memref_slice %arg8[%dma_start3A_584, %dma_start3A_585] : memref<512x32xf32, #tpu.memory_space<vmem>> -> memref<128x32xf32, #tpu.memory_space<vmem>>
      %dma_start3A_587 = arith.constant 0 : i32
      %dma_start3A_588 = tpu.memref_slice %arg7[%dma_start3A_582, %dma_start3A_583, %dma_start3A_587] : memref<2x4x128xi32, #tpu.memory_space<vmem>> -> memref<1x1x128xi32, #tpu.memory_space<vmem>>
      %dma_start3A_589 = tpu.memref_squeeze %dma_start3A_588 : memref<1x1x128xi32, #tpu.memory_space<vmem>> -> memref<128xi32, #tpu.memory_space<vmem>>
      %dma_start3A_590 = arith.constant 0 : i32
      %dma_start3A_591 = arith.constant 0 : i32
      %dma_start3A_592 = tpu.memref_slice %arg9[%dma_start3A_590, %dma_start3A_591] : memref<50176x32xf32, #tpu.memory_space<vmem_shared>> -> memref<50176x32xf32, #tpu.memory_space<vmem_shared>>
      tpu.enqueue_indirect_dma source(%dma_start3A_586 : memref<128x32xf32, #tpu.memory_space<vmem>>) target(%dma_start3A_592 : memref<50176x32xf32, #tpu.memory_space<vmem_shared>>) offsets(%dma_start3A_589 : memref<128xi32, #tpu.memory_space<vmem>>) semaphore(%arg11 : memref<!tpu.dma_semaphore, #tpu.memory_space<semaphore_mem>>) {add = true}
      %dma_wait3A_593 = arith.constant 1 : i32
      %dma_wait3A_594 = arith.constant 3 : i32
      %dma_wait3A_595 = arith.constant 384 : i32
      %dma_wait3A_596 = arith.constant 0 : i32
      %dma_wait3A_597 = tpu.memref_slice %arg8[%dma_wait3A_595, %dma_wait3A_596] : memref<512x32xf32, #tpu.memory_space<vmem>> -> memref<128x32xf32, #tpu.memory_space<vmem>>
      %dma_wait3A_598 = arith.constant 0 : i32
      %dma_wait3A_599 = tpu.memref_slice %arg6[%dma_wait3A_593, %dma_wait3A_594, %dma_wait3A_598] : memref<2x4x128xi32, #tpu.memory_space<vmem>> -> memref<1x1x128xi32, #tpu.memory_space<vmem>>
      %dma_wait3A_600 = tpu.memref_squeeze %dma_wait3A_599 : memref<1x1x128xi32, #tpu.memory_space<vmem>> -> memref<128xi32, #tpu.memory_space<vmem>>
      %dma_wait3A_601 = arith.constant 0 : i32
      %dma_wait3A_602 = arith.constant 0 : i32
      %dma_wait3A_603 = tpu.memref_slice %arg2[%dma_wait3A_601, %dma_wait3A_602] : memref<100000x32xf32, #tpu.memory_space<hbm>> -> memref<100000x32xf32, #tpu.memory_space<hbm>>
      tpu.wait_indirect_dma semaphore(%arg10 : memref<!tpu.dma_semaphore, #tpu.memory_space<semaphore_mem>>) src(%dma_wait3A_603 : memref<100000x32xf32, #tpu.memory_space<hbm>>) dst(%dma_wait3A_597 : memref<128x32xf32, #tpu.memory_space<vmem>>)
      %dma_start3A_604 = arith.constant 1 : i32
      %dma_start3A_605 = arith.constant 3 : i32
      %dma_start3A_606 = arith.constant 384 : i32
      %dma_start3A_607 = arith.constant 0 : i32
      %dma_start3A_608 = tpu.memref_slice %arg8[%dma_start3A_606, %dma_start3A_607] : memref<512x32xf32, #tpu.memory_space<vmem>> -> memref<128x32xf32, #tpu.memory_space<vmem>>
      %dma_start3A_609 = arith.constant 0 : i32
      %dma_start3A_610 = tpu.memref_slice %arg7[%dma_start3A_604, %dma_start3A_605, %dma_start3A_609] : memref<2x4x128xi32, #tpu.memory_space<vmem>> -> memref<1x1x128xi32, #tpu.memory_space<vmem>>
      %dma_start3A_611 = tpu.memref_squeeze %dma_start3A_610 : memref<1x1x128xi32, #tpu.memory_space<vmem>> -> memref<128xi32, #tpu.memory_space<vmem>>
      %dma_start3A_612 = arith.constant 0 : i32
      %dma_start3A_613 = arith.constant 0 : i32
      %dma_start3A_614 = tpu.memref_slice %arg9[%dma_start3A_612, %dma_start3A_613] : memref<50176x32xf32, #tpu.memory_space<vmem_shared>> -> memref<50176x32xf32, #tpu.memory_space<vmem_shared>>
      tpu.enqueue_indirect_dma source(%dma_start3A_608 : memref<128x32xf32, #tpu.memory_space<vmem>>) target(%dma_start3A_614 : memref<50176x32xf32, #tpu.memory_space<vmem_shared>>) offsets(%dma_start3A_611 : memref<128xi32, #tpu.memory_space<vmem>>) semaphore(%arg11 : memref<!tpu.dma_semaphore, #tpu.memory_space<semaphore_mem>>) {add = true}
      %dma_wait3A_615 = arith.constant 1 : i32
      %dma_wait3A_616 = arith.constant 0 : i32
      %dma_wait3A_617 = arith.constant 0 : i32
      %dma_wait3A_618 = arith.constant 0 : i32
      %dma_wait3A_619 = tpu.memref_slice %arg8[%dma_wait3A_617, %dma_wait3A_618] : memref<512x32xf32, #tpu.memory_space<vmem>> -> memref<128x32xf32, #tpu.memory_space<vmem>>
      %dma_wait3A_620 = arith.constant 0 : i32
      %dma_wait3A_621 = tpu.memref_slice %arg7[%dma_wait3A_615, %dma_wait3A_616, %dma_wait3A_620] : memref<2x4x128xi32, #tpu.memory_space<vmem>> -> memref<1x1x128xi32, #tpu.memory_space<vmem>>
      %dma_wait3A_622 = tpu.memref_squeeze %dma_wait3A_621 : memref<1x1x128xi32, #tpu.memory_space<vmem>> -> memref<128xi32, #tpu.memory_space<vmem>>
      %dma_wait3A_623 = arith.constant 0 : i32
      %dma_wait3A_624 = arith.constant 0 : i32
      %dma_wait3A_625 = tpu.memref_slice %arg9[%dma_wait3A_623, %dma_wait3A_624] : memref<50176x32xf32, #tpu.memory_space<vmem_shared>> -> memref<50176x32xf32, #tpu.memory_space<vmem_shared>>
      tpu.wait_indirect_dma semaphore(%arg11 : memref<!tpu.dma_semaphore, #tpu.memory_space<semaphore_mem>>) src(%dma_wait3A_619 : memref<128x32xf32, #tpu.memory_space<vmem>>) dst(%dma_wait3A_625 : memref<50176x32xf32, #tpu.memory_space<vmem_shared>>)
      %dma_wait3A_626 = arith.constant 1 : i32
      %dma_wait3A_627 = arith.constant 1 : i32
      %dma_wait3A_628 = arith.constant 128 : i32
      %dma_wait3A_629 = arith.constant 0 : i32
      %dma_wait3A_630 = tpu.memref_slice %arg8[%dma_wait3A_628, %dma_wait3A_629] : memref<512x32xf32, #tpu.memory_space<vmem>> -> memref<128x32xf32, #tpu.memory_space<vmem>>
      %dma_wait3A_631 = arith.constant 0 : i32
      %dma_wait3A_632 = tpu.memref_slice %arg7[%dma_wait3A_626, %dma_wait3A_627, %dma_wait3A_631] : memref<2x4x128xi32, #tpu.memory_space<vmem>> -> memref<1x1x128xi32, #tpu.memory_space<vmem>>
      %dma_wait3A_633 = tpu.memref_squeeze %dma_wait3A_632 : memref<1x1x128xi32, #tpu.memory_space<vmem>> -> memref<128xi32, #tpu.memory_space<vmem>>
      %dma_wait3A_634 = arith.constant 0 : i32
      %dma_wait3A_635 = arith.constant 0 : i32
      %dma_wait3A_636 = tpu.memref_slice %arg9[%dma_wait3A_634, %dma_wait3A_635] : memref<50176x32xf32, #tpu.memory_space<vmem_shared>> -> memref<50176x32xf32, #tpu.memory_space<vmem_shared>>
      tpu.wait_indirect_dma semaphore(%arg11 : memref<!tpu.dma_semaphore, #tpu.memory_space<semaphore_mem>>) src(%dma_wait3A_630 : memref<128x32xf32, #tpu.memory_space<vmem>>) dst(%dma_wait3A_636 : memref<50176x32xf32, #tpu.memory_space<vmem_shared>>)
      %dma_wait3A_637 = arith.constant 1 : i32
      %dma_wait3A_638 = arith.constant 2 : i32
      %dma_wait3A_639 = arith.constant 256 : i32
      %dma_wait3A_640 = arith.constant 0 : i32
      %dma_wait3A_641 = tpu.memref_slice %arg8[%dma_wait3A_639, %dma_wait3A_640] : memref<512x32xf32, #tpu.memory_space<vmem>> -> memref<128x32xf32, #tpu.memory_space<vmem>>
      %dma_wait3A_642 = arith.constant 0 : i32
      %dma_wait3A_643 = tpu.memref_slice %arg7[%dma_wait3A_637, %dma_wait3A_638, %dma_wait3A_642] : memref<2x4x128xi32, #tpu.memory_space<vmem>> -> memref<1x1x128xi32, #tpu.memory_space<vmem>>
      %dma_wait3A_644 = tpu.memref_squeeze %dma_wait3A_643 : memref<1x1x128xi32, #tpu.memory_space<vmem>> -> memref<128xi32, #tpu.memory_space<vmem>>
      %dma_wait3A_645 = arith.constant 0 : i32
      %dma_wait3A_646 = arith.constant 0 : i32
      %dma_wait3A_647 = tpu.memref_slice %arg9[%dma_wait3A_645, %dma_wait3A_646] : memref<50176x32xf32, #tpu.memory_space<vmem_shared>> -> memref<50176x32xf32, #tpu.memory_space<vmem_shared>>
      tpu.wait_indirect_dma semaphore(%arg11 : memref<!tpu.dma_semaphore, #tpu.memory_space<semaphore_mem>>) src(%dma_wait3A_641 : memref<128x32xf32, #tpu.memory_space<vmem>>) dst(%dma_wait3A_647 : memref<50176x32xf32, #tpu.memory_space<vmem_shared>>)
      %dma_wait3A_648 = arith.constant 1 : i32
      %dma_wait3A_649 = arith.constant 3 : i32
      %dma_wait3A_650 = arith.constant 384 : i32
      %dma_wait3A_651 = arith.constant 0 : i32
      %dma_wait3A_652 = tpu.memref_slice %arg8[%dma_wait3A_650, %dma_wait3A_651] : memref<512x32xf32, #tpu.memory_space<vmem>> -> memref<128x32xf32, #tpu.memory_space<vmem>>
      %dma_wait3A_653 = arith.constant 0 : i32
      %dma_wait3A_654 = tpu.memref_slice %arg7[%dma_wait3A_648, %dma_wait3A_649, %dma_wait3A_653] : memref<2x4x128xi32, #tpu.memory_space<vmem>> -> memref<1x1x128xi32, #tpu.memory_space<vmem>>
      %dma_wait3A_655 = tpu.memref_squeeze %dma_wait3A_654 : memref<1x1x128xi32, #tpu.memory_space<vmem>> -> memref<128xi32, #tpu.memory_space<vmem>>
      %dma_wait3A_656 = arith.constant 0 : i32
      %dma_wait3A_657 = arith.constant 0 : i32
      %dma_wait3A_658 = tpu.memref_slice %arg9[%dma_wait3A_656, %dma_wait3A_657] : memref<50176x32xf32, #tpu.memory_space<vmem_shared>> -> memref<50176x32xf32, #tpu.memory_space<vmem_shared>>
      tpu.wait_indirect_dma semaphore(%arg11 : memref<!tpu.dma_semaphore, #tpu.memory_space<semaphore_mem>>) src(%dma_wait3A_652 : memref<128x32xf32, #tpu.memory_space<vmem>>) dst(%dma_wait3A_658 : memref<50176x32xf32, #tpu.memory_space<vmem_shared>>)
    }
    %scan3A_68 = arith.constant 50 : i32
    %mul3A_69 = arith.constant 400 : i32
    %mul3A_70 = arith.muli %arg1, %mul3A_69 : i32
    %add3A_71 = arith.constant 400 : i32
    %add3A_72 = arith.addi %mul3A_70, %add3A_71 : i32
    %multiple_of3A_73 = tpu.assume_multiple %add3A_72, 4 : i32
    %dma_wait3A = arith.constant 0 : i32
    %dma_wait3A_74 = arith.constant 0 : i32
    %dma_wait3A_75 = arith.constant 0 : i32
    %dma_wait3A_76 = tpu.memref_slice %arg6[%dma_wait3A, %dma_wait3A_74, %dma_wait3A_75] : memref<2x4x128xi32, #tpu.memory_space<vmem>> -> memref<1x4x128xi32, #tpu.memory_space<vmem>>
    %dma_wait3A_77 = tpu.memref_squeeze %dma_wait3A_76 : memref<1x4x128xi32, #tpu.memory_space<vmem>> -> memref<4x128xi32, #tpu.memory_space<vmem>>
    %dma_wait3A_78 = arith.constant 0 : i32
    %dma_wait3A_79 = tpu.memref_slice %arg3[%arg0, %multiple_of3A_73, %dma_wait3A_78] : memref<2x6404x128xi32, #tpu.memory_space<hbm>> -> memref<1x4x128xi32, #tpu.memory_space<hbm>>
    %dma_wait3A_80 = tpu.memref_squeeze %dma_wait3A_79 : memref<1x4x128xi32, #tpu.memory_space<hbm>> -> memref<4x128xi32, #tpu.memory_space<hbm>>
    %dma_wait3A_81 = arith.constant 0 : i32
    %dma_wait3A_82 = arith.constant 0 : i32
    %dma_wait3A_83 = tpu.memref_slice %arg6[%dma_wait3A, %dma_wait3A_81, %dma_wait3A_82] : memref<2x4x128xi32, #tpu.memory_space<vmem>> -> memref<1x4x128xi32, #tpu.memory_space<vmem>>
    %dma_wait3A_84 = tpu.memref_squeeze %dma_wait3A_83 : memref<1x4x128xi32, #tpu.memory_space<vmem>> -> memref<4x128xi32, #tpu.memory_space<vmem>>
    %dma_wait3A_85 = arith.constant 0 : i32
    %dma_wait3A_86 = tpu.memref_slice %arg3[%arg0, %multiple_of3A_73, %dma_wait3A_85] : memref<2x6404x128xi32, #tpu.memory_space<hbm>> -> memref<1x4x128xi32, #tpu.memory_space<hbm>>
    %dma_wait3A_87 = tpu.memref_squeeze %dma_wait3A_86 : memref<1x4x128xi32, #tpu.memory_space<hbm>> -> memref<4x128xi32, #tpu.memory_space<hbm>>
    tpu.wait_dma2 semaphore(%arg12 : memref<!tpu.dma_semaphore, #tpu.memory_space<semaphore_mem>>) src(%dma_wait3A_87 : memref<4x128xi32, #tpu.memory_space<hbm>>) dst(%dma_wait3A_84 : memref<4x128xi32, #tpu.memory_space<vmem>>)
    %dma_wait3A_88 = arith.constant 0 : i32
    %dma_wait3A_89 = arith.constant 0 : i32
    %dma_wait3A_90 = arith.constant 0 : i32
    %dma_wait3A_91 = tpu.memref_slice %arg7[%dma_wait3A_88, %dma_wait3A_89, %dma_wait3A_90] : memref<2x4x128xi32, #tpu.memory_space<vmem>> -> memref<1x4x128xi32, #tpu.memory_space<vmem>>
    %dma_wait3A_92 = tpu.memref_squeeze %dma_wait3A_91 : memref<1x4x128xi32, #tpu.memory_space<vmem>> -> memref<4x128xi32, #tpu.memory_space<vmem>>
    %dma_wait3A_93 = arith.constant 0 : i32
    %dma_wait3A_94 = tpu.memref_slice %arg4[%multiple_of3A_73, %dma_wait3A_93] : memref<6404x128xi32, #tpu.memory_space<hbm>> -> memref<4x128xi32, #tpu.memory_space<hbm>>
    %dma_wait3A_95 = arith.constant 0 : i32
    %dma_wait3A_96 = arith.constant 0 : i32
    %dma_wait3A_97 = tpu.memref_slice %arg7[%dma_wait3A_88, %dma_wait3A_95, %dma_wait3A_96] : memref<2x4x128xi32, #tpu.memory_space<vmem>> -> memref<1x4x128xi32, #tpu.memory_space<vmem>>
    %dma_wait3A_98 = tpu.memref_squeeze %dma_wait3A_97 : memref<1x4x128xi32, #tpu.memory_space<vmem>> -> memref<4x128xi32, #tpu.memory_space<vmem>>
    %dma_wait3A_99 = arith.constant 0 : i32
    %dma_wait3A_100 = tpu.memref_slice %arg4[%multiple_of3A_73, %dma_wait3A_99] : memref<6404x128xi32, #tpu.memory_space<hbm>> -> memref<4x128xi32, #tpu.memory_space<hbm>>
    tpu.wait_dma2 semaphore(%arg12 : memref<!tpu.dma_semaphore, #tpu.memory_space<semaphore_mem>>) src(%dma_wait3A_100 : memref<4x128xi32, #tpu.memory_space<hbm>>) dst(%dma_wait3A_98 : memref<4x128xi32, #tpu.memory_space<vmem>>)
    %barrier3A_101 = arith.constant 0 : index
    tpu.barrier barrier_id(%barrier3A_101)
    %mul3A_102 = arith.constant 3136 : i32
    %mul3A_103 = arith.muli %arg1, %mul3A_102 : i32
    %add3A_104 = arith.constant 0 : i32
    %add3A_105 = arith.addi %mul3A_103, %add3A_104 : i32
    "tpu.region"() ({
      %run_scoped3A = tpu.sem_alloc : memref<!tpu.dma_semaphore, #tpu.memory_space<semaphore_mem>>
      %dma_start3A_158 = arith.constant 0 : i32
      %dma_start3A_159 = arith.constant 0 : i32
      %dma_start3A_160 = tpu.memref_slice %arg8[%dma_start3A_158, %dma_start3A_159] : memref<512x32xf32, #tpu.memory_space<vmem>> -> memref<512x32xf32, #tpu.memory_space<vmem>>
      %dma_start3A_161 = arith.constant 0 : i32
      %dma_start3A_162 = tpu.memref_slice %arg9[%add3A_105, %dma_start3A_161] : memref<50176x32xf32, #tpu.memory_space<vmem_shared>> -> memref<512x32xf32, #tpu.memory_space<vmem_shared>>
      %dma_start3A_163 = arith.constant 0 : i32
      %dma_start3A_164 = arith.constant 0 : i32
      %dma_start3A_165 = tpu.memref_slice %arg8[%dma_start3A_163, %dma_start3A_164] : memref<512x32xf32, #tpu.memory_space<vmem>> -> memref<512x32xf32, #tpu.memory_space<vmem>>
      %dma_start3A_166 = arith.constant 0 : i32
      %dma_start3A_167 = tpu.memref_slice %arg9[%add3A_105, %dma_start3A_166] : memref<50176x32xf32, #tpu.memory_space<vmem_shared>> -> memref<512x32xf32, #tpu.memory_space<vmem_shared>>
      tpu.enqueue_dma source(%dma_start3A_167 : memref<512x32xf32, #tpu.memory_space<vmem_shared>>) target(%dma_start3A_165 : memref<512x32xf32, #tpu.memory_space<vmem>>) target_semaphore(%run_scoped3A : memref<!tpu.dma_semaphore, #tpu.memory_space<semaphore_mem>>)
      %dma_wait3A_168 = arith.constant 0 : i32
      %dma_wait3A_169 = arith.constant 0 : i32
      %dma_wait3A_170 = tpu.memref_slice %arg8[%dma_wait3A_168, %dma_wait3A_169] : memref<512x32xf32, #tpu.memory_space<vmem>> -> memref<512x32xf32, #tpu.memory_space<vmem>>
      %dma_wait3A_171 = arith.constant 0 : i32
      %dma_wait3A_172 = tpu.memref_slice %arg9[%add3A_105, %dma_wait3A_171] : memref<50176x32xf32, #tpu.memory_space<vmem_shared>> -> memref<512x32xf32, #tpu.memory_space<vmem_shared>>
      %dma_wait3A_173 = arith.constant 0 : i32
      %dma_wait3A_174 = arith.constant 0 : i32
      %dma_wait3A_175 = tpu.memref_slice %arg8[%dma_wait3A_173, %dma_wait3A_174] : memref<512x32xf32, #tpu.memory_space<vmem>> -> memref<512x32xf32, #tpu.memory_space<vmem>>
      %dma_wait3A_176 = arith.constant 0 : i32
      %dma_wait3A_177 = tpu.memref_slice %arg9[%add3A_105, %dma_wait3A_176] : memref<50176x32xf32, #tpu.memory_space<vmem_shared>> -> memref<512x32xf32, #tpu.memory_space<vmem_shared>>
      tpu.wait_dma2 semaphore(%run_scoped3A : memref<!tpu.dma_semaphore, #tpu.memory_space<semaphore_mem>>) src(%dma_wait3A_177 : memref<512x32xf32, #tpu.memory_space<vmem_shared>>) dst(%dma_wait3A_175 : memref<512x32xf32, #tpu.memory_space<vmem>>)
      tpu.yield
    }) : () -> ()
    %mul3A_106 = arith.constant 3136 : i32
    %mul3A_107 = arith.muli %arg1, %mul3A_106 : i32
    %add3A_108 = arith.constant 0 : i32
    %add3A_109 = arith.addi %mul3A_107, %add3A_108 : i32
    "tpu.region"() ({
      %run_scoped3A = tpu.sem_alloc : memref<!tpu.dma_semaphore, #tpu.memory_space<semaphore_mem>>
      %dma_start3A_158 = arith.constant 0 : i32
      %dma_start3A_159 = arith.constant 0 : i32
      %dma_start3A_160 = tpu.memref_slice %arg8[%dma_start3A_158, %dma_start3A_159] : memref<512x32xf32, #tpu.memory_space<vmem>> -> memref<512x32xf32, #tpu.memory_space<vmem>>
      %dma_start3A_161 = arith.constant 0 : i32
      %dma_start3A_162 = tpu.memref_slice %arg5[%arg0, %add3A_109, %dma_start3A_161] : memref<2x50176x32xf32, #tpu.memory_space<hbm>> -> memref<1x512x32xf32, #tpu.memory_space<hbm>>
      %dma_start3A_163 = tpu.memref_squeeze %dma_start3A_162 : memref<1x512x32xf32, #tpu.memory_space<hbm>> -> memref<512x32xf32, #tpu.memory_space<hbm>>
      %dma_start3A_164 = arith.constant 0 : i32
      %dma_start3A_165 = tpu.memref_slice %arg5[%arg0, %add3A_109, %dma_start3A_164] : memref<2x50176x32xf32, #tpu.memory_space<hbm>> -> memref<1x512x32xf32, #tpu.memory_space<hbm>>
      %dma_start3A_166 = tpu.memref_squeeze %dma_start3A_165 : memref<1x512x32xf32, #tpu.memory_space<hbm>> -> memref<512x32xf32, #tpu.memory_space<hbm>>
      %dma_start3A_167 = arith.constant 0 : i32
      %dma_start3A_168 = arith.constant 0 : i32
      %dma_start3A_169 = tpu.memref_slice %arg8[%dma_start3A_167, %dma_start3A_168] : memref<512x32xf32, #tpu.memory_space<vmem>> -> memref<512x32xf32, #tpu.memory_space<vmem>>
      tpu.enqueue_dma source(%dma_start3A_169 : memref<512x32xf32, #tpu.memory_space<vmem>>) target(%dma_start3A_166 : memref<512x32xf32, #tpu.memory_space<hbm>>) target_semaphore(%run_scoped3A : memref<!tpu.dma_semaphore, #tpu.memory_space<semaphore_mem>>)
      %dma_wait3A_170 = arith.constant 0 : i32
      %dma_wait3A_171 = arith.constant 0 : i32
      %dma_wait3A_172 = tpu.memref_slice %arg8[%dma_wait3A_170, %dma_wait3A_171] : memref<512x32xf32, #tpu.memory_space<vmem>> -> memref<512x32xf32, #tpu.memory_space<vmem>>
      %dma_wait3A_173 = arith.constant 0 : i32
      %dma_wait3A_174 = tpu.memref_slice %arg5[%arg0, %add3A_109, %dma_wait3A_173] : memref<2x50176x32xf32, #tpu.memory_space<hbm>> -> memref<1x512x32xf32, #tpu.memory_space<hbm>>
      %dma_wait3A_175 = tpu.memref_squeeze %dma_wait3A_174 : memref<1x512x32xf32, #tpu.memory_space<hbm>> -> memref<512x32xf32, #tpu.memory_space<hbm>>
      %dma_wait3A_176 = arith.constant 0 : i32
      %dma_wait3A_177 = tpu.memref_slice %arg5[%arg0, %add3A_109, %dma_wait3A_176] : memref<2x50176x32xf32, #tpu.memory_space<hbm>> -> memref<1x512x32xf32, #tpu.memory_space<hbm>>
      %dma_wait3A_178 = tpu.memref_squeeze %dma_wait3A_177 : memref<1x512x32xf32, #tpu.memory_space<hbm>> -> memref<512x32xf32, #tpu.memory_space<hbm>>
      %dma_wait3A_179 = arith.constant 0 : i32
      %dma_wait3A_180 = arith.constant 0 : i32
      %dma_wait3A_181 = tpu.memref_slice %arg8[%dma_wait3A_179, %dma_wait3A_180] : memref<512x32xf32, #tpu.memory_space<vmem>> -> memref<512x32xf32, #tpu.memory_space<vmem>>
      tpu.wait_dma2 semaphore(%run_scoped3A : memref<!tpu.dma_semaphore, #tpu.memory_space<semaphore_mem>>) src(%dma_wait3A_181 : memref<512x32xf32, #tpu.memory_space<vmem>>) dst(%dma_wait3A_178 : memref<512x32xf32, #tpu.memory_space<hbm>>)
      tpu.yield
    }) : () -> ()
    %mul3A_110 = arith.constant 3136 : i32
    %mul3A_111 = arith.muli %arg1, %mul3A_110 : i32
    %add3A_112 = arith.constant 512 : i32
    %add3A_113 = arith.addi %mul3A_111, %add3A_112 : i32
    "tpu.region"() ({
      %run_scoped3A = tpu.sem_alloc : memref<!tpu.dma_semaphore, #tpu.memory_space<semaphore_mem>>
      %dma_start3A_158 = arith.constant 0 : i32
      %dma_start3A_159 = arith.constant 0 : i32
      %dma_start3A_160 = tpu.memref_slice %arg8[%dma_start3A_158, %dma_start3A_159] : memref<512x32xf32, #tpu.memory_space<vmem>> -> memref<512x32xf32, #tpu.memory_space<vmem>>
      %dma_start3A_161 = arith.constant 0 : i32
      %dma_start3A_162 = tpu.memref_slice %arg9[%add3A_113, %dma_start3A_161] : memref<50176x32xf32, #tpu.memory_space<vmem_shared>> -> memref<512x32xf32, #tpu.memory_space<vmem_shared>>
      %dma_start3A_163 = arith.constant 0 : i32
      %dma_start3A_164 = arith.constant 0 : i32
      %dma_start3A_165 = tpu.memref_slice %arg8[%dma_start3A_163, %dma_start3A_164] : memref<512x32xf32, #tpu.memory_space<vmem>> -> memref<512x32xf32, #tpu.memory_space<vmem>>
      %dma_start3A_166 = arith.constant 0 : i32
      %dma_start3A_167 = tpu.memref_slice %arg9[%add3A_113, %dma_start3A_166] : memref<50176x32xf32, #tpu.memory_space<vmem_shared>> -> memref<512x32xf32, #tpu.memory_space<vmem_shared>>
      tpu.enqueue_dma source(%dma_start3A_167 : memref<512x32xf32, #tpu.memory_space<vmem_shared>>) target(%dma_start3A_165 : memref<512x32xf32, #tpu.memory_space<vmem>>) target_semaphore(%run_scoped3A : memref<!tpu.dma_semaphore, #tpu.memory_space<semaphore_mem>>)
      %dma_wait3A_168 = arith.constant 0 : i32
      %dma_wait3A_169 = arith.constant 0 : i32
      %dma_wait3A_170 = tpu.memref_slice %arg8[%dma_wait3A_168, %dma_wait3A_169] : memref<512x32xf32, #tpu.memory_space<vmem>> -> memref<512x32xf32, #tpu.memory_space<vmem>>
      %dma_wait3A_171 = arith.constant 0 : i32
      %dma_wait3A_172 = tpu.memref_slice %arg9[%add3A_113, %dma_wait3A_171] : memref<50176x32xf32, #tpu.memory_space<vmem_shared>> -> memref<512x32xf32, #tpu.memory_space<vmem_shared>>
      %dma_wait3A_173 = arith.constant 0 : i32
      %dma_wait3A_174 = arith.constant 0 : i32
      %dma_wait3A_175 = tpu.memref_slice %arg8[%dma_wait3A_173, %dma_wait3A_174] : memref<512x32xf32, #tpu.memory_space<vmem>> -> memref<512x32xf32, #tpu.memory_space<vmem>>
      %dma_wait3A_176 = arith.constant 0 : i32
      %dma_wait3A_177 = tpu.memref_slice %arg9[%add3A_113, %dma_wait3A_176] : memref<50176x32xf32, #tpu.memory_space<vmem_shared>> -> memref<512x32xf32, #tpu.memory_space<vmem_shared>>
      tpu.wait_dma2 semaphore(%run_scoped3A : memref<!tpu.dma_semaphore, #tpu.memory_space<semaphore_mem>>) src(%dma_wait3A_177 : memref<512x32xf32, #tpu.memory_space<vmem_shared>>) dst(%dma_wait3A_175 : memref<512x32xf32, #tpu.memory_space<vmem>>)
      tpu.yield
    }) : () -> ()
    %mul3A_114 = arith.constant 3136 : i32
    %mul3A_115 = arith.muli %arg1, %mul3A_114 : i32
    %add3A_116 = arith.constant 512 : i32
    %add3A_117 = arith.addi %mul3A_115, %add3A_116 : i32
    "tpu.region"() ({
      %run_scoped3A = tpu.sem_alloc : memref<!tpu.dma_semaphore, #tpu.memory_space<semaphore_mem>>
      %dma_start3A_158 = arith.constant 0 : i32
      %dma_start3A_159 = arith.constant 0 : i32
      %dma_start3A_160 = tpu.memref_slice %arg8[%dma_start3A_158, %dma_start3A_159] : memref<512x32xf32, #tpu.memory_space<vmem>> -> memref<512x32xf32, #tpu.memory_space<vmem>>
      %dma_start3A_161 = arith.constant 0 : i32
      %dma_start3A_162 = tpu.memref_slice %arg5[%arg0, %add3A_117, %dma_start3A_161] : memref<2x50176x32xf32, #tpu.memory_space<hbm>> -> memref<1x512x32xf32, #tpu.memory_space<hbm>>
      %dma_start3A_163 = tpu.memref_squeeze %dma_start3A_162 : memref<1x512x32xf32, #tpu.memory_space<hbm>> -> memref<512x32xf32, #tpu.memory_space<hbm>>
      %dma_start3A_164 = arith.constant 0 : i32
      %dma_start3A_165 = tpu.memref_slice %arg5[%arg0, %add3A_117, %dma_start3A_164] : memref<2x50176x32xf32, #tpu.memory_space<hbm>> -> memref<1x512x32xf32, #tpu.memory_space<hbm>>
      %dma_start3A_166 = tpu.memref_squeeze %dma_start3A_165 : memref<1x512x32xf32, #tpu.memory_space<hbm>> -> memref<512x32xf32, #tpu.memory_space<hbm>>
      %dma_start3A_167 = arith.constant 0 : i32
      %dma_start3A_168 = arith.constant 0 : i32
      %dma_start3A_169 = tpu.memref_slice %arg8[%dma_start3A_167, %dma_start3A_168] : memref<512x32xf32, #tpu.memory_space<vmem>> -> memref<512x32xf32, #tpu.memory_space<vmem>>
      tpu.enqueue_dma source(%dma_start3A_169 : memref<512x32xf32, #tpu.memory_space<vmem>>) target(%dma_start3A_166 : memref<512x32xf32, #tpu.memory_space<hbm>>) target_semaphore(%run_scoped3A : memref<!tpu.dma_semaphore, #tpu.memory_space<semaphore_mem>>)
      %dma_wait3A_170 = arith.constant 0 : i32
      %dma_wait3A_171 = arith.constant 0 : i32
      %dma_wait3A_172 = tpu.memref_slice %arg8[%dma_wait3A_170, %dma_wait3A_171] : memref<512x32xf32, #tpu.memory_space<vmem>> -> memref<512x32xf32, #tpu.memory_space<vmem>>
      %dma_wait3A_173 = arith.constant 0 : i32
      %dma_wait3A_174 = tpu.memref_slice %arg5[%arg0, %add3A_117, %dma_wait3A_173] : memref<2x50176x32xf32, #tpu.memory_space<hbm>> -> memref<1x512x32xf32, #tpu.memory_space<hbm>>
      %dma_wait3A_175 = tpu.memref_squeeze %dma_wait3A_174 : memref<1x512x32xf32, #tpu.memory_space<hbm>> -> memref<512x32xf32, #tpu.memory_space<hbm>>
      %dma_wait3A_176 = arith.constant 0 : i32
      %dma_wait3A_177 = tpu.memref_slice %arg5[%arg0, %add3A_117, %dma_wait3A_176] : memref<2x50176x32xf32, #tpu.memory_space<hbm>> -> memref<1x512x32xf32, #tpu.memory_space<hbm>>
      %dma_wait3A_178 = tpu.memref_squeeze %dma_wait3A_177 : memref<1x512x32xf32, #tpu.memory_space<hbm>> -> memref<512x32xf32, #tpu.memory_space<hbm>>
      %dma_wait3A_179 = arith.constant 0 : i32
      %dma_wait3A_180 = arith.constant 0 : i32
      %dma_wait3A_181 = tpu.memref_slice %arg8[%dma_wait3A_179, %dma_wait3A_180] : memref<512x32xf32, #tpu.memory_space<vmem>> -> memref<512x32xf32, #tpu.memory_space<vmem>>
      tpu.wait_dma2 semaphore(%run_scoped3A : memref<!tpu.dma_semaphore, #tpu.memory_space<semaphore_mem>>) src(%dma_wait3A_181 : memref<512x32xf32, #tpu.memory_space<vmem>>) dst(%dma_wait3A_178 : memref<512x32xf32, #tpu.memory_space<hbm>>)
      tpu.yield
    }) : () -> ()
    %mul3A_118 = arith.constant 3136 : i32
    %mul3A_119 = arith.muli %arg1, %mul3A_118 : i32
    %add3A_120 = arith.constant 1024 : i32
    %add3A_121 = arith.addi %mul3A_119, %add3A_120 : i32
    "tpu.region"() ({
      %run_scoped3A = tpu.sem_alloc : memref<!tpu.dma_semaphore, #tpu.memory_space<semaphore_mem>>
      %dma_start3A_158 = arith.constant 0 : i32
      %dma_start3A_159 = arith.constant 0 : i32
      %dma_start3A_160 = tpu.memref_slice %arg8[%dma_start3A_158, %dma_start3A_159] : memref<512x32xf32, #tpu.memory_space<vmem>> -> memref<512x32xf32, #tpu.memory_space<vmem>>
      %dma_start3A_161 = arith.constant 0 : i32
      %dma_start3A_162 = tpu.memref_slice %arg9[%add3A_121, %dma_start3A_161] : memref<50176x32xf32, #tpu.memory_space<vmem_shared>> -> memref<512x32xf32, #tpu.memory_space<vmem_shared>>
      %dma_start3A_163 = arith.constant 0 : i32
      %dma_start3A_164 = arith.constant 0 : i32
      %dma_start3A_165 = tpu.memref_slice %arg8[%dma_start3A_163, %dma_start3A_164] : memref<512x32xf32, #tpu.memory_space<vmem>> -> memref<512x32xf32, #tpu.memory_space<vmem>>
      %dma_start3A_166 = arith.constant 0 : i32
      %dma_start3A_167 = tpu.memref_slice %arg9[%add3A_121, %dma_start3A_166] : memref<50176x32xf32, #tpu.memory_space<vmem_shared>> -> memref<512x32xf32, #tpu.memory_space<vmem_shared>>
      tpu.enqueue_dma source(%dma_start3A_167 : memref<512x32xf32, #tpu.memory_space<vmem_shared>>) target(%dma_start3A_165 : memref<512x32xf32, #tpu.memory_space<vmem>>) target_semaphore(%run_scoped3A : memref<!tpu.dma_semaphore, #tpu.memory_space<semaphore_mem>>)
      %dma_wait3A_168 = arith.constant 0 : i32
      %dma_wait3A_169 = arith.constant 0 : i32
      %dma_wait3A_170 = tpu.memref_slice %arg8[%dma_wait3A_168, %dma_wait3A_169] : memref<512x32xf32, #tpu.memory_space<vmem>> -> memref<512x32xf32, #tpu.memory_space<vmem>>
      %dma_wait3A_171 = arith.constant 0 : i32
      %dma_wait3A_172 = tpu.memref_slice %arg9[%add3A_121, %dma_wait3A_171] : memref<50176x32xf32, #tpu.memory_space<vmem_shared>> -> memref<512x32xf32, #tpu.memory_space<vmem_shared>>
      %dma_wait3A_173 = arith.constant 0 : i32
      %dma_wait3A_174 = arith.constant 0 : i32
      %dma_wait3A_175 = tpu.memref_slice %arg8[%dma_wait3A_173, %dma_wait3A_174] : memref<512x32xf32, #tpu.memory_space<vmem>> -> memref<512x32xf32, #tpu.memory_space<vmem>>
      %dma_wait3A_176 = arith.constant 0 : i32
      %dma_wait3A_177 = tpu.memref_slice %arg9[%add3A_121, %dma_wait3A_176] : memref<50176x32xf32, #tpu.memory_space<vmem_shared>> -> memref<512x32xf32, #tpu.memory_space<vmem_shared>>
      tpu.wait_dma2 semaphore(%run_scoped3A : memref<!tpu.dma_semaphore, #tpu.memory_space<semaphore_mem>>) src(%dma_wait3A_177 : memref<512x32xf32, #tpu.memory_space<vmem_shared>>) dst(%dma_wait3A_175 : memref<512x32xf32, #tpu.memory_space<vmem>>)
      tpu.yield
    }) : () -> ()
    %mul3A_122 = arith.constant 3136 : i32
    %mul3A_123 = arith.muli %arg1, %mul3A_122 : i32
    %add3A_124 = arith.constant 1024 : i32
    %add3A_125 = arith.addi %mul3A_123, %add3A_124 : i32
    "tpu.region"() ({
      %run_scoped3A = tpu.sem_alloc : memref<!tpu.dma_semaphore, #tpu.memory_space<semaphore_mem>>
      %dma_start3A_158 = arith.constant 0 : i32
      %dma_start3A_159 = arith.constant 0 : i32
      %dma_start3A_160 = tpu.memref_slice %arg8[%dma_start3A_158, %dma_start3A_159] : memref<512x32xf32, #tpu.memory_space<vmem>> -> memref<512x32xf32, #tpu.memory_space<vmem>>
      %dma_start3A_161 = arith.constant 0 : i32
      %dma_start3A_162 = tpu.memref_slice %arg5[%arg0, %add3A_125, %dma_start3A_161] : memref<2x50176x32xf32, #tpu.memory_space<hbm>> -> memref<1x512x32xf32, #tpu.memory_space<hbm>>
      %dma_start3A_163 = tpu.memref_squeeze %dma_start3A_162 : memref<1x512x32xf32, #tpu.memory_space<hbm>> -> memref<512x32xf32, #tpu.memory_space<hbm>>
      %dma_start3A_164 = arith.constant 0 : i32
      %dma_start3A_165 = tpu.memref_slice %arg5[%arg0, %add3A_125, %dma_start3A_164] : memref<2x50176x32xf32, #tpu.memory_space<hbm>> -> memref<1x512x32xf32, #tpu.memory_space<hbm>>
      %dma_start3A_166 = tpu.memref_squeeze %dma_start3A_165 : memref<1x512x32xf32, #tpu.memory_space<hbm>> -> memref<512x32xf32, #tpu.memory_space<hbm>>
      %dma_start3A_167 = arith.constant 0 : i32
      %dma_start3A_168 = arith.constant 0 : i32
      %dma_start3A_169 = tpu.memref_slice %arg8[%dma_start3A_167, %dma_start3A_168] : memref<512x32xf32, #tpu.memory_space<vmem>> -> memref<512x32xf32, #tpu.memory_space<vmem>>
      tpu.enqueue_dma source(%dma_start3A_169 : memref<512x32xf32, #tpu.memory_space<vmem>>) target(%dma_start3A_166 : memref<512x32xf32, #tpu.memory_space<hbm>>) target_semaphore(%run_scoped3A : memref<!tpu.dma_semaphore, #tpu.memory_space<semaphore_mem>>)
      %dma_wait3A_170 = arith.constant 0 : i32
      %dma_wait3A_171 = arith.constant 0 : i32
      %dma_wait3A_172 = tpu.memref_slice %arg8[%dma_wait3A_170, %dma_wait3A_171] : memref<512x32xf32, #tpu.memory_space<vmem>> -> memref<512x32xf32, #tpu.memory_space<vmem>>
      %dma_wait3A_173 = arith.constant 0 : i32
      %dma_wait3A_174 = tpu.memref_slice %arg5[%arg0, %add3A_125, %dma_wait3A_173] : memref<2x50176x32xf32, #tpu.memory_space<hbm>> -> memref<1x512x32xf32, #tpu.memory_space<hbm>>
      %dma_wait3A_175 = tpu.memref_squeeze %dma_wait3A_174 : memref<1x512x32xf32, #tpu.memory_space<hbm>> -> memref<512x32xf32, #tpu.memory_space<hbm>>
      %dma_wait3A_176 = arith.constant 0 : i32
      %dma_wait3A_177 = tpu.memref_slice %arg5[%arg0, %add3A_125, %dma_wait3A_176] : memref<2x50176x32xf32, #tpu.memory_space<hbm>> -> memref<1x512x32xf32, #tpu.memory_space<hbm>>
      %dma_wait3A_178 = tpu.memref_squeeze %dma_wait3A_177 : memref<1x512x32xf32, #tpu.memory_space<hbm>> -> memref<512x32xf32, #tpu.memory_space<hbm>>
      %dma_wait3A_179 = arith.constant 0 : i32
      %dma_wait3A_180 = arith.constant 0 : i32
      %dma_wait3A_181 = tpu.memref_slice %arg8[%dma_wait3A_179, %dma_wait3A_180] : memref<512x32xf32, #tpu.memory_space<vmem>> -> memref<512x32xf32, #tpu.memory_space<vmem>>
      tpu.wait_dma2 semaphore(%run_scoped3A : memref<!tpu.dma_semaphore, #tpu.memory_space<semaphore_mem>>) src(%dma_wait3A_181 : memref<512x32xf32, #tpu.memory_space<vmem>>) dst(%dma_wait3A_178 : memref<512x32xf32, #tpu.memory_space<hbm>>)
      tpu.yield
    }) : () -> ()
    %mul3A_126 = arith.constant 3136 : i32
    %mul3A_127 = arith.muli %arg1, %mul3A_126 : i32
    %add3A_128 = arith.constant 1536 : i32
    %add3A_129 = arith.addi %mul3A_127, %add3A_128 : i32
    "tpu.region"() ({
      %run_scoped3A = tpu.sem_alloc : memref<!tpu.dma_semaphore, #tpu.memory_space<semaphore_mem>>
      %dma_start3A_158 = arith.constant 0 : i32
      %dma_start3A_159 = arith.constant 0 : i32
      %dma_start3A_160 = tpu.memref_slice %arg8[%dma_start3A_158, %dma_start3A_159] : memref<512x32xf32, #tpu.memory_space<vmem>> -> memref<512x32xf32, #tpu.memory_space<vmem>>
      %dma_start3A_161 = arith.constant 0 : i32
      %dma_start3A_162 = tpu.memref_slice %arg9[%add3A_129, %dma_start3A_161] : memref<50176x32xf32, #tpu.memory_space<vmem_shared>> -> memref<512x32xf32, #tpu.memory_space<vmem_shared>>
      %dma_start3A_163 = arith.constant 0 : i32
      %dma_start3A_164 = arith.constant 0 : i32
      %dma_start3A_165 = tpu.memref_slice %arg8[%dma_start3A_163, %dma_start3A_164] : memref<512x32xf32, #tpu.memory_space<vmem>> -> memref<512x32xf32, #tpu.memory_space<vmem>>
      %dma_start3A_166 = arith.constant 0 : i32
      %dma_start3A_167 = tpu.memref_slice %arg9[%add3A_129, %dma_start3A_166] : memref<50176x32xf32, #tpu.memory_space<vmem_shared>> -> memref<512x32xf32, #tpu.memory_space<vmem_shared>>
      tpu.enqueue_dma source(%dma_start3A_167 : memref<512x32xf32, #tpu.memory_space<vmem_shared>>) target(%dma_start3A_165 : memref<512x32xf32, #tpu.memory_space<vmem>>) target_semaphore(%run_scoped3A : memref<!tpu.dma_semaphore, #tpu.memory_space<semaphore_mem>>)
      %dma_wait3A_168 = arith.constant 0 : i32
      %dma_wait3A_169 = arith.constant 0 : i32
      %dma_wait3A_170 = tpu.memref_slice %arg8[%dma_wait3A_168, %dma_wait3A_169] : memref<512x32xf32, #tpu.memory_space<vmem>> -> memref<512x32xf32, #tpu.memory_space<vmem>>
      %dma_wait3A_171 = arith.constant 0 : i32
      %dma_wait3A_172 = tpu.memref_slice %arg9[%add3A_129, %dma_wait3A_171] : memref<50176x32xf32, #tpu.memory_space<vmem_shared>> -> memref<512x32xf32, #tpu.memory_space<vmem_shared>>
      %dma_wait3A_173 = arith.constant 0 : i32
      %dma_wait3A_174 = arith.constant 0 : i32
      %dma_wait3A_175 = tpu.memref_slice %arg8[%dma_wait3A_173, %dma_wait3A_174] : memref<512x32xf32, #tpu.memory_space<vmem>> -> memref<512x32xf32, #tpu.memory_space<vmem>>
      %dma_wait3A_176 = arith.constant 0 : i32
      %dma_wait3A_177 = tpu.memref_slice %arg9[%add3A_129, %dma_wait3A_176] : memref<50176x32xf32, #tpu.memory_space<vmem_shared>> -> memref<512x32xf32, #tpu.memory_space<vmem_shared>>
      tpu.wait_dma2 semaphore(%run_scoped3A : memref<!tpu.dma_semaphore, #tpu.memory_space<semaphore_mem>>) src(%dma_wait3A_177 : memref<512x32xf32, #tpu.memory_space<vmem_shared>>) dst(%dma_wait3A_175 : memref<512x32xf32, #tpu.memory_space<vmem>>)
      tpu.yield
    }) : () -> ()
    %mul3A_130 = arith.constant 3136 : i32
    %mul3A_131 = arith.muli %arg1, %mul3A_130 : i32
    %add3A_132 = arith.constant 1536 : i32
    %add3A_133 = arith.addi %mul3A_131, %add3A_132 : i32
    "tpu.region"() ({
      %run_scoped3A = tpu.sem_alloc : memref<!tpu.dma_semaphore, #tpu.memory_space<semaphore_mem>>
      %dma_start3A_158 = arith.constant 0 : i32
      %dma_start3A_159 = arith.constant 0 : i32
      %dma_start3A_160 = tpu.memref_slice %arg8[%dma_start3A_158, %dma_start3A_159] : memref<512x32xf32, #tpu.memory_space<vmem>> -> memref<512x32xf32, #tpu.memory_space<vmem>>
      %dma_start3A_161 = arith.constant 0 : i32
      %dma_start3A_162 = tpu.memref_slice %arg5[%arg0, %add3A_133, %dma_start3A_161] : memref<2x50176x32xf32, #tpu.memory_space<hbm>> -> memref<1x512x32xf32, #tpu.memory_space<hbm>>
      %dma_start3A_163 = tpu.memref_squeeze %dma_start3A_162 : memref<1x512x32xf32, #tpu.memory_space<hbm>> -> memref<512x32xf32, #tpu.memory_space<hbm>>
      %dma_start3A_164 = arith.constant 0 : i32
      %dma_start3A_165 = tpu.memref_slice %arg5[%arg0, %add3A_133, %dma_start3A_164] : memref<2x50176x32xf32, #tpu.memory_space<hbm>> -> memref<1x512x32xf32, #tpu.memory_space<hbm>>
      %dma_start3A_166 = tpu.memref_squeeze %dma_start3A_165 : memref<1x512x32xf32, #tpu.memory_space<hbm>> -> memref<512x32xf32, #tpu.memory_space<hbm>>
      %dma_start3A_167 = arith.constant 0 : i32
      %dma_start3A_168 = arith.constant 0 : i32
      %dma_start3A_169 = tpu.memref_slice %arg8[%dma_start3A_167, %dma_start3A_168] : memref<512x32xf32, #tpu.memory_space<vmem>> -> memref<512x32xf32, #tpu.memory_space<vmem>>
      tpu.enqueue_dma source(%dma_start3A_169 : memref<512x32xf32, #tpu.memory_space<vmem>>) target(%dma_start3A_166 : memref<512x32xf32, #tpu.memory_space<hbm>>) target_semaphore(%run_scoped3A : memref<!tpu.dma_semaphore, #tpu.memory_space<semaphore_mem>>)
      %dma_wait3A_170 = arith.constant 0 : i32
      %dma_wait3A_171 = arith.constant 0 : i32
      %dma_wait3A_172 = tpu.memref_slice %arg8[%dma_wait3A_170, %dma_wait3A_171] : memref<512x32xf32, #tpu.memory_space<vmem>> -> memref<512x32xf32, #tpu.memory_space<vmem>>
      %dma_wait3A_173 = arith.constant 0 : i32
      %dma_wait3A_174 = tpu.memref_slice %arg5[%arg0, %add3A_133, %dma_wait3A_173] : memref<2x50176x32xf32, #tpu.memory_space<hbm>> -> memref<1x512x32xf32, #tpu.memory_space<hbm>>
      %dma_wait3A_175 = tpu.memref_squeeze %dma_wait3A_174 : memref<1x512x32xf32, #tpu.memory_space<hbm>> -> memref<512x32xf32, #tpu.memory_space<hbm>>
      %dma_wait3A_176 = arith.constant 0 : i32
      %dma_wait3A_177 = tpu.memref_slice %arg5[%arg0, %add3A_133, %dma_wait3A_176] : memref<2x50176x32xf32, #tpu.memory_space<hbm>> -> memref<1x512x32xf32, #tpu.memory_space<hbm>>
      %dma_wait3A_178 = tpu.memref_squeeze %dma_wait3A_177 : memref<1x512x32xf32, #tpu.memory_space<hbm>> -> memref<512x32xf32, #tpu.memory_space<hbm>>
      %dma_wait3A_179 = arith.constant 0 : i32
      %dma_wait3A_180 = arith.constant 0 : i32
      %dma_wait3A_181 = tpu.memref_slice %arg8[%dma_wait3A_179, %dma_wait3A_180] : memref<512x32xf32, #tpu.memory_space<vmem>> -> memref<512x32xf32, #tpu.memory_space<vmem>>
      tpu.wait_dma2 semaphore(%run_scoped3A : memref<!tpu.dma_semaphore, #tpu.memory_space<semaphore_mem>>) src(%dma_wait3A_181 : memref<512x32xf32, #tpu.memory_space<vmem>>) dst(%dma_wait3A_178 : memref<512x32xf32, #tpu.memory_space<hbm>>)
      tpu.yield
    }) : () -> ()
    %mul3A_134 = arith.constant 3136 : i32
    %mul3A_135 = arith.muli %arg1, %mul3A_134 : i32
    %add3A_136 = arith.constant 2048 : i32
    %add3A_137 = arith.addi %mul3A_135, %add3A_136 : i32
    "tpu.region"() ({
      %run_scoped3A = tpu.sem_alloc : memref<!tpu.dma_semaphore, #tpu.memory_space<semaphore_mem>>
      %dma_start3A_158 = arith.constant 0 : i32
      %dma_start3A_159 = arith.constant 0 : i32
      %dma_start3A_160 = tpu.memref_slice %arg8[%dma_start3A_158, %dma_start3A_159] : memref<512x32xf32, #tpu.memory_space<vmem>> -> memref<512x32xf32, #tpu.memory_space<vmem>>
      %dma_start3A_161 = arith.constant 0 : i32
      %dma_start3A_162 = tpu.memref_slice %arg9[%add3A_137, %dma_start3A_161] : memref<50176x32xf32, #tpu.memory_space<vmem_shared>> -> memref<512x32xf32, #tpu.memory_space<vmem_shared>>
      %dma_start3A_163 = arith.constant 0 : i32
      %dma_start3A_164 = arith.constant 0 : i32
      %dma_start3A_165 = tpu.memref_slice %arg8[%dma_start3A_163, %dma_start3A_164] : memref<512x32xf32, #tpu.memory_space<vmem>> -> memref<512x32xf32, #tpu.memory_space<vmem>>
      %dma_start3A_166 = arith.constant 0 : i32
      %dma_start3A_167 = tpu.memref_slice %arg9[%add3A_137, %dma_start3A_166] : memref<50176x32xf32, #tpu.memory_space<vmem_shared>> -> memref<512x32xf32, #tpu.memory_space<vmem_shared>>
      tpu.enqueue_dma source(%dma_start3A_167 : memref<512x32xf32, #tpu.memory_space<vmem_shared>>) target(%dma_start3A_165 : memref<512x32xf32, #tpu.memory_space<vmem>>) target_semaphore(%run_scoped3A : memref<!tpu.dma_semaphore, #tpu.memory_space<semaphore_mem>>)
      %dma_wait3A_168 = arith.constant 0 : i32
      %dma_wait3A_169 = arith.constant 0 : i32
      %dma_wait3A_170 = tpu.memref_slice %arg8[%dma_wait3A_168, %dma_wait3A_169] : memref<512x32xf32, #tpu.memory_space<vmem>> -> memref<512x32xf32, #tpu.memory_space<vmem>>
      %dma_wait3A_171 = arith.constant 0 : i32
      %dma_wait3A_172 = tpu.memref_slice %arg9[%add3A_137, %dma_wait3A_171] : memref<50176x32xf32, #tpu.memory_space<vmem_shared>> -> memref<512x32xf32, #tpu.memory_space<vmem_shared>>
      %dma_wait3A_173 = arith.constant 0 : i32
      %dma_wait3A_174 = arith.constant 0 : i32
      %dma_wait3A_175 = tpu.memref_slice %arg8[%dma_wait3A_173, %dma_wait3A_174] : memref<512x32xf32, #tpu.memory_space<vmem>> -> memref<512x32xf32, #tpu.memory_space<vmem>>
      %dma_wait3A_176 = arith.constant 0 : i32
      %dma_wait3A_177 = tpu.memref_slice %arg9[%add3A_137, %dma_wait3A_176] : memref<50176x32xf32, #tpu.memory_space<vmem_shared>> -> memref<512x32xf32, #tpu.memory_space<vmem_shared>>
      tpu.wait_dma2 semaphore(%run_scoped3A : memref<!tpu.dma_semaphore, #tpu.memory_space<semaphore_mem>>) src(%dma_wait3A_177 : memref<512x32xf32, #tpu.memory_space<vmem_shared>>) dst(%dma_wait3A_175 : memref<512x32xf32, #tpu.memory_space<vmem>>)
      tpu.yield
    }) : () -> ()
    %mul3A_138 = arith.constant 3136 : i32
    %mul3A_139 = arith.muli %arg1, %mul3A_138 : i32
    %add3A_140 = arith.constant 2048 : i32
    %add3A_141 = arith.addi %mul3A_139, %add3A_140 : i32
    "tpu.region"() ({
      %run_scoped3A = tpu.sem_alloc : memref<!tpu.dma_semaphore, #tpu.memory_space<semaphore_mem>>
      %dma_start3A_158 = arith.constant 0 : i32
      %dma_start3A_159 = arith.constant 0 : i32
      %dma_start3A_160 = tpu.memref_slice %arg8[%dma_start3A_158, %dma_start3A_159] : memref<512x32xf32, #tpu.memory_space<vmem>> -> memref<512x32xf32, #tpu.memory_space<vmem>>
      %dma_start3A_161 = arith.constant 0 : i32
      %dma_start3A_162 = tpu.memref_slice %arg5[%arg0, %add3A_141, %dma_start3A_161] : memref<2x50176x32xf32, #tpu.memory_space<hbm>> -> memref<1x512x32xf32, #tpu.memory_space<hbm>>
      %dma_start3A_163 = tpu.memref_squeeze %dma_start3A_162 : memref<1x512x32xf32, #tpu.memory_space<hbm>> -> memref<512x32xf32, #tpu.memory_space<hbm>>
      %dma_start3A_164 = arith.constant 0 : i32
      %dma_start3A_165 = tpu.memref_slice %arg5[%arg0, %add3A_141, %dma_start3A_164] : memref<2x50176x32xf32, #tpu.memory_space<hbm>> -> memref<1x512x32xf32, #tpu.memory_space<hbm>>
      %dma_start3A_166 = tpu.memref_squeeze %dma_start3A_165 : memref<1x512x32xf32, #tpu.memory_space<hbm>> -> memref<512x32xf32, #tpu.memory_space<hbm>>
      %dma_start3A_167 = arith.constant 0 : i32
      %dma_start3A_168 = arith.constant 0 : i32
      %dma_start3A_169 = tpu.memref_slice %arg8[%dma_start3A_167, %dma_start3A_168] : memref<512x32xf32, #tpu.memory_space<vmem>> -> memref<512x32xf32, #tpu.memory_space<vmem>>
      tpu.enqueue_dma source(%dma_start3A_169 : memref<512x32xf32, #tpu.memory_space<vmem>>) target(%dma_start3A_166 : memref<512x32xf32, #tpu.memory_space<hbm>>) target_semaphore(%run_scoped3A : memref<!tpu.dma_semaphore, #tpu.memory_space<semaphore_mem>>)
      %dma_wait3A_170 = arith.constant 0 : i32
      %dma_wait3A_171 = arith.constant 0 : i32
      %dma_wait3A_172 = tpu.memref_slice %arg8[%dma_wait3A_170, %dma_wait3A_171] : memref<512x32xf32, #tpu.memory_space<vmem>> -> memref<512x32xf32, #tpu.memory_space<vmem>>
      %dma_wait3A_173 = arith.constant 0 : i32
      %dma_wait3A_174 = tpu.memref_slice %arg5[%arg0, %add3A_141, %dma_wait3A_173] : memref<2x50176x32xf32, #tpu.memory_space<hbm>> -> memref<1x512x32xf32, #tpu.memory_space<hbm>>
      %dma_wait3A_175 = tpu.memref_squeeze %dma_wait3A_174 : memref<1x512x32xf32, #tpu.memory_space<hbm>> -> memref<512x32xf32, #tpu.memory_space<hbm>>
      %dma_wait3A_176 = arith.constant 0 : i32
      %dma_wait3A_177 = tpu.memref_slice %arg5[%arg0, %add3A_141, %dma_wait3A_176] : memref<2x50176x32xf32, #tpu.memory_space<hbm>> -> memref<1x512x32xf32, #tpu.memory_space<hbm>>
      %dma_wait3A_178 = tpu.memref_squeeze %dma_wait3A_177 : memref<1x512x32xf32, #tpu.memory_space<hbm>> -> memref<512x32xf32, #tpu.memory_space<hbm>>
      %dma_wait3A_179 = arith.constant 0 : i32
      %dma_wait3A_180 = arith.constant 0 : i32
      %dma_wait3A_181 = tpu.memref_slice %arg8[%dma_wait3A_179, %dma_wait3A_180] : memref<512x32xf32, #tpu.memory_space<vmem>> -> memref<512x32xf32, #tpu.memory_space<vmem>>
      tpu.wait_dma2 semaphore(%run_scoped3A : memref<!tpu.dma_semaphore, #tpu.memory_space<semaphore_mem>>) src(%dma_wait3A_181 : memref<512x32xf32, #tpu.memory_space<vmem>>) dst(%dma_wait3A_178 : memref<512x32xf32, #tpu.memory_space<hbm>>)
      tpu.yield
    }) : () -> ()
    %mul3A_142 = arith.constant 3136 : i32
    %mul3A_143 = arith.muli %arg1, %mul3A_142 : i32
    %add3A_144 = arith.constant 2560 : i32
    %add3A_145 = arith.addi %mul3A_143, %add3A_144 : i32
    "tpu.region"() ({
      %run_scoped3A = tpu.sem_alloc : memref<!tpu.dma_semaphore, #tpu.memory_space<semaphore_mem>>
      %dma_start3A_158 = arith.constant 0 : i32
      %dma_start3A_159 = arith.constant 0 : i32
      %dma_start3A_160 = tpu.memref_slice %arg8[%dma_start3A_158, %dma_start3A_159] : memref<512x32xf32, #tpu.memory_space<vmem>> -> memref<512x32xf32, #tpu.memory_space<vmem>>
      %dma_start3A_161 = arith.constant 0 : i32
      %dma_start3A_162 = tpu.memref_slice %arg9[%add3A_145, %dma_start3A_161] : memref<50176x32xf32, #tpu.memory_space<vmem_shared>> -> memref<512x32xf32, #tpu.memory_space<vmem_shared>>
      %dma_start3A_163 = arith.constant 0 : i32
      %dma_start3A_164 = arith.constant 0 : i32
      %dma_start3A_165 = tpu.memref_slice %arg8[%dma_start3A_163, %dma_start3A_164] : memref<512x32xf32, #tpu.memory_space<vmem>> -> memref<512x32xf32, #tpu.memory_space<vmem>>
      %dma_start3A_166 = arith.constant 0 : i32
      %dma_start3A_167 = tpu.memref_slice %arg9[%add3A_145, %dma_start3A_166] : memref<50176x32xf32, #tpu.memory_space<vmem_shared>> -> memref<512x32xf32, #tpu.memory_space<vmem_shared>>
      tpu.enqueue_dma source(%dma_start3A_167 : memref<512x32xf32, #tpu.memory_space<vmem_shared>>) target(%dma_start3A_165 : memref<512x32xf32, #tpu.memory_space<vmem>>) target_semaphore(%run_scoped3A : memref<!tpu.dma_semaphore, #tpu.memory_space<semaphore_mem>>)
      %dma_wait3A_168 = arith.constant 0 : i32
      %dma_wait3A_169 = arith.constant 0 : i32
      %dma_wait3A_170 = tpu.memref_slice %arg8[%dma_wait3A_168, %dma_wait3A_169] : memref<512x32xf32, #tpu.memory_space<vmem>> -> memref<512x32xf32, #tpu.memory_space<vmem>>
      %dma_wait3A_171 = arith.constant 0 : i32
      %dma_wait3A_172 = tpu.memref_slice %arg9[%add3A_145, %dma_wait3A_171] : memref<50176x32xf32, #tpu.memory_space<vmem_shared>> -> memref<512x32xf32, #tpu.memory_space<vmem_shared>>
      %dma_wait3A_173 = arith.constant 0 : i32
      %dma_wait3A_174 = arith.constant 0 : i32
      %dma_wait3A_175 = tpu.memref_slice %arg8[%dma_wait3A_173, %dma_wait3A_174] : memref<512x32xf32, #tpu.memory_space<vmem>> -> memref<512x32xf32, #tpu.memory_space<vmem>>
      %dma_wait3A_176 = arith.constant 0 : i32
      %dma_wait3A_177 = tpu.memref_slice %arg9[%add3A_145, %dma_wait3A_176] : memref<50176x32xf32, #tpu.memory_space<vmem_shared>> -> memref<512x32xf32, #tpu.memory_space<vmem_shared>>
      tpu.wait_dma2 semaphore(%run_scoped3A : memref<!tpu.dma_semaphore, #tpu.memory_space<semaphore_mem>>) src(%dma_wait3A_177 : memref<512x32xf32, #tpu.memory_space<vmem_shared>>) dst(%dma_wait3A_175 : memref<512x32xf32, #tpu.memory_space<vmem>>)
      tpu.yield
    }) : () -> ()
    %mul3A_146 = arith.constant 3136 : i32
    %mul3A_147 = arith.muli %arg1, %mul3A_146 : i32
    %add3A_148 = arith.constant 2560 : i32
    %add3A_149 = arith.addi %mul3A_147, %add3A_148 : i32
    "tpu.region"() ({
      %run_scoped3A = tpu.sem_alloc : memref<!tpu.dma_semaphore, #tpu.memory_space<semaphore_mem>>
      %dma_start3A_158 = arith.constant 0 : i32
      %dma_start3A_159 = arith.constant 0 : i32
      %dma_start3A_160 = tpu.memref_slice %arg8[%dma_start3A_158, %dma_start3A_159] : memref<512x32xf32, #tpu.memory_space<vmem>> -> memref<512x32xf32, #tpu.memory_space<vmem>>
      %dma_start3A_161 = arith.constant 0 : i32
      %dma_start3A_162 = tpu.memref_slice %arg5[%arg0, %add3A_149, %dma_start3A_161] : memref<2x50176x32xf32, #tpu.memory_space<hbm>> -> memref<1x512x32xf32, #tpu.memory_space<hbm>>
      %dma_start3A_163 = tpu.memref_squeeze %dma_start3A_162 : memref<1x512x32xf32, #tpu.memory_space<hbm>> -> memref<512x32xf32, #tpu.memory_space<hbm>>
      %dma_start3A_164 = arith.constant 0 : i32
      %dma_start3A_165 = tpu.memref_slice %arg5[%arg0, %add3A_149, %dma_start3A_164] : memref<2x50176x32xf32, #tpu.memory_space<hbm>> -> memref<1x512x32xf32, #tpu.memory_space<hbm>>
      %dma_start3A_166 = tpu.memref_squeeze %dma_start3A_165 : memref<1x512x32xf32, #tpu.memory_space<hbm>> -> memref<512x32xf32, #tpu.memory_space<hbm>>
      %dma_start3A_167 = arith.constant 0 : i32
      %dma_start3A_168 = arith.constant 0 : i32
      %dma_start3A_169 = tpu.memref_slice %arg8[%dma_start3A_167, %dma_start3A_168] : memref<512x32xf32, #tpu.memory_space<vmem>> -> memref<512x32xf32, #tpu.memory_space<vmem>>
      tpu.enqueue_dma source(%dma_start3A_169 : memref<512x32xf32, #tpu.memory_space<vmem>>) target(%dma_start3A_166 : memref<512x32xf32, #tpu.memory_space<hbm>>) target_semaphore(%run_scoped3A : memref<!tpu.dma_semaphore, #tpu.memory_space<semaphore_mem>>)
      %dma_wait3A_170 = arith.constant 0 : i32
      %dma_wait3A_171 = arith.constant 0 : i32
      %dma_wait3A_172 = tpu.memref_slice %arg8[%dma_wait3A_170, %dma_wait3A_171] : memref<512x32xf32, #tpu.memory_space<vmem>> -> memref<512x32xf32, #tpu.memory_space<vmem>>
      %dma_wait3A_173 = arith.constant 0 : i32
      %dma_wait3A_174 = tpu.memref_slice %arg5[%arg0, %add3A_149, %dma_wait3A_173] : memref<2x50176x32xf32, #tpu.memory_space<hbm>> -> memref<1x512x32xf32, #tpu.memory_space<hbm>>
      %dma_wait3A_175 = tpu.memref_squeeze %dma_wait3A_174 : memref<1x512x32xf32, #tpu.memory_space<hbm>> -> memref<512x32xf32, #tpu.memory_space<hbm>>
      %dma_wait3A_176 = arith.constant 0 : i32
      %dma_wait3A_177 = tpu.memref_slice %arg5[%arg0, %add3A_149, %dma_wait3A_176] : memref<2x50176x32xf32, #tpu.memory_space<hbm>> -> memref<1x512x32xf32, #tpu.memory_space<hbm>>
      %dma_wait3A_178 = tpu.memref_squeeze %dma_wait3A_177 : memref<1x512x32xf32, #tpu.memory_space<hbm>> -> memref<512x32xf32, #tpu.memory_space<hbm>>
      %dma_wait3A_179 = arith.constant 0 : i32
      %dma_wait3A_180 = arith.constant 0 : i32
      %dma_wait3A_181 = tpu.memref_slice %arg8[%dma_wait3A_179, %dma_wait3A_180] : memref<512x32xf32, #tpu.memory_space<vmem>> -> memref<512x32xf32, #tpu.memory_space<vmem>>
      tpu.wait_dma2 semaphore(%run_scoped3A : memref<!tpu.dma_semaphore, #tpu.memory_space<semaphore_mem>>) src(%dma_wait3A_181 : memref<512x32xf32, #tpu.memory_space<vmem>>) dst(%dma_wait3A_178 : memref<512x32xf32, #tpu.memory_space<hbm>>)
      tpu.yield
    }) : () -> ()
    %mul3A_150 = arith.constant 3136 : i32
    %mul3A_151 = arith.muli %arg1, %mul3A_150 : i32
    %add3A_152 = arith.constant 3072 : i32
    %add3A_153 = arith.addi %mul3A_151, %add3A_152 : i32
    "tpu.region"() ({
      %run_scoped3A = tpu.sem_alloc : memref<!tpu.dma_semaphore, #tpu.memory_space<semaphore_mem>>
      %dma_start3A_158 = arith.constant 0 : i32
      %dma_start3A_159 = arith.constant 0 : i32
      %dma_start3A_160 = tpu.memref_slice %arg8[%dma_start3A_158, %dma_start3A_159] : memref<512x32xf32, #tpu.memory_space<vmem>> -> memref<64x32xf32, #tpu.memory_space<vmem>>
      %dma_start3A_161 = arith.constant 0 : i32
      %dma_start3A_162 = tpu.memref_slice %arg9[%add3A_153, %dma_start3A_161] : memref<50176x32xf32, #tpu.memory_space<vmem_shared>> -> memref<64x32xf32, #tpu.memory_space<vmem_shared>>
      %dma_start3A_163 = arith.constant 0 : i32
      %dma_start3A_164 = arith.constant 0 : i32
      %dma_start3A_165 = tpu.memref_slice %arg8[%dma_start3A_163, %dma_start3A_164] : memref<512x32xf32, #tpu.memory_space<vmem>> -> memref<64x32xf32, #tpu.memory_space<vmem>>
      %dma_start3A_166 = arith.constant 0 : i32
      %dma_start3A_167 = tpu.memref_slice %arg9[%add3A_153, %dma_start3A_166] : memref<50176x32xf32, #tpu.memory_space<vmem_shared>> -> memref<64x32xf32, #tpu.memory_space<vmem_shared>>
      tpu.enqueue_dma source(%dma_start3A_167 : memref<64x32xf32, #tpu.memory_space<vmem_shared>>) target(%dma_start3A_165 : memref<64x32xf32, #tpu.memory_space<vmem>>) target_semaphore(%run_scoped3A : memref<!tpu.dma_semaphore, #tpu.memory_space<semaphore_mem>>)
      %dma_wait3A_168 = arith.constant 0 : i32
      %dma_wait3A_169 = arith.constant 0 : i32
      %dma_wait3A_170 = tpu.memref_slice %arg8[%dma_wait3A_168, %dma_wait3A_169] : memref<512x32xf32, #tpu.memory_space<vmem>> -> memref<64x32xf32, #tpu.memory_space<vmem>>
      %dma_wait3A_171 = arith.constant 0 : i32
      %dma_wait3A_172 = tpu.memref_slice %arg9[%add3A_153, %dma_wait3A_171] : memref<50176x32xf32, #tpu.memory_space<vmem_shared>> -> memref<64x32xf32, #tpu.memory_space<vmem_shared>>
      %dma_wait3A_173 = arith.constant 0 : i32
      %dma_wait3A_174 = arith.constant 0 : i32
      %dma_wait3A_175 = tpu.memref_slice %arg8[%dma_wait3A_173, %dma_wait3A_174] : memref<512x32xf32, #tpu.memory_space<vmem>> -> memref<64x32xf32, #tpu.memory_space<vmem>>
      %dma_wait3A_176 = arith.constant 0 : i32
      %dma_wait3A_177 = tpu.memref_slice %arg9[%add3A_153, %dma_wait3A_176] : memref<50176x32xf32, #tpu.memory_space<vmem_shared>> -> memref<64x32xf32, #tpu.memory_space<vmem_shared>>
      tpu.wait_dma2 semaphore(%run_scoped3A : memref<!tpu.dma_semaphore, #tpu.memory_space<semaphore_mem>>) src(%dma_wait3A_177 : memref<64x32xf32, #tpu.memory_space<vmem_shared>>) dst(%dma_wait3A_175 : memref<64x32xf32, #tpu.memory_space<vmem>>)
      tpu.yield
    }) : () -> ()
    %mul3A_154 = arith.constant 3136 : i32
    %mul3A_155 = arith.muli %arg1, %mul3A_154 : i32
    %add3A_156 = arith.constant 3072 : i32
    %add3A_157 = arith.addi %mul3A_155, %add3A_156 : i32
    "tpu.region"() ({
      %run_scoped3A = tpu.sem_alloc : memref<!tpu.dma_semaphore, #tpu.memory_space<semaphore_mem>>
      %dma_start3A_158 = arith.constant 0 : i32
      %dma_start3A_159 = arith.constant 0 : i32
      %dma_start3A_160 = tpu.memref_slice %arg8[%dma_start3A_158, %dma_start3A_159] : memref<512x32xf32, #tpu.memory_space<vmem>> -> memref<64x32xf32, #tpu.memory_space<vmem>>
      %dma_start3A_161 = arith.constant 0 : i32
      %dma_start3A_162 = tpu.memref_slice %arg5[%arg0, %add3A_157, %dma_start3A_161] : memref<2x50176x32xf32, #tpu.memory_space<hbm>> -> memref<1x64x32xf32, #tpu.memory_space<hbm>>
      %dma_start3A_163 = tpu.memref_squeeze %dma_start3A_162 : memref<1x64x32xf32, #tpu.memory_space<hbm>> -> memref<64x32xf32, #tpu.memory_space<hbm>>
      %dma_start3A_164 = arith.constant 0 : i32
      %dma_start3A_165 = tpu.memref_slice %arg5[%arg0, %add3A_157, %dma_start3A_164] : memref<2x50176x32xf32, #tpu.memory_space<hbm>> -> memref<1x64x32xf32, #tpu.memory_space<hbm>>
      %dma_start3A_166 = tpu.memref_squeeze %dma_start3A_165 : memref<1x64x32xf32, #tpu.memory_space<hbm>> -> memref<64x32xf32, #tpu.memory_space<hbm>>
      %dma_start3A_167 = arith.constant 0 : i32
      %dma_start3A_168 = arith.constant 0 : i32
      %dma_start3A_169 = tpu.memref_slice %arg8[%dma_start3A_167, %dma_start3A_168] : memref<512x32xf32, #tpu.memory_space<vmem>> -> memref<64x32xf32, #tpu.memory_space<vmem>>
      tpu.enqueue_dma source(%dma_start3A_169 : memref<64x32xf32, #tpu.memory_space<vmem>>) target(%dma_start3A_166 : memref<64x32xf32, #tpu.memory_space<hbm>>) target_semaphore(%run_scoped3A : memref<!tpu.dma_semaphore, #tpu.memory_space<semaphore_mem>>)
      %dma_wait3A_170 = arith.constant 0 : i32
      %dma_wait3A_171 = arith.constant 0 : i32
      %dma_wait3A_172 = tpu.memref_slice %arg8[%dma_wait3A_170, %dma_wait3A_171] : memref<512x32xf32, #tpu.memory_space<vmem>> -> memref<64x32xf32, #tpu.memory_space<vmem>>
      %dma_wait3A_173 = arith.constant 0 : i32
      %dma_wait3A_174 = tpu.memref_slice %arg5[%arg0, %add3A_157, %dma_wait3A_173] : memref<2x50176x32xf32, #tpu.memory_space<hbm>> -> memref<1x64x32xf32, #tpu.memory_space<hbm>>
      %dma_wait3A_175 = tpu.memref_squeeze %dma_wait3A_174 : memref<1x64x32xf32, #tpu.memory_space<hbm>> -> memref<64x32xf32, #tpu.memory_space<hbm>>
      %dma_wait3A_176 = arith.constant 0 : i32
      %dma_wait3A_177 = tpu.memref_slice %arg5[%arg0, %add3A_157, %dma_wait3A_176] : memref<2x50176x32xf32, #tpu.memory_space<hbm>> -> memref<1x64x32xf32, #tpu.memory_space<hbm>>
      %dma_wait3A_178 = tpu.memref_squeeze %dma_wait3A_177 : memref<1x64x32xf32, #tpu.memory_space<hbm>> -> memref<64x32xf32, #tpu.memory_space<hbm>>
      %dma_wait3A_179 = arith.constant 0 : i32
      %dma_wait3A_180 = arith.constant 0 : i32
      %dma_wait3A_181 = tpu.memref_slice %arg8[%dma_wait3A_179, %dma_wait3A_180] : memref<512x32xf32, #tpu.memory_space<vmem>> -> memref<64x32xf32, #tpu.memory_space<vmem>>
      tpu.wait_dma2 semaphore(%run_scoped3A : memref<!tpu.dma_semaphore, #tpu.memory_space<semaphore_mem>>) src(%dma_wait3A_181 : memref<64x32xf32, #tpu.memory_space<vmem>>) dst(%dma_wait3A_178 : memref<64x32xf32, #tpu.memory_space<hbm>>)
      tpu.yield
    }) : () -> ()
    return
  }
}

module attributes {stable_mosaic.version = 14 : i64} {
  func.func @_tc_a_body(%arg0: i32, %arg1: memref<2000x64xf32, #tpu.memory_space<vmem>>, %arg2: memref<64x64xf32, #tpu.memory_space<vmem>>, %arg3: memref<1x64xf32, #tpu.memory_space<vmem>>, %arg4: memref<2000x1xf32, #tpu.memory_space<vmem>>, %arg5: memref<2000x1xf32, #tpu.memory_space<vmem>>, %arg6: memref<2000x64xf32, #tpu.memory_space<vmem>>, %arg7: memref<2000x64xf32, #tpu.memory_space<vmem>>, %arg8: memref<2000x1xf32, #tpu.memory_space<vmem>>, %arg9: memref<2000x1xf32, #tpu.memory_space<vmem>>) attributes {dimension_semantics = [#tpu.dimension_semantics<arbitrary>], iteration_bounds = array<i64: 25>, scalar_prefetch = 0 : i64, scratch_operands = 0 : i64, tpu.core_type = #tpu.core_type<tc>, window_params = [{transform_indices = @transform_0, window_bounds = array<i64: 2000, 64>}, {pipeline_mode = #tpu.pipeline_mode<synchronous>, transform_indices = @transform_1, window_bounds = array<i64: 64, 64>}, {pipeline_mode = #tpu.pipeline_mode<synchronous>, transform_indices = @transform_2, window_bounds = array<i64: 1, 64>}, {transform_indices = @transform_3, window_bounds = array<i64: 2000, 1>}, {transform_indices = @transform_4, window_bounds = array<i64: 2000, 1>}, {transform_indices = @transform_5, window_bounds = array<i64: 2000, 64>}, {transform_indices = @transform_6, window_bounds = array<i64: 2000, 64>}, {transform_indices = @transform_7, window_bounds = array<i64: 2000, 1>}, {transform_indices = @transform_8, window_bounds = array<i64: 2000, 1>}]} {
    %get3A = arith.constant 0 : index
    %get3A_0 = arith.constant 0 : index
    %get3A_1 = vector.load %arg4[%get3A, %get3A_0] : memref<2000x1xf32, #tpu.memory_space<vmem>>, vector<2000x1xf32>
    %get3A_2 = arith.constant 0 : index
    %get3A_3 = arith.constant 0 : index
    %get3A_4 = vector.load %arg5[%get3A_2, %get3A_3] : memref<2000x1xf32, #tpu.memory_space<vmem>>, vector<2000x1xf32>
    %add3A = arith.addf %get3A_1, %get3A_4 : vector<2000x1xf32>
    %add3A_5 = arith.constant 1.000000e+00 : f32
    %add3A_6 = vector.broadcast %add3A_5 : f32 to vector<2000x1xf32>
    %add3A_7 = arith.addf %add3A, %add3A_6 : vector<2000x1xf32>
    %rsqrt3A = math.rsqrt %add3A_7 : vector<2000x1xf32>
    %div3A = arith.constant 1.000000e+00 : f32
    %div3A_8 = vector.broadcast %div3A : f32 to vector<2000x1xf32>
    %div3A_9 = arith.divf %div3A_8, %add3A_7 : vector<2000x1xf32>
    %get3A_10 = arith.constant 0 : index
    %get3A_11 = arith.constant 0 : index
    %get3A_12 = vector.load %arg1[%get3A_10, %get3A_11] : memref<2000x64xf32, #tpu.memory_space<vmem>>, vector<2000x64xf32>
    %get3A_13 = arith.constant 0 : index
    %get3A_14 = arith.constant 0 : index
    %get3A_15 = vector.load %arg2[%get3A_13, %get3A_14] : memref<64x64xf32, #tpu.memory_space<vmem>>, vector<64x64xf32>
    %dot_general3A = arith.constant dense<0.000000e+00> : vector<2000x64xf32>
    %dot_general3A_16 = tpu.matmul %get3A_12, %get3A_15, %dot_general3A {dimension_numbers = #tpu.dot_dimension_numbers<[1], [0], [0], [1], [0, 0, 1, 1], [], []>, transpose_lhs_hint = false} : vector<2000x64xf32>, vector<64x64xf32>, vector<2000x64xf32> -> vector<2000x64xf32>
    %mul3A = vector.broadcast %rsqrt3A : vector<2000x1xf32> to vector<2000x64xf32>
    %mul3A_17 = arith.mulf %dot_general3A_16, %mul3A : vector<2000x64xf32>
    %swap3A = arith.constant 0 : index
    %swap3A_18 = arith.constant 0 : index
    %swap3A_19 = vector.load %arg6[%swap3A, %swap3A_18] : memref<2000x64xf32, #tpu.memory_space<vmem>>, vector<2000x64xf32>
    tpu.vector_store %arg6[%swap3A, %swap3A_18], %mul3A_17 {strides = array<i32>} : memref<2000x64xf32, #tpu.memory_space<vmem>>, vector<2000x64xf32>,
    %mul3A_20 = vector.broadcast %div3A_9 : vector<2000x1xf32> to vector<2000x64xf32>
    %mul3A_21 = arith.mulf %dot_general3A_16, %mul3A_20 : vector<2000x64xf32>
    %get3A_22 = arith.constant 0 : index
    %get3A_23 = arith.constant 0 : index
    %get3A_24 = vector.load %arg3[%get3A_22, %get3A_23] : memref<1x64xf32, #tpu.memory_space<vmem>>, vector<1x64xf32>
    %add3A_25 = vector.broadcast %get3A_24 : vector<1x64xf32> to vector<2000x64xf32>
    %add3A_26 = arith.addf %mul3A_21, %add3A_25 : vector<2000x64xf32>
    %swap3A_27 = arith.constant 0 : index
    %swap3A_28 = arith.constant 0 : index
    %swap3A_29 = vector.load %arg7[%swap3A_27, %swap3A_28] : memref<2000x64xf32, #tpu.memory_space<vmem>>, vector<2000x64xf32>
    tpu.vector_store %arg7[%swap3A_27, %swap3A_28], %add3A_26 {strides = array<i32>} : memref<2000x64xf32, #tpu.memory_space<vmem>>, vector<2000x64xf32>,
    %swap3A_30 = arith.constant 0 : index
    %swap3A_31 = arith.constant 0 : index
    %swap3A_32 = vector.load %arg8[%swap3A_30, %swap3A_31] : memref<2000x1xf32, #tpu.memory_space<vmem>>, vector<2000x1xf32>
    tpu.vector_store %arg8[%swap3A_30, %swap3A_31], %rsqrt3A {strides = array<i32>} : memref<2000x1xf32, #tpu.memory_space<vmem>>, vector<2000x1xf32>,
    %swap3A_33 = arith.constant 0 : index
    %swap3A_34 = arith.constant 0 : index
    %swap3A_35 = vector.load %arg9[%swap3A_33, %swap3A_34] : memref<2000x1xf32, #tpu.memory_space<vmem>>, vector<2000x1xf32>
    tpu.vector_store %arg9[%swap3A_33, %swap3A_34], %div3A_9 {strides = array<i32>} : memref<2000x1xf32, #tpu.memory_space<vmem>>, vector<2000x1xf32>,
    return
  }
  func.func @transform_0(%arg0: i32) -> (i32, i32) {
    %c0_i32 = arith.constant 0 : i32
    %c0_i32_0 = arith.constant 0 : i32
    return %arg0, %c0_i32 : i32, i32
  }
  func.func @transform_1(%arg0: i32) -> (i32, i32) {
    %c0_i32 = arith.constant 0 : i32
    %c0_i32_0 = arith.constant 0 : i32
    %c0_i32_1 = arith.constant 0 : i32
    return %c0_i32, %c0_i32_0 : i32, i32
  }
  func.func @transform_2(%arg0: i32) -> (i32, i32) {
    %c0_i32 = arith.constant 0 : i32
    %c0_i32_0 = arith.constant 0 : i32
    %c0_i32_1 = arith.constant 0 : i32
    return %c0_i32, %c0_i32_0 : i32, i32
  }
  func.func @transform_3(%arg0: i32) -> (i32, i32) {
    %c0_i32 = arith.constant 0 : i32
    %c0_i32_0 = arith.constant 0 : i32
    return %arg0, %c0_i32 : i32, i32
  }
  func.func @transform_4(%arg0: i32) -> (i32, i32) {
    %c0_i32 = arith.constant 0 : i32
    %c0_i32_0 = arith.constant 0 : i32
    return %arg0, %c0_i32 : i32, i32
  }
  func.func @transform_5(%arg0: i32) -> (i32, i32) {
    %c0_i32 = arith.constant 0 : i32
    %c0_i32_0 = arith.constant 0 : i32
    return %arg0, %c0_i32 : i32, i32
  }
  func.func @transform_6(%arg0: i32) -> (i32, i32) {
    %c0_i32 = arith.constant 0 : i32
    %c0_i32_0 = arith.constant 0 : i32
    return %arg0, %c0_i32 : i32, i32
  }
  func.func @transform_7(%arg0: i32) -> (i32, i32) {
    %c0_i32 = arith.constant 0 : i32
    %c0_i32_0 = arith.constant 0 : i32
    return %arg0, %c0_i32 : i32, i32
  }
  func.func @transform_8(%arg0: i32) -> (i32, i32) {
    %c0_i32 = arith.constant 0 : i32
    %c0_i32_0 = arith.constant 0 : i32
    return %arg0, %c0_i32 : i32, i32
  }
}

module attributes {stable_mosaic.version = 14 : i64} {
  func.func @_tc_b_body(%arg0: i32, %arg1: memref<2000x32xf32, #tpu.memory_space<vmem>>, %arg2: memref<2000x32xf32, #tpu.memory_space<vmem>>, %arg3: memref<2000x64xf32, #tpu.memory_space<vmem>>, %arg4: memref<2000x1xf32, #tpu.memory_space<vmem>>, %arg5: memref<2000x1xf32, #tpu.memory_space<vmem>>, %arg6: memref<64x64xf32, #tpu.memory_space<vmem>>, %arg7: memref<1x64xf32, #tpu.memory_space<vmem>>, %arg8: memref<2000x64xf32, #tpu.memory_space<vmem>>, %arg9: memref<2000x64xf32, #tpu.memory_space<vmem>>) attributes {dimension_semantics = [#tpu.dimension_semantics<arbitrary>], iteration_bounds = array<i64: 25>, scalar_prefetch = 0 : i64, scratch_operands = 0 : i64, tpu.core_type = #tpu.core_type<tc>, window_params = [{transform_indices = @transform_0, window_bounds = array<i64: 2000, 32>}, {transform_indices = @transform_1, window_bounds = array<i64: 2000, 32>}, {transform_indices = @transform_2, window_bounds = array<i64: 2000, 64>}, {transform_indices = @transform_3, window_bounds = array<i64: 2000, 1>}, {transform_indices = @transform_4, window_bounds = array<i64: 2000, 1>}, {pipeline_mode = #tpu.pipeline_mode<synchronous>, transform_indices = @transform_5, window_bounds = array<i64: 64, 64>}, {pipeline_mode = #tpu.pipeline_mode<synchronous>, transform_indices = @transform_6, window_bounds = array<i64: 1, 64>}, {transform_indices = @transform_7, window_bounds = array<i64: 2000, 64>}, {transform_indices = @transform_8, window_bounds = array<i64: 2000, 64>}]} {
    %get3A = arith.constant 0 : index
    %get3A_0 = arith.constant 0 : index
    %get3A_1 = vector.load %arg1[%get3A, %get3A_0] : memref<2000x32xf32, #tpu.memory_space<vmem>>, vector<2000x32xf32>
    %get3A_2 = arith.constant 0 : index
    %get3A_3 = arith.constant 0 : index
    %get3A_4 = vector.load %arg2[%get3A_2, %get3A_3] : memref<2000x32xf32, #tpu.memory_space<vmem>>, vector<2000x32xf32>
    %concatenate3A = tpu.concatenate %get3A_1, %get3A_4 in 1 : vector<2000x32xf32>, vector<2000x32xf32> -> vector<2000x64xf32>
    %get3A_5 = arith.constant 0 : index
    %get3A_6 = arith.constant 0 : index
    %get3A_7 = vector.load %arg4[%get3A_5, %get3A_6] : memref<2000x1xf32, #tpu.memory_space<vmem>>, vector<2000x1xf32>
    %mul3A = vector.broadcast %get3A_7 : vector<2000x1xf32> to vector<2000x64xf32>
    %mul3A_8 = arith.mulf %mul3A, %concatenate3A : vector<2000x64xf32>
    %get3A_9 = arith.constant 0 : index
    %get3A_10 = arith.constant 0 : index
    %get3A_11 = vector.load %arg3[%get3A_9, %get3A_10] : memref<2000x64xf32, #tpu.memory_space<vmem>>, vector<2000x64xf32>
    %add3A = arith.addf %mul3A_8, %get3A_11 : vector<2000x64xf32>
    %max3A = arith.constant 0.000000e+00 : f32
    %max3A_12 = vector.broadcast %max3A : f32 to vector<2000x64xf32>
    %max3A_13 = arith.maximumf %add3A, %max3A_12 : vector<2000x64xf32>
    %get3A_14 = arith.constant 0 : index
    %get3A_15 = arith.constant 0 : index
    %get3A_16 = vector.load %arg6[%get3A_14, %get3A_15] : memref<64x64xf32, #tpu.memory_space<vmem>>, vector<64x64xf32>
    %dot_general3A = arith.constant dense<0.000000e+00> : vector<2000x64xf32>
    %dot_general3A_17 = tpu.matmul %max3A_13, %get3A_16, %dot_general3A {dimension_numbers = #tpu.dot_dimension_numbers<[1], [0], [0], [1], [0, 0, 1, 1], [], []>, transpose_lhs_hint = false} : vector<2000x64xf32>, vector<64x64xf32>, vector<2000x64xf32> -> vector<2000x64xf32>
    %get3A_18 = arith.constant 0 : index
    %get3A_19 = arith.constant 0 : index
    %get3A_20 = vector.load %arg4[%get3A_18, %get3A_19] : memref<2000x1xf32, #tpu.memory_space<vmem>>, vector<2000x1xf32>
    %mul3A_21 = vector.broadcast %get3A_20 : vector<2000x1xf32> to vector<2000x64xf32>
    %mul3A_22 = arith.mulf %dot_general3A_17, %mul3A_21 : vector<2000x64xf32>
    %swap3A = arith.constant 0 : index
    %swap3A_23 = arith.constant 0 : index
    %swap3A_24 = vector.load %arg8[%swap3A, %swap3A_23] : memref<2000x64xf32, #tpu.memory_space<vmem>>, vector<2000x64xf32>
    tpu.vector_store %arg8[%swap3A, %swap3A_23], %mul3A_22 {strides = array<i32>} : memref<2000x64xf32, #tpu.memory_space<vmem>>, vector<2000x64xf32>,
    %get3A_25 = arith.constant 0 : index
    %get3A_26 = arith.constant 0 : index
    %get3A_27 = vector.load %arg5[%get3A_25, %get3A_26] : memref<2000x1xf32, #tpu.memory_space<vmem>>, vector<2000x1xf32>
    %mul3A_28 = vector.broadcast %get3A_27 : vector<2000x1xf32> to vector<2000x64xf32>
    %mul3A_29 = arith.mulf %dot_general3A_17, %mul3A_28 : vector<2000x64xf32>
    %get3A_30 = arith.constant 0 : index
    %get3A_31 = arith.constant 0 : index
    %get3A_32 = vector.load %arg7[%get3A_30, %get3A_31] : memref<1x64xf32, #tpu.memory_space<vmem>>, vector<1x64xf32>
    %add3A_33 = vector.broadcast %get3A_32 : vector<1x64xf32> to vector<2000x64xf32>
    %add3A_34 = arith.addf %mul3A_29, %add3A_33 : vector<2000x64xf32>
    %swap3A_35 = arith.constant 0 : index
    %swap3A_36 = arith.constant 0 : index
    %swap3A_37 = vector.load %arg9[%swap3A_35, %swap3A_36] : memref<2000x64xf32, #tpu.memory_space<vmem>>, vector<2000x64xf32>
    tpu.vector_store %arg9[%swap3A_35, %swap3A_36], %add3A_34 {strides = array<i32>} : memref<2000x64xf32, #tpu.memory_space<vmem>>, vector<2000x64xf32>,
    return
  }
  func.func @transform_0(%arg0: i32) -> (i32, i32) {
    %c0_i32 = arith.constant 0 : i32
    %c0_i32_0 = arith.constant 0 : i32
    return %arg0, %c0_i32 : i32, i32
  }
  func.func @transform_1(%arg0: i32) -> (i32, i32) {
    %c0_i32 = arith.constant 0 : i32
    %c0_i32_0 = arith.constant 0 : i32
    return %arg0, %c0_i32 : i32, i32
  }
  func.func @transform_2(%arg0: i32) -> (i32, i32) {
    %c0_i32 = arith.constant 0 : i32
    %c0_i32_0 = arith.constant 0 : i32
    return %arg0, %c0_i32 : i32, i32
  }
  func.func @transform_3(%arg0: i32) -> (i32, i32) {
    %c0_i32 = arith.constant 0 : i32
    %c0_i32_0 = arith.constant 0 : i32
    return %arg0, %c0_i32 : i32, i32
  }
  func.func @transform_4(%arg0: i32) -> (i32, i32) {
    %c0_i32 = arith.constant 0 : i32
    %c0_i32_0 = arith.constant 0 : i32
    return %arg0, %c0_i32 : i32, i32
  }
  func.func @transform_5(%arg0: i32) -> (i32, i32) {
    %c0_i32 = arith.constant 0 : i32
    %c0_i32_0 = arith.constant 0 : i32
    %c0_i32_1 = arith.constant 0 : i32
    return %c0_i32, %c0_i32_0 : i32, i32
  }
  func.func @transform_6(%arg0: i32) -> (i32, i32) {
    %c0_i32 = arith.constant 0 : i32
    %c0_i32_0 = arith.constant 0 : i32
    %c0_i32_1 = arith.constant 0 : i32
    return %c0_i32, %c0_i32_0 : i32, i32
  }
  func.func @transform_7(%arg0: i32) -> (i32, i32) {
    %c0_i32 = arith.constant 0 : i32
    %c0_i32_0 = arith.constant 0 : i32
    return %arg0, %c0_i32 : i32, i32
  }
  func.func @transform_8(%arg0: i32) -> (i32, i32) {
    %c0_i32 = arith.constant 0 : i32
    %c0_i32_0 = arith.constant 0 : i32
    return %arg0, %c0_i32 : i32, i32
  }
}

module attributes {stable_mosaic.version = 14 : i64} {
  func.func @_tc_c_body(%arg0: i32, %arg1: memref<2000x32xf32, #tpu.memory_space<vmem>>, %arg2: memref<2000x32xf32, #tpu.memory_space<vmem>>, %arg3: memref<2000x64xf32, #tpu.memory_space<vmem>>, %arg4: memref<2000x1xf32, #tpu.memory_space<vmem>>, %arg5: memref<2000x64xf32, #tpu.memory_space<vmem>>) attributes {dimension_semantics = [#tpu.dimension_semantics<arbitrary>], iteration_bounds = array<i64: 25>, scalar_prefetch = 0 : i64, scratch_operands = 0 : i64, tpu.core_type = #tpu.core_type<tc>, window_params = [{transform_indices = @transform_0, window_bounds = array<i64: 2000, 32>}, {transform_indices = @transform_1, window_bounds = array<i64: 2000, 32>}, {transform_indices = @transform_2, window_bounds = array<i64: 2000, 64>}, {transform_indices = @transform_3, window_bounds = array<i64: 2000, 1>}, {transform_indices = @transform_4, window_bounds = array<i64: 2000, 64>}]} {
    %get3A = arith.constant 0 : index
    %get3A_0 = arith.constant 0 : index
    %get3A_1 = vector.load %arg1[%get3A, %get3A_0] : memref<2000x32xf32, #tpu.memory_space<vmem>>, vector<2000x32xf32>
    %get3A_2 = arith.constant 0 : index
    %get3A_3 = arith.constant 0 : index
    %get3A_4 = vector.load %arg2[%get3A_2, %get3A_3] : memref<2000x32xf32, #tpu.memory_space<vmem>>, vector<2000x32xf32>
    %concatenate3A = tpu.concatenate %get3A_1, %get3A_4 in 1 : vector<2000x32xf32>, vector<2000x32xf32> -> vector<2000x64xf32>
    %get3A_5 = arith.constant 0 : index
    %get3A_6 = arith.constant 0 : index
    %get3A_7 = vector.load %arg4[%get3A_5, %get3A_6] : memref<2000x1xf32, #tpu.memory_space<vmem>>, vector<2000x1xf32>
    %mul3A = vector.broadcast %get3A_7 : vector<2000x1xf32> to vector<2000x64xf32>
    %mul3A_8 = arith.mulf %mul3A, %concatenate3A : vector<2000x64xf32>
    %get3A_9 = arith.constant 0 : index
    %get3A_10 = arith.constant 0 : index
    %get3A_11 = vector.load %arg3[%get3A_9, %get3A_10] : memref<2000x64xf32, #tpu.memory_space<vmem>>, vector<2000x64xf32>
    %add3A = arith.addf %mul3A_8, %get3A_11 : vector<2000x64xf32>
    %swap3A = arith.constant 0 : index
    %swap3A_12 = arith.constant 0 : index
    %swap3A_13 = vector.load %arg5[%swap3A, %swap3A_12] : memref<2000x64xf32, #tpu.memory_space<vmem>>, vector<2000x64xf32>
    tpu.vector_store %arg5[%swap3A, %swap3A_12], %add3A {strides = array<i32>} : memref<2000x64xf32, #tpu.memory_space<vmem>>, vector<2000x64xf32>,
    return
  }
  func.func @transform_0(%arg0: i32) -> (i32, i32) {
    %c0_i32 = arith.constant 0 : i32
    %c0_i32_0 = arith.constant 0 : i32
    return %arg0, %c0_i32 : i32, i32
  }
  func.func @transform_1(%arg0: i32) -> (i32, i32) {
    %c0_i32 = arith.constant 0 : i32
    %c0_i32_0 = arith.constant 0 : i32
    return %arg0, %c0_i32 : i32, i32
  }
  func.func @transform_2(%arg0: i32) -> (i32, i32) {
    %c0_i32 = arith.constant 0 : i32
    %c0_i32_0 = arith.constant 0 : i32
    return %arg0, %c0_i32 : i32, i32
  }
  func.func @transform_3(%arg0: i32) -> (i32, i32) {
    %c0_i32 = arith.constant 0 : i32
    %c0_i32_0 = arith.constant 0 : i32
    return %arg0, %c0_i32 : i32, i32
  }
  func.func @transform_4(%arg0: i32) -> (i32, i32) {
    %c0_i32 = arith.constant 0 : i32
    %c0_i32_0 = arith.constant 0 : i32
    return %arg0, %c0_i32 : i32, i32
  }
}

module attributes {stable_mosaic.version = 14 : i64} {
  func.func @_tc_d_body(%arg0: i32, %arg1: memref<4096x64xf32, #tpu.memory_space<vmem>>, %arg2: memref<4096x64xf32, #tpu.memory_space<vmem>>, %arg3: memref<256x64xf32, #tpu.memory_space<vmem>>, %arg4: memref<1x64xf32, #tpu.memory_space<vmem>>, %arg5: memref<64x1xf32, #tpu.memory_space<vmem>>, %arg6: memref<1x1xf32, #tpu.memory_space<vmem>>, %arg7: memref<4096x1xf32, #tpu.memory_space<vmem>>) attributes {dimension_semantics = [#tpu.dimension_semantics<arbitrary>], iteration_bounds = array<i64: 16>, scalar_prefetch = 0 : i64, scratch_operands = 0 : i64, tpu.core_type = #tpu.core_type<tc>, window_params = [{transform_indices = @transform_0, window_bounds = array<i64: 4096, 64>}, {transform_indices = @transform_1, window_bounds = array<i64: 4096, 64>}, {pipeline_mode = #tpu.pipeline_mode<synchronous>, transform_indices = @transform_2, window_bounds = array<i64: 256, 64>}, {pipeline_mode = #tpu.pipeline_mode<synchronous>, transform_indices = @transform_3, window_bounds = array<i64: 1, 64>}, {pipeline_mode = #tpu.pipeline_mode<synchronous>, transform_indices = @transform_4, window_bounds = array<i64: 64, 1>}, {pipeline_mode = #tpu.pipeline_mode<synchronous>, transform_indices = @transform_5, window_bounds = array<i64: 1, 1>}, {transform_indices = @transform_6, window_bounds = array<i64: 4096, 1>}]} {
    %get3A = arith.constant 0 : index
    %get3A_0 = arith.constant 0 : index
    %get3A_1 = vector.load %arg1[%get3A, %get3A_0] : memref<4096x64xf32, #tpu.memory_space<vmem>>, vector<4096x64xf32>
    %get3A_2 = arith.constant 0 : index
    %get3A_3 = arith.constant 0 : index
    %get3A_4 = vector.load %arg2[%get3A_2, %get3A_3] : memref<4096x64xf32, #tpu.memory_space<vmem>>, vector<4096x64xf32>
    %get3A_5 = arith.constant 0 : index
    %get3A_6 = arith.constant 0 : index
    %get3A_7 = vector.load %arg3[%get3A_5, %get3A_6] : memref<256x64xf32, #tpu.memory_space<vmem>>, vector<64x64xf32>
    %get3A_8 = arith.constant 64 : index
    %get3A_9 = arith.constant 0 : index
    %get3A_10 = vector.load %arg3[%get3A_8, %get3A_9] : memref<256x64xf32, #tpu.memory_space<vmem>>, vector<64x64xf32>
    %get3A_11 = arith.constant 128 : index
    %get3A_12 = arith.constant 0 : index
    %get3A_13 = vector.load %arg3[%get3A_11, %get3A_12] : memref<256x64xf32, #tpu.memory_space<vmem>>, vector<64x64xf32>
    %get3A_14 = arith.constant 192 : index
    %get3A_15 = arith.constant 0 : index
    %get3A_16 = vector.load %arg3[%get3A_14, %get3A_15] : memref<256x64xf32, #tpu.memory_space<vmem>>, vector<64x64xf32>
    %dot_general3A = arith.constant dense<0.000000e+00> : vector<4096x64xf32>
    %dot_general3A_17 = tpu.matmul %get3A_1, %get3A_7, %dot_general3A {dimension_numbers = #tpu.dot_dimension_numbers<[1], [0], [0], [1], [0, 0, 1, 1], [], []>, transpose_lhs_hint = false} : vector<4096x64xf32>, vector<64x64xf32>, vector<4096x64xf32> -> vector<4096x64xf32>
    %dot_general3A_18 = arith.constant dense<0.000000e+00> : vector<4096x64xf32>
    %dot_general3A_19 = tpu.matmul %get3A_4, %get3A_10, %dot_general3A_18 {dimension_numbers = #tpu.dot_dimension_numbers<[1], [0], [0], [1], [0, 0, 1, 1], [], []>, transpose_lhs_hint = false} : vector<4096x64xf32>, vector<64x64xf32>, vector<4096x64xf32> -> vector<4096x64xf32>
    %add3A = arith.addf %dot_general3A_17, %dot_general3A_19 : vector<4096x64xf32>
    %sub3A = arith.subf %get3A_1, %get3A_4 : vector<4096x64xf32>
    %abs3A = math.absf %sub3A : vector<4096x64xf32>
    %dot_general3A_20 = arith.constant dense<0.000000e+00> : vector<4096x64xf32>
    %dot_general3A_21 = tpu.matmul %abs3A, %get3A_13, %dot_general3A_20 {dimension_numbers = #tpu.dot_dimension_numbers<[1], [0], [0], [1], [0, 0, 1, 1], [], []>, transpose_lhs_hint = false} : vector<4096x64xf32>, vector<64x64xf32>, vector<4096x64xf32> -> vector<4096x64xf32>
    %add3A_22 = arith.addf %add3A, %dot_general3A_21 : vector<4096x64xf32>
    %mul3A = arith.mulf %get3A_1, %get3A_4 : vector<4096x64xf32>
    %dot_general3A_23 = arith.constant dense<0.000000e+00> : vector<4096x64xf32>
    %dot_general3A_24 = tpu.matmul %mul3A, %get3A_16, %dot_general3A_23 {dimension_numbers = #tpu.dot_dimension_numbers<[1], [0], [0], [1], [0, 0, 1, 1], [], []>, transpose_lhs_hint = false} : vector<4096x64xf32>, vector<64x64xf32>, vector<4096x64xf32> -> vector<4096x64xf32>
    %add3A_25 = arith.addf %add3A_22, %dot_general3A_24 : vector<4096x64xf32>
    %get3A_26 = arith.constant 0 : index
    %get3A_27 = arith.constant 0 : index
    %get3A_28 = vector.load %arg4[%get3A_26, %get3A_27] : memref<1x64xf32, #tpu.memory_space<vmem>>, vector<1x64xf32>
    %add3A_29 = vector.broadcast %get3A_28 : vector<1x64xf32> to vector<4096x64xf32>
    %add3A_30 = arith.addf %add3A_25, %add3A_29 : vector<4096x64xf32>
    %max3A = arith.constant 0.000000e+00 : f32
    %max3A_31 = vector.broadcast %max3A : f32 to vector<4096x64xf32>
    %max3A_32 = arith.maximumf %add3A_30, %max3A_31 : vector<4096x64xf32>
    %get3A_33 = arith.constant 0 : index
    %get3A_34 = arith.constant 0 : index
    %get3A_35 = vector.load %arg5[%get3A_33, %get3A_34] : memref<64x1xf32, #tpu.memory_space<vmem>>, vector<64x1xf32>
    %dot_general3A_36 = arith.constant dense<0.000000e+00> : vector<4096x1xf32>
    %dot_general3A_37 = tpu.matmul %max3A_32, %get3A_35, %dot_general3A_36 {dimension_numbers = #tpu.dot_dimension_numbers<[1], [0], [0], [1], [0, 0, 1, 1], [], []>, transpose_lhs_hint = false} : vector<4096x64xf32>, vector<64x1xf32>, vector<4096x1xf32> -> vector<4096x1xf32>
    %get3A_38 = arith.constant 0 : index
    %get3A_39 = arith.constant 0 : index
    %get3A_40 = vector.load %arg6[%get3A_38, %get3A_39] : memref<1x1xf32, #tpu.memory_space<vmem>>, vector<1x1xf32>
    %add3A_41 = vector.broadcast %get3A_40 : vector<1x1xf32> to vector<4096x1xf32>
    %add3A_42 = arith.addf %dot_general3A_37, %add3A_41 : vector<4096x1xf32>
    %swap3A = arith.constant 0 : index
    %swap3A_43 = arith.constant 0 : index
    %swap3A_44 = vector.load %arg7[%swap3A, %swap3A_43] : memref<4096x1xf32, #tpu.memory_space<vmem>>, vector<4096x1xf32>
    tpu.vector_store %arg7[%swap3A, %swap3A_43], %add3A_42 {strides = array<i32>} : memref<4096x1xf32, #tpu.memory_space<vmem>>, vector<4096x1xf32>,
    return
  }
  func.func @transform_0(%arg0: i32) -> (i32, i32) {
    %c0_i32 = arith.constant 0 : i32
    %c0_i32_0 = arith.constant 0 : i32
    return %arg0, %c0_i32 : i32, i32
  }
  func.func @transform_1(%arg0: i32) -> (i32, i32) {
    %c0_i32 = arith.constant 0 : i32
    %c0_i32_0 = arith.constant 0 : i32
    return %arg0, %c0_i32 : i32, i32
  }
  func.func @transform_2(%arg0: i32) -> (i32, i32) {
    %c0_i32 = arith.constant 0 : i32
    %c0_i32_0 = arith.constant 0 : i32
    %c0_i32_1 = arith.constant 0 : i32
    return %c0_i32, %c0_i32_0 : i32, i32
  }
  func.func @transform_3(%arg0: i32) -> (i32, i32) {
    %c0_i32 = arith.constant 0 : i32
    %c0_i32_0 = arith.constant 0 : i32
    %c0_i32_1 = arith.constant 0 : i32
    return %c0_i32, %c0_i32_0 : i32, i32
  }
  func.func @transform_4(%arg0: i32) -> (i32, i32) {
    %c0_i32 = arith.constant 0 : i32
    %c0_i32_0 = arith.constant 0 : i32
    %c0_i32_1 = arith.constant 0 : i32
    return %c0_i32, %c0_i32_0 : i32, i32
  }
  func.func @transform_5(%arg0: i32) -> (i32, i32) {
    %c0_i32 = arith.constant 0 : i32
    %c0_i32_0 = arith.constant 0 : i32
    %c0_i32_1 = arith.constant 0 : i32
    return %c0_i32, %c0_i32_0 : i32, i32
  }
  func.func @transform_6(%arg0: i32) -> (i32, i32) {
    %c0_i32 = arith.constant 0 : i32
    %c0_i32_0 = arith.constant 0 : i32
    return %arg0, %c0_i32 : i32, i32
  }
}

</mosaic_0001>

<sc_bundles>
// kernel: kernel.10.cloned.1.call-start
scs
__scs_entry_jumppad:
0x0: {  	(pc) =	sbr.rel $0x88, $3  }
0x1: {  	(tag) =	ssettag $0x0;
	lr =	simm.s32 $0x1  }
0x2: {  	[smem:$0x3F96] =	sst lr;
	_ =	strace $0xD0000000  }
0x3: {  	_ = 	snop  }
0x4: {  	_ = 	snop  }
0x5: {  	_ = 	snop  }
0x6: {  	_ = 	snop  }
0x7: {  	_ = 	snop  }
__scs_overlays_trampoline_lowered:
0x8: {  	[smem:$0x3FA5] =	sst s0  }
0x9: {  	[smem:$0x3FA6] =	sst s1  }
0xa: {  	[smem:$0x3FA7] =	sst s2  }
0xb: {  	[smem:$0x3FA8] =	sst s3  }
0xc: {  	[smem:$0x3FA9] =	sst s4  }
0xd: {  	[smem:$0x3FAA] =	sst s5  }
0xe: {  	[smem:$0x3FAB] =	sst s6  }
0xf: {  	[smem:$0x3FAC] =	sst s7  }
0x10: {  	[smem:$0x3FAD] =	sst s8  }
0x11: {  	[smem:$0x3FAE] =	sst s9;
	s0 =	simm.s32 @!p0 $0x0  }
0x12: {  	s1 =	sld [smem:$0x3F94];
	s0 =	simm.s32 @p0 $0x1  }
0x13: {  	[smem:$0x3FAF] =	sst s0;
	s0 =	simm.s32 @!p1 $0x0  }
0x14: {  	s2 =	sld [smem:$0x3F93];
	s0 =	simm.s32 @p1 $0x1  }
0x15: {  	[smem:$0x3FB0] =	sst s0;
	s0 =	simm.s32 @!p2 $0x0  }
0x16: {  	s3 =	sld [smem:$0x3FDB];
	s0 =	simm.s32 @p2 $0x1  }
0x17: {  	s4 =	simm.s32 $0x1BF5;
	[smem:$0x3FB2] =	sst s0  }
0x18: {  	s0 =	sld [smem:$0x3F95];
	_ =	swait.ge [sflag:s4], $0x0  }
0x19: {  	s7 =	sld [smem:$0x3F96]  }
0x1a: {  	s8 =	sadd.s32 $0xFFFFE003, lr  }
0x1b: {  	s9 =	sadd.s32 $0xFFFFFEF7, lr;
	s5 =	simm.s32 $0xFFFFFFFF;
	p2 =	slt.u32 s8, $0xFFFFF086  }
0x1c: {  	p1 =	slt.u32 s9, $0xF7A;
	s5 =	simm.s32 @!p2 $0x0  }
0x1d: {  	s5 =	simm.s32 @p1 $0x1;
	p0 =	seq.s32 s7, s2  }
0x1e: {  	s7 =	smul.u32 @!p0 $0xF7A, s2;
	p2 =	seq.s32 @!p0 s5, $0x0  }
0x1f: {  	s9 =	smul.u32 $0xF7A, s1;
	s8 =	simm.s32 @!p0 $0x1BF5;
	p2 =	por !p2, p0  }
0x20: {  	[sflag:s8] =	ssyncset.s32 @!p0 $0xFFFFF086;
	s6 =	sadd.s32 @!p0 s3, s7;
	s7 =	simm.s32 @!p0 $0x108  }
0x21: {  	s3 =	sadd.s32 s3, s9;
	s6 =	sadd.s32 @!p0 $0x88, s6;
	s7 =	simm.s32 @p2 $0x1082  }
0x22: {  	[simem:s7], [sflag:s8] =	dma.local @!p0 [hbm:s6], $0xF7A  }
0x23: {  	s9 =	sor.u32 $0xD0000000, s2;
	s6 =	simm.s32 $0x108;
	_ =	swait.ge @!p0 [sflag:s8], $0x0  }
0x24: {  	s3 =	sadd.s32 $0x88, s3;
	s6 =	simm.s32 @!p1 $0x1082;
	[sflag:s4] =	ssyncset.s32 $0xFFFFF086  }
0x25: {  	[simem:s6], [sflag:s4] =	dma.local [hbm:s3], $0xF7A  }
0x26: {  	[smem:$0x3F96] =	sst s1;
	(tag) =	ssettag s2;
	_ =	strace s9  }
0x27: {  	s1 =	sld [smem:$0x3FA6]  }
0x28: {  	s2 =	sld [smem:$0x3FA7]  }
0x29: {  	s4 =	sld [smem:$0x3FA9]  }
0x2a: {  	p0 =	seq.s32 s5, $0x0;
	s5 =	sld [smem:$0x3FAA]  }
0x2b: {  	s6 =	sld [smem:$0x3FAB]  }
0x2c: {  	s7 =	sld [smem:$0x3FAC]  }
0x2d: {  	s3 =	simm.s32 $0x108;
	s8 =	sld [smem:$0x3FAD]  }
0x2e: {  	s3 =	simm.s32 @!p0 $0x1082;
	s9 =	sld [smem:$0x3FAE]  }
0x2f: {  	lr =	sadd.s32 s0, s3;
	s0 =	sld [smem:$0x3FA5]  }
0x30: {  	s3 =	sld [smem:$0x3FA8]  }
0x31: {  	[smem:$0x3FB1] =	sst s10  }
0x32: {  	s10 =	sld [smem:$0x3FAF];
	_ =	sdelay $0x3  }
0x33: {  	p0 =	seq.s32 s10, $0x1;
	s10 =	sld [smem:$0x3FB1];
	_ =	sdelay $0x3  }
0x34: {  	[smem:$0x3FB1] =	sst s10  }
0x35: {  	s10 =	sld [smem:$0x3FB0];
	_ =	sdelay $0x3  }
0x36: {  	p1 =	seq.s32 s10, $0x1;
	s10 =	sld [smem:$0x3FB1];
	_ =	sdelay $0x3  }
0x37: {  	[smem:$0x3FB1] =	sst s10  }
0x38: {  	s10 =	sld [smem:$0x3FB2]  }
0x39: {  	_ = 	snop;
	(pc) =	sbr.ind lr, $3  }
0x3a: {  	_ = 	snop  }
0x3b: {  	_ = 	snop  }
0x3c: {  	p2 =	seq.s32 s10, $0x1;
	s10 =	sld [smem:$0x3FB1]  }
0x3d: {  	_ =	shalt  }
0x3e: {  	_ =	shalt  }
0x3f: {  	_ =	shalt  }
0x40: {  	_ =	shalt  }
0x41: {  	_ =	shalt  }
0x42: {  	_ =	shalt  }
0x43: {  	_ =	shalt  }
0x44: {  	_ =	shalt  }
0x45: {  	_ =	shalt  }
0x46: {  	_ =	shalt  }
0x47: {  	_ =	shalt  }
0x48: {  	_ =	shalt  }
0x49: {  	_ =	shalt  }
0x4a: {  	_ =	shalt  }
0x4b: {  	_ =	shalt  }
0x4c: {  	_ =	shalt  }
0x4d: {  	_ =	shalt  }
0x4e: {  	_ =	shalt  }
0x4f: {  	_ =	shalt  }
0x50: {  	_ =	shalt  }
0x51: {  	_ =	shalt  }
0x52: {  	_ =	shalt  }
0x53: {  	_ =	shalt  }
0x54: {  	_ =	shalt  }
0x55: {  	_ =	shalt  }
0x56: {  	_ =	shalt  }
0x57: {  	_ =	shalt  }
0x58: {  	_ =	shalt  }
0x59: {  	_ =	shalt  }
0x5a: {  	_ =	shalt  }
0x5b: {  	_ =	shalt  }
0x5c: {  	_ =	shalt  }
0x5d: {  	_ =	shalt  }
0x5e: {  	_ =	shalt  }
0x5f: {  	_ =	shalt  }
0x60: {  	_ =	shalt  }
0x61: {  	_ =	shalt  }
0x62: {  	_ =	shalt  }
0x63: {  	_ =	shalt  }
0x64: {  	_ =	shalt  }
0x65: {  	_ =	shalt  }
0x66: {  	_ =	shalt  }
0x67: {  	_ =	shalt  }
0x68: {  	_ =	shalt  }
0x69: {  	_ =	shalt  }
0x6a: {  	_ =	shalt  }
0x6b: {  	_ =	shalt  }
0x6c: {  	_ =	shalt  }
0x6d: {  	_ =	shalt  }
0x6e: {  	_ =	shalt  }
0x6f: {  	_ =	shalt  }
0x70: {  	_ =	shalt  }
0x71: {  	_ =	shalt  }
0x72: {  	_ =	shalt  }
0x73: {  	_ =	shalt  }
0x74: {  	_ =	shalt  }
0x75: {  	_ =	shalt  }
0x76: {  	_ =	shalt  }
0x77: {  	_ =	shalt  }
0x78: {  	_ =	shalt  }
0x79: {  	_ =	shalt  }
0x7a: {  	_ =	shalt  }
0x7b: {  	_ =	shalt  }
0x7c: {  	_ =	shalt  }
0x7d: {  	_ =	shalt  }
0x7e: {  	_ =	shalt  }
0x7f: {  	_ =	shalt  }
0x80: {  	_ =	shalt  }
0x81: {  	_ =	shalt  }
0x82: {  	_ =	shalt  }
0x83: {  	_ =	shalt  }
0x84: {  	_ =	shalt  }
0x85: {  	_ =	shalt  }
0x86: {  	_ =	shalt  }
0x87: {  	_ =	shalt  }
.Lfunc_end0:
.L_simem_size_0:
called_computation_lowered:
.L_overlay_start_0:
0x88: {  	s2 =	sld [smem:$0x3FD9]  }
0x89: {  	s3 =	sld [smem:$0x3FFE];
	_ =	sdelay $0x1  }
0x8a: {  	s1 =	srdreg.scid  }
0x8b: {  	s0 =	sand.u32 $0x1, s1  }
0x8c: {  	s16 =	sshll.u32 s0, $0xA;
	s2 =	sadd.s32 s3, s2  }
0x8d: {  	s2 =	sadd.s32 s2, s16  }
0x8e: {  	[smem:$0x3FBD] =	sst s2  }
0x8f: {  	_ = 	snop  }
0x90: {  	(tm) =	ssettm $0x1  }
0x91: {  	s17 =	sld [smem:$0x3FFB];
	_ =	sdelay $0x3  }
0x92: {  	_ =	strace s17  }
0x93: {  	s2 =	sld [smem:$0x3FFC];
	_ =	sdelay $0x3  }
0x94: {  	_ =	strace s2  }
0x95: {  	s2 =	sld [smem:$0x3FFD];
	_ =	sdelay $0x3  }
0x96: {  	_ =	strace s2  }
0x97: {  	_ =	strace $0x8FFFFFFF  }
0x98: {  	s18 =	sld [smem:$0x3FDB];
	_ =	sdelay $0x1  }
0x99: {  	s19 =	simm.s32 $_scs_section_size  }
0x9a: {  	s4 =	simm.s32 $_size__tile_overlayer_lowered;
	s5 =	simm.s32 $_tile_overlayer_lowered  }
0x9b: {  	s22 =	simm.s32 $0x1BFF;
	s21 =	sshll.u32 s5, $0x1;
	s2 =	sadd.s32 s19, s18  }
0x9c: {  	s6 =	simm.s32 $0x0;
	s20 =	sshll.u32 s4, $0x1;
	s4 =	sadd.s32 s21, s2  }
0x9d: {  	[timem:s6], [sflag:s22] =	dma.local [hbm:s4], s20  }
0x9e: {  	_ =	swait.ge [sflag:s22], s20  }
0x9f: {  	s3 =	ssub.s32 $0x0, s20;
	[sflag:s22] =	ssyncset.done $0x0  }
0xa0: {  	[sflag:s22] =	ssyncadd.s32 s3;
	_ =	sdelay $0x1  }
0xa1: {  	s23 =	simm.s32 $0x1B8B  }
0xa2: {  	_ =	swait.ge [sflag:s23], $0x1  }
0xa3: {  	[sflag:s23] =	ssyncset.done $0x0  }
0xa4: {  	s25 =	simm.s32 $0x1B8E;
	s24 =	sld [smem:$0x3FFE];
	[sflag:s23] =	ssyncadd.s32 $0xFFFFFFFF  }
0xa5: {  	s26 =	simm.s32 $execute0_lowered;
	[smem:$0x3FD2] =	sst s25  }
0xa6: {  	s4 =	sshll.u32 s26, $0x1;
	_ =	strace $0x80000046;
	[dreg:$0x1] =	wrdreg $0xFFFFFFFF  }
0xa7: {  	s28 =	simm.s32 $_size_execute0_lowered;
	s2 =	sadd.s32 s2, s4;
	[dreg:$0x0] =	wrdreg $0x0  }
0xa8: {  	s4 =	sshll.u32 s28, $0x1;
	[dreg:$0x2] =	wrdreg s2  }
0xa9: {  	[dreg:$0x3] =	wrdreg s4  }
0xaa: {  	[dreg:$0x4] =	wrdreg $0xC0  }
0xab: {  	_ =	task [dreg:s6], $0x5FFFF  }
0xac: {  	[dreg:$0x1] =	wrdreg $0xFFFFFFFF  }
0xad: {  	[dreg:$0x0] =	wrdreg $0x60  }
0xae: {  	[dreg:$0x2] =	wrdreg s24  }
0xaf: {  	[dreg:$0x3] =	wrdreg $0x10C00  }
0xb0: {  	[dreg:$0x4] =	wrdreg $0x9  }
0xb1: {  	_ =	task.clear_ibuf [dreg:s6], $0x5FFFF;
	_ =	strace $0x90000046  }
0xb2: {  	s29 =	simm.s32 $0x9;
	_ =	strace $0x80000048  }
0xb3: {  	_ =	swait.ge [sflag:s29], $0x1  }
0xb4: {  	[sflag:s29] =	ssyncadd.s32 $0xFFFFFFFF  }
0xb5: {  	_ =	strace $0x90000048  }
0xb6: {  	_ =	sfence  }
0xb7: {  	s30 =	sld [smem:$0x0];
	_ =	sdelay $0x2  }
0xb8: {  	s31 =	sshll.u32 s1, $0xD;
	s1 =	sshrl.u32 s1, $0x2  }
0xb9: {  	s3 =	sand.u32 $0x4000, s31;
	s1 =	sadd.s32 s1, s30  }
0xba: {  	s0 =	sor.u32 s3, s0;
	s1 =	sshll.u32 s1, $0x11  }
0xbb: {  	s0 =	sor.u32 s1, s0  }
0xbc: {  	s0 =	sadd.s32 $0x8F2B, s0  }
0xbd: {  	[sflag:s0] =	ssyncadd.remote.s32 $0x1  }
0xbe: {  	_ =	sfence.sel $0xFFFF  }
0xbf: {  	[dreg:$0x0] =	wrdreg $0xFFFFFFFF;
	(pc) =	sbr.abs _section_cstart, $3  }
0xc0: {  	[dreg:$0x1] =	wrdreg $0xFFFFFFFF  }
0xc1: {  	_ =	task.clear_ibuf [dreg:s6], $0x2FFFF;
	_ =	strace $0x9FFFFFFF  }
0xc2: {  	(tm) =	ssettm $0x7FFFFFFF  }
0xc3: {  	_ =	shalt  }
tec
execute0_lowered:
.L_overlay_start_1:
0x0: {  	(tag) =	ssettag $0x1  }
0x1: {  	s4 =	rddreg [dreg:$0x0]  }
0x2: {  	s2 =	rddreg [dreg:$0x1]  }
0x3: {  	s0 =	rddreg [dreg:$0x2]  }
0x4: {  	s5 =	srdreg.scid;
	s1 =	stileid.u32;
	s3 =	simm.s32 $0x0  }
0x5: {  	s13 =	simm.s32 $0x200;
	s14 =	simm.s32 $0x80;
	s15 =	simm.s32 $0x400  }
0x6: {  	s16 =	simm.s32 $0x100;
	s17 =	simm.s32 $0x180;
	s18 =	simm.s32 $0x1  }
0x7: {  	s19 =	simm.s32 $0x280;
	s20 =	simm.s32 $0x300;
	s21 =	simm.s32 $0x380  }
0x8: {  	s22 =	simm.s32 $0x0;
	s5 =	sand.u32 $0x1, s5;
	s6 =	smul.u32 $0xC40, s1  }
0x9: {  	[smem:$0x7FF] =	sst s3;
	s8 =	sadd.s32 $0x3800, s4;
	s11 =	smul.u32 $0xC8, s1  }
0xa: {  	s7 =	smul.u32 $0xC400, s5;
	_ =	strace $0x80000047;
	s9 =	sshll.u32 s5, $0x4  }
0xb: {  	s10 =	smul.u32 $0xC80, s5;
	s5 =	ssub.s32 $0x2, s5;
	s9 =	sor.u32 s1, s9  }
0xc: {  	s12 =	sshrl.u32 s5, $0x1;
	s7 =	sadd.s32 s6, s7;
	s9 =	smul.u32 $0xC80, s9  }
0xd: {  	s12 =	ssub.s32 s5, s12;
	s10 =	sadd.s32 s11, s10;
	s11 =	simm.s32 $0x3  }
0xe: {  	s7 =	sshrl.u32 s7, $0x3;
	s31 =	sshll.u32 s10, $0x4;
	s10 =	simm.s32 $0x480  }
0xf: {  	s7 =	sadd.s32 s7, s4;
	s4 =	sadd.s32 s6, s2;
	s5 =	sadd.s32 s8, s9  }
0x10: {  	s9 =	sadd.s32 s31, s8;
	s6 =	sadd.s32 $0x1CA00, s7;
	s7 =	smax.u32 s12, $0x1  }
0x11: {  	v0 =	vimm.f32 $1.000000000e+00;
	v1 =	vimm.f32 $0.0e+00;
	s8 =	sadd.s32 $0x80, s9;
	s9 =	sadd.s32 $0x40, s9;
	s12 =	simm.s32 $0x2  }
.LBB2_1:
0x12: {  	[tilespmem:$0x400] =	vst v0  }
0x13: {  	[tilespmem:$0x410] =	vst v0  }
0x14: {  	[tilespmem:$0x420] =	vst v0  }
0x15: {  	[tilespmem:$0x430] =	vst v0  }
0x16: {  	[tilespmem:$0x440] =	vst v0  }
0x17: {  	[tilespmem:$0x450] =	vst v0  }
0x18: {  	[tilespmem:$0x460] =	vst v0  }
0x19: {  	[tilespmem:$0x470] =	vst v0;
	s23 =	simm.s32 $0x40;
	s24 =	simm.s32 $0x0  }
.LBB2_2:
0x1a: {  	p0 =	sne.s32 s23, $0x30C0;
	[tilespmem:s24+$0x480] =	vst v1;
	s24 =	smov.u32 s23;
	s23 =	sadd.s32 $0x40, s23  }
.Ltmp0:
0x1b: {  	(pc) =	sbr.rel @p0 .LBB2_2-.Ltmp0, $2  }
0x1c: {  	_ =	sdelay $0x2  }
0x1d: {  	s24 =	sshra.s32 s24, $0x2  }
0x1e: {  	[tilespmem:s24+$0x480] =	vst v1  }
0x1f: {  	[spmem:s4] =	stream.linear.scatter [tilespmem:s10], [sflag:$0x3], $0xC40, $0x38;
	[tilespmem:$0x1D00] =	vst v63  }
0x20: {  	_ =	swait.ge [sflag:s11], $0xC40  }
0x21: {  	[sflag:s11] =	ssyncset.done $0x0  }
0x22: {  	[sflag:s11] =	ssyncadd.s32 $0xFFFFF3C0  }
0x23: {  	s23 =	simm.s32 $0x0;
	[bflag:$0x0] =	sbarrier.arrive $0xFFFF  }
0x24: {  	[tilespmem:s23], [sflag:$0x2] =	stream.linear.gather [hbm4b:s5+s23], $0x200, $0x38;
	[tilespmem:$0x1D00] =	vst v63  }
0x25: {  	_ =	swait.ge [sflag:s12], $0x200  }
0x26: {  	[sflag:s12] =	ssyncset.done $0x0  }
0x27: {  	s30 =	sadd.s32 $0x0, s9;
	[sflag:s12] =	ssyncadd.s32 $0xFFFFFE00  }
0x28: {  	[tilespmem:s13], [sflag:$0x2] =	stream.linear.gather [hbm4b:s30+s3], $0x200, $0x38;
	[tilespmem:$0x1D00] =	vst v63  }
0x29: {  	_ = 	snop  }
0x2a: {  	[spmem:s2] =	stream.indirect.scatter.add.f32 [tilespmem:s15], [sflag:$0x1], $0x1, s3, s14, $0xb8;
	[tilespmem:$0x1D00] =	vst v63  }
0x2b: {  	_ = 	snop  }
0x2c: {  	[spmem:s2] =	stream.indirect.scatter.add.f32 [tilespmem:s15], [sflag:$0x1], $0x1, s14, s14, $0xb8;
	[tilespmem:$0x1D00] =	vst v63  }
0x2d: {  	_ = 	snop  }
0x2e: {  	[spmem:s2] =	stream.indirect.scatter.add.f32 [tilespmem:s15], [sflag:$0x1], $0x1, s16, s14, $0xb8;
	[tilespmem:$0x1D00] =	vst v63  }
0x2f: {  	_ = 	snop  }
0x30: {  	[spmem:s2] =	stream.indirect.scatter.add.f32 [tilespmem:s15], [sflag:$0x1], $0x1, s17, s14, $0xb8;
	[tilespmem:$0x1D00] =	vst v63  }
0x31: {  	_ =	swait.ge [sflag:s18], $0x80  }
0x32: {  	[sflag:s18] =	ssyncset.done $0x0  }
0x33: {  	[sflag:s18] =	ssyncadd.s32 $0xFFFFFF80  }
0x34: {  	_ =	swait.ge [sflag:s18], $0x80  }
0x35: {  	[sflag:s18] =	ssyncset.done $0x0  }
0x36: {  	[sflag:s18] =	ssyncadd.s32 $0xFFFFFF80  }
0x37: {  	_ =	swait.ge [sflag:s18], $0x80  }
0x38: {  	[sflag:s18] =	ssyncset.done $0x0  }
0x39: {  	[sflag:s18] =	ssyncadd.s32 $0xFFFFFF80  }
0x3a: {  	_ =	swait.ge [sflag:s18], $0x80  }
0x3b: {  	[sflag:s18] =	ssyncset.done $0x0  }
0x3c: {  	[sflag:s18] =	ssyncadd.s32 $0xFFFFFF80  }
0x3d: {  	_ =	swait.ge [sflag:s12], $0x200  }
0x3e: {  	[sflag:s12] =	ssyncset.done $0x0  }
0x3f: {  	s31 =	sadd.s32 $0x0, s8;
	[sflag:s12] =	ssyncadd.s32 $0xFFFFFE00  }
0x40: {  	[tilespmem:s3], [sflag:$0x2] =	stream.linear.gather [hbm4b:s31+s3], $0x200, $0x38;
	[tilespmem:$0x1D00] =	vst v63  }
0x41: {  	_ = 	snop  }
0x42: {  	[spmem:s2] =	stream.indirect.scatter.add.f32 [tilespmem:s15], [sflag:$0x1], $0x1, s13, s14, $0xb8;
	[tilespmem:$0x1D00] =	vst v63  }
0x43: {  	_ = 	snop  }
0x44: {  	[spmem:s2] =	stream.indirect.scatter.add.f32 [tilespmem:s15], [sflag:$0x1], $0x1, s19, s14, $0xb8;
	[tilespmem:$0x1D00] =	vst v63  }
0x45: {  	_ = 	snop  }
0x46: {  	[spmem:s2] =	stream.indirect.scatter.add.f32 [tilespmem:s15], [sflag:$0x1], $0x1, s20, s14, $0xb8;
	[tilespmem:$0x1D00] =	vst v63  }
0x47: {  	_ = 	snop  }
0x48: {  	[spmem:s2] =	stream.indirect.scatter.add.f32 [tilespmem:s15], [sflag:$0x1], $0x1, s21, s14, $0xb8;
	[tilespmem:$0x1D00] =	vst v63  }
0x49: {  	_ =	swait.ge [sflag:s18], $0x80  }
0x4a: {  	[sflag:s18] =	ssyncset.done $0x0  }
0x4b: {  	[sflag:s18] =	ssyncadd.s32 $0xFFFFFF80  }
0x4c: {  	_ =	swait.ge [sflag:s18], $0x80  }
0x4d: {  	[sflag:s18] =	ssyncset.done $0x0  }
0x4e: {  	[sflag:s18] =	ssyncadd.s32 $0xFFFFFF80  }
0x4f: {  	_ =	swait.ge [sflag:s18], $0x80  }
0x50: {  	[sflag:s18] =	ssyncset.done $0x0  }
0x51: {  	[sflag:s18] =	ssyncadd.s32 $0xFFFFFF80  }
0x52: {  	_ =	swait.ge [sflag:s18], $0x80  }
0x53: {  	s23 =	simm.s32 $0x80;
	[sflag:s18] =	ssyncset.done $0x0  }
.LBB2_4:
0x54: {  	p0 =	sne.s32 s23, $0xC00  }
0x55: {  	[sflag:s18] =	ssyncadd.s32 $0xFFFFFF80;
	s24 =	smov.u32 s23;
	s23 =	sadd.s32 $0x80, s23  }
0x56: {  	_ =	swait.ge [sflag:s12], $0x200  }
0x57: {  	[sflag:s12] =	ssyncset.done $0x0  }
0x58: {  	s25 =	sadd.s32 s24, s9;
	[sflag:s12] =	ssyncadd.s32 $0xFFFFFE00  }
0x59: {  	[tilespmem:s13], [sflag:$0x2] =	stream.linear.gather [hbm4b:s25+s3], $0x200, $0x38;
	[tilespmem:$0x1D00] =	vst v63  }
0x5a: {  	_ = 	snop  }
0x5b: {  	[spmem:s2] =	stream.indirect.scatter.add.f32 [tilespmem:s15], [sflag:$0x1], $0x1, s3, s14, $0xb8;
	[tilespmem:$0x1D00] =	vst v63  }
0x5c: {  	_ = 	snop  }
0x5d: {  	[spmem:s2] =	stream.indirect.scatter.add.f32 [tilespmem:s15], [sflag:$0x1], $0x1, s14, s14, $0xb8;
	[tilespmem:$0x1D00] =	vst v63  }
0x5e: {  	_ = 	snop  }
0x5f: {  	[spmem:s2] =	stream.indirect.scatter.add.f32 [tilespmem:s15], [sflag:$0x1], $0x1, s16, s14, $0xb8;
	[tilespmem:$0x1D00] =	vst v63  }
0x60: {  	_ = 	snop  }
0x61: {  	[spmem:s2] =	stream.indirect.scatter.add.f32 [tilespmem:s15], [sflag:$0x1], $0x1, s17, s14, $0xb8;
	[tilespmem:$0x1D00] =	vst v63  }
0x62: {  	_ =	swait.ge [sflag:s18], $0x80  }
0x63: {  	[sflag:s18] =	ssyncset.done $0x0  }
0x64: {  	[sflag:s18] =	ssyncadd.s32 $0xFFFFFF80  }
0x65: {  	_ =	swait.ge [sflag:s18], $0x80  }
0x66: {  	[sflag:s18] =	ssyncset.done $0x0  }
0x67: {  	[sflag:s18] =	ssyncadd.s32 $0xFFFFFF80  }
0x68: {  	_ =	swait.ge [sflag:s18], $0x80  }
0x69: {  	[sflag:s18] =	ssyncset.done $0x0  }
0x6a: {  	[sflag:s18] =	ssyncadd.s32 $0xFFFFFF80  }
0x6b: {  	_ =	swait.ge [sflag:s18], $0x80  }
0x6c: {  	[sflag:s18] =	ssyncset.done $0x0  }
0x6d: {  	[sflag:s18] =	ssyncadd.s32 $0xFFFFFF80  }
0x6e: {  	_ =	swait.ge [sflag:s12], $0x200  }
0x6f: {  	[sflag:s12] =	ssyncset.done $0x0  }
0x70: {  	s24 =	sadd.s32 s24, s8;
	[sflag:s12] =	ssyncadd.s32 $0xFFFFFE00  }
0x71: {  	[tilespmem:s3], [sflag:$0x2] =	stream.linear.gather [hbm4b:s24+s3], $0x200, $0x38;
	[tilespmem:$0x1D00] =	vst v63  }
0x72: {  	_ = 	snop  }
0x73: {  	[spmem:s2] =	stream.indirect.scatter.add.f32 [tilespmem:s15], [sflag:$0x1], $0x1, s13, s14, $0xb8;
	[tilespmem:$0x1D00] =	vst v63  }
0x74: {  	_ = 	snop  }
0x75: {  	[spmem:s2] =	stream.indirect.scatter.add.f32 [tilespmem:s15], [sflag:$0x1], $0x1, s19, s14, $0xb8;
	[tilespmem:$0x1D00] =	vst v63  }
0x76: {  	_ = 	snop  }
0x77: {  	[spmem:s2] =	stream.indirect.scatter.add.f32 [tilespmem:s15], [sflag:$0x1], $0x1, s20, s14, $0xb8;
	[tilespmem:$0x1D00] =	vst v63  }
0x78: {  	_ = 	snop  }
0x79: {  	[spmem:s2] =	stream.indirect.scatter.add.f32 [tilespmem:s15], [sflag:$0x1], $0x1, s21, s14, $0xb8;
	[tilespmem:$0x1D00] =	vst v63  }
0x7a: {  	_ =	swait.ge [sflag:s18], $0x80  }
0x7b: {  	[sflag:s18] =	ssyncset.done $0x0  }
0x7c: {  	[sflag:s18] =	ssyncadd.s32 $0xFFFFFF80  }
0x7d: {  	_ =	swait.ge [sflag:s18], $0x80  }
0x7e: {  	[sflag:s18] =	ssyncset.done $0x0  }
0x7f: {  	[sflag:s18] =	ssyncadd.s32 $0xFFFFFF80  }
.Ltmp1:
0x80: {  	_ =	swait.ge [sflag:s18], $0x80;
	(pc) =	sbr.rel @p0 .LBB2_4-.Ltmp1, $4  }
0x81: {  	[sflag:s18] =	ssyncset.done $0x0  }
0x82: {  	[sflag:s18] =	ssyncadd.s32 $0xFFFFFF80  }
0x83: {  	_ =	swait.ge [sflag:s18], $0x80  }
0x84: {  	[sflag:s18] =	ssyncset.done $0x0  }
0x85: {  	[sflag:s18] =	ssyncadd.s32 $0xFFFFFF80  }
0x86: {  	_ =	swait.ge [sflag:s12], $0x200  }
0x87: {  	[sflag:s12] =	ssyncset.done $0x0  }
0x88: {  	[sflag:s12] =	ssyncadd.s32 $0xFFFFFE00  }
0x89: {  	[bflag:$0x0] =	sbarrier.arrive $0xFFFF  }
0x8a: {  	[tilespmem:s10], [sflag:$0x3] =	stream.linear.gather [spmem:s4], $0xC40, $0x38;
	[tilespmem:$0x1D00] =	vst v63  }
0x8b: {  	s22 =	sadd.s32 $0x1, s22;
	_ =	swait.ge [sflag:s11], $0xC40  }
0x8c: {  	p0 =	sne.s32 s22, s7;
	[sflag:s11] =	ssyncset.done $0x0  }
.Ltmp2:
0x8d: {  	[sflag:s11] =	ssyncadd.s32 $0xFFFFF3C0;
	(pc) =	sbr.rel @p0 .LBB2_1-.Ltmp2, $4  }
0x8e: {  	[hbm4b:s6+s3] =	stream.linear.scatter [tilespmem:s10], [sflag:$0x3], $0xC40, $0x38;
	[tilespmem:$0x1D00] =	vst v63  }
0x8f: {  	_ =	swait.ge [sflag:s11], $0xC40  }
0x90: {  	[sflag:s11] =	ssyncset.done $0x0  }
0x91: {  	[sflag:s11] =	ssyncadd.s32 $0xFFFFF3C0  }
0x92: {  	_ =	sfence.sel $0x180000  }
0x93: {  	[bflag:$0x0] =	sbarrier.arrive $0xFFFF  }
0x94: {  	p0 =	sne.s32 s1, $0x0;
	_ =	strace $0x90000047  }
0x95: {  	s0 =	sadd.s32 @!p0 $0x100000, s0;
	[bflag:$0x2] =	sbarrier.arrive $0xFFFF  }
0x96: {  	[sflag:s0] =	ssyncadd.tile.s32 @!p0 $0x1;
	_ =	shalt  }
.Lfunc_end2:
_tile_overlayer_lowered:
.L_overlay_start_2:
0x97: {  	(tag) =	ssettag $0x2  }
0x98: {  	s0 =	rddreg [dreg:$0x0];
	s2 =	stileid.u32  }
0x99: {  	s1 =	rddreg [dreg:$0x1];
	p0 =	sne.s32 s2, $0x0  }
0x9a: {  	s3 =	rddreg [dreg:$0x2];
	[bflag:$0x3] =	sbarrier.arrive $0xFFFF;
	s2 =	simm.s32 @!p0 $0x1C03  }
0x9b: {  	[timem:s3], [sflag:s2] =	dma.local @!p0 [hbm:s0], s1  }
0x9c: {  	s0 =	simm.s32 @!p0 $0x3  }
0x9d: {  	_ =	swait.ge @!p0 [sflag:s0], s1  }
0x9e: {  	s1 =	ssub.s32 @!p0 $0x0, s1;
	[sflag:s0] =	ssyncset.done @!p0 $0x0  }
0x9f: {  	[sflag:s0] =	ssyncadd.s32 @!p0 s1  }
0xa0: {  	[bflag:$0x3] =	sbarrier.arrive $0xFFFF  }
0xa1: {  	_ =	shalt  }

// kernel: kernel.13.cloned.1.call-start
scs
__scs_entry_jumppad:
0x0: {  	(pc) =	sbr.rel $0x88, $3  }
0x1: {  	(tag) =	ssettag $0x0;
	lr =	simm.s32 $0x1  }
0x2: {  	[smem:$0x3F96] =	sst lr;
	_ =	strace $0xD0000000  }
0x3: {  	_ = 	snop  }
0x4: {  	_ = 	snop  }
0x5: {  	_ = 	snop  }
0x6: {  	_ = 	snop  }
0x7: {  	_ = 	snop  }
__scs_overlays_trampoline_lowered:
0x8: {  	[smem:$0x3FA5] =	sst s0  }
0x9: {  	[smem:$0x3FA6] =	sst s1  }
0xa: {  	[smem:$0x3FA7] =	sst s2  }
0xb: {  	[smem:$0x3FA8] =	sst s3  }
0xc: {  	[smem:$0x3FA9] =	sst s4  }
0xd: {  	[smem:$0x3FAA] =	sst s5  }
0xe: {  	[smem:$0x3FAB] =	sst s6  }
0xf: {  	[smem:$0x3FAC] =	sst s7  }
0x10: {  	[smem:$0x3FAD] =	sst s8  }
0x11: {  	[smem:$0x3FAE] =	sst s9;
	s0 =	simm.s32 @!p0 $0x0  }
0x12: {  	s1 =	sld [smem:$0x3F94];
	s0 =	simm.s32 @p0 $0x1  }
0x13: {  	[smem:$0x3FAF] =	sst s0;
	s0 =	simm.s32 @!p1 $0x0  }
0x14: {  	s2 =	sld [smem:$0x3F93];
	s0 =	simm.s32 @p1 $0x1  }
0x15: {  	[smem:$0x3FB0] =	sst s0;
	s0 =	simm.s32 @!p2 $0x0  }
0x16: {  	s3 =	sld [smem:$0x3FDB];
	s0 =	simm.s32 @p2 $0x1  }
0x17: {  	s4 =	simm.s32 $0x1BF5;
	[smem:$0x3FB2] =	sst s0  }
0x18: {  	s0 =	sld [smem:$0x3F95];
	_ =	swait.ge [sflag:s4], $0x0  }
0x19: {  	s7 =	sld [smem:$0x3F96]  }
0x1a: {  	s8 =	sadd.s32 $0xFFFFE003, lr  }
0x1b: {  	s9 =	sadd.s32 $0xFFFFFEF7, lr;
	s5 =	simm.s32 $0xFFFFFFFF;
	p2 =	slt.u32 s8, $0xFFFFF086  }
0x1c: {  	p1 =	slt.u32 s9, $0xF7A;
	s5 =	simm.s32 @!p2 $0x0  }
0x1d: {  	s5 =	simm.s32 @p1 $0x1;
	p0 =	seq.s32 s7, s2  }
0x1e: {  	s7 =	smul.u32 @!p0 $0xF7A, s2;
	p2 =	seq.s32 @!p0 s5, $0x0  }
0x1f: {  	s9 =	smul.u32 $0xF7A, s1;
	s8 =	simm.s32 @!p0 $0x1BF5;
	p2 =	por !p2, p0  }
0x20: {  	[sflag:s8] =	ssyncset.s32 @!p0 $0xFFFFF086;
	s6 =	sadd.s32 @!p0 s3, s7;
	s7 =	simm.s32 @!p0 $0x108  }
0x21: {  	s3 =	sadd.s32 s3, s9;
	s6 =	sadd.s32 @!p0 $0x88, s6;
	s7 =	simm.s32 @p2 $0x1082  }
0x22: {  	[simem:s7], [sflag:s8] =	dma.local @!p0 [hbm:s6], $0xF7A  }
0x23: {  	s9 =	sor.u32 $0xD0000000, s2;
	s6 =	simm.s32 $0x108;
	_ =	swait.ge @!p0 [sflag:s8], $0x0  }
0x24: {  	s3 =	sadd.s32 $0x88, s3;
	s6 =	simm.s32 @!p1 $0x1082;
	[sflag:s4] =	ssyncset.s32 $0xFFFFF086  }
0x25: {  	[simem:s6], [sflag:s4] =	dma.local [hbm:s3], $0xF7A  }
0x26: {  	[smem:$0x3F96] =	sst s1;
	(tag) =	ssettag s2;
	_ =	strace s9  }
0x27: {  	s1 =	sld [smem:$0x3FA6]  }
0x28: {  	s2 =	sld [smem:$0x3FA7]  }
0x29: {  	s4 =	sld [smem:$0x3FA9]  }
0x2a: {  	p0 =	seq.s32 s5, $0x0;
	s5 =	sld [smem:$0x3FAA]  }
0x2b: {  	s6 =	sld [smem:$0x3FAB]  }
0x2c: {  	s7 =	sld [smem:$0x3FAC]  }
0x2d: {  	s3 =	simm.s32 $0x108;
	s8 =	sld [smem:$0x3FAD]  }
0x2e: {  	s3 =	simm.s32 @!p0 $0x1082;
	s9 =	sld [smem:$0x3FAE]  }
0x2f: {  	lr =	sadd.s32 s0, s3;
	s0 =	sld [smem:$0x3FA5]  }
0x30: {  	s3 =	sld [smem:$0x3FA8]  }
0x31: {  	[smem:$0x3FB1] =	sst s10  }
0x32: {  	s10 =	sld [smem:$0x3FAF];
	_ =	sdelay $0x3  }
0x33: {  	p0 =	seq.s32 s10, $0x1;
	s10 =	sld [smem:$0x3FB1];
	_ =	sdelay $0x3  }
0x34: {  	[smem:$0x3FB1] =	sst s10  }
0x35: {  	s10 =	sld [smem:$0x3FB0];
	_ =	sdelay $0x3  }
0x36: {  	p1 =	seq.s32 s10, $0x1;
	s10 =	sld [smem:$0x3FB1];
	_ =	sdelay $0x3  }
0x37: {  	[smem:$0x3FB1] =	sst s10  }
0x38: {  	s10 =	sld [smem:$0x3FB2]  }
0x39: {  	_ = 	snop;
	(pc) =	sbr.ind lr, $3  }
0x3a: {  	_ = 	snop  }
0x3b: {  	_ = 	snop  }
0x3c: {  	p2 =	seq.s32 s10, $0x1;
	s10 =	sld [smem:$0x3FB1]  }
0x3d: {  	_ =	shalt  }
0x3e: {  	_ =	shalt  }
0x3f: {  	_ =	shalt  }
0x40: {  	_ =	shalt  }
0x41: {  	_ =	shalt  }
0x42: {  	_ =	shalt  }
0x43: {  	_ =	shalt  }
0x44: {  	_ =	shalt  }
0x45: {  	_ =	shalt  }
0x46: {  	_ =	shalt  }
0x47: {  	_ =	shalt  }
0x48: {  	_ =	shalt  }
0x49: {  	_ =	shalt  }
0x4a: {  	_ =	shalt  }
0x4b: {  	_ =	shalt  }
0x4c: {  	_ =	shalt  }
0x4d: {  	_ =	shalt  }
0x4e: {  	_ =	shalt  }
0x4f: {  	_ =	shalt  }
0x50: {  	_ =	shalt  }
0x51: {  	_ =	shalt  }
0x52: {  	_ =	shalt  }
0x53: {  	_ =	shalt  }
0x54: {  	_ =	shalt  }
0x55: {  	_ =	shalt  }
0x56: {  	_ =	shalt  }
0x57: {  	_ =	shalt  }
0x58: {  	_ =	shalt  }
0x59: {  	_ =	shalt  }
0x5a: {  	_ =	shalt  }
0x5b: {  	_ =	shalt  }
0x5c: {  	_ =	shalt  }
0x5d: {  	_ =	shalt  }
0x5e: {  	_ =	shalt  }
0x5f: {  	_ =	shalt  }
0x60: {  	_ =	shalt  }
0x61: {  	_ =	shalt  }
0x62: {  	_ =	shalt  }
0x63: {  	_ =	shalt  }
0x64: {  	_ =	shalt  }
0x65: {  	_ =	shalt  }
0x66: {  	_ =	shalt  }
0x67: {  	_ =	shalt  }
0x68: {  	_ =	shalt  }
0x69: {  	_ =	shalt  }
0x6a: {  	_ =	shalt  }
0x6b: {  	_ =	shalt  }
0x6c: {  	_ =	shalt  }
0x6d: {  	_ =	shalt  }
0x6e: {  	_ =	shalt  }
0x6f: {  	_ =	shalt  }
0x70: {  	_ =	shalt  }
0x71: {  	_ =	shalt  }
0x72: {  	_ =	shalt  }
0x73: {  	_ =	shalt  }
0x74: {  	_ =	shalt  }
0x75: {  	_ =	shalt  }
0x76: {  	_ =	shalt  }
0x77: {  	_ =	shalt  }
0x78: {  	_ =	shalt  }
0x79: {  	_ =	shalt  }
0x7a: {  	_ =	shalt  }
0x7b: {  	_ =	shalt  }
0x7c: {  	_ =	shalt  }
0x7d: {  	_ =	shalt  }
0x7e: {  	_ =	shalt  }
0x7f: {  	_ =	shalt  }
0x80: {  	_ =	shalt  }
0x81: {  	_ =	shalt  }
0x82: {  	_ =	shalt  }
0x83: {  	_ =	shalt  }
0x84: {  	_ =	shalt  }
0x85: {  	_ =	shalt  }
0x86: {  	_ =	shalt  }
0x87: {  	_ =	shalt  }
.Lfunc_end0:
.L_simem_size_0:
called_computation.1_lowered:
.L_overlay_start_0:
0x88: {  	s2 =	sld [smem:$0x3FD9]  }
0x89: {  	s3 =	sld [smem:$0x3FFE];
	_ =	sdelay $0x1  }
0x8a: {  	s1 =	srdreg.scid  }
0x8b: {  	s0 =	sand.u32 $0x1, s1  }
0x8c: {  	s16 =	sshll.u32 s0, $0xA;
	s2 =	sadd.s32 s3, s2  }
0x8d: {  	s2 =	sadd.s32 s2, s16  }
0x8e: {  	[smem:$0x3FBD] =	sst s2  }
0x8f: {  	_ = 	snop  }
0x90: {  	(tm) =	ssettm $0x1  }
0x91: {  	s17 =	sld [smem:$0x3FFB];
	_ =	sdelay $0x3  }
0x92: {  	_ =	strace s17  }
0x93: {  	s2 =	sld [smem:$0x3FFC];
	_ =	sdelay $0x3  }
0x94: {  	_ =	strace s2  }
0x95: {  	s2 =	sld [smem:$0x3FFD];
	_ =	sdelay $0x3  }
0x96: {  	_ =	strace s2  }
0x97: {  	_ =	strace $0x8FFFFFFF  }
0x98: {  	s18 =	sld [smem:$0x3FDB];
	_ =	sdelay $0x1  }
0x99: {  	s19 =	simm.s32 $_scs_section_size  }
0x9a: {  	s4 =	simm.s32 $_size__tile_overlayer_lowered;
	s5 =	simm.s32 $_tile_overlayer_lowered  }
0x9b: {  	s22 =	simm.s32 $0x1BFF;
	s21 =	sshll.u32 s5, $0x1;
	s2 =	sadd.s32 s19, s18  }
0x9c: {  	s6 =	simm.s32 $0x0;
	s20 =	sshll.u32 s4, $0x1;
	s4 =	sadd.s32 s21, s2  }
0x9d: {  	[timem:s6], [sflag:s22] =	dma.local [hbm:s4], s20  }
0x9e: {  	_ =	swait.ge [sflag:s22], s20  }
0x9f: {  	s3 =	ssub.s32 $0x0, s20;
	[sflag:s22] =	ssyncset.done $0x0  }
0xa0: {  	[sflag:s22] =	ssyncadd.s32 s3;
	_ =	sdelay $0x1  }
0xa1: {  	s23 =	simm.s32 $0x1B8B  }
0xa2: {  	_ =	swait.ge [sflag:s23], $0x1  }
0xa3: {  	[sflag:s23] =	ssyncset.done $0x0  }
0xa4: {  	s25 =	simm.s32 $0x1B8E;
	s24 =	sld [smem:$0x3FFE];
	[sflag:s23] =	ssyncadd.s32 $0xFFFFFFFF  }
0xa5: {  	s26 =	simm.s32 $execute0_lowered;
	[smem:$0x3FD2] =	sst s25  }
0xa6: {  	s4 =	sshll.u32 s26, $0x1;
	_ =	strace $0x80000049;
	[dreg:$0x1] =	wrdreg $0xFFFFFFFF  }
0xa7: {  	s28 =	simm.s32 $_size_execute0_lowered;
	s2 =	sadd.s32 s2, s4;
	[dreg:$0x0] =	wrdreg $0x0  }
0xa8: {  	s4 =	sshll.u32 s28, $0x1;
	[dreg:$0x2] =	wrdreg s2  }
0xa9: {  	[dreg:$0x3] =	wrdreg s4  }
0xaa: {  	[dreg:$0x4] =	wrdreg $0xC0  }
0xab: {  	_ =	task [dreg:s6], $0x5FFFF  }
0xac: {  	[dreg:$0x1] =	wrdreg $0xFFFFFFFF  }
0xad: {  	[dreg:$0x0] =	wrdreg $0x60  }
0xae: {  	[dreg:$0x2] =	wrdreg s24  }
0xaf: {  	[dreg:$0x3] =	wrdreg $0x48000  }
0xb0: {  	[dreg:$0x4] =	wrdreg $0x9  }
0xb1: {  	_ =	task.clear_ibuf [dreg:s6], $0x5FFFF;
	_ =	strace $0x90000049  }
0xb2: {  	s29 =	simm.s32 $0x9;
	_ =	strace $0x8000004B  }
0xb3: {  	_ =	swait.ge [sflag:s29], $0x1  }
0xb4: {  	[sflag:s29] =	ssyncadd.s32 $0xFFFFFFFF  }
0xb5: {  	_ =	strace $0x9000004B  }
0xb6: {  	_ =	sfence  }
0xb7: {  	s30 =	sld [smem:$0x0];
	_ =	sdelay $0x2  }
0xb8: {  	s31 =	sshll.u32 s1, $0xD;
	s1 =	sshrl.u32 s1, $0x2  }
0xb9: {  	s3 =	sand.u32 $0x4000, s31;
	s1 =	sadd.s32 s1, s30  }
0xba: {  	s0 =	sor.u32 s3, s0;
	s1 =	sshll.u32 s1, $0x11  }
0xbb: {  	s0 =	sor.u32 s1, s0  }
0xbc: {  	s0 =	sadd.s32 $0x8F2B, s0  }
0xbd: {  	[sflag:s0] =	ssyncadd.remote.s32 $0x1  }
0xbe: {  	_ =	sfence.sel $0xFFFF  }
0xbf: {  	[dreg:$0x0] =	wrdreg $0xFFFFFFFF;
	(pc) =	sbr.abs _section_cstart, $3  }
0xc0: {  	[dreg:$0x1] =	wrdreg $0xFFFFFFFF  }
0xc1: {  	_ =	task.clear_ibuf [dreg:s6], $0x2FFFF;
	_ =	strace $0x9FFFFFFF  }
0xc2: {  	(tm) =	ssettm $0x7FFFFFFF  }
0xc3: {  	_ =	shalt  }
tec
execute0_lowered:
.L_overlay_start_1:
0x0: {  	(tag) =	ssettag $0x1  }
0x1: {  	s0 =	rddreg [dreg:$0x0]  }
0x2: {  	s1 =	rddreg [dreg:$0x1];
	s3 =	simm.s32 $0x0  }
0x3: {  	s2 =	srdreg.scid;
	s10 =	stileid.u32;
	s28 =	simm.s32 $0x3  }
0x4: {  	s29 =	simm.s32 $0x200;
	s30 =	simm.s32 $0x600;
	s31 =	simm.s32 $0x80  }
0x5: {  	[smem:$0x7FF] =	sst s3;
	s2 =	sand.u32 $0x1, s2;
	s7 =	smul.u32 $0x18800, s10  }
0x6: {  	s4 =	sadd.s32 $0x1CA00, s0;
	s5 =	sadd.s32 $0xE3200, s0;
	s16 =	smul.u32 $0xC800, s10  }
0x7: {  	s8 =	sadd.s32 $0x3800, s0;
	s0 =	sadd.s32 $0x7E600, s0;
	s19 =	smul.u32 $0x1900, s10  }
0x8: {  	_ =	strace $0x8000004A;
	s6 =	ssub.s32 $0x2, s2;
	s14 =	smul.u32 $0xC8200, s2  }
0x9: {  	s2 =	smul.u32 $0x188000, s2;
	s9 =	sshrl.u32 s6, $0x1;
	s11 =	sadd.s32 s7, s1  }
0xa: {  	s23 =	sadd.s32 $0xC000, s7;
	s24 =	sadd.s32 $0x10000, s7;
	s25 =	sadd.s32 $0x14000, s7  }
0xb: {  	s26 =	sshrl.u32 s16, $0x3;
	s20 =	sadd.s32 $0x18000, s7;
	s6 =	ssub.s32 s6, s9  }
0xc: {  	s9 =	sadd.s32 $0x4000, s7;
	s15 =	sadd.s32 s23, s1;
	s17 =	sadd.s32 s24, s1  }
0xd: {  	s18 =	sadd.s32 s25, s1;
	s14 =	sadd.s32 s16, s14;
	[dreg:$0xb] =	wrdreg s15  }
0xe: {  	s21 =	sadd.s32 s8, s26;
	s8 =	sadd.s32 s19, s8;
	[dreg:$0xc] =	wrdreg s17  }
0xf: {  	s23 =	sadd.s32 s2, s23;
	s10 =	sadd.s32 s20, s1;
	[dreg:$0xd] =	wrdreg s18  }
0x10: {  	s12 =	sadd.s32 s9, s1;
	[dreg:$0xe] =	wrdreg s21;
	s22 =	sshrl.u32 s14, $0x3  }
0x11: {  	s9 =	sadd.s32 s2, s9;
	s15 =	sadd.s32 s2, s24;
	s17 =	sadd.s32 s2, s25  }
0x12: {  	[dreg:$0x3] =	wrdreg s8;
	s16 =	sadd.s32 $0x200, s14;
	s21 =	simm.s32 $0x100  }
0x13: {  	[dreg:$0x9] =	wrdreg s12;
	s12 =	sadd.s32 $0x8000, s7;
	s7 =	sadd.s32 s7, s2  }
0x14: {  	s24 =	sadd.s32 s5, s22;
	s25 =	sshrl.u32 s9, $0x3;
	s18 =	sshrl.u32 s15, $0x3  }
0x15: {  	s19 =	sshrl.u32 s17, $0x3;
	[dreg:$0x5] =	wrdreg s21;
	s22 =	simm.s32 $0x180  }
0x16: {  	s15 =	simm.s32 $0x580;
	s17 =	simm.s32 $0x280;
	s21 =	simm.s32 $0x700  }
0x17: {  	s13 =	sadd.s32 s12, s1;
	s12 =	sadd.s32 s2, s12;
	s2 =	sadd.s32 s2, s20  }
0x18: {  	[dreg:$0xf] =	wrdreg s24;
	s7 =	sshrl.u32 s7, $0x3;
	s8 =	sadd.s32 s0, s18  }
0x19: {  	s20 =	sadd.s32 s0, s19;
	[dreg:$0x6] =	wrdreg s22;
	s24 =	simm.s32 $0x480  }
0x1a: {  	s18 =	simm.s32 $0x300;
	s19 =	simm.s32 $0x380;
	[dreg:$0xa] =	wrdreg s13  }
0x1b: {  	s22 =	simm.s32 $0x780;
	s7 =	sadd.s32 s0, s7;
	[dreg:$0x14] =	wrdreg s8  }
0x1c: {  	s26 =	sshrl.u32 s12, $0x3;
	s13 =	sshrl.u32 s23, $0x3;
	[dreg:$0x15] =	wrdreg s20  }
0x1d: {  	s2 =	sshrl.u32 s2, $0x3;
	s23 =	smax.u32 s6, $0x1;
	[dreg:$0x7] =	wrdreg s24  }
0x1e: {  	s24 =	simm.s32 $0x800;
	s20 =	simm.s32 $0x680;
	[dreg:$0x10] =	wrdreg s7  }
0x1f: {  	s6 =	simm.s32 $0x0;
	s7 =	sadd.s32 s0, s25;
	[dreg:$0x17] =	wrdreg s23  }
0x20: {  	s12 =	sadd.s32 s0, s26;
	s25 =	sadd.s32 $0x400, s14;
	[dreg:$0x11] =	wrdreg s7  }
0x21: {  	s26 =	simm.s32 $0x500;
	s14 =	simm.s32 $0x1;
	[dreg:$0x12] =	wrdreg s12  }
0x22: {  	s7 =	sadd.s32 s0, s13;
	s0 =	sadd.s32 s0, s2;
	[dreg:$0x18] =	wrdreg s25  }
0x23: {  	[dreg:$0x8] =	wrdreg s26;
	s25 =	simm.s32 $0x4;
	s26 =	simm.s32 $0x400  }
0x24: {  	s2 =	simm.s32 $0x2800;
	[dreg:$0x13] =	wrdreg s7;
	s7 =	sshrl.u32 s16, $0x3  }
0x25: {  	s12 =	simm.s32 $0x3800;
	[dreg:$0x16] =	wrdreg s0;
	s7 =	sadd.s32 s7, s5  }
0x26: {  	v0 =	vimm.f32 $0.0e+00;
	s0 =	simm.s32 $0x1800;
	s16 =	simm.s32 $0x2;
	[dreg:$0x4] =	wrdreg s7  }
.LBB2_1:
0x27: {  	s7 =	simm.s32 $0x80;
	s9 =	simm.s32 $0x0  }
.LBB2_2:
0x28: {  	p0 =	sne.s32 s7, $0xFF80;
	[tilespmem:s9+$0x800] =	vst v0;
	s23 =	smov.u32 s7;
	s7 =	sadd.s32 $0x80, s7  }
.Ltmp0:
0x29: {  	[tilespmem:s9+$0x810] =	vst v0;
	(pc) =	sbr.rel @p0 .LBB2_2-.Ltmp0, $2  }
0x2a: {  	_ =	sdelay $0x2  }
0x2b: {  	s9 =	sshra.s32 s23, $0x2  }
0x2c: {  	[tilespmem:s9+$0x800] =	vst v0  }
0x2d: {  	[tilespmem:s9+$0x810] =	vst v0  }
0x2e: {  	[spmem:s11] =	stream.linear.scatter [tilespmem:s24], [sflag:$0x4], $0x4000, $0x38;
	[tilespmem:$0x1D000] =	vst v63  }
0x2f: {  	_ =	swait.ge [sflag:s25], $0x4000  }
0x30: {  	[sflag:s25] =	ssyncset.done $0x0  }
0x31: {  	s7 =	rddreg [dreg:$0x9];
	[sflag:s25] =	ssyncadd.s32 $0xFFFFC000  }
0x32: {  	[spmem:s7] =	stream.linear.scatter [tilespmem:s24], [sflag:$0x4], $0x4000, $0x38;
	[tilespmem:$0x1D000] =	vst v63  }
0x33: {  	_ =	swait.ge [sflag:s25], $0x4000  }
0x34: {  	[sflag:s25] =	ssyncset.done $0x0  }
0x35: {  	s13 =	smov.u32 s11;
	s11 =	rddreg [dreg:$0xa];
	[sflag:s25] =	ssyncadd.s32 $0xFFFFC000  }
0x36: {  	[spmem:s11] =	stream.linear.scatter [tilespmem:s24], [sflag:$0x4], $0x4000, $0x38;
	[tilespmem:$0x1D000] =	vst v63  }
0x37: {  	_ =	swait.ge [sflag:s25], $0x4000  }
0x38: {  	[sflag:s25] =	ssyncset.done $0x0  }
0x39: {  	s23 =	rddreg [dreg:$0xb];
	[sflag:s25] =	ssyncadd.s32 $0xFFFFC000  }
0x3a: {  	[spmem:s23] =	stream.linear.scatter [tilespmem:s24], [sflag:$0x4], $0x4000, $0x38;
	[tilespmem:$0x1D000] =	vst v63  }
0x3b: {  	_ =	swait.ge [sflag:s25], $0x4000  }
0x3c: {  	[sflag:s25] =	ssyncset.done $0x0  }
0x3d: {  	s8 =	rddreg [dreg:$0xc];
	[sflag:s25] =	ssyncadd.s32 $0xFFFFC000  }
0x3e: {  	[spmem:s8] =	stream.linear.scatter [tilespmem:s24], [sflag:$0x4], $0x4000, $0x38;
	[tilespmem:$0x1D000] =	vst v63  }
0x3f: {  	_ =	swait.ge [sflag:s25], $0x4000  }
0x40: {  	[sflag:s25] =	ssyncset.done $0x0  }
0x41: {  	s9 =	rddreg [dreg:$0xd];
	[sflag:s25] =	ssyncadd.s32 $0xFFFFC000  }
0x42: {  	[spmem:s9] =	stream.linear.scatter [tilespmem:s24], [sflag:$0x4], $0x4000, $0x38;
	[tilespmem:$0x1D000] =	vst v63  }
0x43: {  	_ =	swait.ge [sflag:s25], $0x4000  }
0x44: {  	[sflag:s25] =	ssyncset.done $0x0  }
0x45: {  	[sflag:s25] =	ssyncadd.s32 $0xFFFFC000  }
0x46: {  	[spmem:s10] =	stream.linear.scatter [tilespmem:s24], [sflag:$0x4], $0x800, $0x38;
	[tilespmem:$0x1D000] =	vst v63  }
0x47: {  	_ =	swait.ge [sflag:s25], $0x800  }
0x48: {  	[sflag:s25] =	ssyncset.done $0x0  }
0x49: {  	[sflag:s25] =	ssyncadd.s32 $0xFFFFF800  }
0x4a: {  	[bflag:$0x0] =	sbarrier.arrive $0xFFFF  }
0x4b: {  	s8 =	smov.u32 s10;
	s10 =	simm.s32 $0x0;
	s11 =	rddreg [dreg:$0xf]  }
0x4c: {  	[tilespmem:s10], [sflag:$0x3] =	stream.linear.gather [hbm4b:s11+s10], $0x200, $0x38;
	[tilespmem:$0x1D000] =	vst v63  }
0x4d: {  	s23 =	rddreg [dreg:$0xe]  }
0x4e: {  	[tilespmem:s26], [sflag:$0x3] =	stream.linear.gather [hbm4b:s23+s10], $0x200, $0x38;
	[tilespmem:$0x1D000] =	vst v63  }
0x4f: {  	_ =	swait.ge [sflag:s28], $0x200  }
0x50: {  	[sflag:s28] =	ssyncset.done $0x0  }
0x51: {  	[sflag:s28] =	ssyncadd.s32 $0xFFFFFE00  }
0x52: {  	_ =	swait.ge [sflag:s28], $0x200  }
0x53: {  	s9 =	rddreg [dreg:$0x4];
	[sflag:s28] =	ssyncset.done $0x0  }
0x54: {  	s10 =	rddreg [dreg:$0x3];
	[sflag:s28] =	ssyncadd.s32 $0xFFFFFE00;
	s7 =	sadd.s32 $0x0, s9  }
0x55: {  	[tilespmem:s29], [sflag:$0x3] =	stream.linear.gather [hbm4b:s7+s3], $0x200, $0x38;
	[tilespmem:$0x1D000] =	vst v63  }
0x56: {  	s7 =	sadd.s32 $0x0, s10  }
0x57: {  	s9 =	sadd.s32 $0x40, s7  }
0x58: {  	[tilespmem:s30], [sflag:$0x3] =	stream.linear.gather [hbm4b:s9+s3], $0x200, $0x38;
	[tilespmem:$0x1D000] =	vst v63  }
0x59: {  	_ = 	snop  }
0x5a: {  	[tilespmem:s24], [sflag:$0x1] =	stream.indirect.gather [hbm4b:s4+s31], $0x20, s3, s31, $0xb8;
	[tilespmem:$0x1D000] =	vst v63  }
0x5b: {  	_ = 	snop  }
0x5c: {  	[tilespmem:s0], [sflag:$0x1] =	stream.indirect.gather [hbm4b:s4+s31], $0x20, s31, s31, $0xb8;
	[tilespmem:$0x1D000] =	vst v63  }
0x5d: {  	s11 =	rddreg [dreg:$0x5]  }
0x5e: {  	[tilespmem:s2], [sflag:$0x1] =	stream.indirect.gather [hbm4b:s4+s31], $0x20, s11, s31, $0xb8;
	[tilespmem:$0x1D000] =	vst v63  }
0x5f: {  	s23 =	rddreg [dreg:$0x6]  }
0x60: {  	[tilespmem:s12], [sflag:$0x1] =	stream.indirect.gather [hbm4b:s4+s31], $0x20, s23, s31, $0xb8;
	[tilespmem:$0x1D000] =	vst v63  }
0x61: {  	_ =	swait.ge [sflag:s14], $0x1000  }
0x62: {  	[sflag:s14] =	ssyncset.done $0x0  }
0x63: {  	[sflag:s14] =	ssyncadd.s32 $0xFFFFF000  }
0x64: {  	[spmem:s1] =	stream.indirect.scatter.add.f32 [tilespmem:s24], [sflag:$0x2], $0x20, s26, s31, $0xb8;
	[tilespmem:$0x1D000] =	vst v63  }
0x65: {  	_ =	swait.ge [sflag:s14], $0x1000  }
0x66: {  	[sflag:s14] =	ssyncset.done $0x0  }
0x67: {  	s23 =	rddreg [dreg:$0x7];
	[sflag:s14] =	ssyncadd.s32 $0xFFFFF000  }
0x68: {  	[spmem:s1] =	stream.indirect.scatter.add.f32 [tilespmem:s0], [sflag:$0x2], $0x20, s23, s31, $0xb8;
	[tilespmem:$0x1D000] =	vst v63  }
0x69: {  	_ =	swait.ge [sflag:s14], $0x1000  }
0x6a: {  	[sflag:s14] =	ssyncset.done $0x0  }
0x6b: {  	s10 =	rddreg [dreg:$0x8];
	[sflag:s14] =	ssyncadd.s32 $0xFFFFF000  }
0x6c: {  	[spmem:s1] =	stream.indirect.scatter.add.f32 [tilespmem:s2], [sflag:$0x2], $0x20, s10, s31, $0xb8;
	[tilespmem:$0x1D000] =	vst v63  }
0x6d: {  	_ =	swait.ge [sflag:s14], $0x1000  }
0x6e: {  	[sflag:s14] =	ssyncset.done $0x0  }
0x6f: {  	[sflag:s14] =	ssyncadd.s32 $0xFFFFF000  }
0x70: {  	[spmem:s1] =	stream.indirect.scatter.add.f32 [tilespmem:s12], [sflag:$0x2], $0x20, s15, s31, $0xb8;
	[tilespmem:$0x1D000] =	vst v63  }
0x71: {  	_ =	swait.ge [sflag:s16], $0x1000  }
0x72: {  	[sflag:s16] =	ssyncset.done $0x0  }
0x73: {  	[sflag:s16] =	ssyncadd.s32 $0xFFFFF000  }
0x74: {  	_ =	swait.ge [sflag:s16], $0x1000  }
0x75: {  	[sflag:s16] =	ssyncset.done $0x0  }
0x76: {  	[sflag:s16] =	ssyncadd.s32 $0xFFFFF000  }
0x77: {  	_ =	swait.ge [sflag:s16], $0x1000  }
0x78: {  	[sflag:s16] =	ssyncset.done $0x0  }
0x79: {  	[sflag:s16] =	ssyncadd.s32 $0xFFFFF000  }
0x7a: {  	_ =	swait.ge [sflag:s16], $0x1000  }
0x7b: {  	[sflag:s16] =	ssyncset.done $0x0  }
0x7c: {  	[sflag:s16] =	ssyncadd.s32 $0xFFFFF000  }
0x7d: {  	_ =	swait.ge [sflag:s28], $0x200  }
0x7e: {  	[sflag:s28] =	ssyncset.done $0x0  }
0x7f: {  	[sflag:s28] =	ssyncadd.s32 $0xFFFFFE00  }
0x80: {  	_ =	swait.ge [sflag:s28], $0x200  }
0x81: {  	s23 =	rddreg [dreg:$0x18]  }
0x82: {  	[sflag:s28] =	ssyncset.done $0x0;
	s11 =	sshrl.u32 s23, $0x3  }
0x83: {  	[sflag:s28] =	ssyncadd.s32 $0xFFFFFE00;
	s9 =	sadd.s32 s5, s11  }
0x84: {  	[tilespmem:s3], [sflag:$0x3] =	stream.linear.gather [hbm4b:s9+s3], $0x200, $0x38;
	[tilespmem:$0x1D000] =	vst v63  }
0x85: {  	s7 =	sadd.s32 $0x80, s7  }
0x86: {  	[tilespmem:s26], [sflag:$0x3] =	stream.linear.gather [hbm4b:s7+s3], $0x200, $0x38;
	[tilespmem:$0x1D000] =	vst v63  }
0x87: {  	_ = 	snop  }
0x88: {  	[tilespmem:s24], [sflag:$0x1] =	stream.indirect.gather [hbm4b:s4+s31], $0x20, s29, s31, $0xb8;
	[tilespmem:$0x1D000] =	vst v63  }
0x89: {  	_ = 	snop  }
0x8a: {  	[tilespmem:s0], [sflag:$0x1] =	stream.indirect.gather [hbm4b:s4+s31], $0x20, s17, s31, $0xb8;
	[tilespmem:$0x1D000] =	vst v63  }
0x8b: {  	_ = 	snop  }
0x8c: {  	[tilespmem:s2], [sflag:$0x1] =	stream.indirect.gather [hbm4b:s4+s31], $0x20, s18, s31, $0xb8;
	[tilespmem:$0x1D000] =	vst v63  }
0x8d: {  	_ = 	snop  }
0x8e: {  	[tilespmem:s12], [sflag:$0x1] =	stream.indirect.gather [hbm4b:s4+s31], $0x20, s19, s31, $0xb8;
	[tilespmem:$0x1D000] =	vst v63  }
0x8f: {  	_ =	swait.ge [sflag:s14], $0x1000  }
0x90: {  	[sflag:s14] =	ssyncset.done $0x0  }
0x91: {  	[sflag:s14] =	ssyncadd.s32 $0xFFFFF000  }
0x92: {  	[spmem:s1] =	stream.indirect.scatter.add.f32 [tilespmem:s24], [sflag:$0x2], $0x20, s30, s31, $0xb8;
	[tilespmem:$0x1D000] =	vst v63  }
0x93: {  	_ =	swait.ge [sflag:s14], $0x1000  }
0x94: {  	[sflag:s14] =	ssyncset.done $0x0  }
0x95: {  	[sflag:s14] =	ssyncadd.s32 $0xFFFFF000  }
0x96: {  	[spmem:s1] =	stream.indirect.scatter.add.f32 [tilespmem:s0], [sflag:$0x2], $0x20, s20, s31, $0xb8;
	[tilespmem:$0x1D000] =	vst v63  }
0x97: {  	_ =	swait.ge [sflag:s14], $0x1000  }
0x98: {  	[sflag:s14] =	ssyncset.done $0x0  }
0x99: {  	[sflag:s14] =	ssyncadd.s32 $0xFFFFF000  }
0x9a: {  	[spmem:s1] =	stream.indirect.scatter.add.f32 [tilespmem:s2], [sflag:$0x2], $0x20, s21, s31, $0xb8;
	[tilespmem:$0x1D000] =	vst v63  }
0x9b: {  	_ =	swait.ge [sflag:s14], $0x1000  }
0x9c: {  	[sflag:s14] =	ssyncset.done $0x0  }
0x9d: {  	[sflag:s14] =	ssyncadd.s32 $0xFFFFF000  }
0x9e: {  	[spmem:s1] =	stream.indirect.scatter.add.f32 [tilespmem:s12], [sflag:$0x2], $0x20, s22, s31, $0xb8;
	[tilespmem:$0x1D000] =	vst v63  }
0x9f: {  	_ =	swait.ge [sflag:s16], $0x1000  }
0xa0: {  	[sflag:s16] =	ssyncset.done $0x0  }
0xa1: {  	[sflag:s16] =	ssyncadd.s32 $0xFFFFF000  }
0xa2: {  	_ =	swait.ge [sflag:s16], $0x1000  }
0xa3: {  	[sflag:s16] =	ssyncset.done $0x0  }
0xa4: {  	[sflag:s16] =	ssyncadd.s32 $0xFFFFF000  }
0xa5: {  	_ =	swait.ge [sflag:s16], $0x1000  }
0xa6: {  	[sflag:s16] =	ssyncset.done $0x0  }
0xa7: {  	[sflag:s16] =	ssyncadd.s32 $0xFFFFF000  }
0xa8: {  	s7 =	simm.s32 $0x80;
	_ =	swait.ge [sflag:s16], $0x1000  }
.LBB2_4:
0xa9: {  	[sflag:s16] =	ssyncset.done $0x0  }
0xaa: {  	[sflag:s16] =	ssyncadd.s32 $0xFFFFF000  }
0xab: {  	_ =	swait.ge [sflag:s28], $0x200  }
0xac: {  	[sflag:s28] =	ssyncset.done $0x0  }
0xad: {  	[sflag:s28] =	ssyncadd.s32 $0xFFFFFE00  }
0xae: {  	_ =	swait.ge [sflag:s28], $0x200  }
0xaf: {  	s10 =	rddreg [dreg:$0x4]  }
0xb0: {  	s9 =	smov.u32 s7;
	s11 =	rddreg [dreg:$0x3];
	[sflag:s28] =	ssyncset.done $0x0  }
0xb1: {  	[sflag:s28] =	ssyncadd.s32 $0xFFFFFE00;
	s10 =	sadd.s32 s9, s10;
	s9 =	sadd.s32 s9, s11  }
0xb2: {  	[tilespmem:s29], [sflag:$0x3] =	stream.linear.gather [hbm4b:s10+s3], $0x200, $0x38;
	[tilespmem:$0x1D000] =	vst v63  }
0xb3: {  	s11 =	sadd.s32 $0x40, s9  }
0xb4: {  	[tilespmem:s30], [sflag:$0x3] =	stream.linear.gather [hbm4b:s11+s3], $0x200, $0x38;
	[tilespmem:$0x1D000] =	vst v63  }
0xb5: {  	_ = 	snop  }
0xb6: {  	[tilespmem:s24], [sflag:$0x1] =	stream.indirect.gather [hbm4b:s4+s31], $0x20, s3, s31, $0xb8;
	[tilespmem:$0x1D000] =	vst v63  }
0xb7: {  	_ = 	snop  }
0xb8: {  	[tilespmem:s0], [sflag:$0x1] =	stream.indirect.gather [hbm4b:s4+s31], $0x20, s31, s31, $0xb8;
	[tilespmem:$0x1D000] =	vst v63  }
0xb9: {  	s10 =	rddreg [dreg:$0x5]  }
0xba: {  	[tilespmem:s2], [sflag:$0x1] =	stream.indirect.gather [hbm4b:s4+s31], $0x20, s10, s31, $0xb8;
	[tilespmem:$0x1D000] =	vst v63  }
0xbb: {  	s11 =	rddreg [dreg:$0x6]  }
0xbc: {  	[tilespmem:s12], [sflag:$0x1] =	stream.indirect.gather [hbm4b:s4+s31], $0x20, s11, s31, $0xb8;
	[tilespmem:$0x1D000] =	vst v63  }
0xbd: {  	_ =	swait.ge [sflag:s14], $0x1000  }
0xbe: {  	[sflag:s14] =	ssyncset.done $0x0  }
0xbf: {  	[sflag:s14] =	ssyncadd.s32 $0xFFFFF000  }
0xc0: {  	[spmem:s1] =	stream.indirect.scatter.add.f32 [tilespmem:s24], [sflag:$0x2], $0x20, s26, s31, $0xb8;
	[tilespmem:$0x1D000] =	vst v63  }
0xc1: {  	_ =	swait.ge [sflag:s14], $0x1000  }
0xc2: {  	[sflag:s14] =	ssyncset.done $0x0  }
0xc3: {  	s11 =	rddreg [dreg:$0x7];
	[sflag:s14] =	ssyncadd.s32 $0xFFFFF000  }
0xc4: {  	[spmem:s1] =	stream.indirect.scatter.add.f32 [tilespmem:s0], [sflag:$0x2], $0x20, s11, s31, $0xb8;
	[tilespmem:$0x1D000] =	vst v63  }
0xc5: {  	_ =	swait.ge [sflag:s14], $0x1000  }
0xc6: {  	[sflag:s14] =	ssyncset.done $0x0  }
0xc7: {  	s11 =	rddreg [dreg:$0x8];
	[sflag:s14] =	ssyncadd.s32 $0xFFFFF000  }
0xc8: {  	[spmem:s1] =	stream.indirect.scatter.add.f32 [tilespmem:s2], [sflag:$0x2], $0x20, s11, s31, $0xb8;
	[tilespmem:$0x1D000] =	vst v63  }
0xc9: {  	_ =	swait.ge [sflag:s14], $0x1000  }
0xca: {  	[sflag:s14] =	ssyncset.done $0x0  }
0xcb: {  	[sflag:s14] =	ssyncadd.s32 $0xFFFFF000  }
0xcc: {  	[spmem:s1] =	stream.indirect.scatter.add.f32 [tilespmem:s12], [sflag:$0x2], $0x20, s15, s31, $0xb8;
	[tilespmem:$0x1D000] =	vst v63  }
0xcd: {  	_ =	swait.ge [sflag:s16], $0x1000  }
0xce: {  	[sflag:s16] =	ssyncset.done $0x0  }
0xcf: {  	[sflag:s16] =	ssyncadd.s32 $0xFFFFF000  }
0xd0: {  	_ =	swait.ge [sflag:s16], $0x1000  }
0xd1: {  	[sflag:s16] =	ssyncset.done $0x0  }
0xd2: {  	[sflag:s16] =	ssyncadd.s32 $0xFFFFF000  }
0xd3: {  	_ =	swait.ge [sflag:s16], $0x1000  }
0xd4: {  	[sflag:s16] =	ssyncset.done $0x0  }
0xd5: {  	[sflag:s16] =	ssyncadd.s32 $0xFFFFF000  }
0xd6: {  	_ =	swait.ge [sflag:s16], $0x1000  }
0xd7: {  	[sflag:s16] =	ssyncset.done $0x0  }
0xd8: {  	[sflag:s16] =	ssyncadd.s32 $0xFFFFF000  }
0xd9: {  	_ =	swait.ge [sflag:s28], $0x200  }
0xda: {  	[sflag:s28] =	ssyncset.done $0x0  }
0xdb: {  	[sflag:s28] =	ssyncadd.s32 $0xFFFFFE00  }
0xdc: {  	s23 =	sadd.s32 $0x400, s23;
	_ =	swait.ge [sflag:s28], $0x200  }
0xdd: {  	s11 =	sshrl.u32 s23, $0x3;
	[sflag:s28] =	ssyncset.done $0x0  }
0xde: {  	s10 =	sadd.s32 s5, s11;
	[sflag:s28] =	ssyncadd.s32 $0xFFFFFE00  }
0xdf: {  	[tilespmem:s3], [sflag:$0x3] =	stream.linear.gather [hbm4b:s10+s3], $0x200, $0x38;
	[tilespmem:$0x1D000] =	vst v63  }
0xe0: {  	s9 =	sadd.s32 $0x80, s9  }
0xe1: {  	[tilespmem:s26], [sflag:$0x3] =	stream.linear.gather [hbm4b:s9+s3], $0x200, $0x38;
	[tilespmem:$0x1D000] =	vst v63  }
0xe2: {  	_ = 	snop  }
0xe3: {  	[tilespmem:s24], [sflag:$0x1] =	stream.indirect.gather [hbm4b:s4+s31], $0x20, s29, s31, $0xb8;
	[tilespmem:$0x1D000] =	vst v63  }
0xe4: {  	_ = 	snop  }
0xe5: {  	[tilespmem:s0], [sflag:$0x1] =	stream.indirect.gather [hbm4b:s4+s31], $0x20, s17, s31, $0xb8;
	[tilespmem:$0x1D000] =	vst v63  }
0xe6: {  	_ = 	snop  }
0xe7: {  	[tilespmem:s2], [sflag:$0x1] =	stream.indirect.gather [hbm4b:s4+s31], $0x20, s18, s31, $0xb8;
	[tilespmem:$0x1D000] =	vst v63  }
0xe8: {  	_ = 	snop  }
0xe9: {  	[tilespmem:s12], [sflag:$0x1] =	stream.indirect.gather [hbm4b:s4+s31], $0x20, s19, s31, $0xb8;
	[tilespmem:$0x1D000] =	vst v63  }
0xea: {  	_ =	swait.ge [sflag:s14], $0x1000  }
0xeb: {  	[sflag:s14] =	ssyncset.done $0x0  }
0xec: {  	[sflag:s14] =	ssyncadd.s32 $0xFFFFF000  }
0xed: {  	[spmem:s1] =	stream.indirect.scatter.add.f32 [tilespmem:s24], [sflag:$0x2], $0x20, s30, s31, $0xb8;
	[tilespmem:$0x1D000] =	vst v63  }
0xee: {  	_ =	swait.ge [sflag:s14], $0x1000  }
0xef: {  	[sflag:s14] =	ssyncset.done $0x0  }
0xf0: {  	[sflag:s14] =	ssyncadd.s32 $0xFFFFF000  }
0xf1: {  	[spmem:s1] =	stream.indirect.scatter.add.f32 [tilespmem:s0], [sflag:$0x2], $0x20, s20, s31, $0xb8;
	[tilespmem:$0x1D000] =	vst v63  }
0xf2: {  	_ =	swait.ge [sflag:s14], $0x1000  }
0xf3: {  	[sflag:s14] =	ssyncset.done $0x0  }
0xf4: {  	[sflag:s14] =	ssyncadd.s32 $0xFFFFF000  }
0xf5: {  	[spmem:s1] =	stream.indirect.scatter.add.f32 [tilespmem:s2], [sflag:$0x2], $0x20, s21, s31, $0xb8;
	[tilespmem:$0x1D000] =	vst v63  }
0xf6: {  	_ =	swait.ge [sflag:s14], $0x1000  }
0xf7: {  	[sflag:s14] =	ssyncset.done $0x0  }
0xf8: {  	[sflag:s14] =	ssyncadd.s32 $0xFFFFF000  }
0xf9: {  	[spmem:s1] =	stream.indirect.scatter.add.f32 [tilespmem:s12], [sflag:$0x2], $0x20, s22, s31, $0xb8;
	[tilespmem:$0x1D000] =	vst v63  }
0xfa: {  	_ =	swait.ge [sflag:s16], $0x1000  }
0xfb: {  	[sflag:s16] =	ssyncset.done $0x0  }
0xfc: {  	[sflag:s16] =	ssyncadd.s32 $0xFFFFF000  }
0xfd: {  	_ =	swait.ge [sflag:s16], $0x1000  }
0xfe: {  	p0 =	sne.s32 s7, $0x1880;
	[sflag:s16] =	ssyncset.done $0x0  }
.Ltmp1:
0xff: {  	[sflag:s16] =	ssyncadd.s32 $0xFFFFF000;
	(pc) =	sbr.rel @p0 .LBB2_4-.Ltmp1, $4  }
0x100: {  	_ =	swait.ge [sflag:s16], $0x1000  }
0x101: {  	[sflag:s16] =	ssyncset.done $0x0  }
0x102: {  	[sflag:s16] =	ssyncadd.s32 $0xFFFFF000  }
0x103: {  	s7 =	sadd.s32 $0x80, s7;
	_ =	swait.ge [sflag:s16], $0x1000  }
0x104: {  	[sflag:s16] =	ssyncset.done $0x0  }
0x105: {  	[sflag:s16] =	ssyncadd.s32 $0xFFFFF000  }
0x106: {  	_ =	swait.ge [sflag:s28], $0x200  }
0x107: {  	[sflag:s28] =	ssyncset.done $0x0  }
0x108: {  	[sflag:s28] =	ssyncadd.s32 $0xFFFFFE00  }
0x109: {  	_ =	swait.ge [sflag:s28], $0x200  }
0x10a: {  	[sflag:s28] =	ssyncset.done $0x0  }
0x10b: {  	[sflag:s28] =	ssyncadd.s32 $0xFFFFFE00  }
0x10c: {  	[bflag:$0x0] =	sbarrier.arrive $0xFFFF  }
0x10d: {  	[tilespmem:s24], [sflag:$0x4] =	stream.linear.gather [spmem:s13], $0x4000, $0x38;
	[tilespmem:$0x1D000] =	vst v63  }
0x10e: {  	_ =	swait.ge [sflag:s25], $0x4000  }
0x10f: {  	[sflag:s25] =	ssyncset.done $0x0  }
0x110: {  	s7 =	rddreg [dreg:$0x10];
	[sflag:s25] =	ssyncadd.s32 $0xFFFFC000  }
0x111: {  	[hbm4b:s7+s3] =	stream.linear.scatter [tilespmem:s24], [sflag:$0x4], $0x4000, $0x38;
	[tilespmem:$0x1D000] =	vst v63  }
0x112: {  	_ =	swait.ge [sflag:s25], $0x4000  }
0x113: {  	[sflag:s25] =	ssyncset.done $0x0  }
0x114: {  	s9 =	rddreg [dreg:$0x9];
	[sflag:s25] =	ssyncadd.s32 $0xFFFFC000  }
0x115: {  	[tilespmem:s24], [sflag:$0x4] =	stream.linear.gather [spmem:s9], $0x4000, $0x38;
	[tilespmem:$0x1D000] =	vst v63  }
0x116: {  	_ =	swait.ge [sflag:s25], $0x4000  }
0x117: {  	[sflag:s25] =	ssyncset.done $0x0  }
0x118: {  	s10 =	rddreg [dreg:$0x11];
	[sflag:s25] =	ssyncadd.s32 $0xFFFFC000  }
0x119: {  	[hbm4b:s10+s3] =	stream.linear.scatter [tilespmem:s24], [sflag:$0x4], $0x4000, $0x38;
	[tilespmem:$0x1D000] =	vst v63  }
0x11a: {  	_ =	swait.ge [sflag:s25], $0x4000  }
0x11b: {  	[sflag:s25] =	ssyncset.done $0x0  }
0x11c: {  	s11 =	smov.u32 s13;
	s13 =	rddreg [dreg:$0xa];
	[sflag:s25] =	ssyncadd.s32 $0xFFFFC000  }
0x11d: {  	[tilespmem:s24], [sflag:$0x4] =	stream.linear.gather [spmem:s13], $0x4000, $0x38;
	[tilespmem:$0x1D000] =	vst v63  }
0x11e: {  	_ =	swait.ge [sflag:s25], $0x4000  }
0x11f: {  	[sflag:s25] =	ssyncset.done $0x0  }
0x120: {  	s23 =	rddreg [dreg:$0x12];
	[sflag:s25] =	ssyncadd.s32 $0xFFFFC000  }
0x121: {  	[hbm4b:s23+s3] =	stream.linear.scatter [tilespmem:s24], [sflag:$0x4], $0x4000, $0x38;
	[tilespmem:$0x1D000] =	vst v63  }
0x122: {  	_ =	swait.ge [sflag:s25], $0x4000  }
0x123: {  	[sflag:s25] =	ssyncset.done $0x0  }
0x124: {  	s9 =	rddreg [dreg:$0xb];
	[sflag:s25] =	ssyncadd.s32 $0xFFFFC000  }
0x125: {  	[tilespmem:s24], [sflag:$0x4] =	stream.linear.gather [spmem:s9], $0x4000, $0x38;
	[tilespmem:$0x1D000] =	vst v63  }
0x126: {  	_ =	swait.ge [sflag:s25], $0x4000  }
0x127: {  	[sflag:s25] =	ssyncset.done $0x0  }
0x128: {  	s10 =	rddreg [dreg:$0x13];
	[sflag:s25] =	ssyncadd.s32 $0xFFFFC000  }
0x129: {  	[hbm4b:s10+s3] =	stream.linear.scatter [tilespmem:s24], [sflag:$0x4], $0x4000, $0x38;
	[tilespmem:$0x1D000] =	vst v63  }
0x12a: {  	_ =	swait.ge [sflag:s25], $0x4000  }
0x12b: {  	[sflag:s25] =	ssyncset.done $0x0  }
0x12c: {  	s13 =	rddreg [dreg:$0xc];
	[sflag:s25] =	ssyncadd.s32 $0xFFFFC000  }
0x12d: {  	[tilespmem:s24], [sflag:$0x4] =	stream.linear.gather [spmem:s13], $0x4000, $0x38;
	[tilespmem:$0x1D000] =	vst v63  }
0x12e: {  	_ =	swait.ge [sflag:s25], $0x4000  }
0x12f: {  	[sflag:s25] =	ssyncset.done $0x0  }
0x130: {  	s23 =	rddreg [dreg:$0x14];
	[sflag:s25] =	ssyncadd.s32 $0xFFFFC000  }
0x131: {  	[hbm4b:s23+s3] =	stream.linear.scatter [tilespmem:s24], [sflag:$0x4], $0x4000, $0x38;
	[tilespmem:$0x1D000] =	vst v63  }
0x132: {  	_ =	swait.ge [sflag:s25], $0x4000  }
0x133: {  	[sflag:s25] =	ssyncset.done $0x0  }
0x134: {  	s9 =	rddreg [dreg:$0xd];
	[sflag:s25] =	ssyncadd.s32 $0xFFFFC000  }
0x135: {  	[tilespmem:s24], [sflag:$0x4] =	stream.linear.gather [spmem:s9], $0x4000, $0x38;
	[tilespmem:$0x1D000] =	vst v63  }
0x136: {  	_ =	swait.ge [sflag:s25], $0x4000  }
0x137: {  	[sflag:s25] =	ssyncset.done $0x0  }
0x138: {  	s10 =	rddreg [dreg:$0x15];
	[sflag:s25] =	ssyncadd.s32 $0xFFFFC000  }
0x139: {  	[hbm4b:s10+s3] =	stream.linear.scatter [tilespmem:s24], [sflag:$0x4], $0x4000, $0x38;
	[tilespmem:$0x1D000] =	vst v63  }
0x13a: {  	_ =	swait.ge [sflag:s25], $0x4000  }
0x13b: {  	[sflag:s25] =	ssyncset.done $0x0  }
0x13c: {  	[sflag:s25] =	ssyncadd.s32 $0xFFFFC000  }
0x13d: {  	[tilespmem:s24], [sflag:$0x4] =	stream.linear.gather [spmem:s8], $0x800, $0x38;
	[tilespmem:$0x1D000] =	vst v63  }
0x13e: {  	_ =	swait.ge [sflag:s25], $0x800  }
0x13f: {  	[sflag:s25] =	ssyncset.done $0x0  }
0x140: {  	s13 =	rddreg [dreg:$0x16];
	[sflag:s25] =	ssyncadd.s32 $0xFFFFF800  }
0x141: {  	[hbm4b:s13+s3] =	stream.linear.scatter [tilespmem:s24], [sflag:$0x4], $0x800, $0x38;
	[tilespmem:$0x1D000] =	vst v63  }
0x142: {  	_ =	swait.ge [sflag:s25], $0x800  }
0x143: {  	s6 =	sadd.s32 $0x1, s6;
	s23 =	rddreg [dreg:$0x17]  }
0x144: {  	p0 =	sne.s32 s6, s23  }
.Ltmp2:
0x145: {  	_ = 	snop;
	(pc) =	sbr.rel @p0 .LBB2_1-.Ltmp2, $3  }
0x146: {  	_ =	sdelay $0x1  }
0x147: {  	[sflag:s25] =	ssyncset.done $0x0  }
0x148: {  	s10 =	smov.u32 s8;
	[sflag:s25] =	ssyncadd.s32 $0xFFFFF800  }
0x149: {  	_ =	sfence.sel $0x180000  }
0x14a: {  	[bflag:$0x0] =	sbarrier.arrive $0xFFFF  }
0x14b: {  	_ =	strace $0x9000004A  }
0x14c: {  	s0 =	stileid.u32;
	[bflag:$0x2] =	sbarrier.arrive $0xFFFF  }
0x14d: {  	p0 =	sne.s32 s0, $0x0;
	s0 =	rddreg [dreg:$0x2]  }
0x14e: {  	s0 =	sadd.s32 @!p0 $0x100000, s0  }
0x14f: {  	[sflag:s0] =	ssyncadd.tile.s32 @!p0 $0x1;
	_ =	shalt  }
.Lfunc_end2:
_tile_overlayer_lowered:
.L_overlay_start_2:
0x150: {  	(tag) =	ssettag $0x2  }
0x151: {  	s0 =	rddreg [dreg:$0x0];
	s2 =	stileid.u32  }
0x152: {  	s1 =	rddreg [dreg:$0x1];
	p0 =	sne.s32 s2, $0x0  }
0x153: {  	s3 =	rddreg [dreg:$0x2];
	[bflag:$0x3] =	sbarrier.arrive $0xFFFF;
	s2 =	simm.s32 @!p0 $0x1C04  }
0x154: {  	[timem:s3], [sflag:s2] =	dma.local @!p0 [hbm:s0], s1  }
0x155: {  	s0 =	simm.s32 @!p0 $0x4  }
0x156: {  	_ =	swait.ge @!p0 [sflag:s0], s1  }
0x157: {  	s1 =	ssub.s32 @!p0 $0x0, s1;
	[sflag:s0] =	ssyncset.done @!p0 $0x0  }
0x158: {  	[sflag:s0] =	ssyncadd.s32 @!p0 s1  }
0x159: {  	[bflag:$0x3] =	sbarrier.arrive $0xFFFF  }
0x15a: {  	_ =	shalt  }

// kernel: kernel.16.cloned.1.call-start
scs
__scs_entry_jumppad:
0x0: {  	(pc) =	sbr.rel $0x88, $3  }
0x1: {  	(tag) =	ssettag $0x0;
	lr =	simm.s32 $0x1  }
0x2: {  	[smem:$0x3F96] =	sst lr;
	_ =	strace $0xD0000000  }
0x3: {  	_ = 	snop  }
0x4: {  	_ = 	snop  }
0x5: {  	_ = 	snop  }
0x6: {  	_ = 	snop  }
0x7: {  	_ = 	snop  }
__scs_overlays_trampoline_lowered:
0x8: {  	[smem:$0x3FA5] =	sst s0  }
0x9: {  	[smem:$0x3FA6] =	sst s1  }
0xa: {  	[smem:$0x3FA7] =	sst s2  }
0xb: {  	[smem:$0x3FA8] =	sst s3  }
0xc: {  	[smem:$0x3FA9] =	sst s4  }
0xd: {  	[smem:$0x3FAA] =	sst s5  }
0xe: {  	[smem:$0x3FAB] =	sst s6  }
0xf: {  	[smem:$0x3FAC] =	sst s7  }
0x10: {  	[smem:$0x3FAD] =	sst s8  }
0x11: {  	[smem:$0x3FAE] =	sst s9;
	s0 =	simm.s32 @!p0 $0x0  }
0x12: {  	s1 =	sld [smem:$0x3F94];
	s0 =	simm.s32 @p0 $0x1  }
0x13: {  	[smem:$0x3FAF] =	sst s0;
	s0 =	simm.s32 @!p1 $0x0  }
0x14: {  	s2 =	sld [smem:$0x3F93];
	s0 =	simm.s32 @p1 $0x1  }
0x15: {  	[smem:$0x3FB0] =	sst s0;
	s0 =	simm.s32 @!p2 $0x0  }
0x16: {  	s3 =	sld [smem:$0x3FDB];
	s0 =	simm.s32 @p2 $0x1  }
0x17: {  	s4 =	simm.s32 $0x1BF5;
	[smem:$0x3FB2] =	sst s0  }
0x18: {  	s0 =	sld [smem:$0x3F95];
	_ =	swait.ge [sflag:s4], $0x0  }
0x19: {  	s7 =	sld [smem:$0x3F96]  }
0x1a: {  	s8 =	sadd.s32 $0xFFFFE003, lr  }
0x1b: {  	s9 =	sadd.s32 $0xFFFFFEF7, lr;
	s5 =	simm.s32 $0xFFFFFFFF;
	p2 =	slt.u32 s8, $0xFFFFF086  }
0x1c: {  	p1 =	slt.u32 s9, $0xF7A;
	s5 =	simm.s32 @!p2 $0x0  }
0x1d: {  	s5 =	simm.s32 @p1 $0x1;
	p0 =	seq.s32 s7, s2  }
0x1e: {  	s7 =	smul.u32 @!p0 $0xF7A, s2;
	p2 =	seq.s32 @!p0 s5, $0x0  }
0x1f: {  	s9 =	smul.u32 $0xF7A, s1;
	s8 =	simm.s32 @!p0 $0x1BF5;
	p2 =	por !p2, p0  }
0x20: {  	[sflag:s8] =	ssyncset.s32 @!p0 $0xFFFFF086;
	s6 =	sadd.s32 @!p0 s3, s7;
	s7 =	simm.s32 @!p0 $0x108  }
0x21: {  	s3 =	sadd.s32 s3, s9;
	s6 =	sadd.s32 @!p0 $0x88, s6;
	s7 =	simm.s32 @p2 $0x1082  }
0x22: {  	[simem:s7], [sflag:s8] =	dma.local @!p0 [hbm:s6], $0xF7A  }
0x23: {  	s9 =	sor.u32 $0xD0000000, s2;
	s6 =	simm.s32 $0x108;
	_ =	swait.ge @!p0 [sflag:s8], $0x0  }
0x24: {  	s3 =	sadd.s32 $0x88, s3;
	s6 =	simm.s32 @!p1 $0x1082;
	[sflag:s4] =	ssyncset.s32 $0xFFFFF086  }
0x25: {  	[simem:s6], [sflag:s4] =	dma.local [hbm:s3], $0xF7A  }
0x26: {  	[smem:$0x3F96] =	sst s1;
	(tag) =	ssettag s2;
	_ =	strace s9  }
0x27: {  	s1 =	sld [smem:$0x3FA6]  }
0x28: {  	s2 =	sld [smem:$0x3FA7]  }
0x29: {  	s4 =	sld [smem:$0x3FA9]  }
0x2a: {  	p0 =	seq.s32 s5, $0x0;
	s5 =	sld [smem:$0x3FAA]  }
0x2b: {  	s6 =	sld [smem:$0x3FAB]  }
0x2c: {  	s7 =	sld [smem:$0x3FAC]  }
0x2d: {  	s3 =	simm.s32 $0x108;
	s8 =	sld [smem:$0x3FAD]  }
0x2e: {  	s3 =	simm.s32 @!p0 $0x1082;
	s9 =	sld [smem:$0x3FAE]  }
0x2f: {  	lr =	sadd.s32 s0, s3;
	s0 =	sld [smem:$0x3FA5]  }
0x30: {  	s3 =	sld [smem:$0x3FA8]  }
0x31: {  	[smem:$0x3FB1] =	sst s10  }
0x32: {  	s10 =	sld [smem:$0x3FAF];
	_ =	sdelay $0x3  }
0x33: {  	p0 =	seq.s32 s10, $0x1;
	s10 =	sld [smem:$0x3FB1];
	_ =	sdelay $0x3  }
0x34: {  	[smem:$0x3FB1] =	sst s10  }
0x35: {  	s10 =	sld [smem:$0x3FB0];
	_ =	sdelay $0x3  }
0x36: {  	p1 =	seq.s32 s10, $0x1;
	s10 =	sld [smem:$0x3FB1];
	_ =	sdelay $0x3  }
0x37: {  	[smem:$0x3FB1] =	sst s10  }
0x38: {  	s10 =	sld [smem:$0x3FB2]  }
0x39: {  	_ = 	snop;
	(pc) =	sbr.ind lr, $3  }
0x3a: {  	_ = 	snop  }
0x3b: {  	_ = 	snop  }
0x3c: {  	p2 =	seq.s32 s10, $0x1;
	s10 =	sld [smem:$0x3FB1]  }
0x3d: {  	_ =	shalt  }
0x3e: {  	_ =	shalt  }
0x3f: {  	_ =	shalt  }
0x40: {  	_ =	shalt  }
0x41: {  	_ =	shalt  }
0x42: {  	_ =	shalt  }
0x43: {  	_ =	shalt  }
0x44: {  	_ =	shalt  }
0x45: {  	_ =	shalt  }
0x46: {  	_ =	shalt  }
0x47: {  	_ =	shalt  }
0x48: {  	_ =	shalt  }
0x49: {  	_ =	shalt  }
0x4a: {  	_ =	shalt  }
0x4b: {  	_ =	shalt  }
0x4c: {  	_ =	shalt  }
0x4d: {  	_ =	shalt  }
0x4e: {  	_ =	shalt  }
0x4f: {  	_ =	shalt  }
0x50: {  	_ =	shalt  }
0x51: {  	_ =	shalt  }
0x52: {  	_ =	shalt  }
0x53: {  	_ =	shalt  }
0x54: {  	_ =	shalt  }
0x55: {  	_ =	shalt  }
0x56: {  	_ =	shalt  }
0x57: {  	_ =	shalt  }
0x58: {  	_ =	shalt  }
0x59: {  	_ =	shalt  }
0x5a: {  	_ =	shalt  }
0x5b: {  	_ =	shalt  }
0x5c: {  	_ =	shalt  }
0x5d: {  	_ =	shalt  }
0x5e: {  	_ =	shalt  }
0x5f: {  	_ =	shalt  }
0x60: {  	_ =	shalt  }
0x61: {  	_ =	shalt  }
0x62: {  	_ =	shalt  }
0x63: {  	_ =	shalt  }
0x64: {  	_ =	shalt  }
0x65: {  	_ =	shalt  }
0x66: {  	_ =	shalt  }
0x67: {  	_ =	shalt  }
0x68: {  	_ =	shalt  }
0x69: {  	_ =	shalt  }
0x6a: {  	_ =	shalt  }
0x6b: {  	_ =	shalt  }
0x6c: {  	_ =	shalt  }
0x6d: {  	_ =	shalt  }
0x6e: {  	_ =	shalt  }
0x6f: {  	_ =	shalt  }
0x70: {  	_ =	shalt  }
0x71: {  	_ =	shalt  }
0x72: {  	_ =	shalt  }
0x73: {  	_ =	shalt  }
0x74: {  	_ =	shalt  }
0x75: {  	_ =	shalt  }
0x76: {  	_ =	shalt  }
0x77: {  	_ =	shalt  }
0x78: {  	_ =	shalt  }
0x79: {  	_ =	shalt  }
0x7a: {  	_ =	shalt  }
0x7b: {  	_ =	shalt  }
0x7c: {  	_ =	shalt  }
0x7d: {  	_ =	shalt  }
0x7e: {  	_ =	shalt  }
0x7f: {  	_ =	shalt  }
0x80: {  	_ =	shalt  }
0x81: {  	_ =	shalt  }
0x82: {  	_ =	shalt  }
0x83: {  	_ =	shalt  }
0x84: {  	_ =	shalt  }
0x85: {  	_ =	shalt  }
0x86: {  	_ =	shalt  }
0x87: {  	_ =	shalt  }
.Lfunc_end0:
.L_simem_size_0:
called_computation.2_lowered:
.L_overlay_start_0:
0x88: {  	s2 =	sld [smem:$0x3FD9]  }
0x89: {  	s3 =	sld [smem:$0x3FFE];
	_ =	sdelay $0x1  }
0x8a: {  	s1 =	srdreg.scid  }
0x8b: {  	s0 =	sand.u32 $0x1, s1  }
0x8c: {  	s16 =	sshll.u32 s0, $0xA;
	s2 =	sadd.s32 s3, s2  }
0x8d: {  	s2 =	sadd.s32 s2, s16  }
0x8e: {  	[smem:$0x3FBD] =	sst s2  }
0x8f: {  	_ = 	snop  }
0x90: {  	(tm) =	ssettm $0x1  }
0x91: {  	s17 =	sld [smem:$0x3FFB];
	_ =	sdelay $0x3  }
0x92: {  	_ =	strace s17  }
0x93: {  	s2 =	sld [smem:$0x3FFC];
	_ =	sdelay $0x3  }
0x94: {  	_ =	strace s2  }
0x95: {  	s2 =	sld [smem:$0x3FFD];
	_ =	sdelay $0x3  }
0x96: {  	_ =	strace s2  }
0x97: {  	_ =	strace $0x8FFFFFFF  }
0x98: {  	s18 =	sld [smem:$0x3FDB];
	_ =	sdelay $0x1  }
0x99: {  	s19 =	simm.s32 $_scs_section_size  }
0x9a: {  	s4 =	simm.s32 $_size__tile_overlayer_lowered;
	s5 =	simm.s32 $_tile_overlayer_lowered  }
0x9b: {  	s22 =	simm.s32 $0x1BFF;
	s21 =	sshll.u32 s5, $0x1;
	s2 =	sadd.s32 s19, s18  }
0x9c: {  	s6 =	simm.s32 $0x0;
	s20 =	sshll.u32 s4, $0x1;
	s4 =	sadd.s32 s21, s2  }
0x9d: {  	[timem:s6], [sflag:s22] =	dma.local [hbm:s4], s20  }
0x9e: {  	_ =	swait.ge [sflag:s22], s20  }
0x9f: {  	s3 =	ssub.s32 $0x0, s20;
	[sflag:s22] =	ssyncset.done $0x0  }
0xa0: {  	[sflag:s22] =	ssyncadd.s32 s3;
	_ =	sdelay $0x1  }
0xa1: {  	s23 =	simm.s32 $0x1B8B  }
0xa2: {  	_ =	swait.ge [sflag:s23], $0x1  }
0xa3: {  	[sflag:s23] =	ssyncset.done $0x0  }
0xa4: {  	s25 =	simm.s32 $0x1B8E;
	s24 =	sld [smem:$0x3FFE];
	[sflag:s23] =	ssyncadd.s32 $0xFFFFFFFF  }
0xa5: {  	s26 =	simm.s32 $execute0_lowered;
	[smem:$0x3FD2] =	sst s25  }
0xa6: {  	s4 =	sshll.u32 s26, $0x1;
	_ =	strace $0x8000004C;
	[dreg:$0x1] =	wrdreg $0xFFFFFFFF  }
0xa7: {  	s28 =	simm.s32 $_size_execute0_lowered;
	s2 =	sadd.s32 s2, s4;
	[dreg:$0x0] =	wrdreg $0x0  }
0xa8: {  	s4 =	sshll.u32 s28, $0x1;
	[dreg:$0x2] =	wrdreg s2  }
0xa9: {  	[dreg:$0x3] =	wrdreg s4  }
0xaa: {  	[dreg:$0x4] =	wrdreg $0xC0  }
0xab: {  	_ =	task [dreg:s6], $0x5FFFF  }
0xac: {  	[dreg:$0x1] =	wrdreg $0xFFFFFFFF  }
0xad: {  	[dreg:$0x0] =	wrdreg $0x60  }
0xae: {  	[dreg:$0x2] =	wrdreg s24  }
0xaf: {  	[dreg:$0x3] =	wrdreg $0x48000  }
0xb0: {  	[dreg:$0x4] =	wrdreg $0x9  }
0xb1: {  	_ =	task.clear_ibuf [dreg:s6], $0x5FFFF;
	_ =	strace $0x9000004C  }
0xb2: {  	s29 =	simm.s32 $0x9;
	_ =	strace $0x8000004E  }
0xb3: {  	_ =	swait.ge [sflag:s29], $0x1  }
0xb4: {  	[sflag:s29] =	ssyncadd.s32 $0xFFFFFFFF  }
0xb5: {  	_ =	strace $0x9000004E  }
0xb6: {  	_ =	sfence  }
0xb7: {  	s30 =	sld [smem:$0x0];
	_ =	sdelay $0x2  }
0xb8: {  	s31 =	sshll.u32 s1, $0xD;
	s1 =	sshrl.u32 s1, $0x2  }
0xb9: {  	s3 =	sand.u32 $0x4000, s31;
	s1 =	sadd.s32 s1, s30  }
0xba: {  	s0 =	sor.u32 s3, s0;
	s1 =	sshll.u32 s1, $0x11  }
0xbb: {  	s0 =	sor.u32 s1, s0  }
0xbc: {  	s0 =	sadd.s32 $0x8F2B, s0  }
0xbd: {  	[sflag:s0] =	ssyncadd.remote.s32 $0x1  }
0xbe: {  	_ =	sfence.sel $0xFFFF  }
0xbf: {  	[dreg:$0x0] =	wrdreg $0xFFFFFFFF;
	(pc) =	sbr.abs _section_cstart, $3  }
0xc0: {  	[dreg:$0x1] =	wrdreg $0xFFFFFFFF  }
0xc1: {  	_ =	task.clear_ibuf [dreg:s6], $0x2FFFF;
	_ =	strace $0x9FFFFFFF  }
0xc2: {  	(tm) =	ssettm $0x7FFFFFFF  }
0xc3: {  	_ =	shalt  }
tec
execute0_lowered:
.L_overlay_start_1:
0x0: {  	(tag) =	ssettag $0x1  }
0x1: {  	s0 =	rddreg [dreg:$0x0]  }
0x2: {  	s1 =	rddreg [dreg:$0x1];
	s3 =	simm.s32 $0x0  }
0x3: {  	s2 =	srdreg.scid;
	s10 =	stileid.u32;
	s28 =	simm.s32 $0x3  }
0x4: {  	s29 =	simm.s32 $0x200;
	s30 =	simm.s32 $0x600;
	s31 =	simm.s32 $0x80  }
0x5: {  	[smem:$0x7FF] =	sst s3;
	s2 =	sand.u32 $0x1, s2;
	s7 =	smul.u32 $0x18800, s10  }
0x6: {  	s4 =	sadd.s32 $0x1CA00, s0;
	s5 =	sadd.s32 $0xE3200, s0;
	s16 =	smul.u32 $0xC800, s10  }
0x7: {  	s8 =	sadd.s32 $0x3800, s0;
	s0 =	sadd.s32 $0x7E600, s0;
	s19 =	smul.u32 $0x1900, s10  }
0x8: {  	_ =	strace $0x8000004D;
	s6 =	ssub.s32 $0x2, s2;
	s14 =	smul.u32 $0xC8200, s2  }
0x9: {  	s2 =	smul.u32 $0x188000, s2;
	s9 =	sshrl.u32 s6, $0x1;
	s11 =	sadd.s32 s7, s1  }
0xa: {  	s23 =	sadd.s32 $0xC000, s7;
	s24 =	sadd.s32 $0x10000, s7;
	s25 =	sadd.s32 $0x14000, s7  }
0xb: {  	s26 =	sshrl.u32 s16, $0x3;
	s20 =	sadd.s32 $0x18000, s7;
	s6 =	ssub.s32 s6, s9  }
0xc: {  	s9 =	sadd.s32 $0x4000, s7;
	s15 =	sadd.s32 s23, s1;
	s17 =	sadd.s32 s24, s1  }
0xd: {  	s18 =	sadd.s32 s25, s1;
	s14 =	sadd.s32 s16, s14;
	[dreg:$0xb] =	wrdreg s15  }
0xe: {  	s21 =	sadd.s32 s8, s26;
	s8 =	sadd.s32 s19, s8;
	[dreg:$0xc] =	wrdreg s17  }
0xf: {  	s23 =	sadd.s32 s2, s23;
	s10 =	sadd.s32 s20, s1;
	[dreg:$0xd] =	wrdreg s18  }
0x10: {  	s12 =	sadd.s32 s9, s1;
	[dreg:$0xe] =	wrdreg s21;
	s22 =	sshrl.u32 s14, $0x3  }
0x11: {  	s9 =	sadd.s32 s2, s9;
	s15 =	sadd.s32 s2, s24;
	s17 =	sadd.s32 s2, s25  }
0x12: {  	[dreg:$0x3] =	wrdreg s8;
	s16 =	sadd.s32 $0x200, s14;
	s21 =	simm.s32 $0x100  }
0x13: {  	[dreg:$0x9] =	wrdreg s12;
	s12 =	sadd.s32 $0x8000, s7;
	s7 =	sadd.s32 s7, s2  }
0x14: {  	s24 =	sadd.s32 s5, s22;
	s25 =	sshrl.u32 s9, $0x3;
	s18 =	sshrl.u32 s15, $0x3  }
0x15: {  	s19 =	sshrl.u32 s17, $0x3;
	[dreg:$0x5] =	wrdreg s21;
	s22 =	simm.s32 $0x180  }
0x16: {  	s15 =	simm.s32 $0x580;
	s17 =	simm.s32 $0x280;
	s21 =	simm.s32 $0x700  }
0x17: {  	s13 =	sadd.s32 s12, s1;
	s12 =	sadd.s32 s2, s12;
	s2 =	sadd.s32 s2, s20  }
0x18: {  	[dreg:$0xf] =	wrdreg s24;
	s7 =	sshrl.u32 s7, $0x3;
	s8 =	sadd.s32 s0, s18  }
0x19: {  	s20 =	sadd.s32 s0, s19;
	[dreg:$0x6] =	wrdreg s22;
	s24 =	simm.s32 $0x480  }
0x1a: {  	s18 =	simm.s32 $0x300;
	s19 =	simm.s32 $0x380;
	[dreg:$0xa] =	wrdreg s13  }
0x1b: {  	s22 =	simm.s32 $0x780;
	s7 =	sadd.s32 s0, s7;
	[dreg:$0x14] =	wrdreg s8  }
0x1c: {  	s26 =	sshrl.u32 s12, $0x3;
	s13 =	sshrl.u32 s23, $0x3;
	[dreg:$0x15] =	wrdreg s20  }
0x1d: {  	s2 =	sshrl.u32 s2, $0x3;
	s23 =	smax.u32 s6, $0x1;
	[dreg:$0x7] =	wrdreg s24  }
0x1e: {  	s24 =	simm.s32 $0x800;
	s20 =	simm.s32 $0x680;
	[dreg:$0x10] =	wrdreg s7  }
0x1f: {  	s6 =	simm.s32 $0x0;
	s7 =	sadd.s32 s0, s25;
	[dreg:$0x17] =	wrdreg s23  }
0x20: {  	s12 =	sadd.s32 s0, s26;
	s25 =	sadd.s32 $0x400, s14;
	[dreg:$0x11] =	wrdreg s7  }
0x21: {  	s26 =	simm.s32 $0x500;
	s14 =	simm.s32 $0x1;
	[dreg:$0x12] =	wrdreg s12  }
0x22: {  	s7 =	sadd.s32 s0, s13;
	s0 =	sadd.s32 s0, s2;
	[dreg:$0x18] =	wrdreg s25  }
0x23: {  	[dreg:$0x8] =	wrdreg s26;
	s25 =	simm.s32 $0x4;
	s26 =	simm.s32 $0x400  }
0x24: {  	s2 =	simm.s32 $0x2800;
	[dreg:$0x13] =	wrdreg s7;
	s7 =	sshrl.u32 s16, $0x3  }
0x25: {  	s12 =	simm.s32 $0x3800;
	[dreg:$0x16] =	wrdreg s0;
	s7 =	sadd.s32 s7, s5  }
0x26: {  	v0 =	vimm.f32 $0.0e+00;
	s0 =	simm.s32 $0x1800;
	s16 =	simm.s32 $0x2;
	[dreg:$0x4] =	wrdreg s7  }
.LBB2_1:
0x27: {  	s7 =	simm.s32 $0x80;
	s9 =	simm.s32 $0x0  }
.LBB2_2:
0x28: {  	p0 =	sne.s32 s7, $0xFF80;
	[tilespmem:s9+$0x800] =	vst v0;
	s23 =	smov.u32 s7;
	s7 =	sadd.s32 $0x80, s7  }
.Ltmp0:
0x29: {  	[tilespmem:s9+$0x810] =	vst v0;
	(pc) =	sbr.rel @p0 .LBB2_2-.Ltmp0, $2  }
0x2a: {  	_ =	sdelay $0x2  }
0x2b: {  	s9 =	sshra.s32 s23, $0x2  }
0x2c: {  	[tilespmem:s9+$0x800] =	vst v0  }
0x2d: {  	[tilespmem:s9+$0x810] =	vst v0  }
0x2e: {  	[spmem:s11] =	stream.linear.scatter [tilespmem:s24], [sflag:$0x4], $0x4000, $0x38;
	[tilespmem:$0x1D000] =	vst v63  }
0x2f: {  	_ =	swait.ge [sflag:s25], $0x4000  }
0x30: {  	[sflag:s25] =	ssyncset.done $0x0  }
0x31: {  	s7 =	rddreg [dreg:$0x9];
	[sflag:s25] =	ssyncadd.s32 $0xFFFFC000  }
0x32: {  	[spmem:s7] =	stream.linear.scatter [tilespmem:s24], [sflag:$0x4], $0x4000, $0x38;
	[tilespmem:$0x1D000] =	vst v63  }
0x33: {  	_ =	swait.ge [sflag:s25], $0x4000  }
0x34: {  	[sflag:s25] =	ssyncset.done $0x0  }
0x35: {  	s13 =	smov.u32 s11;
	s11 =	rddreg [dreg:$0xa];
	[sflag:s25] =	ssyncadd.s32 $0xFFFFC000  }
0x36: {  	[spmem:s11] =	stream.linear.scatter [tilespmem:s24], [sflag:$0x4], $0x4000, $0x38;
	[tilespmem:$0x1D000] =	vst v63  }
0x37: {  	_ =	swait.ge [sflag:s25], $0x4000  }
0x38: {  	[sflag:s25] =	ssyncset.done $0x0  }
0x39: {  	s23 =	rddreg [dreg:$0xb];
	[sflag:s25] =	ssyncadd.s32 $0xFFFFC000  }
0x3a: {  	[spmem:s23] =	stream.linear.scatter [tilespmem:s24], [sflag:$0x4], $0x4000, $0x38;
	[tilespmem:$0x1D000] =	vst v63  }
0x3b: {  	_ =	swait.ge [sflag:s25], $0x4000  }
0x3c: {  	[sflag:s25] =	ssyncset.done $0x0  }
0x3d: {  	s8 =	rddreg [dreg:$0xc];
	[sflag:s25] =	ssyncadd.s32 $0xFFFFC000  }
0x3e: {  	[spmem:s8] =	stream.linear.scatter [tilespmem:s24], [sflag:$0x4], $0x4000, $0x38;
	[tilespmem:$0x1D000] =	vst v63  }
0x3f: {  	_ =	swait.ge [sflag:s25], $0x4000  }
0x40: {  	[sflag:s25] =	ssyncset.done $0x0  }
0x41: {  	s9 =	rddreg [dreg:$0xd];
	[sflag:s25] =	ssyncadd.s32 $0xFFFFC000  }
0x42: {  	[spmem:s9] =	stream.linear.scatter [tilespmem:s24], [sflag:$0x4], $0x4000, $0x38;
	[tilespmem:$0x1D000] =	vst v63  }
0x43: {  	_ =	swait.ge [sflag:s25], $0x4000  }
0x44: {  	[sflag:s25] =	ssyncset.done $0x0  }
0x45: {  	[sflag:s25] =	ssyncadd.s32 $0xFFFFC000  }
0x46: {  	[spmem:s10] =	stream.linear.scatter [tilespmem:s24], [sflag:$0x4], $0x800, $0x38;
	[tilespmem:$0x1D000] =	vst v63  }
0x47: {  	_ =	swait.ge [sflag:s25], $0x800  }
0x48: {  	[sflag:s25] =	ssyncset.done $0x0  }
0x49: {  	[sflag:s25] =	ssyncadd.s32 $0xFFFFF800  }
0x4a: {  	[bflag:$0x0] =	sbarrier.arrive $0xFFFF  }
0x4b: {  	s8 =	smov.u32 s10;
	s10 =	simm.s32 $0x0;
	s11 =	rddreg [dreg:$0xf]  }
0x4c: {  	[tilespmem:s10], [sflag:$0x3] =	stream.linear.gather [hbm4b:s11+s10], $0x200, $0x38;
	[tilespmem:$0x1D000] =	vst v63  }
0x4d: {  	s23 =	rddreg [dreg:$0xe]  }
0x4e: {  	[tilespmem:s26], [sflag:$0x3] =	stream.linear.gather [hbm4b:s23+s10], $0x200, $0x38;
	[tilespmem:$0x1D000] =	vst v63  }
0x4f: {  	_ =	swait.ge [sflag:s28], $0x200  }
0x50: {  	[sflag:s28] =	ssyncset.done $0x0  }
0x51: {  	[sflag:s28] =	ssyncadd.s32 $0xFFFFFE00  }
0x52: {  	_ =	swait.ge [sflag:s28], $0x200  }
0x53: {  	s9 =	rddreg [dreg:$0x4];
	[sflag:s28] =	ssyncset.done $0x0  }
0x54: {  	s10 =	rddreg [dreg:$0x3];
	[sflag:s28] =	ssyncadd.s32 $0xFFFFFE00;
	s7 =	sadd.s32 $0x0, s9  }
0x55: {  	[tilespmem:s29], [sflag:$0x3] =	stream.linear.gather [hbm4b:s7+s3], $0x200, $0x38;
	[tilespmem:$0x1D000] =	vst v63  }
0x56: {  	s7 =	sadd.s32 $0x0, s10  }
0x57: {  	s9 =	sadd.s32 $0x40, s7  }
0x58: {  	[tilespmem:s30], [sflag:$0x3] =	stream.linear.gather [hbm4b:s9+s3], $0x200, $0x38;
	[tilespmem:$0x1D000] =	vst v63  }
0x59: {  	_ = 	snop  }
0x5a: {  	[tilespmem:s24], [sflag:$0x1] =	stream.indirect.gather [hbm4b:s4+s31], $0x20, s3, s31, $0xb8;
	[tilespmem:$0x1D000] =	vst v63  }
0x5b: {  	_ = 	snop  }
0x5c: {  	[tilespmem:s0], [sflag:$0x1] =	stream.indirect.gather [hbm4b:s4+s31], $0x20, s31, s31, $0xb8;
	[tilespmem:$0x1D000] =	vst v63  }
0x5d: {  	s11 =	rddreg [dreg:$0x5]  }
0x5e: {  	[tilespmem:s2], [sflag:$0x1] =	stream.indirect.gather [hbm4b:s4+s31], $0x20, s11, s31, $0xb8;
	[tilespmem:$0x1D000] =	vst v63  }
0x5f: {  	s23 =	rddreg [dreg:$0x6]  }
0x60: {  	[tilespmem:s12], [sflag:$0x1] =	stream.indirect.gather [hbm4b:s4+s31], $0x20, s23, s31, $0xb8;
	[tilespmem:$0x1D000] =	vst v63  }
0x61: {  	_ =	swait.ge [sflag:s14], $0x1000  }
0x62: {  	[sflag:s14] =	ssyncset.done $0x0  }
0x63: {  	[sflag:s14] =	ssyncadd.s32 $0xFFFFF000  }
0x64: {  	[spmem:s1] =	stream.indirect.scatter.add.f32 [tilespmem:s24], [sflag:$0x2], $0x20, s26, s31, $0xb8;
	[tilespmem:$0x1D000] =	vst v63  }
0x65: {  	_ =	swait.ge [sflag:s14], $0x1000  }
0x66: {  	[sflag:s14] =	ssyncset.done $0x0  }
0x67: {  	s23 =	rddreg [dreg:$0x7];
	[sflag:s14] =	ssyncadd.s32 $0xFFFFF000  }
0x68: {  	[spmem:s1] =	stream.indirect.scatter.add.f32 [tilespmem:s0], [sflag:$0x2], $0x20, s23, s31, $0xb8;
	[tilespmem:$0x1D000] =	vst v63  }
0x69: {  	_ =	swait.ge [sflag:s14], $0x1000  }
0x6a: {  	[sflag:s14] =	ssyncset.done $0x0  }
0x6b: {  	s10 =	rddreg [dreg:$0x8];
	[sflag:s14] =	ssyncadd.s32 $0xFFFFF000  }
0x6c: {  	[spmem:s1] =	stream.indirect.scatter.add.f32 [tilespmem:s2], [sflag:$0x2], $0x20, s10, s31, $0xb8;
	[tilespmem:$0x1D000] =	vst v63  }
0x6d: {  	_ =	swait.ge [sflag:s14], $0x1000  }
0x6e: {  	[sflag:s14] =	ssyncset.done $0x0  }
0x6f: {  	[sflag:s14] =	ssyncadd.s32 $0xFFFFF000  }
0x70: {  	[spmem:s1] =	stream.indirect.scatter.add.f32 [tilespmem:s12], [sflag:$0x2], $0x20, s15, s31, $0xb8;
	[tilespmem:$0x1D000] =	vst v63  }
0x71: {  	_ =	swait.ge [sflag:s16], $0x1000  }
0x72: {  	[sflag:s16] =	ssyncset.done $0x0  }
0x73: {  	[sflag:s16] =	ssyncadd.s32 $0xFFFFF000  }
0x74: {  	_ =	swait.ge [sflag:s16], $0x1000  }
0x75: {  	[sflag:s16] =	ssyncset.done $0x0  }
0x76: {  	[sflag:s16] =	ssyncadd.s32 $0xFFFFF000  }
0x77: {  	_ =	swait.ge [sflag:s16], $0x1000  }
0x78: {  	[sflag:s16] =	ssyncset.done $0x0  }
0x79: {  	[sflag:s16] =	ssyncadd.s32 $0xFFFFF000  }
0x7a: {  	_ =	swait.ge [sflag:s16], $0x1000  }
0x7b: {  	[sflag:s16] =	ssyncset.done $0x0  }
0x7c: {  	[sflag:s16] =	ssyncadd.s32 $0xFFFFF000  }
0x7d: {  	_ =	swait.ge [sflag:s28], $0x200  }
0x7e: {  	[sflag:s28] =	ssyncset.done $0x0  }
0x7f: {  	[sflag:s28] =	ssyncadd.s32 $0xFFFFFE00  }
0x80: {  	_ =	swait.ge [sflag:s28], $0x200  }
0x81: {  	s23 =	rddreg [dreg:$0x18]  }
0x82: {  	[sflag:s28] =	ssyncset.done $0x0;
	s11 =	sshrl.u32 s23, $0x3  }
0x83: {  	[sflag:s28] =	ssyncadd.s32 $0xFFFFFE00;
	s9 =	sadd.s32 s5, s11  }
0x84: {  	[tilespmem:s3], [sflag:$0x3] =	stream.linear.gather [hbm4b:s9+s3], $0x200, $0x38;
	[tilespmem:$0x1D000] =	vst v63  }
0x85: {  	s7 =	sadd.s32 $0x80, s7  }
0x86: {  	[tilespmem:s26], [sflag:$0x3] =	stream.linear.gather [hbm4b:s7+s3], $0x200, $0x38;
	[tilespmem:$0x1D000] =	vst v63  }
0x87: {  	_ = 	snop  }
0x88: {  	[tilespmem:s24], [sflag:$0x1] =	stream.indirect.gather [hbm4b:s4+s31], $0x20, s29, s31, $0xb8;
	[tilespmem:$0x1D000] =	vst v63  }
0x89: {  	_ = 	snop  }
0x8a: {  	[tilespmem:s0], [sflag:$0x1] =	stream.indirect.gather [hbm4b:s4+s31], $0x20, s17, s31, $0xb8;
	[tilespmem:$0x1D000] =	vst v63  }
0x8b: {  	_ = 	snop  }
0x8c: {  	[tilespmem:s2], [sflag:$0x1] =	stream.indirect.gather [hbm4b:s4+s31], $0x20, s18, s31, $0xb8;
	[tilespmem:$0x1D000] =	vst v63  }
0x8d: {  	_ = 	snop  }
0x8e: {  	[tilespmem:s12], [sflag:$0x1] =	stream.indirect.gather [hbm4b:s4+s31], $0x20, s19, s31, $0xb8;
	[tilespmem:$0x1D000] =	vst v63  }
0x8f: {  	_ =	swait.ge [sflag:s14], $0x1000  }
0x90: {  	[sflag:s14] =	ssyncset.done $0x0  }
0x91: {  	[sflag:s14] =	ssyncadd.s32 $0xFFFFF000  }
0x92: {  	[spmem:s1] =	stream.indirect.scatter.add.f32 [tilespmem:s24], [sflag:$0x2], $0x20, s30, s31, $0xb8;
	[tilespmem:$0x1D000] =	vst v63  }
0x93: {  	_ =	swait.ge [sflag:s14], $0x1000  }
0x94: {  	[sflag:s14] =	ssyncset.done $0x0  }
0x95: {  	[sflag:s14] =	ssyncadd.s32 $0xFFFFF000  }
0x96: {  	[spmem:s1] =	stream.indirect.scatter.add.f32 [tilespmem:s0], [sflag:$0x2], $0x20, s20, s31, $0xb8;
	[tilespmem:$0x1D000] =	vst v63  }
0x97: {  	_ =	swait.ge [sflag:s14], $0x1000  }
0x98: {  	[sflag:s14] =	ssyncset.done $0x0  }
0x99: {  	[sflag:s14] =	ssyncadd.s32 $0xFFFFF000  }
0x9a: {  	[spmem:s1] =	stream.indirect.scatter.add.f32 [tilespmem:s2], [sflag:$0x2], $0x20, s21, s31, $0xb8;
	[tilespmem:$0x1D000] =	vst v63  }
0x9b: {  	_ =	swait.ge [sflag:s14], $0x1000  }
0x9c: {  	[sflag:s14] =	ssyncset.done $0x0  }
0x9d: {  	[sflag:s14] =	ssyncadd.s32 $0xFFFFF000  }
0x9e: {  	[spmem:s1] =	stream.indirect.scatter.add.f32 [tilespmem:s12], [sflag:$0x2], $0x20, s22, s31, $0xb8;
	[tilespmem:$0x1D000] =	vst v63  }
0x9f: {  	_ =	swait.ge [sflag:s16], $0x1000  }
0xa0: {  	[sflag:s16] =	ssyncset.done $0x0  }
0xa1: {  	[sflag:s16] =	ssyncadd.s32 $0xFFFFF000  }
0xa2: {  	_ =	swait.ge [sflag:s16], $0x1000  }
0xa3: {  	[sflag:s16] =	ssyncset.done $0x0  }
0xa4: {  	[sflag:s16] =	ssyncadd.s32 $0xFFFFF000  }
0xa5: {  	_ =	swait.ge [sflag:s16], $0x1000  }
0xa6: {  	[sflag:s16] =	ssyncset.done $0x0  }
0xa7: {  	[sflag:s16] =	ssyncadd.s32 $0xFFFFF000  }
0xa8: {  	s7 =	simm.s32 $0x80;
	_ =	swait.ge [sflag:s16], $0x1000  }
.LBB2_4:
0xa9: {  	[sflag:s16] =	ssyncset.done $0x0  }
0xaa: {  	[sflag:s16] =	ssyncadd.s32 $0xFFFFF000  }
0xab: {  	_ =	swait.ge [sflag:s28], $0x200  }
0xac: {  	[sflag:s28] =	ssyncset.done $0x0  }
0xad: {  	[sflag:s28] =	ssyncadd.s32 $0xFFFFFE00  }
0xae: {  	_ =	swait.ge [sflag:s28], $0x200  }
0xaf: {  	s10 =	rddreg [dreg:$0x4]  }
0xb0: {  	s9 =	smov.u32 s7;
	s11 =	rddreg [dreg:$0x3];
	[sflag:s28] =	ssyncset.done $0x0  }
0xb1: {  	[sflag:s28] =	ssyncadd.s32 $0xFFFFFE00;
	s10 =	sadd.s32 s9, s10;
	s9 =	sadd.s32 s9, s11  }
0xb2: {  	[tilespmem:s29], [sflag:$0x3] =	stream.linear.gather [hbm4b:s10+s3], $0x200, $0x38;
	[tilespmem:$0x1D000] =	vst v63  }
0xb3: {  	s11 =	sadd.s32 $0x40, s9  }
0xb4: {  	[tilespmem:s30], [sflag:$0x3] =	stream.linear.gather [hbm4b:s11+s3], $0x200, $0x38;
	[tilespmem:$0x1D000] =	vst v63  }
0xb5: {  	_ = 	snop  }
0xb6: {  	[tilespmem:s24], [sflag:$0x1] =	stream.indirect.gather [hbm4b:s4+s31], $0x20, s3, s31, $0xb8;
	[tilespmem:$0x1D000] =	vst v63  }
0xb7: {  	_ = 	snop  }
0xb8: {  	[tilespmem:s0], [sflag:$0x1] =	stream.indirect.gather [hbm4b:s4+s31], $0x20, s31, s31, $0xb8;
	[tilespmem:$0x1D000] =	vst v63  }
0xb9: {  	s10 =	rddreg [dreg:$0x5]  }
0xba: {  	[tilespmem:s2], [sflag:$0x1] =	stream.indirect.gather [hbm4b:s4+s31], $0x20, s10, s31, $0xb8;
	[tilespmem:$0x1D000] =	vst v63  }
0xbb: {  	s11 =	rddreg [dreg:$0x6]  }
0xbc: {  	[tilespmem:s12], [sflag:$0x1] =	stream.indirect.gather [hbm4b:s4+s31], $0x20, s11, s31, $0xb8;
	[tilespmem:$0x1D000] =	vst v63  }
0xbd: {  	_ =	swait.ge [sflag:s14], $0x1000  }
0xbe: {  	[sflag:s14] =	ssyncset.done $0x0  }
0xbf: {  	[sflag:s14] =	ssyncadd.s32 $0xFFFFF000  }
0xc0: {  	[spmem:s1] =	stream.indirect.scatter.add.f32 [tilespmem:s24], [sflag:$0x2], $0x20, s26, s31, $0xb8;
	[tilespmem:$0x1D000] =	vst v63  }
0xc1: {  	_ =	swait.ge [sflag:s14], $0x1000  }
0xc2: {  	[sflag:s14] =	ssyncset.done $0x0  }
0xc3: {  	s11 =	rddreg [dreg:$0x7];
	[sflag:s14] =	ssyncadd.s32 $0xFFFFF000  }
0xc4: {  	[spmem:s1] =	stream.indirect.scatter.add.f32 [tilespmem:s0], [sflag:$0x2], $0x20, s11, s31, $0xb8;
	[tilespmem:$0x1D000] =	vst v63  }
0xc5: {  	_ =	swait.ge [sflag:s14], $0x1000  }
0xc6: {  	[sflag:s14] =	ssyncset.done $0x0  }
0xc7: {  	s11 =	rddreg [dreg:$0x8];
	[sflag:s14] =	ssyncadd.s32 $0xFFFFF000  }
0xc8: {  	[spmem:s1] =	stream.indirect.scatter.add.f32 [tilespmem:s2], [sflag:$0x2], $0x20, s11, s31, $0xb8;
	[tilespmem:$0x1D000] =	vst v63  }
0xc9: {  	_ =	swait.ge [sflag:s14], $0x1000  }
0xca: {  	[sflag:s14] =	ssyncset.done $0x0  }
0xcb: {  	[sflag:s14] =	ssyncadd.s32 $0xFFFFF000  }
0xcc: {  	[spmem:s1] =	stream.indirect.scatter.add.f32 [tilespmem:s12], [sflag:$0x2], $0x20, s15, s31, $0xb8;
	[tilespmem:$0x1D000] =	vst v63  }
0xcd: {  	_ =	swait.ge [sflag:s16], $0x1000  }
0xce: {  	[sflag:s16] =	ssyncset.done $0x0  }
0xcf: {  	[sflag:s16] =	ssyncadd.s32 $0xFFFFF000  }
0xd0: {  	_ =	swait.ge [sflag:s16], $0x1000  }
0xd1: {  	[sflag:s16] =	ssyncset.done $0x0  }
0xd2: {  	[sflag:s16] =	ssyncadd.s32 $0xFFFFF000  }
0xd3: {  	_ =	swait.ge [sflag:s16], $0x1000  }
0xd4: {  	[sflag:s16] =	ssyncset.done $0x0  }
0xd5: {  	[sflag:s16] =	ssyncadd.s32 $0xFFFFF000  }
0xd6: {  	_ =	swait.ge [sflag:s16], $0x1000  }
0xd7: {  	[sflag:s16] =	ssyncset.done $0x0  }
0xd8: {  	[sflag:s16] =	ssyncadd.s32 $0xFFFFF000  }
0xd9: {  	_ =	swait.ge [sflag:s28], $0x200  }
0xda: {  	[sflag:s28] =	ssyncset.done $0x0  }
0xdb: {  	[sflag:s28] =	ssyncadd.s32 $0xFFFFFE00  }
0xdc: {  	s23 =	sadd.s32 $0x400, s23;
	_ =	swait.ge [sflag:s28], $0x200  }
0xdd: {  	s11 =	sshrl.u32 s23, $0x3;
	[sflag:s28] =	ssyncset.done $0x0  }
0xde: {  	s10 =	sadd.s32 s5, s11;
	[sflag:s28] =	ssyncadd.s32 $0xFFFFFE00  }
0xdf: {  	[tilespmem:s3], [sflag:$0x3] =	stream.linear.gather [hbm4b:s10+s3], $0x200, $0x38;
	[tilespmem:$0x1D000] =	vst v63  }
0xe0: {  	s9 =	sadd.s32 $0x80, s9  }
0xe1: {  	[tilespmem:s26], [sflag:$0x3] =	stream.linear.gather [hbm4b:s9+s3], $0x200, $0x38;
	[tilespmem:$0x1D000] =	vst v63  }
0xe2: {  	_ = 	snop  }
0xe3: {  	[tilespmem:s24], [sflag:$0x1] =	stream.indirect.gather [hbm4b:s4+s31], $0x20, s29, s31, $0xb8;
	[tilespmem:$0x1D000] =	vst v63  }
0xe4: {  	_ = 	snop  }
0xe5: {  	[tilespmem:s0], [sflag:$0x1] =	stream.indirect.gather [hbm4b:s4+s31], $0x20, s17, s31, $0xb8;
	[tilespmem:$0x1D000] =	vst v63  }
0xe6: {  	_ = 	snop  }
0xe7: {  	[tilespmem:s2], [sflag:$0x1] =	stream.indirect.gather [hbm4b:s4+s31], $0x20, s18, s31, $0xb8;
	[tilespmem:$0x1D000] =	vst v63  }
0xe8: {  	_ = 	snop  }
0xe9: {  	[tilespmem:s12], [sflag:$0x1] =	stream.indirect.gather [hbm4b:s4+s31], $0x20, s19, s31, $0xb8;
	[tilespmem:$0x1D000] =	vst v63  }
0xea: {  	_ =	swait.ge [sflag:s14], $0x1000  }
0xeb: {  	[sflag:s14] =	ssyncset.done $0x0  }
0xec: {  	[sflag:s14] =	ssyncadd.s32 $0xFFFFF000  }
0xed: {  	[spmem:s1] =	stream.indirect.scatter.add.f32 [tilespmem:s24], [sflag:$0x2], $0x20, s30, s31, $0xb8;
	[tilespmem:$0x1D000] =	vst v63  }
0xee: {  	_ =	swait.ge [sflag:s14], $0x1000  }
0xef: {  	[sflag:s14] =	ssyncset.done $0x0  }
0xf0: {  	[sflag:s14] =	ssyncadd.s32 $0xFFFFF000  }
0xf1: {  	[spmem:s1] =	stream.indirect.scatter.add.f32 [tilespmem:s0], [sflag:$0x2], $0x20, s20, s31, $0xb8;
	[tilespmem:$0x1D000] =	vst v63  }
0xf2: {  	_ =	swait.ge [sflag:s14], $0x1000  }
0xf3: {  	[sflag:s14] =	ssyncset.done $0x0  }
0xf4: {  	[sflag:s14] =	ssyncadd.s32 $0xFFFFF000  }
0xf5: {  	[spmem:s1] =	stream.indirect.scatter.add.f32 [tilespmem:s2], [sflag:$0x2], $0x20, s21, s31, $0xb8;
	[tilespmem:$0x1D000] =	vst v63  }
0xf6: {  	_ =	swait.ge [sflag:s14], $0x1000  }
0xf7: {  	[sflag:s14] =	ssyncset.done $0x0  }
0xf8: {  	[sflag:s14] =	ssyncadd.s32 $0xFFFFF000  }
0xf9: {  	[spmem:s1] =	stream.indirect.scatter.add.f32 [tilespmem:s12], [sflag:$0x2], $0x20, s22, s31, $0xb8;
	[tilespmem:$0x1D000] =	vst v63  }
0xfa: {  	_ =	swait.ge [sflag:s16], $0x1000  }
0xfb: {  	[sflag:s16] =	ssyncset.done $0x0  }
0xfc: {  	[sflag:s16] =	ssyncadd.s32 $0xFFFFF000  }
0xfd: {  	_ =	swait.ge [sflag:s16], $0x1000  }
0xfe: {  	p0 =	sne.s32 s7, $0x1880;
	[sflag:s16] =	ssyncset.done $0x0  }
.Ltmp1:
0xff: {  	[sflag:s16] =	ssyncadd.s32 $0xFFFFF000;
	(pc) =	sbr.rel @p0 .LBB2_4-.Ltmp1, $4  }
0x100: {  	_ =	swait.ge [sflag:s16], $0x1000  }
0x101: {  	[sflag:s16] =	ssyncset.done $0x0  }
0x102: {  	[sflag:s16] =	ssyncadd.s32 $0xFFFFF000  }
0x103: {  	s7 =	sadd.s32 $0x80, s7;
	_ =	swait.ge [sflag:s16], $0x1000  }
0x104: {  	[sflag:s16] =	ssyncset.done $0x0  }
0x105: {  	[sflag:s16] =	ssyncadd.s32 $0xFFFFF000  }
0x106: {  	_ =	swait.ge [sflag:s28], $0x200  }
0x107: {  	[sflag:s28] =	ssyncset.done $0x0  }
0x108: {  	[sflag:s28] =	ssyncadd.s32 $0xFFFFFE00  }
0x109: {  	_ =	swait.ge [sflag:s28], $0x200  }
0x10a: {  	[sflag:s28] =	ssyncset.done $0x0  }
0x10b: {  	[sflag:s28] =	ssyncadd.s32 $0xFFFFFE00  }
0x10c: {  	[bflag:$0x0] =	sbarrier.arrive $0xFFFF  }
0x10d: {  	[tilespmem:s24], [sflag:$0x4] =	stream.linear.gather [spmem:s13], $0x4000, $0x38;
	[tilespmem:$0x1D000] =	vst v63  }
0x10e: {  	_ =	swait.ge [sflag:s25], $0x4000  }
0x10f: {  	[sflag:s25] =	ssyncset.done $0x0  }
0x110: {  	s7 =	rddreg [dreg:$0x10];
	[sflag:s25] =	ssyncadd.s32 $0xFFFFC000  }
0x111: {  	[hbm4b:s7+s3] =	stream.linear.scatter [tilespmem:s24], [sflag:$0x4], $0x4000, $0x38;
	[tilespmem:$0x1D000] =	vst v63  }
0x112: {  	_ =	swait.ge [sflag:s25], $0x4000  }
0x113: {  	[sflag:s25] =	ssyncset.done $0x0  }
0x114: {  	s9 =	rddreg [dreg:$0x9];
	[sflag:s25] =	ssyncadd.s32 $0xFFFFC000  }
0x115: {  	[tilespmem:s24], [sflag:$0x4] =	stream.linear.gather [spmem:s9], $0x4000, $0x38;
	[tilespmem:$0x1D000] =	vst v63  }
0x116: {  	_ =	swait.ge [sflag:s25], $0x4000  }
0x117: {  	[sflag:s25] =	ssyncset.done $0x0  }
0x118: {  	s10 =	rddreg [dreg:$0x11];
	[sflag:s25] =	ssyncadd.s32 $0xFFFFC000  }
0x119: {  	[hbm4b:s10+s3] =	stream.linear.scatter [tilespmem:s24], [sflag:$0x4], $0x4000, $0x38;
	[tilespmem:$0x1D000] =	vst v63  }
0x11a: {  	_ =	swait.ge [sflag:s25], $0x4000  }
0x11b: {  	[sflag:s25] =	ssyncset.done $0x0  }
0x11c: {  	s11 =	smov.u32 s13;
	s13 =	rddreg [dreg:$0xa];
	[sflag:s25] =	ssyncadd.s32 $0xFFFFC000  }
0x11d: {  	[tilespmem:s24], [sflag:$0x4] =	stream.linear.gather [spmem:s13], $0x4000, $0x38;
	[tilespmem:$0x1D000] =	vst v63  }
0x11e: {  	_ =	swait.ge [sflag:s25], $0x4000  }
0x11f: {  	[sflag:s25] =	ssyncset.done $0x0  }
0x120: {  	s23 =	rddreg [dreg:$0x12];
	[sflag:s25] =	ssyncadd.s32 $0xFFFFC000  }
0x121: {  	[hbm4b:s23+s3] =	stream.linear.scatter [tilespmem:s24], [sflag:$0x4], $0x4000, $0x38;
	[tilespmem:$0x1D000] =	vst v63  }
0x122: {  	_ =	swait.ge [sflag:s25], $0x4000  }
0x123: {  	[sflag:s25] =	ssyncset.done $0x0  }
0x124: {  	s9 =	rddreg [dreg:$0xb];
	[sflag:s25] =	ssyncadd.s32 $0xFFFFC000  }
0x125: {  	[tilespmem:s24], [sflag:$0x4] =	stream.linear.gather [spmem:s9], $0x4000, $0x38;
	[tilespmem:$0x1D000] =	vst v63  }
0x126: {  	_ =	swait.ge [sflag:s25], $0x4000  }
0x127: {  	[sflag:s25] =	ssyncset.done $0x0  }
0x128: {  	s10 =	rddreg [dreg:$0x13];
	[sflag:s25] =	ssyncadd.s32 $0xFFFFC000  }
0x129: {  	[hbm4b:s10+s3] =	stream.linear.scatter [tilespmem:s24], [sflag:$0x4], $0x4000, $0x38;
	[tilespmem:$0x1D000] =	vst v63  }
0x12a: {  	_ =	swait.ge [sflag:s25], $0x4000  }
0x12b: {  	[sflag:s25] =	ssyncset.done $0x0  }
0x12c: {  	s13 =	rddreg [dreg:$0xc];
	[sflag:s25] =	ssyncadd.s32 $0xFFFFC000  }
0x12d: {  	[tilespmem:s24], [sflag:$0x4] =	stream.linear.gather [spmem:s13], $0x4000, $0x38;
	[tilespmem:$0x1D000] =	vst v63  }
0x12e: {  	_ =	swait.ge [sflag:s25], $0x4000  }
0x12f: {  	[sflag:s25] =	ssyncset.done $0x0  }
0x130: {  	s23 =	rddreg [dreg:$0x14];
	[sflag:s25] =	ssyncadd.s32 $0xFFFFC000  }
0x131: {  	[hbm4b:s23+s3] =	stream.linear.scatter [tilespmem:s24], [sflag:$0x4], $0x4000, $0x38;
	[tilespmem:$0x1D000] =	vst v63  }
0x132: {  	_ =	swait.ge [sflag:s25], $0x4000  }
0x133: {  	[sflag:s25] =	ssyncset.done $0x0  }
0x134: {  	s9 =	rddreg [dreg:$0xd];
	[sflag:s25] =	ssyncadd.s32 $0xFFFFC000  }
0x135: {  	[tilespmem:s24], [sflag:$0x4] =	stream.linear.gather [spmem:s9], $0x4000, $0x38;
	[tilespmem:$0x1D000] =	vst v63  }
0x136: {  	_ =	swait.ge [sflag:s25], $0x4000  }
0x137: {  	[sflag:s25] =	ssyncset.done $0x0  }
0x138: {  	s10 =	rddreg [dreg:$0x15];
	[sflag:s25] =	ssyncadd.s32 $0xFFFFC000  }
0x139: {  	[hbm4b:s10+s3] =	stream.linear.scatter [tilespmem:s24], [sflag:$0x4], $0x4000, $0x38;
	[tilespmem:$0x1D000] =	vst v63  }
0x13a: {  	_ =	swait.ge [sflag:s25], $0x4000  }
0x13b: {  	[sflag:s25] =	ssyncset.done $0x0  }
0x13c: {  	[sflag:s25] =	ssyncadd.s32 $0xFFFFC000  }
0x13d: {  	[tilespmem:s24], [sflag:$0x4] =	stream.linear.gather [spmem:s8], $0x800, $0x38;
	[tilespmem:$0x1D000] =	vst v63  }
0x13e: {  	_ =	swait.ge [sflag:s25], $0x800  }
0x13f: {  	[sflag:s25] =	ssyncset.done $0x0  }
0x140: {  	s13 =	rddreg [dreg:$0x16];
	[sflag:s25] =	ssyncadd.s32 $0xFFFFF800  }
0x141: {  	[hbm4b:s13+s3] =	stream.linear.scatter [tilespmem:s24], [sflag:$0x4], $0x800, $0x38;
	[tilespmem:$0x1D000] =	vst v63  }
0x142: {  	_ =	swait.ge [sflag:s25], $0x800  }
0x143: {  	s6 =	sadd.s32 $0x1, s6;
	s23 =	rddreg [dreg:$0x17]  }
0x144: {  	p0 =	sne.s32 s6, s23  }
.Ltmp2:
0x145: {  	_ = 	snop;
	(pc) =	sbr.rel @p0 .LBB2_1-.Ltmp2, $3  }
0x146: {  	_ =	sdelay $0x1  }
0x147: {  	[sflag:s25] =	ssyncset.done $0x0  }
0x148: {  	s10 =	smov.u32 s8;
	[sflag:s25] =	ssyncadd.s32 $0xFFFFF800  }
0x149: {  	_ =	sfence.sel $0x180000  }
0x14a: {  	[bflag:$0x0] =	sbarrier.arrive $0xFFFF  }
0x14b: {  	_ =	strace $0x9000004D  }
0x14c: {  	s0 =	stileid.u32;
	[bflag:$0x2] =	sbarrier.arrive $0xFFFF  }
0x14d: {  	p0 =	sne.s32 s0, $0x0;
	s0 =	rddreg [dreg:$0x2]  }
0x14e: {  	s0 =	sadd.s32 @!p0 $0x100000, s0  }
0x14f: {  	[sflag:s0] =	ssyncadd.tile.s32 @!p0 $0x1;
	_ =	shalt  }
.Lfunc_end2:
_tile_overlayer_lowered:
.L_overlay_start_2:
0x150: {  	(tag) =	ssettag $0x2  }
0x151: {  	s0 =	rddreg [dreg:$0x0];
	s2 =	stileid.u32  }
0x152: {  	s1 =	rddreg [dreg:$0x1];
	p0 =	sne.s32 s2, $0x0  }
0x153: {  	s3 =	rddreg [dreg:$0x2];
	[bflag:$0x3] =	sbarrier.arrive $0xFFFF;
	s2 =	simm.s32 @!p0 $0x1C04  }
0x154: {  	[timem:s3], [sflag:s2] =	dma.local @!p0 [hbm:s0], s1  }
0x155: {  	s0 =	simm.s32 @!p0 $0x4  }
0x156: {  	_ =	swait.ge @!p0 [sflag:s0], s1  }
0x157: {  	s1 =	ssub.s32 @!p0 $0x0, s1;
	[sflag:s0] =	ssyncset.done @!p0 $0x0  }
0x158: {  	[sflag:s0] =	ssyncadd.s32 @!p0 s1  }
0x159: {  	[bflag:$0x3] =	sbarrier.arrive $0xFFFF  }
0x15a: {  	_ =	shalt  }

// kernel: kernel.19.cloned.1.call-start
scs
__scs_entry_jumppad:
0x0: {  	(pc) =	sbr.rel $0x88, $3  }
0x1: {  	(tag) =	ssettag $0x0;
	lr =	simm.s32 $0x1  }
0x2: {  	[smem:$0x3F96] =	sst lr;
	_ =	strace $0xD0000000  }
0x3: {  	_ = 	snop  }
0x4: {  	_ = 	snop  }
0x5: {  	_ = 	snop  }
0x6: {  	_ = 	snop  }
0x7: {  	_ = 	snop  }
__scs_overlays_trampoline_lowered:
0x8: {  	[smem:$0x3FA5] =	sst s0  }
0x9: {  	[smem:$0x3FA6] =	sst s1  }
0xa: {  	[smem:$0x3FA7] =	sst s2  }
0xb: {  	[smem:$0x3FA8] =	sst s3  }
0xc: {  	[smem:$0x3FA9] =	sst s4  }
0xd: {  	[smem:$0x3FAA] =	sst s5  }
0xe: {  	[smem:$0x3FAB] =	sst s6  }
0xf: {  	[smem:$0x3FAC] =	sst s7  }
0x10: {  	[smem:$0x3FAD] =	sst s8  }
0x11: {  	[smem:$0x3FAE] =	sst s9;
	s0 =	simm.s32 @!p0 $0x0  }
0x12: {  	s1 =	sld [smem:$0x3F94];
	s0 =	simm.s32 @p0 $0x1  }
0x13: {  	[smem:$0x3FAF] =	sst s0;
	s0 =	simm.s32 @!p1 $0x0  }
0x14: {  	s2 =	sld [smem:$0x3F93];
	s0 =	simm.s32 @p1 $0x1  }
0x15: {  	[smem:$0x3FB0] =	sst s0;
	s0 =	simm.s32 @!p2 $0x0  }
0x16: {  	s3 =	sld [smem:$0x3FDB];
	s0 =	simm.s32 @p2 $0x1  }
0x17: {  	s4 =	simm.s32 $0x1BF5;
	[smem:$0x3FB2] =	sst s0  }
0x18: {  	s0 =	sld [smem:$0x3F95];
	_ =	swait.ge [sflag:s4], $0x0  }
0x19: {  	s7 =	sld [smem:$0x3F96]  }
0x1a: {  	s8 =	sadd.s32 $0xFFFFE003, lr  }
0x1b: {  	s9 =	sadd.s32 $0xFFFFFEF7, lr;
	s5 =	simm.s32 $0xFFFFFFFF;
	p2 =	slt.u32 s8, $0xFFFFF086  }
0x1c: {  	p1 =	slt.u32 s9, $0xF7A;
	s5 =	simm.s32 @!p2 $0x0  }
0x1d: {  	s5 =	simm.s32 @p1 $0x1;
	p0 =	seq.s32 s7, s2  }
0x1e: {  	s7 =	smul.u32 @!p0 $0xF7A, s2;
	p2 =	seq.s32 @!p0 s5, $0x0  }
0x1f: {  	s9 =	smul.u32 $0xF7A, s1;
	s8 =	simm.s32 @!p0 $0x1BF5;
	p2 =	por !p2, p0  }
0x20: {  	[sflag:s8] =	ssyncset.s32 @!p0 $0xFFFFF086;
	s6 =	sadd.s32 @!p0 s3, s7;
	s7 =	simm.s32 @!p0 $0x108  }
0x21: {  	s3 =	sadd.s32 s3, s9;
	s6 =	sadd.s32 @!p0 $0x88, s6;
	s7 =	simm.s32 @p2 $0x1082  }
0x22: {  	[simem:s7], [sflag:s8] =	dma.local @!p0 [hbm:s6], $0xF7A  }
0x23: {  	s9 =	sor.u32 $0xD0000000, s2;
	s6 =	simm.s32 $0x108;
	_ =	swait.ge @!p0 [sflag:s8], $0x0  }
0x24: {  	s3 =	sadd.s32 $0x88, s3;
	s6 =	simm.s32 @!p1 $0x1082;
	[sflag:s4] =	ssyncset.s32 $0xFFFFF086  }
0x25: {  	[simem:s6], [sflag:s4] =	dma.local [hbm:s3], $0xF7A  }
0x26: {  	[smem:$0x3F96] =	sst s1;
	(tag) =	ssettag s2;
	_ =	strace s9  }
0x27: {  	s1 =	sld [smem:$0x3FA6]  }
0x28: {  	s2 =	sld [smem:$0x3FA7]  }
0x29: {  	s4 =	sld [smem:$0x3FA9]  }
0x2a: {  	p0 =	seq.s32 s5, $0x0;
	s5 =	sld [smem:$0x3FAA]  }
0x2b: {  	s6 =	sld [smem:$0x3FAB]  }
0x2c: {  	s7 =	sld [smem:$0x3FAC]  }
0x2d: {  	s3 =	simm.s32 $0x108;
	s8 =	sld [smem:$0x3FAD]  }
0x2e: {  	s3 =	simm.s32 @!p0 $0x1082;
	s9 =	sld [smem:$0x3FAE]  }
0x2f: {  	lr =	sadd.s32 s0, s3;
	s0 =	sld [smem:$0x3FA5]  }
0x30: {  	s3 =	sld [smem:$0x3FA8]  }
0x31: {  	[smem:$0x3FB1] =	sst s10  }
0x32: {  	s10 =	sld [smem:$0x3FAF];
	_ =	sdelay $0x3  }
0x33: {  	p0 =	seq.s32 s10, $0x1;
	s10 =	sld [smem:$0x3FB1];
	_ =	sdelay $0x3  }
0x34: {  	[smem:$0x3FB1] =	sst s10  }
0x35: {  	s10 =	sld [smem:$0x3FB0];
	_ =	sdelay $0x3  }
0x36: {  	p1 =	seq.s32 s10, $0x1;
	s10 =	sld [smem:$0x3FB1];
	_ =	sdelay $0x3  }
0x37: {  	[smem:$0x3FB1] =	sst s10  }
0x38: {  	s10 =	sld [smem:$0x3FB2]  }
0x39: {  	_ = 	snop;
	(pc) =	sbr.ind lr, $3  }
0x3a: {  	_ = 	snop  }
0x3b: {  	_ = 	snop  }
0x3c: {  	p2 =	seq.s32 s10, $0x1;
	s10 =	sld [smem:$0x3FB1]  }
0x3d: {  	_ =	shalt  }
0x3e: {  	_ =	shalt  }
0x3f: {  	_ =	shalt  }
0x40: {  	_ =	shalt  }
0x41: {  	_ =	shalt  }
0x42: {  	_ =	shalt  }
0x43: {  	_ =	shalt  }
0x44: {  	_ =	shalt  }
0x45: {  	_ =	shalt  }
0x46: {  	_ =	shalt  }
0x47: {  	_ =	shalt  }
0x48: {  	_ =	shalt  }
0x49: {  	_ =	shalt  }
0x4a: {  	_ =	shalt  }
0x4b: {  	_ =	shalt  }
0x4c: {  	_ =	shalt  }
0x4d: {  	_ =	shalt  }
0x4e: {  	_ =	shalt  }
0x4f: {  	_ =	shalt  }
0x50: {  	_ =	shalt  }
0x51: {  	_ =	shalt  }
0x52: {  	_ =	shalt  }
0x53: {  	_ =	shalt  }
0x54: {  	_ =	shalt  }
0x55: {  	_ =	shalt  }
0x56: {  	_ =	shalt  }
0x57: {  	_ =	shalt  }
0x58: {  	_ =	shalt  }
0x59: {  	_ =	shalt  }
0x5a: {  	_ =	shalt  }
0x5b: {  	_ =	shalt  }
0x5c: {  	_ =	shalt  }
0x5d: {  	_ =	shalt  }
0x5e: {  	_ =	shalt  }
0x5f: {  	_ =	shalt  }
0x60: {  	_ =	shalt  }
0x61: {  	_ =	shalt  }
0x62: {  	_ =	shalt  }
0x63: {  	_ =	shalt  }
0x64: {  	_ =	shalt  }
0x65: {  	_ =	shalt  }
0x66: {  	_ =	shalt  }
0x67: {  	_ =	shalt  }
0x68: {  	_ =	shalt  }
0x69: {  	_ =	shalt  }
0x6a: {  	_ =	shalt  }
0x6b: {  	_ =	shalt  }
0x6c: {  	_ =	shalt  }
0x6d: {  	_ =	shalt  }
0x6e: {  	_ =	shalt  }
0x6f: {  	_ =	shalt  }
0x70: {  	_ =	shalt  }
0x71: {  	_ =	shalt  }
0x72: {  	_ =	shalt  }
0x73: {  	_ =	shalt  }
0x74: {  	_ =	shalt  }
0x75: {  	_ =	shalt  }
0x76: {  	_ =	shalt  }
0x77: {  	_ =	shalt  }
0x78: {  	_ =	shalt  }
0x79: {  	_ =	shalt  }
0x7a: {  	_ =	shalt  }
0x7b: {  	_ =	shalt  }
0x7c: {  	_ =	shalt  }
0x7d: {  	_ =	shalt  }
0x7e: {  	_ =	shalt  }
0x7f: {  	_ =	shalt  }
0x80: {  	_ =	shalt  }
0x81: {  	_ =	shalt  }
0x82: {  	_ =	shalt  }
0x83: {  	_ =	shalt  }
0x84: {  	_ =	shalt  }
0x85: {  	_ =	shalt  }
0x86: {  	_ =	shalt  }
0x87: {  	_ =	shalt  }
.Lfunc_end0:
.L_simem_size_0:
called_computation.3_lowered:
.L_overlay_start_0:
0x88: {  	s2 =	sld [smem:$0x3FD9]  }
0x89: {  	s3 =	sld [smem:$0x3FFE];
	_ =	sdelay $0x1  }
0x8a: {  	s1 =	srdreg.scid  }
0x8b: {  	s0 =	sand.u32 $0x1, s1  }
0x8c: {  	s16 =	sshll.u32 s0, $0xA;
	s2 =	sadd.s32 s3, s2  }
0x8d: {  	s2 =	sadd.s32 s2, s16  }
0x8e: {  	[smem:$0x3FBD] =	sst s2  }
0x8f: {  	_ = 	snop  }
0x90: {  	(tm) =	ssettm $0x1  }
0x91: {  	s17 =	sld [smem:$0x3FFB];
	_ =	sdelay $0x3  }
0x92: {  	_ =	strace s17  }
0x93: {  	s2 =	sld [smem:$0x3FFC];
	_ =	sdelay $0x3  }
0x94: {  	_ =	strace s2  }
0x95: {  	s2 =	sld [smem:$0x3FFD];
	_ =	sdelay $0x3  }
0x96: {  	_ =	strace s2  }
0x97: {  	_ =	strace $0x8FFFFFFF  }
0x98: {  	s18 =	sld [smem:$0x3FDB];
	_ =	sdelay $0x1  }
0x99: {  	s19 =	simm.s32 $_scs_section_size  }
0x9a: {  	s4 =	simm.s32 $_size__tile_overlayer_lowered;
	s5 =	simm.s32 $_tile_overlayer_lowered  }
0x9b: {  	s22 =	simm.s32 $0x1BFF;
	s21 =	sshll.u32 s5, $0x1;
	s2 =	sadd.s32 s19, s18  }
0x9c: {  	s6 =	simm.s32 $0x0;
	s20 =	sshll.u32 s4, $0x1;
	s4 =	sadd.s32 s21, s2  }
0x9d: {  	[timem:s6], [sflag:s22] =	dma.local [hbm:s4], s20  }
0x9e: {  	_ =	swait.ge [sflag:s22], s20  }
0x9f: {  	s3 =	ssub.s32 $0x0, s20;
	[sflag:s22] =	ssyncset.done $0x0  }
0xa0: {  	[sflag:s22] =	ssyncadd.s32 s3;
	_ =	sdelay $0x1  }
0xa1: {  	s23 =	simm.s32 $0x1B8B  }
0xa2: {  	_ =	swait.ge [sflag:s23], $0x1  }
0xa3: {  	[sflag:s23] =	ssyncset.done $0x0  }
0xa4: {  	s25 =	simm.s32 $0x1B8E;
	s24 =	sld [smem:$0x3FFE];
	[sflag:s23] =	ssyncadd.s32 $0xFFFFFFFF  }
0xa5: {  	s26 =	simm.s32 $execute0_lowered;
	[smem:$0x3FD2] =	sst s25  }
0xa6: {  	s4 =	sshll.u32 s26, $0x1;
	_ =	strace $0x8000004F;
	[dreg:$0x1] =	wrdreg $0xFFFFFFFF  }
0xa7: {  	s28 =	simm.s32 $_size_execute0_lowered;
	s2 =	sadd.s32 s2, s4;
	[dreg:$0x0] =	wrdreg $0x0  }
0xa8: {  	s4 =	sshll.u32 s28, $0x1;
	[dreg:$0x2] =	wrdreg s2  }
0xa9: {  	[dreg:$0x3] =	wrdreg s4  }
0xaa: {  	[dreg:$0x4] =	wrdreg $0xC0  }
0xab: {  	_ =	task [dreg:s6], $0x5FFFF  }
0xac: {  	[dreg:$0x1] =	wrdreg $0xFFFFFFFF  }
0xad: {  	[dreg:$0x0] =	wrdreg $0x60  }
0xae: {  	[dreg:$0x2] =	wrdreg s24  }
0xaf: {  	[dreg:$0x3] =	wrdreg $0x9  }
0xb0: {  	_ =	task.clear_ibuf [dreg:s6], $0x4FFFF;
	_ =	strace $0x9000004F  }
0xb1: {  	s29 =	simm.s32 $0x9;
	_ =	strace $0x80000051  }
0xb2: {  	_ =	swait.ge [sflag:s29], $0x1  }
0xb3: {  	[sflag:s29] =	ssyncadd.s32 $0xFFFFFFFF  }
0xb4: {  	_ =	strace $0x90000051  }
0xb5: {  	_ =	sfence  }
0xb6: {  	s30 =	sld [smem:$0x0];
	_ =	sdelay $0x2  }
0xb7: {  	s31 =	sshll.u32 s1, $0xD;
	s1 =	sshrl.u32 s1, $0x2  }
0xb8: {  	s3 =	sand.u32 $0x4000, s31;
	s1 =	sadd.s32 s1, s30  }
0xb9: {  	s0 =	sor.u32 s3, s0;
	s1 =	sshll.u32 s1, $0x11  }
0xba: {  	s0 =	sor.u32 s1, s0  }
0xbb: {  	s0 =	sadd.s32 $0x8F2B, s0  }
0xbc: {  	[sflag:s0] =	ssyncadd.remote.s32 $0x1  }
0xbd: {  	_ =	sfence.sel $0xFFFF  }
0xbe: {  	[dreg:$0x0] =	wrdreg $0xFFFFFFFF;
	(pc) =	sbr.abs _section_cstart, $3  }
0xbf: {  	[dreg:$0x1] =	wrdreg $0xFFFFFFFF  }
0xc0: {  	_ =	task.clear_ibuf [dreg:s6], $0x2FFFF;
	_ =	strace $0x9FFFFFFF  }
0xc1: {  	(tm) =	ssettm $0x7FFFFFFF  }
tec
execute0_lowered:
.L_overlay_start_1:
0x0: {  	(tag) =	ssettag $0x1  }
0x1: {  	s3 =	rddreg [dreg:$0x0]  }
0x2: {  	s0 =	rddreg [dreg:$0x1];
	s1 =	simm.s32 $0x0;
	s4 =	srdreg.scid  }
0x3: {  	s16 =	simm.s32 $0x200;
	s17 =	simm.s32 $0x2200;
	s18 =	simm.s32 $0x1  }
0x4: {  	s19 =	simm.s32 $0x0;
	[smem:$0x7FF] =	sst s1;
	s2 =	sadd.s32 $0x3800, s3  }
0x5: {  	s8 =	sadd.s32 $0x115400, s3;
	s11 =	sadd.s32 $0x119600, s3;
	s4 =	sand.u32 $0x1, s4  }
0x6: {  	s9 =	sadd.s32 $0x65400, s3;
	s3 =	stileid.u32;
	_ =	strace $0x80000050  }
0x7: {  	s5 =	ssub.s32 $0x2, s4;
	s10 =	sshll.u32 s4, $0xC;
	s12 =	sshll.u32 s3, $0x8  }
0x8: {  	s13 =	sshll.u32 s4, $0x12;
	s14 =	sshll.u32 s3, $0xE;
	s6 =	sshrl.u32 s5, $0x1  }
0x9: {  	s7 =	sor.u32 s12, s10;
	s15 =	sor.u32 s14, s13;
	s10 =	sadd.s32 s10, s8  }
0xa: {  	s31 =	sadd.s32 s13, s9;
	s6 =	ssub.s32 s5, s6;
	s4 =	sadd.s32 s8, s7  }
0xb: {  	s30 =	sadd.s32 s15, s11;
	s15 =	sadd.s32 s15, s9;
	s10 =	sadd.s32 s12, s10  }
0xc: {  	s11 =	sadd.s32 s13, s11;
	s12 =	simm.s32 $0x100;
	s13 =	simm.s32 $0x2  }
0xd: {  	s5 =	sadd.s32 $0x2000, s4;
	s6 =	smax.u32 s6, $0x1;
	s7 =	sadd.s32 $0x400, s30  }
0xe: {  	s8 =	sadd.s32 $0x400, s15;
	s9 =	sadd.s32 $0x2010, s10;
	s10 =	sadd.s32 s14, s31  }
0xf: {  	s11 =	sadd.s32 s14, s11;
	s14 =	simm.s32 $0x80;
	s15 =	simm.s32 $0x180  }
.LBB2_1:
0x10: {  	[tilespmem:s1], [sflag:$0x2] =	stream.linear.gather [hbm4b:s4+s1], $0x80, $0x38;
	[tilespmem:$0x4200] =	vst v63  }
0x11: {  	_ = 	snop  }
0x12: {  	[tilespmem:s12], [sflag:$0x2] =	stream.linear.gather [hbm4b:s5+s1], $0x80, $0x38;
	[tilespmem:$0x4200] =	vst v63  }
0x13: {  	_ =	swait.ge [sflag:s13], $0x80  }
0x14: {  	[sflag:s13] =	ssyncset.done $0x0  }
0x15: {  	[sflag:s13] =	ssyncadd.s32 $0xFFFFFF80  }
0x16: {  	_ =	swait.ge [sflag:s13], $0x80  }
0x17: {  	[sflag:s13] =	ssyncset.done $0x0  }
0x18: {  	s20 =	sadd.s32 $0xFFFFE000, s9;
	[sflag:s13] =	ssyncadd.s32 $0xFFFFFF80  }
0x19: {  	[tilespmem:s14], [sflag:$0x2] =	stream.linear.gather [hbm4b:s20+s1], $0x80, $0x38;
	[tilespmem:$0x4200] =	vst v63  }
0x1a: {  	_ = 	snop  }
0x1b: {  	[tilespmem:s15], [sflag:$0x2] =	stream.linear.gather [hbm4b:s9+s1], $0x80, $0x38;
	[tilespmem:$0x4200] =	vst v63  }
0x1c: {  	_ = 	snop  }
0x1d: {  	[tilespmem:s16], [sflag:$0x1] =	stream.indirect.gather [hbm4b:s2+s14], $0x40, s1, s14, $0xb8;
	[tilespmem:$0x4200] =	vst v63  }
0x1e: {  	_ = 	snop  }
0x1f: {  	[tilespmem:s17], [sflag:$0x1] =	stream.indirect.gather [hbm4b:s2+s14], $0x40, s12, s14, $0xb8;
	[tilespmem:$0x4200] =	vst v63  }
0x20: {  	_ =	swait.ge [sflag:s18], $0x2000  }
0x21: {  	[sflag:s18] =	ssyncset.done $0x0  }
0x22: {  	[sflag:s18] =	ssyncadd.s32 $0xFFFFE000  }
0x23: {  	_ =	swait.ge [sflag:s18], $0x2000  }
0x24: {  	[sflag:s18] =	ssyncset.done $0x0  }
0x25: {  	s25 =	sadd.s32 $0x0, s11;
	[sflag:s18] =	ssyncadd.s32 $0xFFFFE000  }
0x26: {  	[hbm4b:s25+s1] =	stream.linear.scatter [tilespmem:s16], [sflag:$0x2], $0x2000, $0x38;
	[tilespmem:$0x4200] =	vst v63  }
0x27: {  	s26 =	sadd.s32 $0x0, s10  }
0x28: {  	[hbm4b:s26+s1] =	stream.linear.scatter [tilespmem:s17], [sflag:$0x2], $0x2000, $0x38;
	[tilespmem:$0x4200] =	vst v63  }
0x29: {  	_ =	swait.ge [sflag:s13], $0x2000  }
0x2a: {  	[sflag:s13] =	ssyncset.done $0x0  }
0x2b: {  	[sflag:s13] =	ssyncadd.s32 $0xFFFFE000  }
0x2c: {  	_ =	swait.ge [sflag:s13], $0x2000  }
0x2d: {  	[sflag:s13] =	ssyncset.done $0x0  }
0x2e: {  	[sflag:s13] =	ssyncadd.s32 $0xFFFFE000  }
0x2f: {  	_ =	swait.ge [sflag:s13], $0x80  }
0x30: {  	[sflag:s13] =	ssyncset.done $0x0  }
0x31: {  	[sflag:s13] =	ssyncadd.s32 $0xFFFFFF80  }
0x32: {  	_ =	swait.ge [sflag:s13], $0x80  }
0x33: {  	[sflag:s13] =	ssyncset.done $0x0  }
0x34: {  	s28 =	sadd.s32 $0xFFFFE010, s9;
	[sflag:s13] =	ssyncadd.s32 $0xFFFFFF80  }
0x35: {  	[tilespmem:s1], [sflag:$0x2] =	stream.linear.gather [hbm4b:s28+s1], $0x80, $0x38;
	[tilespmem:$0x4200] =	vst v63  }
0x36: {  	s29 =	sadd.s32 $0x10, s9  }
0x37: {  	[tilespmem:s12], [sflag:$0x2] =	stream.linear.gather [hbm4b:s29+s1], $0x80, $0x38;
	[tilespmem:$0x4200] =	vst v63  }
0x38: {  	_ = 	snop  }
0x39: {  	[tilespmem:s16], [sflag:$0x1] =	stream.indirect.gather [hbm4b:s2+s14], $0x40, s14, s14, $0xb8;
	[tilespmem:$0x4200] =	vst v63  }
0x3a: {  	_ = 	snop  }
0x3b: {  	[tilespmem:s17], [sflag:$0x1] =	stream.indirect.gather [hbm4b:s2+s14], $0x40, s15, s14, $0xb8;
	[tilespmem:$0x4200] =	vst v63  }
0x3c: {  	_ =	swait.ge [sflag:s18], $0x2000  }
0x3d: {  	[sflag:s18] =	ssyncset.done $0x0  }
0x3e: {  	[sflag:s18] =	ssyncadd.s32 $0xFFFFE000  }
0x3f: {  	_ =	swait.ge [sflag:s18], $0x2000  }
0x40: {  	[sflag:s18] =	ssyncset.done $0x0  }
0x41: {  	s30 =	sadd.s32 $0x0, s7;
	[sflag:s18] =	ssyncadd.s32 $0xFFFFE000  }
0x42: {  	[hbm4b:s30+s1] =	stream.linear.scatter [tilespmem:s16], [sflag:$0x2], $0x2000, $0x38;
	[tilespmem:$0x4200] =	vst v63  }
0x43: {  	s31 =	sadd.s32 $0x0, s8  }
0x44: {  	[hbm4b:s31+s1] =	stream.linear.scatter [tilespmem:s17], [sflag:$0x2], $0x2000, $0x38;
	[tilespmem:$0x4200] =	vst v63  }
0x45: {  	_ =	swait.ge [sflag:s13], $0x2000  }
0x46: {  	[sflag:s13] =	ssyncset.done $0x0  }
0x47: {  	[sflag:s13] =	ssyncadd.s32 $0xFFFFE000  }
0x48: {  	_ =	swait.ge [sflag:s13], $0x2000  }
0x49: {  	s21 =	smov.u32 s9;
	s20 =	simm.s32 $0x800;
	[sflag:s13] =	ssyncset.done $0x0  }
.LBB2_2:
0x4a: {  	p0 =	sne.s32 s20, $0x3800;
	[sflag:s13] =	ssyncadd.s32 $0xFFFFE000;
	s21 =	sadd.s32 $0x20, s21  }
0x4b: {  	s22 =	smov.u32 s20;
	s20 =	sadd.s32 $0x800, s20;
	_ =	swait.ge [sflag:s13], $0x80  }
0x4c: {  	[sflag:s13] =	ssyncset.done $0x0  }
0x4d: {  	[sflag:s13] =	ssyncadd.s32 $0xFFFFFF80  }
0x4e: {  	_ =	swait.ge [sflag:s13], $0x80  }
0x4f: {  	[sflag:s13] =	ssyncset.done $0x0  }
0x50: {  	s23 =	sadd.s32 $0xFFFFE000, s21;
	[sflag:s13] =	ssyncadd.s32 $0xFFFFFF80  }
0x51: {  	[tilespmem:s14], [sflag:$0x2] =	stream.linear.gather [hbm4b:s23+s1], $0x80, $0x38;
	[tilespmem:$0x4200] =	vst v63  }
0x52: {  	_ = 	snop  }
0x53: {  	[tilespmem:s15], [sflag:$0x2] =	stream.linear.gather [hbm4b:s21+s1], $0x80, $0x38;
	[tilespmem:$0x4200] =	vst v63  }
0x54: {  	_ = 	snop  }
0x55: {  	[tilespmem:s16], [sflag:$0x1] =	stream.indirect.gather [hbm4b:s2+s14], $0x40, s1, s14, $0xb8;
	[tilespmem:$0x4200] =	vst v63  }
0x56: {  	_ = 	snop  }
0x57: {  	[tilespmem:s17], [sflag:$0x1] =	stream.indirect.gather [hbm4b:s2+s14], $0x40, s12, s14, $0xb8;
	[tilespmem:$0x4200] =	vst v63  }
0x58: {  	_ =	swait.ge [sflag:s18], $0x2000  }
0x59: {  	[sflag:s18] =	ssyncset.done $0x0  }
0x5a: {  	[sflag:s18] =	ssyncadd.s32 $0xFFFFE000  }
0x5b: {  	_ =	swait.ge [sflag:s18], $0x2000  }
0x5c: {  	[sflag:s18] =	ssyncset.done $0x0  }
0x5d: {  	s23 =	sadd.s32 s22, s11;
	[sflag:s18] =	ssyncadd.s32 $0xFFFFE000  }
0x5e: {  	[hbm4b:s23+s1] =	stream.linear.scatter [tilespmem:s16], [sflag:$0x2], $0x2000, $0x38;
	[tilespmem:$0x4200] =	vst v63  }
0x5f: {  	s23 =	sadd.s32 s22, s10  }
0x60: {  	[hbm4b:s23+s1] =	stream.linear.scatter [tilespmem:s17], [sflag:$0x2], $0x2000, $0x38;
	[tilespmem:$0x4200] =	vst v63  }
0x61: {  	_ =	swait.ge [sflag:s13], $0x2000  }
0x62: {  	[sflag:s13] =	ssyncset.done $0x0  }
0x63: {  	[sflag:s13] =	ssyncadd.s32 $0xFFFFE000  }
0x64: {  	_ =	swait.ge [sflag:s13], $0x2000  }
0x65: {  	[sflag:s13] =	ssyncset.done $0x0  }
0x66: {  	[sflag:s13] =	ssyncadd.s32 $0xFFFFE000  }
0x67: {  	_ =	swait.ge [sflag:s13], $0x80  }
0x68: {  	[sflag:s13] =	ssyncset.done $0x0  }
0x69: {  	[sflag:s13] =	ssyncadd.s32 $0xFFFFFF80  }
0x6a: {  	_ =	swait.ge [sflag:s13], $0x80  }
0x6b: {  	[sflag:s13] =	ssyncset.done $0x0  }
0x6c: {  	s23 =	sadd.s32 $0xFFFFE010, s21;
	[sflag:s13] =	ssyncadd.s32 $0xFFFFFF80  }
0x6d: {  	[tilespmem:s1], [sflag:$0x2] =	stream.linear.gather [hbm4b:s23+s1], $0x80, $0x38;
	[tilespmem:$0x4200] =	vst v63  }
0x6e: {  	s23 =	sadd.s32 $0x10, s21  }
0x6f: {  	[tilespmem:s12], [sflag:$0x2] =	stream.linear.gather [hbm4b:s23+s1], $0x80, $0x38;
	[tilespmem:$0x4200] =	vst v63  }
0x70: {  	_ = 	snop  }
0x71: {  	[tilespmem:s16], [sflag:$0x1] =	stream.indirect.gather [hbm4b:s2+s14], $0x40, s14, s14, $0xb8;
	[tilespmem:$0x4200] =	vst v63  }
0x72: {  	_ = 	snop  }
0x73: {  	[tilespmem:s17], [sflag:$0x1] =	stream.indirect.gather [hbm4b:s2+s14], $0x40, s15, s14, $0xb8;
	[tilespmem:$0x4200] =	vst v63  }
0x74: {  	_ =	swait.ge [sflag:s18], $0x2000  }
0x75: {  	[sflag:s18] =	ssyncset.done $0x0  }
0x76: {  	[sflag:s18] =	ssyncadd.s32 $0xFFFFE000  }
0x77: {  	_ =	swait.ge [sflag:s18], $0x2000  }
0x78: {  	[sflag:s18] =	ssyncset.done $0x0  }
0x79: {  	s23 =	sadd.s32 s22, s7;
	[sflag:s18] =	ssyncadd.s32 $0xFFFFE000  }
0x7a: {  	[hbm4b:s23+s1] =	stream.linear.scatter [tilespmem:s16], [sflag:$0x2], $0x2000, $0x38;
	[tilespmem:$0x4200] =	vst v63  }
0x7b: {  	s22 =	sadd.s32 s22, s8  }
0x7c: {  	[hbm4b:s22+s1] =	stream.linear.scatter [tilespmem:s17], [sflag:$0x2], $0x2000, $0x38;
	[tilespmem:$0x4200] =	vst v63  }
.Ltmp0:
0x7d: {  	_ =	swait.ge [sflag:s13], $0x2000;
	(pc) =	sbr.rel @p0 .LBB2_2-.Ltmp0, $4  }
0x7e: {  	[sflag:s13] =	ssyncset.done $0x0  }
0x7f: {  	[sflag:s13] =	ssyncadd.s32 $0xFFFFE000  }
0x80: {  	_ =	swait.ge [sflag:s13], $0x2000  }
0x81: {  	[sflag:s13] =	ssyncset.done $0x0  }
0x82: {  	[sflag:s13] =	ssyncadd.s32 $0xFFFFE000;
	s19 =	sadd.s32 $0x1, s19  }
0x83: {  	_ =	swait.ge [sflag:s13], $0x80;
	p0 =	sne.s32 s19, s6  }
.Ltmp1:
0x84: {  	[sflag:s13] =	ssyncset.done $0x0;
	(pc) =	sbr.rel @p0 .LBB2_1-.Ltmp1, $4  }
0x85: {  	[sflag:s13] =	ssyncadd.s32 $0xFFFFFF80  }
0x86: {  	_ =	swait.ge [sflag:s13], $0x80  }
0x87: {  	[sflag:s13] =	ssyncset.done $0x0  }
0x88: {  	[sflag:s13] =	ssyncadd.s32 $0xFFFFFF80  }
0x89: {  	_ =	sfence.sel $0x180000  }
0x8a: {  	[bflag:$0x0] =	sbarrier.arrive $0xFFFF  }
0x8b: {  	p0 =	sne.s32 s3, $0x0;
	_ =	strace $0x90000050  }
0x8c: {  	s0 =	sadd.s32 @!p0 $0x100000, s0;
	[bflag:$0x2] =	sbarrier.arrive $0xFFFF  }
0x8d: {  	[sflag:s0] =	ssyncadd.tile.s32 @!p0 $0x1;
	_ =	shalt  }
.Lfunc_end2:
_tile_overlayer_lowered:
.L_overlay_start_2:
0x8e: {  	(tag) =	ssettag $0x2  }
0x8f: {  	s0 =	rddreg [dreg:$0x0];
	s2 =	stileid.u32  }
0x90: {  	s1 =	rddreg [dreg:$0x1];
	p0 =	sne.s32 s2, $0x0  }
0x91: {  	s3 =	rddreg [dreg:$0x2];
	[bflag:$0x3] =	sbarrier.arrive $0xFFFF;
	s2 =	simm.s32 @!p0 $0x1C03  }
0x92: {  	[timem:s3], [sflag:s2] =	dma.local @!p0 [hbm:s0], s1  }
0x93: {  	s0 =	simm.s32 @!p0 $0x3  }
0x94: {  	_ =	swait.ge @!p0 [sflag:s0], s1  }
0x95: {  	s1 =	ssub.s32 @!p0 $0x0, s1;
	[sflag:s0] =	ssyncset.done @!p0 $0x0  }
0x96: {  	[sflag:s0] =	ssyncadd.s32 @!p0 s1  }
0x97: {  	[bflag:$0x3] =	sbarrier.arrive $0xFFFF  }
0x98: {  	_ =	shalt  }

</sc_bundles>
